<compile_context>
chip_gen: v7x
topology: tpu7x:2x2x1
jax: 0.10.2.dev20260603
libtpu: 0.0.44.dev20260713+nightly
codegen_flags: <defaults>
</compile_context>

<pallas_src>
import functools

import jax
import jax.numpy as jnp
from jax import lax
from jax.experimental import pallas as pl
from jax.experimental.pallas import tpu as pltpu
from jax.experimental.pallas import tpu_sc as plsc

_N = 5376
_W = 64
_NC = 2
_NS = 16
_NW = _NC * _NS
_ROWS = _N // _NS
_SWAP = (2, 3, 0, 1, 6, 4)


def _sc_gather(table, idx):
    e = idx.shape[0]
    epw = e // _NW
    ch = min(128, epw)
    nch = epw // ch
    mesh = plsc.VectorSubcoreMesh(core_axis_name="c", subcore_axis_name="s")

    @functools.partial(
        pl.kernel,
        mesh=mesh,
        out_type=jax.ShapeDtypeStruct((e, _W), jnp.float32),
        compiler_params=pltpu.CompilerParams(use_tc_tiling_on_sc=False),
        scratch_types=[
            pltpu.VMEM((epw,), jnp.int32),
            pltpu.VMEM((epw, _W), jnp.float32),
            pltpu.SemaphoreType.DMA,
        ],
    )
    def k(table_hbm, idx_hbm, out_hbm, idx_v, rows_v, sem):
        wid = lax.axis_index("s") * _NC + lax.axis_index("c")
        base = wid * epw
        pltpu.sync_copy(idx_hbm.at[pl.ds(base, epw)], idx_v)
        cps = [
            pltpu.async_copy(
                table_hbm.at[idx_v.at[pl.ds(j * ch, ch)]],
                rows_v.at[pl.ds(j * ch, ch)],
                sem,
            )
            for j in range(nch)
        ]
        for cp in cps:
            cp.wait()
        pltpu.sync_copy(rows_v, out_hbm.at[pl.ds(base, epw)])

    return k(table, idx)


def _sc_scatter(msgs, recv, h_prev, zeros):
    e = recv.shape[0]
    epw = e // _NW
    ch = min(128, epw)
    nch = epw // ch
    m3 = msgs.reshape(e // ch, ch, _W)
    r2 = recv.reshape(e // ch, ch)
    mesh = plsc.VectorSubcoreMesh(core_axis_name="c", subcore_axis_name="s")

    @functools.partial(
        pl.kernel,
        mesh=mesh,
        out_type=jax.ShapeDtypeStruct((_NC, _N, _W), jnp.float32),
        compiler_params=pltpu.CompilerParams(use_tc_tiling_on_sc=False),
        scratch_types=[
            pltpu.VMEM((nch, ch), jnp.int32),
            pltpu.VMEM((nch, ch, _W), jnp.float32),
            pltpu.VMEM_SHARED((_N, _W), jnp.float32),
        ],
    )
    def k(m_hbm, r_hbm, h_hbm, z_hbm, out_hbm, idx_v, vals_v, acc):
        c = lax.axis_index("c")
        s = lax.axis_index("s")
        wid = s * _NC + c
        rs = pl.ds(s * _ROWS, _ROWS)

        @pl.when(c == 0)
        def _():
            pltpu.sync_copy(h_hbm.at[rs], acc.at[rs])

        @pl.when(c == 1)
        def _():
            pltpu.sync_copy(z_hbm.at[rs], acc.at[rs])

        pltpu.sync_copy(r_hbm.at[pl.ds(wid * nch, nch)], idx_v)
        pltpu.sync_copy(m_hbm.at[pl.ds(wid * nch, nch)], vals_v)
        plsc.subcore_barrier()
        for j in range(nch):
            pltpu.sync_copy(vals_v.at[j], acc.at[idx_v.at[j]], add=True)
        plsc.subcore_barrier()
        pltpu.sync_copy(acc.at[rs], out_hbm.at[c, rs])

    return k(m3, r2, h_prev, zeros)


def _dense_msgs(attr8t, xj, hid_t, w3t, b3t):
    e = xj.shape[0]
    te = 1024 if e >= 8192 else 512
    n_hid = len(hid_t)
    flat_w = [w for pair in hid_t for w in pair] + [w3t, b3t]

    def body(*refs):
        attr_ref, xj_ref = refs[:2]
        wrefs = refs[2:-1]
        out_ref = refs[-1]
        a = attr_ref[...]
        i = 0
        for _ in range(n_hid):
            a = jnp.dot(wrefs[i][...], a, preferred_element_type=jnp.float32)
            a = jnp.maximum(a + wrefs[i + 1][...], 0.0)
            i += 2
        w3t_ref, b3t_ref = wrefs[i], wrefs[i + 1]
        wt = (jnp.dot(w3t_ref[...], a, preferred_element_type=jnp.float32)
              + b3t_ref[...])
        xjt = xj_ref[...].T
        xjt = xjt.astype(jnp.bfloat16).astype(jnp.float32)
        wt3 = wt.astype(jnp.bfloat16).astype(jnp.float32).reshape(_W, _W, te)
        msgst = jnp.sum(
            jax.lax.broadcast_in_dim(xjt, (_W, _W, te), (0, 2)) * wt3, axis=0)
        out_ref[...] = msgst.T

    in_specs = [
        pl.BlockSpec((8, te), lambda i: (0, i)),
        pl.BlockSpec((te, _W), lambda i: (i, 0)),
    ] + [pl.BlockSpec(w.shape, lambda i: (0, 0)) for w in flat_w]
    return pl.pallas_call(
        body,
        grid=(e // te,),
        in_specs=in_specs,
        out_specs=pl.BlockSpec((te, _W), lambda i: (i, 0)),
        out_shape=jax.ShapeDtypeStruct((e, _W), jnp.float32),
    )(attr8t, xj, *flat_w)


def _first_mlp(x8, w, b):
    def body(x_ref, w_ref, b_ref, o_ref):
        o_ref[...] = (
            jnp.dot(x_ref[...], w_ref[...], preferred_element_type=jnp.float32)
            + b_ref[...]
        )

    return pl.pallas_call(
        body, out_shape=jax.ShapeDtypeStruct((_N, _W), jnp.float32)
    )(x8, w, b)


def _finish(parts):
    def body(p_ref, o_ref):
        o_ref[...] = jnp.maximum(p_ref[0] + p_ref[1], 0.0)

    return pl.pallas_call(
        body, out_shape=jax.ShapeDtypeStruct((_N, _W), jnp.float32)
    )(parts)


def _final_mlp(h4k, w4, b4, w5, b5):
    def body(h_ref, w4_ref, b4_ref, w5_ref, b5_ref, o_ref):
        t = jnp.dot(h_ref[...], w4_ref[...], preferred_element_type=jnp.float32)
        t = jnp.maximum(t + b4_ref[...], 0.0)
        o_ref[...] = (
            jnp.dot(t, w5_ref[...], preferred_element_type=jnp.float32)
            + b5_ref[...]
        )

    return pl.pallas_call(
        body, out_shape=jax.ShapeDtypeStruct((h4k.shape[0], 1), jnp.float32)
    )(h4k, w4, b4, w5, b5)


def _pad8(a):
    return jnp.pad(a, ((0, 0), (0, 8 - a.shape[1])))


def kernel(x, inter_senders_0, inter_receivers_0, inter_senders_1, inter_receivers_1, inter_edges_0, inter_edges_1, inner_senders_0, inner_receivers_0, inner_senders_1, inner_receivers_1, inner_senders_2, inner_receivers_2, inner_edges_0, inner_edges_1, inner_edges_2, params):
    zeros = jnp.zeros((_N, _W), jnp.float32)

    def prep(name):
        layers = params[name]
        hid_t = []
        for w, b in layers[:-1]:
            if w.shape[0] < 8:
                w = jnp.pad(w, ((0, 8 - w.shape[0]), (0, 0)))
            hid_t.append((w.T, b.reshape(-1, 1)))
        w3, b3 = layers[-1]
        return hid_t, w3.T, b3.reshape(-1, 1)

    def conv(h, snd, rcv, attr, name, swap=False):
        if swap:
            attr = attr[:, list(_SWAP)]
        hid_t, w3t, b3t = prep(name)
        at = _pad8(attr).T
        xj = _sc_gather(h, snd)
        msgs = _dense_msgs(at, xj, hid_t, w3t, b3t)
        parts = _sc_scatter(msgs, rcv, h, zeros)
        return _finish(parts)

    (w0, b0), = params['first']
    h = _first_mlp(_pad8(x), jnp.pad(w0, ((0, 2), (0, 0))), b0.reshape(1, -1))
    h = conv(h, inter_senders_0, inter_receivers_0, inter_edges_0, 'K12')
    h = conv(h, inter_senders_1, inter_receivers_1, inter_edges_1, 'K23')
    h = conv(h, inner_senders_2, inner_receivers_2, inner_edges_2, 'K33')
    h = conv(h, inner_senders_1, inner_receivers_1, inner_edges_1, 'K22')
    h = conv(h, inter_receivers_1, inter_senders_1, inter_edges_1, 'K32', swap=True)
    h = conv(h, inner_senders_0, inner_receivers_0, inner_edges_0, 'K11')
    h = conv(h, inter_receivers_0, inter_senders_0, inter_edges_0, 'K21', swap=True)
    (w4, b4), (w5, b5) = params['final']
    return _final_mlp(h[:4096], w4, b4.reshape(1, -1), w5, b5.reshape(1, -1))

# --- scband reference (transcript-rebuilt; emitter-appended) ---
"""Pipeline reference for scband-mgkn-22127671509069 (READ-ONLY COPY).

The authoritative reference and input builder live on the scoring server;
editing this copy changes nothing except your own understanding.
"""

import jax, jax.numpy as jnp
import numpy as np

WIDTH = 64
SWAP = np.array([2, 3, 0, 1, 6, 4])

def _glorot(key, shape):
    return jax.random.normal(key, shape, dtype=jnp.float32) * (1.0 / np.sqrt(shape[0]))

def _make_mlp(key, sizes):
    layers = []
    for i in range(len(sizes) - 1):
        key, k = jax.random.split(key)
        layers.append((_glorot(k, (sizes[i], sizes[i + 1])), jnp.zeros((sizes[i + 1],), jnp.float32)))
    return layers

def _mlp(x, layers):
    n = len(layers)
    for i, (W, b) in enumerate(layers):
        x = x @ W + b
        if i < n - 1:
            x = jax.nn.relu(x)
    return x

def _nnconv(x, senders, receivers, edge_attr, kernel):
    n = x.shape[0]
    w = _mlp(edge_attr, kernel).reshape(-1, WIDTH, WIDTH)
    x_j = x[senders][:, None, :]
    msgs = jnp.matmul(x_j, w).squeeze(1)
    return jax.ops.segment_sum(msgs, receivers, num_segments=n)

def setup_inputs(seed: int = 0):
    key = jax.random.key(seed)
    ks = jax.random.split(key, 25)
    inp = {}
    inp['x'] = jax.random.normal(ks[0], (5376, 6), dtype=jnp.float32)
    inp['inter_senders_0'] = jax.random.randint(ks[1], (8192,), 0, 4096, dtype=jnp.int32)
    inp['inter_receivers_0'] = jax.random.randint(ks[2], (8192,), 0, 5120, dtype=jnp.int32)
    inp['inter_senders_1'] = jax.random.randint(ks[3], (2048,), 0, 5120, dtype=jnp.int32)
    inp['inter_receivers_1'] = jax.random.randint(ks[4], (2048,), 0, 5376, dtype=jnp.int32)
    inp['inter_edges_0'] = jax.random.uniform(ks[5], (8192, 7), dtype=jnp.float32)
    inp['inter_edges_1'] = jax.random.uniform(ks[6], (2048, 7), dtype=jnp.float32)
    inp['inner_senders_0'] = jax.random.randint(ks[7], (32768,), 0, 4096, dtype=jnp.int32)
    inp['inner_receivers_0'] = jax.random.randint(ks[8], (32768,), 0, 4096, dtype=jnp.int32)
    inp['inner_senders_1'] = jax.random.randint(ks[9], (8192,), 0, 5120, dtype=jnp.int32)
    inp['inner_receivers_1'] = jax.random.randint(ks[10], (8192,), 0, 5120, dtype=jnp.int32)
    inp['inner_senders_2'] = jax.random.randint(ks[11], (2048,), 0, 5376, dtype=jnp.int32)
    inp['inner_receivers_2'] = jax.random.randint(ks[12], (2048,), 0, 5376, dtype=jnp.int32)
    inp['inner_edges_0'] = jax.random.uniform(ks[13], (32768, 6), dtype=jnp.float32)
    inp['inner_edges_1'] = jax.random.uniform(ks[14], (8192, 6), dtype=jnp.float32)
    inp['inner_edges_2'] = jax.random.uniform(ks[15], (2048, 6), dtype=jnp.float32)
    inp['params'] = {
        'first': _make_mlp(ks[16], [6, 64]),
        'K12': _make_mlp(ks[17], [7, 64, 4096]),
        'K23': _make_mlp(ks[18], [7, 32, 4096]),
        'K11': _make_mlp(ks[19], [6, 64, 64, 4096]),
        'K22': _make_mlp(ks[20], [6, 32, 32, 4096]),
        'K33': _make_mlp(ks[21], [6, 16, 16, 4096]),
        'K21': _make_mlp(ks[22], [6, 64, 4096]),
        'K32': _make_mlp(ks[23], [6, 32, 4096]),
        'final': _make_mlp(ks[24], [64, 128, 1]),
    }
    return inp

def reference(x, inter_senders_0, inter_receivers_0, inter_senders_1, inter_receivers_1, inter_edges_0, inter_edges_1, inner_senders_0, inner_receivers_0, inner_senders_1, inner_receivers_1, inner_senders_2, inner_receivers_2, inner_edges_0, inner_edges_1, inner_edges_2, params):
    inter_s = [inter_senders_0, inter_senders_1]
    inter_r = [inter_receivers_0, inter_receivers_1]
    inter_e = [inter_edges_0, inter_edges_1]
    inner_s = [inner_senders_0, inner_senders_1, inner_senders_2]
    inner_r = [inner_receivers_0, inner_receivers_1, inner_receivers_2]
    inner_e = [inner_edges_0, inner_edges_1, inner_edges_2]
    h = _mlp(x, params['first'])
    for d in range(1):
        for l in range(2):
            h = jax.nn.relu(h + _nnconv(h, inter_s[l], inter_r[l], inter_e[l], params['K%d%d' % (l + 1, l + 2)]))
        for l in reversed(range(3)):
            h = jax.nn.relu(h + _nnconv(h, inner_s[l], inner_r[l], inner_e[l], params['K%d%d' % (l + 1, l + 1)]))
            if l < 2:
                h = jax.nn.relu(h + _nnconv(h, inter_r[l], inter_s[l], inter_e[l][:, SWAP], params['K%d%d' % (l + 2, l + 1)]))
    return _mlp(h[:4096], params['final'])

if __name__ == "__main__":
    import jax
    _d = setup_inputs()
    print(jax.jit(kernel)(*tuple(_d.values())))

</pallas_src>

<mosaic_0001>
#map = affine_map<(d0, d1) -> (0, 0)>
#map1 = affine_map<(d0, d1) -> (0)>
module attributes {stable_mosaic.version = 14 : i64} {
  func.func @k(%arg0: i32, %arg1: i32, %arg2: memref<5376x64xf32, #tpu.memory_space<hbm>>, %arg3: memref<2048xi32, #tpu.memory_space<hbm>>, %arg4: memref<2048x64xf32, #tpu.memory_space<hbm>>, %arg5: memref<64xi32, #tpu.memory_space<vmem>>, %arg6: memref<64x64xf32, #tpu.memory_space<vmem>>, %arg7: memref<!tpu.dma_semaphore, #tpu.memory_space<semaphore_mem>>) attributes {dimension_semantics = [#tpu.dimension_semantics<core_parallel>, #tpu.dimension_semantics<subcore_parallel>], iteration_bounds = array<i64: 2, 16>, scalar_prefetch = 0 : i64, scratch_operands = 3 : i64, tpu.core_type = #tpu.core_type<sc_vector_subcore>, window_params = [{transform_indices = #map}, {transform_indices = #map1}, {transform_indices = #map}]} {
    %mul3A = arith.constant 2 : i32
    %mul3A_0 = arith.muli %arg1, %mul3A : i32
    %add3A = arith.addi %mul3A_0, %arg0 : i32
    %mul3A_1 = arith.constant 64 : i32
    %mul3A_2 = arith.muli %add3A, %mul3A_1 : i32
    "tpu.region"() ({
      %run_scoped3A = tpu.sem_alloc : memref<!tpu.dma_semaphore, #tpu.memory_space<semaphore_mem>>
      %dma_start3A_17 = tpu.memref_slice %arg3[%mul3A_2] : memref<2048xi32, #tpu.memory_space<hbm>> -> memref<64xi32, #tpu.memory_space<hbm>>
      %dma_start3A_18 = tpu.memref_slice %arg3[%mul3A_2] : memref<2048xi32, #tpu.memory_space<hbm>> -> memref<64xi32, #tpu.memory_space<hbm>>
      tpu.enqueue_dma source(%dma_start3A_18 : memref<64xi32, #tpu.memory_space<hbm>>) target(%arg5 : memref<64xi32, #tpu.memory_space<vmem>>) target_semaphore(%run_scoped3A : memref<!tpu.dma_semaphore, #tpu.memory_space<semaphore_mem>>)
      %dma_wait3A_19 = tpu.memref_slice %arg3[%mul3A_2] : memref<2048xi32, #tpu.memory_space<hbm>> -> memref<64xi32, #tpu.memory_space<hbm>>
      %dma_wait3A_20 = tpu.memref_slice %arg3[%mul3A_2] : memref<2048xi32, #tpu.memory_space<hbm>> -> memref<64xi32, #tpu.memory_space<hbm>>
      tpu.wait_dma2 semaphore(%run_scoped3A : memref<!tpu.dma_semaphore, #tpu.memory_space<semaphore_mem>>) src(%dma_wait3A_20 : memref<64xi32, #tpu.memory_space<hbm>>) dst(%arg5 : memref<64xi32, #tpu.memory_space<vmem>>)
      tpu.yield
    }) : () -> ()
    %dma_start3A = arith.constant 0 : i32
    %dma_start3A_3 = arith.constant 0 : i32
    %dma_start3A_4 = tpu.memref_slice %arg6[%dma_start3A, %dma_start3A_3] : memref<64x64xf32, #tpu.memory_space<vmem>> -> memref<64x64xf32, #tpu.memory_space<vmem>>
    %dma_start3A_5 = arith.constant 0 : i32
    %dma_start3A_6 = tpu.memref_slice %arg5[%dma_start3A_5] : memref<64xi32, #tpu.memory_space<vmem>> -> memref<64xi32, #tpu.memory_space<vmem>>
    %dma_start3A_7 = arith.constant 0 : i32
    %dma_start3A_8 = arith.constant 0 : i32
    %dma_start3A_9 = tpu.memref_slice %arg2[%dma_start3A_7, %dma_start3A_8] : memref<5376x64xf32, #tpu.memory_space<hbm>> -> memref<5376x64xf32, #tpu.memory_space<hbm>>
    tpu.enqueue_indirect_dma source(%dma_start3A_9 : memref<5376x64xf32, #tpu.memory_space<hbm>>) target(%dma_start3A_4 : memref<64x64xf32, #tpu.memory_space<vmem>>) offsets(%dma_start3A_6 : memref<64xi32, #tpu.memory_space<vmem>>) semaphore(%arg7 : memref<!tpu.dma_semaphore, #tpu.memory_space<semaphore_mem>>)
    %dma_wait3A = arith.constant 0 : i32
    %dma_wait3A_10 = arith.constant 0 : i32
    %dma_wait3A_11 = tpu.memref_slice %arg6[%dma_wait3A, %dma_wait3A_10] : memref<64x64xf32, #tpu.memory_space<vmem>> -> memref<64x64xf32, #tpu.memory_space<vmem>>
    %dma_wait3A_12 = arith.constant 0 : i32
    %dma_wait3A_13 = tpu.memref_slice %arg5[%dma_wait3A_12] : memref<64xi32, #tpu.memory_space<vmem>> -> memref<64xi32, #tpu.memory_space<vmem>>
    %dma_wait3A_14 = arith.constant 0 : i32
    %dma_wait3A_15 = arith.constant 0 : i32
    %dma_wait3A_16 = tpu.memref_slice %arg2[%dma_wait3A_14, %dma_wait3A_15] : memref<5376x64xf32, #tpu.memory_space<hbm>> -> memref<5376x64xf32, #tpu.memory_space<hbm>>
    tpu.wait_indirect_dma semaphore(%arg7 : memref<!tpu.dma_semaphore, #tpu.memory_space<semaphore_mem>>) src(%dma_wait3A_16 : memref<5376x64xf32, #tpu.memory_space<hbm>>) dst(%dma_wait3A_11 : memref<64x64xf32, #tpu.memory_space<vmem>>)
    "tpu.region"() ({
      %run_scoped3A = tpu.sem_alloc : memref<!tpu.dma_semaphore, #tpu.memory_space<semaphore_mem>>
      %dma_start3A_17 = arith.constant 0 : i32
      %dma_start3A_18 = tpu.memref_slice %arg4[%mul3A_2, %dma_start3A_17] : memref<2048x64xf32, #tpu.memory_space<hbm>> -> memref<64x64xf32, #tpu.memory_space<hbm>>
      %dma_start3A_19 = arith.constant 0 : i32
      %dma_start3A_20 = tpu.memref_slice %arg4[%mul3A_2, %dma_start3A_19] : memref<2048x64xf32, #tpu.memory_space<hbm>> -> memref<64x64xf32, #tpu.memory_space<hbm>>
      tpu.enqueue_dma source(%arg6 : memref<64x64xf32, #tpu.memory_space<vmem>>) target(%dma_start3A_20 : memref<64x64xf32, #tpu.memory_space<hbm>>) target_semaphore(%run_scoped3A : memref<!tpu.dma_semaphore, #tpu.memory_space<semaphore_mem>>)
      %dma_wait3A_21 = arith.constant 0 : i32
      %dma_wait3A_22 = tpu.memref_slice %arg4[%mul3A_2, %dma_wait3A_21] : memref<2048x64xf32, #tpu.memory_space<hbm>> -> memref<64x64xf32, #tpu.memory_space<hbm>>
      %dma_wait3A_23 = arith.constant 0 : i32
      %dma_wait3A_24 = tpu.memref_slice %arg4[%mul3A_2, %dma_wait3A_23] : memref<2048x64xf32, #tpu.memory_space<hbm>> -> memref<64x64xf32, #tpu.memory_space<hbm>>
      tpu.wait_dma2 semaphore(%run_scoped3A : memref<!tpu.dma_semaphore, #tpu.memory_space<semaphore_mem>>) src(%arg6 : memref<64x64xf32, #tpu.memory_space<vmem>>) dst(%dma_wait3A_24 : memref<64x64xf32, #tpu.memory_space<hbm>>)
      tpu.yield
    }) : () -> ()
    return
  }
}

#map = affine_map<(d0, d1) -> (0, 0)>
#map1 = affine_map<(d0, d1) -> (0)>
module attributes {stable_mosaic.version = 14 : i64} {
  func.func @k(%arg0: i32, %arg1: i32, %arg2: memref<5376x64xf32, #tpu.memory_space<hbm>>, %arg3: memref<8192xi32, #tpu.memory_space<hbm>>, %arg4: memref<8192x64xf32, #tpu.memory_space<hbm>>, %arg5: memref<256xi32, #tpu.memory_space<vmem>>, %arg6: memref<256x64xf32, #tpu.memory_space<vmem>>, %arg7: memref<!tpu.dma_semaphore, #tpu.memory_space<semaphore_mem>>) attributes {dimension_semantics = [#tpu.dimension_semantics<core_parallel>, #tpu.dimension_semantics<subcore_parallel>], iteration_bounds = array<i64: 2, 16>, scalar_prefetch = 0 : i64, scratch_operands = 3 : i64, tpu.core_type = #tpu.core_type<sc_vector_subcore>, window_params = [{transform_indices = #map}, {transform_indices = #map1}, {transform_indices = #map}]} {
    %mul3A = arith.constant 2 : i32
    %mul3A_0 = arith.muli %arg1, %mul3A : i32
    %add3A = arith.addi %mul3A_0, %arg0 : i32
    %mul3A_1 = arith.constant 256 : i32
    %mul3A_2 = arith.muli %add3A, %mul3A_1 : i32
    "tpu.region"() ({
      %run_scoped3A = tpu.sem_alloc : memref<!tpu.dma_semaphore, #tpu.memory_space<semaphore_mem>>
      %dma_start3A_33 = tpu.memref_slice %arg3[%mul3A_2] : memref<8192xi32, #tpu.memory_space<hbm>> -> memref<256xi32, #tpu.memory_space<hbm>>
      %dma_start3A_34 = tpu.memref_slice %arg3[%mul3A_2] : memref<8192xi32, #tpu.memory_space<hbm>> -> memref<256xi32, #tpu.memory_space<hbm>>
      tpu.enqueue_dma source(%dma_start3A_34 : memref<256xi32, #tpu.memory_space<hbm>>) target(%arg5 : memref<256xi32, #tpu.memory_space<vmem>>) target_semaphore(%run_scoped3A : memref<!tpu.dma_semaphore, #tpu.memory_space<semaphore_mem>>)
      %dma_wait3A_35 = tpu.memref_slice %arg3[%mul3A_2] : memref<8192xi32, #tpu.memory_space<hbm>> -> memref<256xi32, #tpu.memory_space<hbm>>
      %dma_wait3A_36 = tpu.memref_slice %arg3[%mul3A_2] : memref<8192xi32, #tpu.memory_space<hbm>> -> memref<256xi32, #tpu.memory_space<hbm>>
      tpu.wait_dma2 semaphore(%run_scoped3A : memref<!tpu.dma_semaphore, #tpu.memory_space<semaphore_mem>>) src(%dma_wait3A_36 : memref<256xi32, #tpu.memory_space<hbm>>) dst(%arg5 : memref<256xi32, #tpu.memory_space<vmem>>)
      tpu.yield
    }) : () -> ()
    %dma_start3A = arith.constant 0 : i32
    %dma_start3A_3 = arith.constant 0 : i32
    %dma_start3A_4 = tpu.memref_slice %arg6[%dma_start3A, %dma_start3A_3] : memref<256x64xf32, #tpu.memory_space<vmem>> -> memref<128x64xf32, #tpu.memory_space<vmem>>
    %dma_start3A_5 = arith.constant 0 : i32
    %dma_start3A_6 = tpu.memref_slice %arg5[%dma_start3A_5] : memref<256xi32, #tpu.memory_space<vmem>> -> memref<128xi32, #tpu.memory_space<vmem>>
    %dma_start3A_7 = arith.constant 0 : i32
    %dma_start3A_8 = arith.constant 0 : i32
    %dma_start3A_9 = tpu.memref_slice %arg2[%dma_start3A_7, %dma_start3A_8] : memref<5376x64xf32, #tpu.memory_space<hbm>> -> memref<5376x64xf32, #tpu.memory_space<hbm>>
    tpu.enqueue_indirect_dma source(%dma_start3A_9 : memref<5376x64xf32, #tpu.memory_space<hbm>>) target(%dma_start3A_4 : memref<128x64xf32, #tpu.memory_space<vmem>>) offsets(%dma_start3A_6 : memref<128xi32, #tpu.memory_space<vmem>>) semaphore(%arg7 : memref<!tpu.dma_semaphore, #tpu.memory_space<semaphore_mem>>)
    %dma_start3A_10 = arith.constant 128 : i32
    %dma_start3A_11 = arith.constant 0 : i32
    %dma_start3A_12 = tpu.memref_slice %arg6[%dma_start3A_10, %dma_start3A_11] : memref<256x64xf32, #tpu.memory_space<vmem>> -> memref<128x64xf32, #tpu.memory_space<vmem>>
    %dma_start3A_13 = arith.constant 128 : i32
    %dma_start3A_14 = tpu.memref_slice %arg5[%dma_start3A_13] : memref<256xi32, #tpu.memory_space<vmem>> -> memref<128xi32, #tpu.memory_space<vmem>>
    %dma_start3A_15 = arith.constant 0 : i32
    %dma_start3A_16 = arith.constant 0 : i32
    %dma_start3A_17 = tpu.memref_slice %arg2[%dma_start3A_15, %dma_start3A_16] : memref<5376x64xf32, #tpu.memory_space<hbm>> -> memref<5376x64xf32, #tpu.memory_space<hbm>>
    tpu.enqueue_indirect_dma source(%dma_start3A_17 : memref<5376x64xf32, #tpu.memory_space<hbm>>) target(%dma_start3A_12 : memref<128x64xf32, #tpu.memory_space<vmem>>) offsets(%dma_start3A_14 : memref<128xi32, #tpu.memory_space<vmem>>) semaphore(%arg7 : memref<!tpu.dma_semaphore, #tpu.memory_space<semaphore_mem>>)
    %dma_wait3A = arith.constant 0 : i32
    %dma_wait3A_18 = arith.constant 0 : i32
    %dma_wait3A_19 = tpu.memref_slice %arg6[%dma_wait3A, %dma_wait3A_18] : memref<256x64xf32, #tpu.memory_space<vmem>> -> memref<128x64xf32, #tpu.memory_space<vmem>>
    %dma_wait3A_20 = arith.constant 0 : i32
    %dma_wait3A_21 = tpu.memref_slice %arg5[%dma_wait3A_20] : memref<256xi32, #tpu.memory_space<vmem>> -> memref<128xi32, #tpu.memory_space<vmem>>
    %dma_wait3A_22 = arith.constant 0 : i32
    %dma_wait3A_23 = arith.constant 0 : i32
    %dma_wait3A_24 = tpu.memref_slice %arg2[%dma_wait3A_22, %dma_wait3A_23] : memref<5376x64xf32, #tpu.memory_space<hbm>> -> memref<5376x64xf32, #tpu.memory_space<hbm>>
    tpu.wait_indirect_dma semaphore(%arg7 : memref<!tpu.dma_semaphore, #tpu.memory_space<semaphore_mem>>) src(%dma_wait3A_24 : memref<5376x64xf32, #tpu.memory_space<hbm>>) dst(%dma_wait3A_19 : memref<128x64xf32, #tpu.memory_space<vmem>>)
    %dma_wait3A_25 = arith.constant 128 : i32
    %dma_wait3A_26 = arith.constant 0 : i32
    %dma_wait3A_27 = tpu.memref_slice %arg6[%dma_wait3A_25, %dma_wait3A_26] : memref<256x64xf32, #tpu.memory_space<vmem>> -> memref<128x64xf32, #tpu.memory_space<vmem>>
    %dma_wait3A_28 = arith.constant 128 : i32
    %dma_wait3A_29 = tpu.memref_slice %arg5[%dma_wait3A_28] : memref<256xi32, #tpu.memory_space<vmem>> -> memref<128xi32, #tpu.memory_space<vmem>>
    %dma_wait3A_30 = arith.constant 0 : i32
    %dma_wait3A_31 = arith.constant 0 : i32
    %dma_wait3A_32 = tpu.memref_slice %arg2[%dma_wait3A_30, %dma_wait3A_31] : memref<5376x64xf32, #tpu.memory_space<hbm>> -> memref<5376x64xf32, #tpu.memory_space<hbm>>
    tpu.wait_indirect_dma semaphore(%arg7 : memref<!tpu.dma_semaphore, #tpu.memory_space<semaphore_mem>>) src(%dma_wait3A_32 : memref<5376x64xf32, #tpu.memory_space<hbm>>) dst(%dma_wait3A_27 : memref<128x64xf32, #tpu.memory_space<vmem>>)
    "tpu.region"() ({
      %run_scoped3A = tpu.sem_alloc : memref<!tpu.dma_semaphore, #tpu.memory_space<semaphore_mem>>
      %dma_start3A_33 = arith.constant 0 : i32
      %dma_start3A_34 = tpu.memref_slice %arg4[%mul3A_2, %dma_start3A_33] : memref<8192x64xf32, #tpu.memory_space<hbm>> -> memref<256x64xf32, #tpu.memory_space<hbm>>
      %dma_start3A_35 = arith.constant 0 : i32
      %dma_start3A_36 = tpu.memref_slice %arg4[%mul3A_2, %dma_start3A_35] : memref<8192x64xf32, #tpu.memory_space<hbm>> -> memref<256x64xf32, #tpu.memory_space<hbm>>
      tpu.enqueue_dma source(%arg6 : memref<256x64xf32, #tpu.memory_space<vmem>>) target(%dma_start3A_36 : memref<256x64xf32, #tpu.memory_space<hbm>>) target_semaphore(%run_scoped3A : memref<!tpu.dma_semaphore, #tpu.memory_space<semaphore_mem>>)
      %dma_wait3A_37 = arith.constant 0 : i32
      %dma_wait3A_38 = tpu.memref_slice %arg4[%mul3A_2, %dma_wait3A_37] : memref<8192x64xf32, #tpu.memory_space<hbm>> -> memref<256x64xf32, #tpu.memory_space<hbm>>
      %dma_wait3A_39 = arith.constant 0 : i32
      %dma_wait3A_40 = tpu.memref_slice %arg4[%mul3A_2, %dma_wait3A_39] : memref<8192x64xf32, #tpu.memory_space<hbm>> -> memref<256x64xf32, #tpu.memory_space<hbm>>
      tpu.wait_dma2 semaphore(%run_scoped3A : memref<!tpu.dma_semaphore, #tpu.memory_space<semaphore_mem>>) src(%arg6 : memref<256x64xf32, #tpu.memory_space<vmem>>) dst(%dma_wait3A_40 : memref<256x64xf32, #tpu.memory_space<hbm>>)
      tpu.yield
    }) : () -> ()
    return
  }
}

#map = affine_map<(d0, d1) -> (0, 0, 0)>
#map1 = affine_map<(d0, d1) -> (0, 0)>
module attributes {stable_mosaic.version = 14 : i64} {
  func.func @k(%arg0: i32, %arg1: i32, %arg2: memref<64x128x64xf32, #tpu.memory_space<hbm>>, %arg3: memref<64x128xi32, #tpu.memory_space<hbm>>, %arg4: memref<5376x64xf32, #tpu.memory_space<hbm>>, %arg5: memref<5376x64xf32, #tpu.memory_space<hbm>>, %arg6: memref<2x5376x64xf32, #tpu.memory_space<hbm>>, %arg7: memref<2x128xi32, #tpu.memory_space<vmem>>, %arg8: memref<2x128x64xf32, #tpu.memory_space<vmem>>, %arg9: memref<5376x64xf32, #tpu.memory_space<vmem_shared>>) attributes {dimension_semantics = [#tpu.dimension_semantics<core_parallel>, #tpu.dimension_semantics<subcore_parallel>], iteration_bounds = array<i64: 2, 16>, scalar_prefetch = 0 : i64, scratch_operands = 3 : i64, tpu.core_type = #tpu.core_type<sc_vector_subcore>, window_params = [{transform_indices = #map}, {transform_indices = #map1}, {transform_indices = #map1}, {transform_indices = #map1}, {transform_indices = #map}]} {
    %mul3A = arith.constant 2 : i32
    %mul3A_0 = arith.muli %arg1, %mul3A : i32
    %add3A = arith.addi %mul3A_0, %arg0 : i32
    %mul3A_1 = arith.constant 336 : i32
    %mul3A_2 = arith.muli %arg1, %mul3A_1 : i32
    %eq3A = arith.constant 0 : i32
    %eq3A_3 = arith.cmpi eq, %arg0, %eq3A : i32
    %convert_element_type3A = arith.extui %eq3A_3 : i1 to i32
    %cond3A = arith.constant 0 : i32
    %cond3A_4 = arith.cmpi ne, %convert_element_type3A, %cond3A : i32
    scf.if %cond3A_4 {
      "tpu.region"() ({
        %run_scoped3A_18 = tpu.sem_alloc : memref<!tpu.dma_semaphore, #tpu.memory_space<semaphore_mem>>
        %dma_start3A = arith.constant 0 : i32
        %dma_start3A_19 = tpu.memref_slice %arg9[%mul3A_2, %dma_start3A] : memref<5376x64xf32, #tpu.memory_space<vmem_shared>> -> memref<336x64xf32, #tpu.memory_space<vmem_shared>>
        %dma_start3A_20 = arith.constant 0 : i32
        %dma_start3A_21 = tpu.memref_slice %arg4[%mul3A_2, %dma_start3A_20] : memref<5376x64xf32, #tpu.memory_space<hbm>> -> memref<336x64xf32, #tpu.memory_space<hbm>>
        tpu.enqueue_dma source(%dma_start3A_21 : memref<336x64xf32, #tpu.memory_space<hbm>>) target(%dma_start3A_19 : memref<336x64xf32, #tpu.memory_space<vmem_shared>>) target_semaphore(%run_scoped3A_18 : memref<!tpu.dma_semaphore, #tpu.memory_space<semaphore_mem>>)
        %dma_wait3A = arith.constant 0 : i32
        %dma_wait3A_22 = tpu.memref_slice %arg9[%mul3A_2, %dma_wait3A] : memref<5376x64xf32, #tpu.memory_space<vmem_shared>> -> memref<336x64xf32, #tpu.memory_space<vmem_shared>>
        %dma_wait3A_23 = arith.constant 0 : i32
        %dma_wait3A_24 = tpu.memref_slice %arg4[%mul3A_2, %dma_wait3A_23] : memref<5376x64xf32, #tpu.memory_space<hbm>> -> memref<336x64xf32, #tpu.memory_space<hbm>>
        tpu.wait_dma2 semaphore(%run_scoped3A_18 : memref<!tpu.dma_semaphore, #tpu.memory_space<semaphore_mem>>) src(%dma_wait3A_24 : memref<336x64xf32, #tpu.memory_space<hbm>>) dst(%dma_wait3A_22 : memref<336x64xf32, #tpu.memory_space<vmem_shared>>)
        tpu.yield
      }) : () -> ()
    } else {
    }
    %eq3A_5 = arith.constant 1 : i32
    %eq3A_6 = arith.cmpi eq, %arg0, %eq3A_5 : i32
    %convert_element_type3A_7 = arith.extui %eq3A_6 : i1 to i32
    %cond3A_8 = arith.constant 0 : i32
    %cond3A_9 = arith.cmpi ne, %convert_element_type3A_7, %cond3A_8 : i32
    scf.if %cond3A_9 {
      "tpu.region"() ({
        %run_scoped3A_18 = tpu.sem_alloc : memref<!tpu.dma_semaphore, #tpu.memory_space<semaphore_mem>>
        %dma_start3A = arith.constant 0 : i32
        %dma_start3A_19 = tpu.memref_slice %arg9[%mul3A_2, %dma_start3A] : memref<5376x64xf32, #tpu.memory_space<vmem_shared>> -> memref<336x64xf32, #tpu.memory_space<vmem_shared>>
        %dma_start3A_20 = arith.constant 0 : i32
        %dma_start3A_21 = tpu.memref_slice %arg5[%mul3A_2, %dma_start3A_20] : memref<5376x64xf32, #tpu.memory_space<hbm>> -> memref<336x64xf32, #tpu.memory_space<hbm>>
        tpu.enqueue_dma source(%dma_start3A_21 : memref<336x64xf32, #tpu.memory_space<hbm>>) target(%dma_start3A_19 : memref<336x64xf32, #tpu.memory_space<vmem_shared>>) target_semaphore(%run_scoped3A_18 : memref<!tpu.dma_semaphore, #tpu.memory_space<semaphore_mem>>)
        %dma_wait3A = arith.constant 0 : i32
        %dma_wait3A_22 = tpu.memref_slice %arg9[%mul3A_2, %dma_wait3A] : memref<5376x64xf32, #tpu.memory_space<vmem_shared>> -> memref<336x64xf32, #tpu.memory_space<vmem_shared>>
        %dma_wait3A_23 = arith.constant 0 : i32
        %dma_wait3A_24 = tpu.memref_slice %arg5[%mul3A_2, %dma_wait3A_23] : memref<5376x64xf32, #tpu.memory_space<hbm>> -> memref<336x64xf32, #tpu.memory_space<hbm>>
        tpu.wait_dma2 semaphore(%run_scoped3A_18 : memref<!tpu.dma_semaphore, #tpu.memory_space<semaphore_mem>>) src(%dma_wait3A_24 : memref<336x64xf32, #tpu.memory_space<hbm>>) dst(%dma_wait3A_22 : memref<336x64xf32, #tpu.memory_space<vmem_shared>>)
        tpu.yield
      }) : () -> ()
    } else {
    }
    %mul3A_10 = arith.constant 2 : i32
    %mul3A_11 = arith.muli %add3A, %mul3A_10 : i32
    "tpu.region"() ({
      %run_scoped3A_18 = tpu.sem_alloc : memref<!tpu.dma_semaphore, #tpu.memory_space<semaphore_mem>>
      %dma_start3A = arith.constant 0 : i32
      %dma_start3A_19 = tpu.memref_slice %arg3[%mul3A_11, %dma_start3A] : memref<64x128xi32, #tpu.memory_space<hbm>> -> memref<2x128xi32, #tpu.memory_space<hbm>>
      %dma_start3A_20 = arith.constant 0 : i32
      %dma_start3A_21 = tpu.memref_slice %arg3[%mul3A_11, %dma_start3A_20] : memref<64x128xi32, #tpu.memory_space<hbm>> -> memref<2x128xi32, #tpu.memory_space<hbm>>
      tpu.enqueue_dma source(%dma_start3A_21 : memref<2x128xi32, #tpu.memory_space<hbm>>) target(%arg7 : memref<2x128xi32, #tpu.memory_space<vmem>>) target_semaphore(%run_scoped3A_18 : memref<!tpu.dma_semaphore, #tpu.memory_space<semaphore_mem>>)
      %dma_wait3A = arith.constant 0 : i32
      %dma_wait3A_22 = tpu.memref_slice %arg3[%mul3A_11, %dma_wait3A] : memref<64x128xi32, #tpu.memory_space<hbm>> -> memref<2x128xi32, #tpu.memory_space<hbm>>
      %dma_wait3A_23 = arith.constant 0 : i32
      %dma_wait3A_24 = tpu.memref_slice %arg3[%mul3A_11, %dma_wait3A_23] : memref<64x128xi32, #tpu.memory_space<hbm>> -> memref<2x128xi32, #tpu.memory_space<hbm>>
      tpu.wait_dma2 semaphore(%run_scoped3A_18 : memref<!tpu.dma_semaphore, #tpu.memory_space<semaphore_mem>>) src(%dma_wait3A_24 : memref<2x128xi32, #tpu.memory_space<hbm>>) dst(%arg7 : memref<2x128xi32, #tpu.memory_space<vmem>>)
      tpu.yield
    }) : () -> ()
    %mul3A_12 = arith.constant 2 : i32
    %mul3A_13 = arith.muli %add3A, %mul3A_12 : i32
    "tpu.region"() ({
      %run_scoped3A_18 = tpu.sem_alloc : memref<!tpu.dma_semaphore, #tpu.memory_space<semaphore_mem>>
      %dma_start3A = arith.constant 0 : i32
      %dma_start3A_19 = arith.constant 0 : i32
      %dma_start3A_20 = tpu.memref_slice %arg2[%mul3A_13, %dma_start3A, %dma_start3A_19] : memref<64x128x64xf32, #tpu.memory_space<hbm>> -> memref<2x128x64xf32, #tpu.memory_space<hbm>>
      %dma_start3A_21 = arith.constant 0 : i32
      %dma_start3A_22 = arith.constant 0 : i32
      %dma_start3A_23 = tpu.memref_slice %arg2[%mul3A_13, %dma_start3A_21, %dma_start3A_22] : memref<64x128x64xf32, #tpu.memory_space<hbm>> -> memref<2x128x64xf32, #tpu.memory_space<hbm>>
      tpu.enqueue_dma source(%dma_start3A_23 : memref<2x128x64xf32, #tpu.memory_space<hbm>>) target(%arg8 : memref<2x128x64xf32, #tpu.memory_space<vmem>>) target_semaphore(%run_scoped3A_18 : memref<!tpu.dma_semaphore, #tpu.memory_space<semaphore_mem>>)
      %dma_wait3A = arith.constant 0 : i32
      %dma_wait3A_24 = arith.constant 0 : i32
      %dma_wait3A_25 = tpu.memref_slice %arg2[%mul3A_13, %dma_wait3A, %dma_wait3A_24] : memref<64x128x64xf32, #tpu.memory_space<hbm>> -> memref<2x128x64xf32, #tpu.memory_space<hbm>>
      %dma_wait3A_26 = arith.constant 0 : i32
      %dma_wait3A_27 = arith.constant 0 : i32
      %dma_wait3A_28 = tpu.memref_slice %arg2[%mul3A_13, %dma_wait3A_26, %dma_wait3A_27] : memref<64x128x64xf32, #tpu.memory_space<hbm>> -> memref<2x128x64xf32, #tpu.memory_space<hbm>>
      tpu.wait_dma2 semaphore(%run_scoped3A_18 : memref<!tpu.dma_semaphore, #tpu.memory_space<semaphore_mem>>) src(%dma_wait3A_28 : memref<2x128x64xf32, #tpu.memory_space<hbm>>) dst(%arg8 : memref<2x128x64xf32, #tpu.memory_space<vmem>>)
      tpu.yield
    }) : () -> ()
    %barrier3A = arith.constant 0 : index
    tpu.barrier barrier_id(%barrier3A)
    %run_scoped3A = arith.constant 0 : i32
    %run_scoped3A_14 = arith.constant 0 : i32
    "tpu.region"() ({
      %run_scoped3A_18 = tpu.sem_alloc : memref<!tpu.dma_semaphore, #tpu.memory_space<semaphore_mem>>
      %dma_start3A = arith.constant 0 : i32
      %dma_start3A_19 = arith.constant 0 : i32
      %dma_start3A_20 = tpu.memref_slice %arg8[%run_scoped3A, %dma_start3A, %dma_start3A_19] : memref<2x128x64xf32, #tpu.memory_space<vmem>> -> memref<1x128x64xf32, #tpu.memory_space<vmem>>
      %dma_start3A_21 = tpu.memref_squeeze %dma_start3A_20 : memref<1x128x64xf32, #tpu.memory_space<vmem>> -> memref<128x64xf32, #tpu.memory_space<vmem>>
      %dma_start3A_22 = arith.constant 0 : i32
      %dma_start3A_23 = tpu.memref_slice %arg7[%run_scoped3A_14, %dma_start3A_22] : memref<2x128xi32, #tpu.memory_space<vmem>> -> memref<1x128xi32, #tpu.memory_space<vmem>>
      %dma_start3A_24 = tpu.memref_squeeze %dma_start3A_23 : memref<1x128xi32, #tpu.memory_space<vmem>> -> memref<128xi32, #tpu.memory_space<vmem>>
      %dma_start3A_25 = arith.constant 0 : i32
      %dma_start3A_26 = arith.constant 0 : i32
      %dma_start3A_27 = tpu.memref_slice %arg9[%dma_start3A_25, %dma_start3A_26] : memref<5376x64xf32, #tpu.memory_space<vmem_shared>> -> memref<5376x64xf32, #tpu.memory_space<vmem_shared>>
      tpu.enqueue_indirect_dma source(%dma_start3A_21 : memref<128x64xf32, #tpu.memory_space<vmem>>) target(%dma_start3A_27 : memref<5376x64xf32, #tpu.memory_space<vmem_shared>>) offsets(%dma_start3A_24 : memref<128xi32, #tpu.memory_space<vmem>>) semaphore(%run_scoped3A_18 : memref<!tpu.dma_semaphore, #tpu.memory_space<semaphore_mem>>) {add = true}
      %dma_wait3A = arith.constant 0 : i32
      %dma_wait3A_28 = arith.constant 0 : i32
      %dma_wait3A_29 = tpu.memref_slice %arg8[%run_scoped3A, %dma_wait3A, %dma_wait3A_28] : memref<2x128x64xf32, #tpu.memory_space<vmem>> -> memref<1x128x64xf32, #tpu.memory_space<vmem>>
      %dma_wait3A_30 = tpu.memref_squeeze %dma_wait3A_29 : memref<1x128x64xf32, #tpu.memory_space<vmem>> -> memref<128x64xf32, #tpu.memory_space<vmem>>
      %dma_wait3A_31 = arith.constant 0 : i32
      %dma_wait3A_32 = tpu.memref_slice %arg7[%run_scoped3A_14, %dma_wait3A_31] : memref<2x128xi32, #tpu.memory_space<vmem>> -> memref<1x128xi32, #tpu.memory_space<vmem>>
      %dma_wait3A_33 = tpu.memref_squeeze %dma_wait3A_32 : memref<1x128xi32, #tpu.memory_space<vmem>> -> memref<128xi32, #tpu.memory_space<vmem>>
      %dma_wait3A_34 = arith.constant 0 : i32
      %dma_wait3A_35 = arith.constant 0 : i32
      %dma_wait3A_36 = tpu.memref_slice %arg9[%dma_wait3A_34, %dma_wait3A_35] : memref<5376x64xf32, #tpu.memory_space<vmem_shared>> -> memref<5376x64xf32, #tpu.memory_space<vmem_shared>>
      tpu.wait_indirect_dma semaphore(%run_scoped3A_18 : memref<!tpu.dma_semaphore, #tpu.memory_space<semaphore_mem>>) src(%dma_wait3A_30 : memref<128x64xf32, #tpu.memory_space<vmem>>) dst(%dma_wait3A_36 : memref<5376x64xf32, #tpu.memory_space<vmem_shared>>)
      tpu.yield
    }) : () -> ()
    %run_scoped3A_15 = arith.constant 1 : i32
    %run_scoped3A_16 = arith.constant 1 : i32
    "tpu.region"() ({
      %run_scoped3A_18 = tpu.sem_alloc : memref<!tpu.dma_semaphore, #tpu.memory_space<semaphore_mem>>
      %dma_start3A = arith.constant 0 : i32
      %dma_start3A_19 = arith.constant 0 : i32
      %dma_start3A_20 = tpu.memref_slice %arg8[%run_scoped3A_15, %dma_start3A, %dma_start3A_19] : memref<2x128x64xf32, #tpu.memory_space<vmem>> -> memref<1x128x64xf32, #tpu.memory_space<vmem>>
      %dma_start3A_21 = tpu.memref_squeeze %dma_start3A_20 : memref<1x128x64xf32, #tpu.memory_space<vmem>> -> memref<128x64xf32, #tpu.memory_space<vmem>>
      %dma_start3A_22 = arith.constant 0 : i32
      %dma_start3A_23 = tpu.memref_slice %arg7[%run_scoped3A_16, %dma_start3A_22] : memref<2x128xi32, #tpu.memory_space<vmem>> -> memref<1x128xi32, #tpu.memory_space<vmem>>
      %dma_start3A_24 = tpu.memref_squeeze %dma_start3A_23 : memref<1x128xi32, #tpu.memory_space<vmem>> -> memref<128xi32, #tpu.memory_space<vmem>>
      %dma_start3A_25 = arith.constant 0 : i32
      %dma_start3A_26 = arith.constant 0 : i32
      %dma_start3A_27 = tpu.memref_slice %arg9[%dma_start3A_25, %dma_start3A_26] : memref<5376x64xf32, #tpu.memory_space<vmem_shared>> -> memref<5376x64xf32, #tpu.memory_space<vmem_shared>>
      tpu.enqueue_indirect_dma source(%dma_start3A_21 : memref<128x64xf32, #tpu.memory_space<vmem>>) target(%dma_start3A_27 : memref<5376x64xf32, #tpu.memory_space<vmem_shared>>) offsets(%dma_start3A_24 : memref<128xi32, #tpu.memory_space<vmem>>) semaphore(%run_scoped3A_18 : memref<!tpu.dma_semaphore, #tpu.memory_space<semaphore_mem>>) {add = true}
      %dma_wait3A = arith.constant 0 : i32
      %dma_wait3A_28 = arith.constant 0 : i32
      %dma_wait3A_29 = tpu.memref_slice %arg8[%run_scoped3A_15, %dma_wait3A, %dma_wait3A_28] : memref<2x128x64xf32, #tpu.memory_space<vmem>> -> memref<1x128x64xf32, #tpu.memory_space<vmem>>
      %dma_wait3A_30 = tpu.memref_squeeze %dma_wait3A_29 : memref<1x128x64xf32, #tpu.memory_space<vmem>> -> memref<128x64xf32, #tpu.memory_space<vmem>>
      %dma_wait3A_31 = arith.constant 0 : i32
      %dma_wait3A_32 = tpu.memref_slice %arg7[%run_scoped3A_16, %dma_wait3A_31] : memref<2x128xi32, #tpu.memory_space<vmem>> -> memref<1x128xi32, #tpu.memory_space<vmem>>
      %dma_wait3A_33 = tpu.memref_squeeze %dma_wait3A_32 : memref<1x128xi32, #tpu.memory_space<vmem>> -> memref<128xi32, #tpu.memory_space<vmem>>
      %dma_wait3A_34 = arith.constant 0 : i32
      %dma_wait3A_35 = arith.constant 0 : i32
      %dma_wait3A_36 = tpu.memref_slice %arg9[%dma_wait3A_34, %dma_wait3A_35] : memref<5376x64xf32, #tpu.memory_space<vmem_shared>> -> memref<5376x64xf32, #tpu.memory_space<vmem_shared>>
      tpu.wait_indirect_dma semaphore(%run_scoped3A_18 : memref<!tpu.dma_semaphore, #tpu.memory_space<semaphore_mem>>) src(%dma_wait3A_30 : memref<128x64xf32, #tpu.memory_space<vmem>>) dst(%dma_wait3A_36 : memref<5376x64xf32, #tpu.memory_space<vmem_shared>>)
      tpu.yield
    }) : () -> ()
    %barrier3A_17 = arith.constant 0 : index
    tpu.barrier barrier_id(%barrier3A_17)
    "tpu.region"() ({
      %run_scoped3A_18 = tpu.sem_alloc : memref<!tpu.dma_semaphore, #tpu.memory_space<semaphore_mem>>
      %dma_start3A = arith.constant 0 : i32
      %dma_start3A_19 = tpu.memref_slice %arg6[%arg0, %mul3A_2, %dma_start3A] : memref<2x5376x64xf32, #tpu.memory_space<hbm>> -> memref<1x336x64xf32, #tpu.memory_space<hbm>>
      %dma_start3A_20 = tpu.memref_squeeze %dma_start3A_19 : memref<1x336x64xf32, #tpu.memory_space<hbm>> -> memref<336x64xf32, #tpu.memory_space<hbm>>
      %dma_start3A_21 = arith.constant 0 : i32
      %dma_start3A_22 = tpu.memref_slice %arg9[%mul3A_2, %dma_start3A_21] : memref<5376x64xf32, #tpu.memory_space<vmem_shared>> -> memref<336x64xf32, #tpu.memory_space<vmem_shared>>
      tpu.enqueue_dma source(%dma_start3A_22 : memref<336x64xf32, #tpu.memory_space<vmem_shared>>) target(%dma_start3A_20 : memref<336x64xf32, #tpu.memory_space<hbm>>) target_semaphore(%run_scoped3A_18 : memref<!tpu.dma_semaphore, #tpu.memory_space<semaphore_mem>>)
      %dma_wait3A = arith.constant 0 : i32
      %dma_wait3A_23 = tpu.memref_slice %arg6[%arg0, %mul3A_2, %dma_wait3A] : memref<2x5376x64xf32, #tpu.memory_space<hbm>> -> memref<1x336x64xf32, #tpu.memory_space<hbm>>
      %dma_wait3A_24 = tpu.memref_squeeze %dma_wait3A_23 : memref<1x336x64xf32, #tpu.memory_space<hbm>> -> memref<336x64xf32, #tpu.memory_space<hbm>>
      %dma_wait3A_25 = arith.constant 0 : i32
      %dma_wait3A_26 = tpu.memref_slice %arg9[%mul3A_2, %dma_wait3A_25] : memref<5376x64xf32, #tpu.memory_space<vmem_shared>> -> memref<336x64xf32, #tpu.memory_space<vmem_shared>>
      tpu.wait_dma2 semaphore(%run_scoped3A_18 : memref<!tpu.dma_semaphore, #tpu.memory_space<semaphore_mem>>) src(%dma_wait3A_26 : memref<336x64xf32, #tpu.memory_space<vmem_shared>>) dst(%dma_wait3A_24 : memref<336x64xf32, #tpu.memory_space<hbm>>)
      tpu.yield
    }) : () -> ()
    return
  }
}

#map = affine_map<(d0, d1) -> (0, 0, 0)>
#map1 = affine_map<(d0, d1) -> (0, 0)>
module attributes {stable_mosaic.version = 14 : i64} {
  func.func @k(%arg0: i32, %arg1: i32, %arg2: memref<32x64x64xf32, #tpu.memory_space<hbm>>, %arg3: memref<32x64xi32, #tpu.memory_space<hbm>>, %arg4: memref<5376x64xf32, #tpu.memory_space<hbm>>, %arg5: memref<5376x64xf32, #tpu.memory_space<hbm>>, %arg6: memref<2x5376x64xf32, #tpu.memory_space<hbm>>, %arg7: memref<1x64xi32, #tpu.memory_space<vmem>>, %arg8: memref<1x64x64xf32, #tpu.memory_space<vmem>>, %arg9: memref<5376x64xf32, #tpu.memory_space<vmem_shared>>) attributes {dimension_semantics = [#tpu.dimension_semantics<core_parallel>, #tpu.dimension_semantics<subcore_parallel>], iteration_bounds = array<i64: 2, 16>, scalar_prefetch = 0 : i64, scratch_operands = 3 : i64, tpu.core_type = #tpu.core_type<sc_vector_subcore>, window_params = [{transform_indices = #map}, {transform_indices = #map1}, {transform_indices = #map1}, {transform_indices = #map1}, {transform_indices = #map}]} {
    %mul3A = arith.constant 2 : i32
    %mul3A_0 = arith.muli %arg1, %mul3A : i32
    %add3A = arith.addi %mul3A_0, %arg0 : i32
    %mul3A_1 = arith.constant 336 : i32
    %mul3A_2 = arith.muli %arg1, %mul3A_1 : i32
    %eq3A = arith.constant 0 : i32
    %eq3A_3 = arith.cmpi eq, %arg0, %eq3A : i32
    %convert_element_type3A = arith.extui %eq3A_3 : i1 to i32
    %cond3A = arith.constant 0 : i32
    %cond3A_4 = arith.cmpi ne, %convert_element_type3A, %cond3A : i32
    scf.if %cond3A_4 {
      "tpu.region"() ({
        %run_scoped3A_16 = tpu.sem_alloc : memref<!tpu.dma_semaphore, #tpu.memory_space<semaphore_mem>>
        %dma_start3A = arith.constant 0 : i32
        %dma_start3A_17 = tpu.memref_slice %arg9[%mul3A_2, %dma_start3A] : memref<5376x64xf32, #tpu.memory_space<vmem_shared>> -> memref<336x64xf32, #tpu.memory_space<vmem_shared>>
        %dma_start3A_18 = arith.constant 0 : i32
        %dma_start3A_19 = tpu.memref_slice %arg4[%mul3A_2, %dma_start3A_18] : memref<5376x64xf32, #tpu.memory_space<hbm>> -> memref<336x64xf32, #tpu.memory_space<hbm>>
        tpu.enqueue_dma source(%dma_start3A_19 : memref<336x64xf32, #tpu.memory_space<hbm>>) target(%dma_start3A_17 : memref<336x64xf32, #tpu.memory_space<vmem_shared>>) target_semaphore(%run_scoped3A_16 : memref<!tpu.dma_semaphore, #tpu.memory_space<semaphore_mem>>)
        %dma_wait3A = arith.constant 0 : i32
        %dma_wait3A_20 = tpu.memref_slice %arg9[%mul3A_2, %dma_wait3A] : memref<5376x64xf32, #tpu.memory_space<vmem_shared>> -> memref<336x64xf32, #tpu.memory_space<vmem_shared>>
        %dma_wait3A_21 = arith.constant 0 : i32
        %dma_wait3A_22 = tpu.memref_slice %arg4[%mul3A_2, %dma_wait3A_21] : memref<5376x64xf32, #tpu.memory_space<hbm>> -> memref<336x64xf32, #tpu.memory_space<hbm>>
        tpu.wait_dma2 semaphore(%run_scoped3A_16 : memref<!tpu.dma_semaphore, #tpu.memory_space<semaphore_mem>>) src(%dma_wait3A_22 : memref<336x64xf32, #tpu.memory_space<hbm>>) dst(%dma_wait3A_20 : memref<336x64xf32, #tpu.memory_space<vmem_shared>>)
        tpu.yield
      }) : () -> ()
    } else {
    }
    %eq3A_5 = arith.constant 1 : i32
    %eq3A_6 = arith.cmpi eq, %arg0, %eq3A_5 : i32
    %convert_element_type3A_7 = arith.extui %eq3A_6 : i1 to i32
    %cond3A_8 = arith.constant 0 : i32
    %cond3A_9 = arith.cmpi ne, %convert_element_type3A_7, %cond3A_8 : i32
    scf.if %cond3A_9 {
      "tpu.region"() ({
        %run_scoped3A_16 = tpu.sem_alloc : memref<!tpu.dma_semaphore, #tpu.memory_space<semaphore_mem>>
        %dma_start3A = arith.constant 0 : i32
        %dma_start3A_17 = tpu.memref_slice %arg9[%mul3A_2, %dma_start3A] : memref<5376x64xf32, #tpu.memory_space<vmem_shared>> -> memref<336x64xf32, #tpu.memory_space<vmem_shared>>
        %dma_start3A_18 = arith.constant 0 : i32
        %dma_start3A_19 = tpu.memref_slice %arg5[%mul3A_2, %dma_start3A_18] : memref<5376x64xf32, #tpu.memory_space<hbm>> -> memref<336x64xf32, #tpu.memory_space<hbm>>
        tpu.enqueue_dma source(%dma_start3A_19 : memref<336x64xf32, #tpu.memory_space<hbm>>) target(%dma_start3A_17 : memref<336x64xf32, #tpu.memory_space<vmem_shared>>) target_semaphore(%run_scoped3A_16 : memref<!tpu.dma_semaphore, #tpu.memory_space<semaphore_mem>>)
        %dma_wait3A = arith.constant 0 : i32
        %dma_wait3A_20 = tpu.memref_slice %arg9[%mul3A_2, %dma_wait3A] : memref<5376x64xf32, #tpu.memory_space<vmem_shared>> -> memref<336x64xf32, #tpu.memory_space<vmem_shared>>
        %dma_wait3A_21 = arith.constant 0 : i32
        %dma_wait3A_22 = tpu.memref_slice %arg5[%mul3A_2, %dma_wait3A_21] : memref<5376x64xf32, #tpu.memory_space<hbm>> -> memref<336x64xf32, #tpu.memory_space<hbm>>
        tpu.wait_dma2 semaphore(%run_scoped3A_16 : memref<!tpu.dma_semaphore, #tpu.memory_space<semaphore_mem>>) src(%dma_wait3A_22 : memref<336x64xf32, #tpu.memory_space<hbm>>) dst(%dma_wait3A_20 : memref<336x64xf32, #tpu.memory_space<vmem_shared>>)
        tpu.yield
      }) : () -> ()
    } else {
    }
    %mul3A_10 = arith.constant 1 : i32
    %mul3A_11 = arith.muli %add3A, %mul3A_10 : i32
    "tpu.region"() ({
      %run_scoped3A_16 = tpu.sem_alloc : memref<!tpu.dma_semaphore, #tpu.memory_space<semaphore_mem>>
      %dma_start3A = arith.constant 0 : i32
      %dma_start3A_17 = tpu.memref_slice %arg3[%mul3A_11, %dma_start3A] : memref<32x64xi32, #tpu.memory_space<hbm>> -> memref<1x64xi32, #tpu.memory_space<hbm>>
      %dma_start3A_18 = arith.constant 0 : i32
      %dma_start3A_19 = tpu.memref_slice %arg3[%mul3A_11, %dma_start3A_18] : memref<32x64xi32, #tpu.memory_space<hbm>> -> memref<1x64xi32, #tpu.memory_space<hbm>>
      tpu.enqueue_dma source(%dma_start3A_19 : memref<1x64xi32, #tpu.memory_space<hbm>>) target(%arg7 : memref<1x64xi32, #tpu.memory_space<vmem>>) target_semaphore(%run_scoped3A_16 : memref<!tpu.dma_semaphore, #tpu.memory_space<semaphore_mem>>)
      %dma_wait3A = arith.constant 0 : i32
      %dma_wait3A_20 = tpu.memref_slice %arg3[%mul3A_11, %dma_wait3A] : memref<32x64xi32, #tpu.memory_space<hbm>> -> memref<1x64xi32, #tpu.memory_space<hbm>>
      %dma_wait3A_21 = arith.constant 0 : i32
      %dma_wait3A_22 = tpu.memref_slice %arg3[%mul3A_11, %dma_wait3A_21] : memref<32x64xi32, #tpu.memory_space<hbm>> -> memref<1x64xi32, #tpu.memory_space<hbm>>
      tpu.wait_dma2 semaphore(%run_scoped3A_16 : memref<!tpu.dma_semaphore, #tpu.memory_space<semaphore_mem>>) src(%dma_wait3A_22 : memref<1x64xi32, #tpu.memory_space<hbm>>) dst(%arg7 : memref<1x64xi32, #tpu.memory_space<vmem>>)
      tpu.yield
    }) : () -> ()
    %mul3A_12 = arith.constant 1 : i32
    %mul3A_13 = arith.muli %add3A, %mul3A_12 : i32
    "tpu.region"() ({
      %run_scoped3A_16 = tpu.sem_alloc : memref<!tpu.dma_semaphore, #tpu.memory_space<semaphore_mem>>
      %dma_start3A = arith.constant 0 : i32
      %dma_start3A_17 = arith.constant 0 : i32
      %dma_start3A_18 = tpu.memref_slice %arg2[%mul3A_13, %dma_start3A, %dma_start3A_17] : memref<32x64x64xf32, #tpu.memory_space<hbm>> -> memref<1x64x64xf32, #tpu.memory_space<hbm>>
      %dma_start3A_19 = arith.constant 0 : i32
      %dma_start3A_20 = arith.constant 0 : i32
      %dma_start3A_21 = tpu.memref_slice %arg2[%mul3A_13, %dma_start3A_19, %dma_start3A_20] : memref<32x64x64xf32, #tpu.memory_space<hbm>> -> memref<1x64x64xf32, #tpu.memory_space<hbm>>
      tpu.enqueue_dma source(%dma_start3A_21 : memref<1x64x64xf32, #tpu.memory_space<hbm>>) target(%arg8 : memref<1x64x64xf32, #tpu.memory_space<vmem>>) target_semaphore(%run_scoped3A_16 : memref<!tpu.dma_semaphore, #tpu.memory_space<semaphore_mem>>)
      %dma_wait3A = arith.constant 0 : i32
      %dma_wait3A_22 = arith.constant 0 : i32
      %dma_wait3A_23 = tpu.memref_slice %arg2[%mul3A_13, %dma_wait3A, %dma_wait3A_22] : memref<32x64x64xf32, #tpu.memory_space<hbm>> -> memref<1x64x64xf32, #tpu.memory_space<hbm>>
      %dma_wait3A_24 = arith.constant 0 : i32
      %dma_wait3A_25 = arith.constant 0 : i32
      %dma_wait3A_26 = tpu.memref_slice %arg2[%mul3A_13, %dma_wait3A_24, %dma_wait3A_25] : memref<32x64x64xf32, #tpu.memory_space<hbm>> -> memref<1x64x64xf32, #tpu.memory_space<hbm>>
      tpu.wait_dma2 semaphore(%run_scoped3A_16 : memref<!tpu.dma_semaphore, #tpu.memory_space<semaphore_mem>>) src(%dma_wait3A_26 : memref<1x64x64xf32, #tpu.memory_space<hbm>>) dst(%arg8 : memref<1x64x64xf32, #tpu.memory_space<vmem>>)
      tpu.yield
    }) : () -> ()
    %barrier3A = arith.constant 0 : index
    tpu.barrier barrier_id(%barrier3A)
    %run_scoped3A = arith.constant 0 : i32
    %run_scoped3A_14 = arith.constant 0 : i32
    "tpu.region"() ({
      %run_scoped3A_16 = tpu.sem_alloc : memref<!tpu.dma_semaphore, #tpu.memory_space<semaphore_mem>>
      %dma_start3A = arith.constant 0 : i32
      %dma_start3A_17 = arith.constant 0 : i32
      %dma_start3A_18 = tpu.memref_slice %arg8[%run_scoped3A, %dma_start3A, %dma_start3A_17] : memref<1x64x64xf32, #tpu.memory_space<vmem>> -> memref<1x64x64xf32, #tpu.memory_space<vmem>>
      %dma_start3A_19 = tpu.memref_squeeze %dma_start3A_18 : memref<1x64x64xf32, #tpu.memory_space<vmem>> -> memref<64x64xf32, #tpu.memory_space<vmem>>
      %dma_start3A_20 = arith.constant 0 : i32
      %dma_start3A_21 = tpu.memref_slice %arg7[%run_scoped3A_14, %dma_start3A_20] : memref<1x64xi32, #tpu.memory_space<vmem>> -> memref<1x64xi32, #tpu.memory_space<vmem>>
      %dma_start3A_22 = tpu.memref_squeeze %dma_start3A_21 : memref<1x64xi32, #tpu.memory_space<vmem>> -> memref<64xi32, #tpu.memory_space<vmem>>
      %dma_start3A_23 = arith.constant 0 : i32
      %dma_start3A_24 = arith.constant 0 : i32
      %dma_start3A_25 = tpu.memref_slice %arg9[%dma_start3A_23, %dma_start3A_24] : memref<5376x64xf32, #tpu.memory_space<vmem_shared>> -> memref<5376x64xf32, #tpu.memory_space<vmem_shared>>
      tpu.enqueue_indirect_dma source(%dma_start3A_19 : memref<64x64xf32, #tpu.memory_space<vmem>>) target(%dma_start3A_25 : memref<5376x64xf32, #tpu.memory_space<vmem_shared>>) offsets(%dma_start3A_22 : memref<64xi32, #tpu.memory_space<vmem>>) semaphore(%run_scoped3A_16 : memref<!tpu.dma_semaphore, #tpu.memory_space<semaphore_mem>>) {add = true}
      %dma_wait3A = arith.constant 0 : i32
      %dma_wait3A_26 = arith.constant 0 : i32
      %dma_wait3A_27 = tpu.memref_slice %arg8[%run_scoped3A, %dma_wait3A, %dma_wait3A_26] : memref<1x64x64xf32, #tpu.memory_space<vmem>> -> memref<1x64x64xf32, #tpu.memory_space<vmem>>
      %dma_wait3A_28 = tpu.memref_squeeze %dma_wait3A_27 : memref<1x64x64xf32, #tpu.memory_space<vmem>> -> memref<64x64xf32, #tpu.memory_space<vmem>>
      %dma_wait3A_29 = arith.constant 0 : i32
      %dma_wait3A_30 = tpu.memref_slice %arg7[%run_scoped3A_14, %dma_wait3A_29] : memref<1x64xi32, #tpu.memory_space<vmem>> -> memref<1x64xi32, #tpu.memory_space<vmem>>
      %dma_wait3A_31 = tpu.memref_squeeze %dma_wait3A_30 : memref<1x64xi32, #tpu.memory_space<vmem>> -> memref<64xi32, #tpu.memory_space<vmem>>
      %dma_wait3A_32 = arith.constant 0 : i32
      %dma_wait3A_33 = arith.constant 0 : i32
      %dma_wait3A_34 = tpu.memref_slice %arg9[%dma_wait3A_32, %dma_wait3A_33] : memref<5376x64xf32, #tpu.memory_space<vmem_shared>> -> memref<5376x64xf32, #tpu.memory_space<vmem_shared>>
      tpu.wait_indirect_dma semaphore(%run_scoped3A_16 : memref<!tpu.dma_semaphore, #tpu.memory_space<semaphore_mem>>) src(%dma_wait3A_28 : memref<64x64xf32, #tpu.memory_space<vmem>>) dst(%dma_wait3A_34 : memref<5376x64xf32, #tpu.memory_space<vmem_shared>>)
      tpu.yield
    }) : () -> ()
    %barrier3A_15 = arith.constant 0 : index
    tpu.barrier barrier_id(%barrier3A_15)
    "tpu.region"() ({
      %run_scoped3A_16 = tpu.sem_alloc : memref<!tpu.dma_semaphore, #tpu.memory_space<semaphore_mem>>
      %dma_start3A = arith.constant 0 : i32
      %dma_start3A_17 = tpu.memref_slice %arg6[%arg0, %mul3A_2, %dma_start3A] : memref<2x5376x64xf32, #tpu.memory_space<hbm>> -> memref<1x336x64xf32, #tpu.memory_space<hbm>>
      %dma_start3A_18 = tpu.memref_squeeze %dma_start3A_17 : memref<1x336x64xf32, #tpu.memory_space<hbm>> -> memref<336x64xf32, #tpu.memory_space<hbm>>
      %dma_start3A_19 = arith.constant 0 : i32
      %dma_start3A_20 = tpu.memref_slice %arg9[%mul3A_2, %dma_start3A_19] : memref<5376x64xf32, #tpu.memory_space<vmem_shared>> -> memref<336x64xf32, #tpu.memory_space<vmem_shared>>
      tpu.enqueue_dma source(%dma_start3A_20 : memref<336x64xf32, #tpu.memory_space<vmem_shared>>) target(%dma_start3A_18 : memref<336x64xf32, #tpu.memory_space<hbm>>) target_semaphore(%run_scoped3A_16 : memref<!tpu.dma_semaphore, #tpu.memory_space<semaphore_mem>>)
      %dma_wait3A = arith.constant 0 : i32
      %dma_wait3A_21 = tpu.memref_slice %arg6[%arg0, %mul3A_2, %dma_wait3A] : memref<2x5376x64xf32, #tpu.memory_space<hbm>> -> memref<1x336x64xf32, #tpu.memory_space<hbm>>
      %dma_wait3A_22 = tpu.memref_squeeze %dma_wait3A_21 : memref<1x336x64xf32, #tpu.memory_space<hbm>> -> memref<336x64xf32, #tpu.memory_space<hbm>>
      %dma_wait3A_23 = arith.constant 0 : i32
      %dma_wait3A_24 = tpu.memref_slice %arg9[%mul3A_2, %dma_wait3A_23] : memref<5376x64xf32, #tpu.memory_space<vmem_shared>> -> memref<336x64xf32, #tpu.memory_space<vmem_shared>>
      tpu.wait_dma2 semaphore(%run_scoped3A_16 : memref<!tpu.dma_semaphore, #tpu.memory_space<semaphore_mem>>) src(%dma_wait3A_24 : memref<336x64xf32, #tpu.memory_space<vmem_shared>>) dst(%dma_wait3A_22 : memref<336x64xf32, #tpu.memory_space<hbm>>)
      tpu.yield
    }) : () -> ()
    return
  }
}

#map = affine_map<(d0, d1) -> (0, 0)>
#map1 = affine_map<(d0, d1) -> (0)>
module attributes {stable_mosaic.version = 14 : i64} {
  func.func @k(%arg0: i32, %arg1: i32, %arg2: memref<5376x64xf32, #tpu.memory_space<hbm>>, %arg3: memref<2048xi32, #tpu.memory_space<hbm>>, %arg4: memref<2048x64xf32, #tpu.memory_space<hbm>>, %arg5: memref<64xi32, #tpu.memory_space<vmem>>, %arg6: memref<64x64xf32, #tpu.memory_space<vmem>>, %arg7: memref<!tpu.dma_semaphore, #tpu.memory_space<semaphore_mem>>) attributes {dimension_semantics = [#tpu.dimension_semantics<core_parallel>, #tpu.dimension_semantics<subcore_parallel>], iteration_bounds = array<i64: 2, 16>, scalar_prefetch = 0 : i64, scratch_operands = 3 : i64, tpu.core_type = #tpu.core_type<sc_vector_subcore>, window_params = [{transform_indices = #map}, {transform_indices = #map1}, {transform_indices = #map}]} {
    %mul3A = arith.constant 2 : i32
    %mul3A_0 = arith.muli %arg1, %mul3A : i32
    %add3A = arith.addi %mul3A_0, %arg0 : i32
    %mul3A_1 = arith.constant 64 : i32
    %mul3A_2 = arith.muli %add3A, %mul3A_1 : i32
    "tpu.region"() ({
      %run_scoped3A = tpu.sem_alloc : memref<!tpu.dma_semaphore, #tpu.memory_space<semaphore_mem>>
      %dma_start3A_17 = tpu.memref_slice %arg3[%mul3A_2] : memref<2048xi32, #tpu.memory_space<hbm>> -> memref<64xi32, #tpu.memory_space<hbm>>
      %dma_start3A_18 = tpu.memref_slice %arg3[%mul3A_2] : memref<2048xi32, #tpu.memory_space<hbm>> -> memref<64xi32, #tpu.memory_space<hbm>>
      tpu.enqueue_dma source(%dma_start3A_18 : memref<64xi32, #tpu.memory_space<hbm>>) target(%arg5 : memref<64xi32, #tpu.memory_space<vmem>>) target_semaphore(%run_scoped3A : memref<!tpu.dma_semaphore, #tpu.memory_space<semaphore_mem>>)
      %dma_wait3A_19 = tpu.memref_slice %arg3[%mul3A_2] : memref<2048xi32, #tpu.memory_space<hbm>> -> memref<64xi32, #tpu.memory_space<hbm>>
      %dma_wait3A_20 = tpu.memref_slice %arg3[%mul3A_2] : memref<2048xi32, #tpu.memory_space<hbm>> -> memref<64xi32, #tpu.memory_space<hbm>>
      tpu.wait_dma2 semaphore(%run_scoped3A : memref<!tpu.dma_semaphore, #tpu.memory_space<semaphore_mem>>) src(%dma_wait3A_20 : memref<64xi32, #tpu.memory_space<hbm>>) dst(%arg5 : memref<64xi32, #tpu.memory_space<vmem>>)
      tpu.yield
    }) : () -> ()
    %dma_start3A = arith.constant 0 : i32
    %dma_start3A_3 = arith.constant 0 : i32
    %dma_start3A_4 = tpu.memref_slice %arg6[%dma_start3A, %dma_start3A_3] : memref<64x64xf32, #tpu.memory_space<vmem>> -> memref<64x64xf32, #tpu.memory_space<vmem>>
    %dma_start3A_5 = arith.constant 0 : i32
    %dma_start3A_6 = tpu.memref_slice %arg5[%dma_start3A_5] : memref<64xi32, #tpu.memory_space<vmem>> -> memref<64xi32, #tpu.memory_space<vmem>>
    %dma_start3A_7 = arith.constant 0 : i32
    %dma_start3A_8 = arith.constant 0 : i32
    %dma_start3A_9 = tpu.memref_slice %arg2[%dma_start3A_7, %dma_start3A_8] : memref<5376x64xf32, #tpu.memory_space<hbm>> -> memref<5376x64xf32, #tpu.memory_space<hbm>>
    tpu.enqueue_indirect_dma source(%dma_start3A_9 : memref<5376x64xf32, #tpu.memory_space<hbm>>) target(%dma_start3A_4 : memref<64x64xf32, #tpu.memory_space<vmem>>) offsets(%dma_start3A_6 : memref<64xi32, #tpu.memory_space<vmem>>) semaphore(%arg7 : memref<!tpu.dma_semaphore, #tpu.memory_space<semaphore_mem>>)
    %dma_wait3A = arith.constant 0 : i32
    %dma_wait3A_10 = arith.constant 0 : i32
    %dma_wait3A_11 = tpu.memref_slice %arg6[%dma_wait3A, %dma_wait3A_10] : memref<64x64xf32, #tpu.memory_space<vmem>> -> memref<64x64xf32, #tpu.memory_space<vmem>>
    %dma_wait3A_12 = arith.constant 0 : i32
    %dma_wait3A_13 = tpu.memref_slice %arg5[%dma_wait3A_12] : memref<64xi32, #tpu.memory_space<vmem>> -> memref<64xi32, #tpu.memory_space<vmem>>
    %dma_wait3A_14 = arith.constant 0 : i32
    %dma_wait3A_15 = arith.constant 0 : i32
    %dma_wait3A_16 = tpu.memref_slice %arg2[%dma_wait3A_14, %dma_wait3A_15] : memref<5376x64xf32, #tpu.memory_space<hbm>> -> memref<5376x64xf32, #tpu.memory_space<hbm>>
    tpu.wait_indirect_dma semaphore(%arg7 : memref<!tpu.dma_semaphore, #tpu.memory_space<semaphore_mem>>) src(%dma_wait3A_16 : memref<5376x64xf32, #tpu.memory_space<hbm>>) dst(%dma_wait3A_11 : memref<64x64xf32, #tpu.memory_space<vmem>>)
    "tpu.region"() ({
      %run_scoped3A = tpu.sem_alloc : memref<!tpu.dma_semaphore, #tpu.memory_space<semaphore_mem>>
      %dma_start3A_17 = arith.constant 0 : i32
      %dma_start3A_18 = tpu.memref_slice %arg4[%mul3A_2, %dma_start3A_17] : memref<2048x64xf32, #tpu.memory_space<hbm>> -> memref<64x64xf32, #tpu.memory_space<hbm>>
      %dma_start3A_19 = arith.constant 0 : i32
      %dma_start3A_20 = tpu.memref_slice %arg4[%mul3A_2, %dma_start3A_19] : memref<2048x64xf32, #tpu.memory_space<hbm>> -> memref<64x64xf32, #tpu.memory_space<hbm>>
      tpu.enqueue_dma source(%arg6 : memref<64x64xf32, #tpu.memory_space<vmem>>) target(%dma_start3A_20 : memref<64x64xf32, #tpu.memory_space<hbm>>) target_semaphore(%run_scoped3A : memref<!tpu.dma_semaphore, #tpu.memory_space<semaphore_mem>>)
      %dma_wait3A_21 = arith.constant 0 : i32
      %dma_wait3A_22 = tpu.memref_slice %arg4[%mul3A_2, %dma_wait3A_21] : memref<2048x64xf32, #tpu.memory_space<hbm>> -> memref<64x64xf32, #tpu.memory_space<hbm>>
      %dma_wait3A_23 = arith.constant 0 : i32
      %dma_wait3A_24 = tpu.memref_slice %arg4[%mul3A_2, %dma_wait3A_23] : memref<2048x64xf32, #tpu.memory_space<hbm>> -> memref<64x64xf32, #tpu.memory_space<hbm>>
      tpu.wait_dma2 semaphore(%run_scoped3A : memref<!tpu.dma_semaphore, #tpu.memory_space<semaphore_mem>>) src(%arg6 : memref<64x64xf32, #tpu.memory_space<vmem>>) dst(%dma_wait3A_24 : memref<64x64xf32, #tpu.memory_space<hbm>>)
      tpu.yield
    }) : () -> ()
    return
  }
}

#map = affine_map<(d0, d1) -> (0, 0, 0)>
#map1 = affine_map<(d0, d1) -> (0, 0)>
module attributes {stable_mosaic.version = 14 : i64} {
  func.func @k(%arg0: i32, %arg1: i32, %arg2: memref<32x64x64xf32, #tpu.memory_space<hbm>>, %arg3: memref<32x64xi32, #tpu.memory_space<hbm>>, %arg4: memref<5376x64xf32, #tpu.memory_space<hbm>>, %arg5: memref<5376x64xf32, #tpu.memory_space<hbm>>, %arg6: memref<2x5376x64xf32, #tpu.memory_space<hbm>>, %arg7: memref<1x64xi32, #tpu.memory_space<vmem>>, %arg8: memref<1x64x64xf32, #tpu.memory_space<vmem>>, %arg9: memref<5376x64xf32, #tpu.memory_space<vmem_shared>>) attributes {dimension_semantics = [#tpu.dimension_semantics<core_parallel>, #tpu.dimension_semantics<subcore_parallel>], iteration_bounds = array<i64: 2, 16>, scalar_prefetch = 0 : i64, scratch_operands = 3 : i64, tpu.core_type = #tpu.core_type<sc_vector_subcore>, window_params = [{transform_indices = #map}, {transform_indices = #map1}, {transform_indices = #map1}, {transform_indices = #map1}, {transform_indices = #map}]} {
    %mul3A = arith.constant 2 : i32
    %mul3A_0 = arith.muli %arg1, %mul3A : i32
    %add3A = arith.addi %mul3A_0, %arg0 : i32
    %mul3A_1 = arith.constant 336 : i32
    %mul3A_2 = arith.muli %arg1, %mul3A_1 : i32
    %eq3A = arith.constant 0 : i32
    %eq3A_3 = arith.cmpi eq, %arg0, %eq3A : i32
    %convert_element_type3A = arith.extui %eq3A_3 : i1 to i32
    %cond3A = arith.constant 0 : i32
    %cond3A_4 = arith.cmpi ne, %convert_element_type3A, %cond3A : i32
    scf.if %cond3A_4 {
      "tpu.region"() ({
        %run_scoped3A_16 = tpu.sem_alloc : memref<!tpu.dma_semaphore, #tpu.memory_space<semaphore_mem>>
        %dma_start3A = arith.constant 0 : i32
        %dma_start3A_17 = tpu.memref_slice %arg9[%mul3A_2, %dma_start3A] : memref<5376x64xf32, #tpu.memory_space<vmem_shared>> -> memref<336x64xf32, #tpu.memory_space<vmem_shared>>
        %dma_start3A_18 = arith.constant 0 : i32
        %dma_start3A_19 = tpu.memref_slice %arg4[%mul3A_2, %dma_start3A_18] : memref<5376x64xf32, #tpu.memory_space<hbm>> -> memref<336x64xf32, #tpu.memory_space<hbm>>
        tpu.enqueue_dma source(%dma_start3A_19 : memref<336x64xf32, #tpu.memory_space<hbm>>) target(%dma_start3A_17 : memref<336x64xf32, #tpu.memory_space<vmem_shared>>) target_semaphore(%run_scoped3A_16 : memref<!tpu.dma_semaphore, #tpu.memory_space<semaphore_mem>>)
        %dma_wait3A = arith.constant 0 : i32
        %dma_wait3A_20 = tpu.memref_slice %arg9[%mul3A_2, %dma_wait3A] : memref<5376x64xf32, #tpu.memory_space<vmem_shared>> -> memref<336x64xf32, #tpu.memory_space<vmem_shared>>
        %dma_wait3A_21 = arith.constant 0 : i32
        %dma_wait3A_22 = tpu.memref_slice %arg4[%mul3A_2, %dma_wait3A_21] : memref<5376x64xf32, #tpu.memory_space<hbm>> -> memref<336x64xf32, #tpu.memory_space<hbm>>
        tpu.wait_dma2 semaphore(%run_scoped3A_16 : memref<!tpu.dma_semaphore, #tpu.memory_space<semaphore_mem>>) src(%dma_wait3A_22 : memref<336x64xf32, #tpu.memory_space<hbm>>) dst(%dma_wait3A_20 : memref<336x64xf32, #tpu.memory_space<vmem_shared>>)
        tpu.yield
      }) : () -> ()
    } else {
    }
    %eq3A_5 = arith.constant 1 : i32
    %eq3A_6 = arith.cmpi eq, %arg0, %eq3A_5 : i32
    %convert_element_type3A_7 = arith.extui %eq3A_6 : i1 to i32
    %cond3A_8 = arith.constant 0 : i32
    %cond3A_9 = arith.cmpi ne, %convert_element_type3A_7, %cond3A_8 : i32
    scf.if %cond3A_9 {
      "tpu.region"() ({
        %run_scoped3A_16 = tpu.sem_alloc : memref<!tpu.dma_semaphore, #tpu.memory_space<semaphore_mem>>
        %dma_start3A = arith.constant 0 : i32
        %dma_start3A_17 = tpu.memref_slice %arg9[%mul3A_2, %dma_start3A] : memref<5376x64xf32, #tpu.memory_space<vmem_shared>> -> memref<336x64xf32, #tpu.memory_space<vmem_shared>>
        %dma_start3A_18 = arith.constant 0 : i32
        %dma_start3A_19 = tpu.memref_slice %arg5[%mul3A_2, %dma_start3A_18] : memref<5376x64xf32, #tpu.memory_space<hbm>> -> memref<336x64xf32, #tpu.memory_space<hbm>>
        tpu.enqueue_dma source(%dma_start3A_19 : memref<336x64xf32, #tpu.memory_space<hbm>>) target(%dma_start3A_17 : memref<336x64xf32, #tpu.memory_space<vmem_shared>>) target_semaphore(%run_scoped3A_16 : memref<!tpu.dma_semaphore, #tpu.memory_space<semaphore_mem>>)
        %dma_wait3A = arith.constant 0 : i32
        %dma_wait3A_20 = tpu.memref_slice %arg9[%mul3A_2, %dma_wait3A] : memref<5376x64xf32, #tpu.memory_space<vmem_shared>> -> memref<336x64xf32, #tpu.memory_space<vmem_shared>>
        %dma_wait3A_21 = arith.constant 0 : i32
        %dma_wait3A_22 = tpu.memref_slice %arg5[%mul3A_2, %dma_wait3A_21] : memref<5376x64xf32, #tpu.memory_space<hbm>> -> memref<336x64xf32, #tpu.memory_space<hbm>>
        tpu.wait_dma2 semaphore(%run_scoped3A_16 : memref<!tpu.dma_semaphore, #tpu.memory_space<semaphore_mem>>) src(%dma_wait3A_22 : memref<336x64xf32, #tpu.memory_space<hbm>>) dst(%dma_wait3A_20 : memref<336x64xf32, #tpu.memory_space<vmem_shared>>)
        tpu.yield
      }) : () -> ()
    } else {
    }
    %mul3A_10 = arith.constant 1 : i32
    %mul3A_11 = arith.muli %add3A, %mul3A_10 : i32
    "tpu.region"() ({
      %run_scoped3A_16 = tpu.sem_alloc : memref<!tpu.dma_semaphore, #tpu.memory_space<semaphore_mem>>
      %dma_start3A = arith.constant 0 : i32
      %dma_start3A_17 = tpu.memref_slice %arg3[%mul3A_11, %dma_start3A] : memref<32x64xi32, #tpu.memory_space<hbm>> -> memref<1x64xi32, #tpu.memory_space<hbm>>
      %dma_start3A_18 = arith.constant 0 : i32
      %dma_start3A_19 = tpu.memref_slice %arg3[%mul3A_11, %dma_start3A_18] : memref<32x64xi32, #tpu.memory_space<hbm>> -> memref<1x64xi32, #tpu.memory_space<hbm>>
      tpu.enqueue_dma source(%dma_start3A_19 : memref<1x64xi32, #tpu.memory_space<hbm>>) target(%arg7 : memref<1x64xi32, #tpu.memory_space<vmem>>) target_semaphore(%run_scoped3A_16 : memref<!tpu.dma_semaphore, #tpu.memory_space<semaphore_mem>>)
      %dma_wait3A = arith.constant 0 : i32
      %dma_wait3A_20 = tpu.memref_slice %arg3[%mul3A_11, %dma_wait3A] : memref<32x64xi32, #tpu.memory_space<hbm>> -> memref<1x64xi32, #tpu.memory_space<hbm>>
      %dma_wait3A_21 = arith.constant 0 : i32
      %dma_wait3A_22 = tpu.memref_slice %arg3[%mul3A_11, %dma_wait3A_21] : memref<32x64xi32, #tpu.memory_space<hbm>> -> memref<1x64xi32, #tpu.memory_space<hbm>>
      tpu.wait_dma2 semaphore(%run_scoped3A_16 : memref<!tpu.dma_semaphore, #tpu.memory_space<semaphore_mem>>) src(%dma_wait3A_22 : memref<1x64xi32, #tpu.memory_space<hbm>>) dst(%arg7 : memref<1x64xi32, #tpu.memory_space<vmem>>)
      tpu.yield
    }) : () -> ()
    %mul3A_12 = arith.constant 1 : i32
    %mul3A_13 = arith.muli %add3A, %mul3A_12 : i32
    "tpu.region"() ({
      %run_scoped3A_16 = tpu.sem_alloc : memref<!tpu.dma_semaphore, #tpu.memory_space<semaphore_mem>>
      %dma_start3A = arith.constant 0 : i32
      %dma_start3A_17 = arith.constant 0 : i32
      %dma_start3A_18 = tpu.memref_slice %arg2[%mul3A_13, %dma_start3A, %dma_start3A_17] : memref<32x64x64xf32, #tpu.memory_space<hbm>> -> memref<1x64x64xf32, #tpu.memory_space<hbm>>
      %dma_start3A_19 = arith.constant 0 : i32
      %dma_start3A_20 = arith.constant 0 : i32
      %dma_start3A_21 = tpu.memref_slice %arg2[%mul3A_13, %dma_start3A_19, %dma_start3A_20] : memref<32x64x64xf32, #tpu.memory_space<hbm>> -> memref<1x64x64xf32, #tpu.memory_space<hbm>>
      tpu.enqueue_dma source(%dma_start3A_21 : memref<1x64x64xf32, #tpu.memory_space<hbm>>) target(%arg8 : memref<1x64x64xf32, #tpu.memory_space<vmem>>) target_semaphore(%run_scoped3A_16 : memref<!tpu.dma_semaphore, #tpu.memory_space<semaphore_mem>>)
      %dma_wait3A = arith.constant 0 : i32
      %dma_wait3A_22 = arith.constant 0 : i32
      %dma_wait3A_23 = tpu.memref_slice %arg2[%mul3A_13, %dma_wait3A, %dma_wait3A_22] : memref<32x64x64xf32, #tpu.memory_space<hbm>> -> memref<1x64x64xf32, #tpu.memory_space<hbm>>
      %dma_wait3A_24 = arith.constant 0 : i32
      %dma_wait3A_25 = arith.constant 0 : i32
      %dma_wait3A_26 = tpu.memref_slice %arg2[%mul3A_13, %dma_wait3A_24, %dma_wait3A_25] : memref<32x64x64xf32, #tpu.memory_space<hbm>> -> memref<1x64x64xf32, #tpu.memory_space<hbm>>
      tpu.wait_dma2 semaphore(%run_scoped3A_16 : memref<!tpu.dma_semaphore, #tpu.memory_space<semaphore_mem>>) src(%dma_wait3A_26 : memref<1x64x64xf32, #tpu.memory_space<hbm>>) dst(%arg8 : memref<1x64x64xf32, #tpu.memory_space<vmem>>)
      tpu.yield
    }) : () -> ()
    %barrier3A = arith.constant 0 : index
    tpu.barrier barrier_id(%barrier3A)
    %run_scoped3A = arith.constant 0 : i32
    %run_scoped3A_14 = arith.constant 0 : i32
    "tpu.region"() ({
      %run_scoped3A_16 = tpu.sem_alloc : memref<!tpu.dma_semaphore, #tpu.memory_space<semaphore_mem>>
      %dma_start3A = arith.constant 0 : i32
      %dma_start3A_17 = arith.constant 0 : i32
      %dma_start3A_18 = tpu.memref_slice %arg8[%run_scoped3A, %dma_start3A, %dma_start3A_17] : memref<1x64x64xf32, #tpu.memory_space<vmem>> -> memref<1x64x64xf32, #tpu.memory_space<vmem>>
      %dma_start3A_19 = tpu.memref_squeeze %dma_start3A_18 : memref<1x64x64xf32, #tpu.memory_space<vmem>> -> memref<64x64xf32, #tpu.memory_space<vmem>>
      %dma_start3A_20 = arith.constant 0 : i32
      %dma_start3A_21 = tpu.memref_slice %arg7[%run_scoped3A_14, %dma_start3A_20] : memref<1x64xi32, #tpu.memory_space<vmem>> -> memref<1x64xi32, #tpu.memory_space<vmem>>
      %dma_start3A_22 = tpu.memref_squeeze %dma_start3A_21 : memref<1x64xi32, #tpu.memory_space<vmem>> -> memref<64xi32, #tpu.memory_space<vmem>>
      %dma_start3A_23 = arith.constant 0 : i32
      %dma_start3A_24 = arith.constant 0 : i32
      %dma_start3A_25 = tpu.memref_slice %arg9[%dma_start3A_23, %dma_start3A_24] : memref<5376x64xf32, #tpu.memory_space<vmem_shared>> -> memref<5376x64xf32, #tpu.memory_space<vmem_shared>>
      tpu.enqueue_indirect_dma source(%dma_start3A_19 : memref<64x64xf32, #tpu.memory_space<vmem>>) target(%dma_start3A_25 : memref<5376x64xf32, #tpu.memory_space<vmem_shared>>) offsets(%dma_start3A_22 : memref<64xi32, #tpu.memory_space<vmem>>) semaphore(%run_scoped3A_16 : memref<!tpu.dma_semaphore, #tpu.memory_space<semaphore_mem>>) {add = true}
      %dma_wait3A = arith.constant 0 : i32
      %dma_wait3A_26 = arith.constant 0 : i32
      %dma_wait3A_27 = tpu.memref_slice %arg8[%run_scoped3A, %dma_wait3A, %dma_wait3A_26] : memref<1x64x64xf32, #tpu.memory_space<vmem>> -> memref<1x64x64xf32, #tpu.memory_space<vmem>>
      %dma_wait3A_28 = tpu.memref_squeeze %dma_wait3A_27 : memref<1x64x64xf32, #tpu.memory_space<vmem>> -> memref<64x64xf32, #tpu.memory_space<vmem>>
      %dma_wait3A_29 = arith.constant 0 : i32
      %dma_wait3A_30 = tpu.memref_slice %arg7[%run_scoped3A_14, %dma_wait3A_29] : memref<1x64xi32, #tpu.memory_space<vmem>> -> memref<1x64xi32, #tpu.memory_space<vmem>>
      %dma_wait3A_31 = tpu.memref_squeeze %dma_wait3A_30 : memref<1x64xi32, #tpu.memory_space<vmem>> -> memref<64xi32, #tpu.memory_space<vmem>>
      %dma_wait3A_32 = arith.constant 0 : i32
      %dma_wait3A_33 = arith.constant 0 : i32
      %dma_wait3A_34 = tpu.memref_slice %arg9[%dma_wait3A_32, %dma_wait3A_33] : memref<5376x64xf32, #tpu.memory_space<vmem_shared>> -> memref<5376x64xf32, #tpu.memory_space<vmem_shared>>
      tpu.wait_indirect_dma semaphore(%run_scoped3A_16 : memref<!tpu.dma_semaphore, #tpu.memory_space<semaphore_mem>>) src(%dma_wait3A_28 : memref<64x64xf32, #tpu.memory_space<vmem>>) dst(%dma_wait3A_34 : memref<5376x64xf32, #tpu.memory_space<vmem_shared>>)
      tpu.yield
    }) : () -> ()
    %barrier3A_15 = arith.constant 0 : index
    tpu.barrier barrier_id(%barrier3A_15)
    "tpu.region"() ({
      %run_scoped3A_16 = tpu.sem_alloc : memref<!tpu.dma_semaphore, #tpu.memory_space<semaphore_mem>>
      %dma_start3A = arith.constant 0 : i32
      %dma_start3A_17 = tpu.memref_slice %arg6[%arg0, %mul3A_2, %dma_start3A] : memref<2x5376x64xf32, #tpu.memory_space<hbm>> -> memref<1x336x64xf32, #tpu.memory_space<hbm>>
      %dma_start3A_18 = tpu.memref_squeeze %dma_start3A_17 : memref<1x336x64xf32, #tpu.memory_space<hbm>> -> memref<336x64xf32, #tpu.memory_space<hbm>>
      %dma_start3A_19 = arith.constant 0 : i32
      %dma_start3A_20 = tpu.memref_slice %arg9[%mul3A_2, %dma_start3A_19] : memref<5376x64xf32, #tpu.memory_space<vmem_shared>> -> memref<336x64xf32, #tpu.memory_space<vmem_shared>>
      tpu.enqueue_dma source(%dma_start3A_20 : memref<336x64xf32, #tpu.memory_space<vmem_shared>>) target(%dma_start3A_18 : memref<336x64xf32, #tpu.memory_space<hbm>>) target_semaphore(%run_scoped3A_16 : memref<!tpu.dma_semaphore, #tpu.memory_space<semaphore_mem>>)
      %dma_wait3A = arith.constant 0 : i32
      %dma_wait3A_21 = tpu.memref_slice %arg6[%arg0, %mul3A_2, %dma_wait3A] : memref<2x5376x64xf32, #tpu.memory_space<hbm>> -> memref<1x336x64xf32, #tpu.memory_space<hbm>>
      %dma_wait3A_22 = tpu.memref_squeeze %dma_wait3A_21 : memref<1x336x64xf32, #tpu.memory_space<hbm>> -> memref<336x64xf32, #tpu.memory_space<hbm>>
      %dma_wait3A_23 = arith.constant 0 : i32
      %dma_wait3A_24 = tpu.memref_slice %arg9[%mul3A_2, %dma_wait3A_23] : memref<5376x64xf32, #tpu.memory_space<vmem_shared>> -> memref<336x64xf32, #tpu.memory_space<vmem_shared>>
      tpu.wait_dma2 semaphore(%run_scoped3A_16 : memref<!tpu.dma_semaphore, #tpu.memory_space<semaphore_mem>>) src(%dma_wait3A_24 : memref<336x64xf32, #tpu.memory_space<vmem_shared>>) dst(%dma_wait3A_22 : memref<336x64xf32, #tpu.memory_space<hbm>>)
      tpu.yield
    }) : () -> ()
    return
  }
}

#map = affine_map<(d0, d1) -> (0, 0)>
#map1 = affine_map<(d0, d1) -> (0)>
module attributes {stable_mosaic.version = 14 : i64} {
  func.func @k(%arg0: i32, %arg1: i32, %arg2: memref<5376x64xf32, #tpu.memory_space<hbm>>, %arg3: memref<8192xi32, #tpu.memory_space<hbm>>, %arg4: memref<8192x64xf32, #tpu.memory_space<hbm>>, %arg5: memref<256xi32, #tpu.memory_space<vmem>>, %arg6: memref<256x64xf32, #tpu.memory_space<vmem>>, %arg7: memref<!tpu.dma_semaphore, #tpu.memory_space<semaphore_mem>>) attributes {dimension_semantics = [#tpu.dimension_semantics<core_parallel>, #tpu.dimension_semantics<subcore_parallel>], iteration_bounds = array<i64: 2, 16>, scalar_prefetch = 0 : i64, scratch_operands = 3 : i64, tpu.core_type = #tpu.core_type<sc_vector_subcore>, window_params = [{transform_indices = #map}, {transform_indices = #map1}, {transform_indices = #map}]} {
    %mul3A = arith.constant 2 : i32
    %mul3A_0 = arith.muli %arg1, %mul3A : i32
    %add3A = arith.addi %mul3A_0, %arg0 : i32
    %mul3A_1 = arith.constant 256 : i32
    %mul3A_2 = arith.muli %add3A, %mul3A_1 : i32
    "tpu.region"() ({
      %run_scoped3A = tpu.sem_alloc : memref<!tpu.dma_semaphore, #tpu.memory_space<semaphore_mem>>
      %dma_start3A_33 = tpu.memref_slice %arg3[%mul3A_2] : memref<8192xi32, #tpu.memory_space<hbm>> -> memref<256xi32, #tpu.memory_space<hbm>>
      %dma_start3A_34 = tpu.memref_slice %arg3[%mul3A_2] : memref<8192xi32, #tpu.memory_space<hbm>> -> memref<256xi32, #tpu.memory_space<hbm>>
      tpu.enqueue_dma source(%dma_start3A_34 : memref<256xi32, #tpu.memory_space<hbm>>) target(%arg5 : memref<256xi32, #tpu.memory_space<vmem>>) target_semaphore(%run_scoped3A : memref<!tpu.dma_semaphore, #tpu.memory_space<semaphore_mem>>)
      %dma_wait3A_35 = tpu.memref_slice %arg3[%mul3A_2] : memref<8192xi32, #tpu.memory_space<hbm>> -> memref<256xi32, #tpu.memory_space<hbm>>
      %dma_wait3A_36 = tpu.memref_slice %arg3[%mul3A_2] : memref<8192xi32, #tpu.memory_space<hbm>> -> memref<256xi32, #tpu.memory_space<hbm>>
      tpu.wait_dma2 semaphore(%run_scoped3A : memref<!tpu.dma_semaphore, #tpu.memory_space<semaphore_mem>>) src(%dma_wait3A_36 : memref<256xi32, #tpu.memory_space<hbm>>) dst(%arg5 : memref<256xi32, #tpu.memory_space<vmem>>)
      tpu.yield
    }) : () -> ()
    %dma_start3A = arith.constant 0 : i32
    %dma_start3A_3 = arith.constant 0 : i32
    %dma_start3A_4 = tpu.memref_slice %arg6[%dma_start3A, %dma_start3A_3] : memref<256x64xf32, #tpu.memory_space<vmem>> -> memref<128x64xf32, #tpu.memory_space<vmem>>
    %dma_start3A_5 = arith.constant 0 : i32
    %dma_start3A_6 = tpu.memref_slice %arg5[%dma_start3A_5] : memref<256xi32, #tpu.memory_space<vmem>> -> memref<128xi32, #tpu.memory_space<vmem>>
    %dma_start3A_7 = arith.constant 0 : i32
    %dma_start3A_8 = arith.constant 0 : i32
    %dma_start3A_9 = tpu.memref_slice %arg2[%dma_start3A_7, %dma_start3A_8] : memref<5376x64xf32, #tpu.memory_space<hbm>> -> memref<5376x64xf32, #tpu.memory_space<hbm>>
    tpu.enqueue_indirect_dma source(%dma_start3A_9 : memref<5376x64xf32, #tpu.memory_space<hbm>>) target(%dma_start3A_4 : memref<128x64xf32, #tpu.memory_space<vmem>>) offsets(%dma_start3A_6 : memref<128xi32, #tpu.memory_space<vmem>>) semaphore(%arg7 : memref<!tpu.dma_semaphore, #tpu.memory_space<semaphore_mem>>)
    %dma_start3A_10 = arith.constant 128 : i32
    %dma_start3A_11 = arith.constant 0 : i32
    %dma_start3A_12 = tpu.memref_slice %arg6[%dma_start3A_10, %dma_start3A_11] : memref<256x64xf32, #tpu.memory_space<vmem>> -> memref<128x64xf32, #tpu.memory_space<vmem>>
    %dma_start3A_13 = arith.constant 128 : i32
    %dma_start3A_14 = tpu.memref_slice %arg5[%dma_start3A_13] : memref<256xi32, #tpu.memory_space<vmem>> -> memref<128xi32, #tpu.memory_space<vmem>>
    %dma_start3A_15 = arith.constant 0 : i32
    %dma_start3A_16 = arith.constant 0 : i32
    %dma_start3A_17 = tpu.memref_slice %arg2[%dma_start3A_15, %dma_start3A_16] : memref<5376x64xf32, #tpu.memory_space<hbm>> -> memref<5376x64xf32, #tpu.memory_space<hbm>>
    tpu.enqueue_indirect_dma source(%dma_start3A_17 : memref<5376x64xf32, #tpu.memory_space<hbm>>) target(%dma_start3A_12 : memref<128x64xf32, #tpu.memory_space<vmem>>) offsets(%dma_start3A_14 : memref<128xi32, #tpu.memory_space<vmem>>) semaphore(%arg7 : memref<!tpu.dma_semaphore, #tpu.memory_space<semaphore_mem>>)
    %dma_wait3A = arith.constant 0 : i32
    %dma_wait3A_18 = arith.constant 0 : i32
    %dma_wait3A_19 = tpu.memref_slice %arg6[%dma_wait3A, %dma_wait3A_18] : memref<256x64xf32, #tpu.memory_space<vmem>> -> memref<128x64xf32, #tpu.memory_space<vmem>>
    %dma_wait3A_20 = arith.constant 0 : i32
    %dma_wait3A_21 = tpu.memref_slice %arg5[%dma_wait3A_20] : memref<256xi32, #tpu.memory_space<vmem>> -> memref<128xi32, #tpu.memory_space<vmem>>
    %dma_wait3A_22 = arith.constant 0 : i32
    %dma_wait3A_23 = arith.constant 0 : i32
    %dma_wait3A_24 = tpu.memref_slice %arg2[%dma_wait3A_22, %dma_wait3A_23] : memref<5376x64xf32, #tpu.memory_space<hbm>> -> memref<5376x64xf32, #tpu.memory_space<hbm>>
    tpu.wait_indirect_dma semaphore(%arg7 : memref<!tpu.dma_semaphore, #tpu.memory_space<semaphore_mem>>) src(%dma_wait3A_24 : memref<5376x64xf32, #tpu.memory_space<hbm>>) dst(%dma_wait3A_19 : memref<128x64xf32, #tpu.memory_space<vmem>>)
    %dma_wait3A_25 = arith.constant 128 : i32
    %dma_wait3A_26 = arith.constant 0 : i32
    %dma_wait3A_27 = tpu.memref_slice %arg6[%dma_wait3A_25, %dma_wait3A_26] : memref<256x64xf32, #tpu.memory_space<vmem>> -> memref<128x64xf32, #tpu.memory_space<vmem>>
    %dma_wait3A_28 = arith.constant 128 : i32
    %dma_wait3A_29 = tpu.memref_slice %arg5[%dma_wait3A_28] : memref<256xi32, #tpu.memory_space<vmem>> -> memref<128xi32, #tpu.memory_space<vmem>>
    %dma_wait3A_30 = arith.constant 0 : i32
    %dma_wait3A_31 = arith.constant 0 : i32
    %dma_wait3A_32 = tpu.memref_slice %arg2[%dma_wait3A_30, %dma_wait3A_31] : memref<5376x64xf32, #tpu.memory_space<hbm>> -> memref<5376x64xf32, #tpu.memory_space<hbm>>
    tpu.wait_indirect_dma semaphore(%arg7 : memref<!tpu.dma_semaphore, #tpu.memory_space<semaphore_mem>>) src(%dma_wait3A_32 : memref<5376x64xf32, #tpu.memory_space<hbm>>) dst(%dma_wait3A_27 : memref<128x64xf32, #tpu.memory_space<vmem>>)
    "tpu.region"() ({
      %run_scoped3A = tpu.sem_alloc : memref<!tpu.dma_semaphore, #tpu.memory_space<semaphore_mem>>
      %dma_start3A_33 = arith.constant 0 : i32
      %dma_start3A_34 = tpu.memref_slice %arg4[%mul3A_2, %dma_start3A_33] : memref<8192x64xf32, #tpu.memory_space<hbm>> -> memref<256x64xf32, #tpu.memory_space<hbm>>
      %dma_start3A_35 = arith.constant 0 : i32
      %dma_start3A_36 = tpu.memref_slice %arg4[%mul3A_2, %dma_start3A_35] : memref<8192x64xf32, #tpu.memory_space<hbm>> -> memref<256x64xf32, #tpu.memory_space<hbm>>
      tpu.enqueue_dma source(%arg6 : memref<256x64xf32, #tpu.memory_space<vmem>>) target(%dma_start3A_36 : memref<256x64xf32, #tpu.memory_space<hbm>>) target_semaphore(%run_scoped3A : memref<!tpu.dma_semaphore, #tpu.memory_space<semaphore_mem>>)
      %dma_wait3A_37 = arith.constant 0 : i32
      %dma_wait3A_38 = tpu.memref_slice %arg4[%mul3A_2, %dma_wait3A_37] : memref<8192x64xf32, #tpu.memory_space<hbm>> -> memref<256x64xf32, #tpu.memory_space<hbm>>
      %dma_wait3A_39 = arith.constant 0 : i32
      %dma_wait3A_40 = tpu.memref_slice %arg4[%mul3A_2, %dma_wait3A_39] : memref<8192x64xf32, #tpu.memory_space<hbm>> -> memref<256x64xf32, #tpu.memory_space<hbm>>
      tpu.wait_dma2 semaphore(%run_scoped3A : memref<!tpu.dma_semaphore, #tpu.memory_space<semaphore_mem>>) src(%arg6 : memref<256x64xf32, #tpu.memory_space<vmem>>) dst(%dma_wait3A_40 : memref<256x64xf32, #tpu.memory_space<hbm>>)
      tpu.yield
    }) : () -> ()
    return
  }
}

#map = affine_map<(d0, d1) -> (0, 0, 0)>
#map1 = affine_map<(d0, d1) -> (0, 0)>
module attributes {stable_mosaic.version = 14 : i64} {
  func.func @k(%arg0: i32, %arg1: i32, %arg2: memref<64x128x64xf32, #tpu.memory_space<hbm>>, %arg3: memref<64x128xi32, #tpu.memory_space<hbm>>, %arg4: memref<5376x64xf32, #tpu.memory_space<hbm>>, %arg5: memref<5376x64xf32, #tpu.memory_space<hbm>>, %arg6: memref<2x5376x64xf32, #tpu.memory_space<hbm>>, %arg7: memref<2x128xi32, #tpu.memory_space<vmem>>, %arg8: memref<2x128x64xf32, #tpu.memory_space<vmem>>, %arg9: memref<5376x64xf32, #tpu.memory_space<vmem_shared>>) attributes {dimension_semantics = [#tpu.dimension_semantics<core_parallel>, #tpu.dimension_semantics<subcore_parallel>], iteration_bounds = array<i64: 2, 16>, scalar_prefetch = 0 : i64, scratch_operands = 3 : i64, tpu.core_type = #tpu.core_type<sc_vector_subcore>, window_params = [{transform_indices = #map}, {transform_indices = #map1}, {transform_indices = #map1}, {transform_indices = #map1}, {transform_indices = #map}]} {
    %mul3A = arith.constant 2 : i32
    %mul3A_0 = arith.muli %arg1, %mul3A : i32
    %add3A = arith.addi %mul3A_0, %arg0 : i32
    %mul3A_1 = arith.constant 336 : i32
    %mul3A_2 = arith.muli %arg1, %mul3A_1 : i32
    %eq3A = arith.constant 0 : i32
    %eq3A_3 = arith.cmpi eq, %arg0, %eq3A : i32
    %convert_element_type3A = arith.extui %eq3A_3 : i1 to i32
    %cond3A = arith.constant 0 : i32
    %cond3A_4 = arith.cmpi ne, %convert_element_type3A, %cond3A : i32
    scf.if %cond3A_4 {
      "tpu.region"() ({
        %run_scoped3A_18 = tpu.sem_alloc : memref<!tpu.dma_semaphore, #tpu.memory_space<semaphore_mem>>
        %dma_start3A = arith.constant 0 : i32
        %dma_start3A_19 = tpu.memref_slice %arg9[%mul3A_2, %dma_start3A] : memref<5376x64xf32, #tpu.memory_space<vmem_shared>> -> memref<336x64xf32, #tpu.memory_space<vmem_shared>>
        %dma_start3A_20 = arith.constant 0 : i32
        %dma_start3A_21 = tpu.memref_slice %arg4[%mul3A_2, %dma_start3A_20] : memref<5376x64xf32, #tpu.memory_space<hbm>> -> memref<336x64xf32, #tpu.memory_space<hbm>>
        tpu.enqueue_dma source(%dma_start3A_21 : memref<336x64xf32, #tpu.memory_space<hbm>>) target(%dma_start3A_19 : memref<336x64xf32, #tpu.memory_space<vmem_shared>>) target_semaphore(%run_scoped3A_18 : memref<!tpu.dma_semaphore, #tpu.memory_space<semaphore_mem>>)
        %dma_wait3A = arith.constant 0 : i32
        %dma_wait3A_22 = tpu.memref_slice %arg9[%mul3A_2, %dma_wait3A] : memref<5376x64xf32, #tpu.memory_space<vmem_shared>> -> memref<336x64xf32, #tpu.memory_space<vmem_shared>>
        %dma_wait3A_23 = arith.constant 0 : i32
        %dma_wait3A_24 = tpu.memref_slice %arg4[%mul3A_2, %dma_wait3A_23] : memref<5376x64xf32, #tpu.memory_space<hbm>> -> memref<336x64xf32, #tpu.memory_space<hbm>>
        tpu.wait_dma2 semaphore(%run_scoped3A_18 : memref<!tpu.dma_semaphore, #tpu.memory_space<semaphore_mem>>) src(%dma_wait3A_24 : memref<336x64xf32, #tpu.memory_space<hbm>>) dst(%dma_wait3A_22 : memref<336x64xf32, #tpu.memory_space<vmem_shared>>)
        tpu.yield
      }) : () -> ()
    } else {
    }
    %eq3A_5 = arith.constant 1 : i32
    %eq3A_6 = arith.cmpi eq, %arg0, %eq3A_5 : i32
    %convert_element_type3A_7 = arith.extui %eq3A_6 : i1 to i32
    %cond3A_8 = arith.constant 0 : i32
    %cond3A_9 = arith.cmpi ne, %convert_element_type3A_7, %cond3A_8 : i32
    scf.if %cond3A_9 {
      "tpu.region"() ({
        %run_scoped3A_18 = tpu.sem_alloc : memref<!tpu.dma_semaphore, #tpu.memory_space<semaphore_mem>>
        %dma_start3A = arith.constant 0 : i32
        %dma_start3A_19 = tpu.memref_slice %arg9[%mul3A_2, %dma_start3A] : memref<5376x64xf32, #tpu.memory_space<vmem_shared>> -> memref<336x64xf32, #tpu.memory_space<vmem_shared>>
        %dma_start3A_20 = arith.constant 0 : i32
        %dma_start3A_21 = tpu.memref_slice %arg5[%mul3A_2, %dma_start3A_20] : memref<5376x64xf32, #tpu.memory_space<hbm>> -> memref<336x64xf32, #tpu.memory_space<hbm>>
        tpu.enqueue_dma source(%dma_start3A_21 : memref<336x64xf32, #tpu.memory_space<hbm>>) target(%dma_start3A_19 : memref<336x64xf32, #tpu.memory_space<vmem_shared>>) target_semaphore(%run_scoped3A_18 : memref<!tpu.dma_semaphore, #tpu.memory_space<semaphore_mem>>)
        %dma_wait3A = arith.constant 0 : i32
        %dma_wait3A_22 = tpu.memref_slice %arg9[%mul3A_2, %dma_wait3A] : memref<5376x64xf32, #tpu.memory_space<vmem_shared>> -> memref<336x64xf32, #tpu.memory_space<vmem_shared>>
        %dma_wait3A_23 = arith.constant 0 : i32
        %dma_wait3A_24 = tpu.memref_slice %arg5[%mul3A_2, %dma_wait3A_23] : memref<5376x64xf32, #tpu.memory_space<hbm>> -> memref<336x64xf32, #tpu.memory_space<hbm>>
        tpu.wait_dma2 semaphore(%run_scoped3A_18 : memref<!tpu.dma_semaphore, #tpu.memory_space<semaphore_mem>>) src(%dma_wait3A_24 : memref<336x64xf32, #tpu.memory_space<hbm>>) dst(%dma_wait3A_22 : memref<336x64xf32, #tpu.memory_space<vmem_shared>>)
        tpu.yield
      }) : () -> ()
    } else {
    }
    %mul3A_10 = arith.constant 2 : i32
    %mul3A_11 = arith.muli %add3A, %mul3A_10 : i32
    "tpu.region"() ({
      %run_scoped3A_18 = tpu.sem_alloc : memref<!tpu.dma_semaphore, #tpu.memory_space<semaphore_mem>>
      %dma_start3A = arith.constant 0 : i32
      %dma_start3A_19 = tpu.memref_slice %arg3[%mul3A_11, %dma_start3A] : memref<64x128xi32, #tpu.memory_space<hbm>> -> memref<2x128xi32, #tpu.memory_space<hbm>>
      %dma_start3A_20 = arith.constant 0 : i32
      %dma_start3A_21 = tpu.memref_slice %arg3[%mul3A_11, %dma_start3A_20] : memref<64x128xi32, #tpu.memory_space<hbm>> -> memref<2x128xi32, #tpu.memory_space<hbm>>
      tpu.enqueue_dma source(%dma_start3A_21 : memref<2x128xi32, #tpu.memory_space<hbm>>) target(%arg7 : memref<2x128xi32, #tpu.memory_space<vmem>>) target_semaphore(%run_scoped3A_18 : memref<!tpu.dma_semaphore, #tpu.memory_space<semaphore_mem>>)
      %dma_wait3A = arith.constant 0 : i32
      %dma_wait3A_22 = tpu.memref_slice %arg3[%mul3A_11, %dma_wait3A] : memref<64x128xi32, #tpu.memory_space<hbm>> -> memref<2x128xi32, #tpu.memory_space<hbm>>
      %dma_wait3A_23 = arith.constant 0 : i32
      %dma_wait3A_24 = tpu.memref_slice %arg3[%mul3A_11, %dma_wait3A_23] : memref<64x128xi32, #tpu.memory_space<hbm>> -> memref<2x128xi32, #tpu.memory_space<hbm>>
      tpu.wait_dma2 semaphore(%run_scoped3A_18 : memref<!tpu.dma_semaphore, #tpu.memory_space<semaphore_mem>>) src(%dma_wait3A_24 : memref<2x128xi32, #tpu.memory_space<hbm>>) dst(%arg7 : memref<2x128xi32, #tpu.memory_space<vmem>>)
      tpu.yield
    }) : () -> ()
    %mul3A_12 = arith.constant 2 : i32
    %mul3A_13 = arith.muli %add3A, %mul3A_12 : i32
    "tpu.region"() ({
      %run_scoped3A_18 = tpu.sem_alloc : memref<!tpu.dma_semaphore, #tpu.memory_space<semaphore_mem>>
      %dma_start3A = arith.constant 0 : i32
      %dma_start3A_19 = arith.constant 0 : i32
      %dma_start3A_20 = tpu.memref_slice %arg2[%mul3A_13, %dma_start3A, %dma_start3A_19] : memref<64x128x64xf32, #tpu.memory_space<hbm>> -> memref<2x128x64xf32, #tpu.memory_space<hbm>>
      %dma_start3A_21 = arith.constant 0 : i32
      %dma_start3A_22 = arith.constant 0 : i32
      %dma_start3A_23 = tpu.memref_slice %arg2[%mul3A_13, %dma_start3A_21, %dma_start3A_22] : memref<64x128x64xf32, #tpu.memory_space<hbm>> -> memref<2x128x64xf32, #tpu.memory_space<hbm>>
      tpu.enqueue_dma source(%dma_start3A_23 : memref<2x128x64xf32, #tpu.memory_space<hbm>>) target(%arg8 : memref<2x128x64xf32, #tpu.memory_space<vmem>>) target_semaphore(%run_scoped3A_18 : memref<!tpu.dma_semaphore, #tpu.memory_space<semaphore_mem>>)
      %dma_wait3A = arith.constant 0 : i32
      %dma_wait3A_24 = arith.constant 0 : i32
      %dma_wait3A_25 = tpu.memref_slice %arg2[%mul3A_13, %dma_wait3A, %dma_wait3A_24] : memref<64x128x64xf32, #tpu.memory_space<hbm>> -> memref<2x128x64xf32, #tpu.memory_space<hbm>>
      %dma_wait3A_26 = arith.constant 0 : i32
      %dma_wait3A_27 = arith.constant 0 : i32
      %dma_wait3A_28 = tpu.memref_slice %arg2[%mul3A_13, %dma_wait3A_26, %dma_wait3A_27] : memref<64x128x64xf32, #tpu.memory_space<hbm>> -> memref<2x128x64xf32, #tpu.memory_space<hbm>>
      tpu.wait_dma2 semaphore(%run_scoped3A_18 : memref<!tpu.dma_semaphore, #tpu.memory_space<semaphore_mem>>) src(%dma_wait3A_28 : memref<2x128x64xf32, #tpu.memory_space<hbm>>) dst(%arg8 : memref<2x128x64xf32, #tpu.memory_space<vmem>>)
      tpu.yield
    }) : () -> ()
    %barrier3A = arith.constant 0 : index
    tpu.barrier barrier_id(%barrier3A)
    %run_scoped3A = arith.constant 0 : i32
    %run_scoped3A_14 = arith.constant 0 : i32
    "tpu.region"() ({
      %run_scoped3A_18 = tpu.sem_alloc : memref<!tpu.dma_semaphore, #tpu.memory_space<semaphore_mem>>
      %dma_start3A = arith.constant 0 : i32
      %dma_start3A_19 = arith.constant 0 : i32
      %dma_start3A_20 = tpu.memref_slice %arg8[%run_scoped3A, %dma_start3A, %dma_start3A_19] : memref<2x128x64xf32, #tpu.memory_space<vmem>> -> memref<1x128x64xf32, #tpu.memory_space<vmem>>
      %dma_start3A_21 = tpu.memref_squeeze %dma_start3A_20 : memref<1x128x64xf32, #tpu.memory_space<vmem>> -> memref<128x64xf32, #tpu.memory_space<vmem>>
      %dma_start3A_22 = arith.constant 0 : i32
      %dma_start3A_23 = tpu.memref_slice %arg7[%run_scoped3A_14, %dma_start3A_22] : memref<2x128xi32, #tpu.memory_space<vmem>> -> memref<1x128xi32, #tpu.memory_space<vmem>>
      %dma_start3A_24 = tpu.memref_squeeze %dma_start3A_23 : memref<1x128xi32, #tpu.memory_space<vmem>> -> memref<128xi32, #tpu.memory_space<vmem>>
      %dma_start3A_25 = arith.constant 0 : i32
      %dma_start3A_26 = arith.constant 0 : i32
      %dma_start3A_27 = tpu.memref_slice %arg9[%dma_start3A_25, %dma_start3A_26] : memref<5376x64xf32, #tpu.memory_space<vmem_shared>> -> memref<5376x64xf32, #tpu.memory_space<vmem_shared>>
      tpu.enqueue_indirect_dma source(%dma_start3A_21 : memref<128x64xf32, #tpu.memory_space<vmem>>) target(%dma_start3A_27 : memref<5376x64xf32, #tpu.memory_space<vmem_shared>>) offsets(%dma_start3A_24 : memref<128xi32, #tpu.memory_space<vmem>>) semaphore(%run_scoped3A_18 : memref<!tpu.dma_semaphore, #tpu.memory_space<semaphore_mem>>) {add = true}
      %dma_wait3A = arith.constant 0 : i32
      %dma_wait3A_28 = arith.constant 0 : i32
      %dma_wait3A_29 = tpu.memref_slice %arg8[%run_scoped3A, %dma_wait3A, %dma_wait3A_28] : memref<2x128x64xf32, #tpu.memory_space<vmem>> -> memref<1x128x64xf32, #tpu.memory_space<vmem>>
      %dma_wait3A_30 = tpu.memref_squeeze %dma_wait3A_29 : memref<1x128x64xf32, #tpu.memory_space<vmem>> -> memref<128x64xf32, #tpu.memory_space<vmem>>
      %dma_wait3A_31 = arith.constant 0 : i32
      %dma_wait3A_32 = tpu.memref_slice %arg7[%run_scoped3A_14, %dma_wait3A_31] : memref<2x128xi32, #tpu.memory_space<vmem>> -> memref<1x128xi32, #tpu.memory_space<vmem>>
      %dma_wait3A_33 = tpu.memref_squeeze %dma_wait3A_32 : memref<1x128xi32, #tpu.memory_space<vmem>> -> memref<128xi32, #tpu.memory_space<vmem>>
      %dma_wait3A_34 = arith.constant 0 : i32
      %dma_wait3A_35 = arith.constant 0 : i32
      %dma_wait3A_36 = tpu.memref_slice %arg9[%dma_wait3A_34, %dma_wait3A_35] : memref<5376x64xf32, #tpu.memory_space<vmem_shared>> -> memref<5376x64xf32, #tpu.memory_space<vmem_shared>>
      tpu.wait_indirect_dma semaphore(%run_scoped3A_18 : memref<!tpu.dma_semaphore, #tpu.memory_space<semaphore_mem>>) src(%dma_wait3A_30 : memref<128x64xf32, #tpu.memory_space<vmem>>) dst(%dma_wait3A_36 : memref<5376x64xf32, #tpu.memory_space<vmem_shared>>)
      tpu.yield
    }) : () -> ()
    %run_scoped3A_15 = arith.constant 1 : i32
    %run_scoped3A_16 = arith.constant 1 : i32
    "tpu.region"() ({
      %run_scoped3A_18 = tpu.sem_alloc : memref<!tpu.dma_semaphore, #tpu.memory_space<semaphore_mem>>
      %dma_start3A = arith.constant 0 : i32
      %dma_start3A_19 = arith.constant 0 : i32
      %dma_start3A_20 = tpu.memref_slice %arg8[%run_scoped3A_15, %dma_start3A, %dma_start3A_19] : memref<2x128x64xf32, #tpu.memory_space<vmem>> -> memref<1x128x64xf32, #tpu.memory_space<vmem>>
      %dma_start3A_21 = tpu.memref_squeeze %dma_start3A_20 : memref<1x128x64xf32, #tpu.memory_space<vmem>> -> memref<128x64xf32, #tpu.memory_space<vmem>>
      %dma_start3A_22 = arith.constant 0 : i32
      %dma_start3A_23 = tpu.memref_slice %arg7[%run_scoped3A_16, %dma_start3A_22] : memref<2x128xi32, #tpu.memory_space<vmem>> -> memref<1x128xi32, #tpu.memory_space<vmem>>
      %dma_start3A_24 = tpu.memref_squeeze %dma_start3A_23 : memref<1x128xi32, #tpu.memory_space<vmem>> -> memref<128xi32, #tpu.memory_space<vmem>>
      %dma_start3A_25 = arith.constant 0 : i32
      %dma_start3A_26 = arith.constant 0 : i32
      %dma_start3A_27 = tpu.memref_slice %arg9[%dma_start3A_25, %dma_start3A_26] : memref<5376x64xf32, #tpu.memory_space<vmem_shared>> -> memref<5376x64xf32, #tpu.memory_space<vmem_shared>>
      tpu.enqueue_indirect_dma source(%dma_start3A_21 : memref<128x64xf32, #tpu.memory_space<vmem>>) target(%dma_start3A_27 : memref<5376x64xf32, #tpu.memory_space<vmem_shared>>) offsets(%dma_start3A_24 : memref<128xi32, #tpu.memory_space<vmem>>) semaphore(%run_scoped3A_18 : memref<!tpu.dma_semaphore, #tpu.memory_space<semaphore_mem>>) {add = true}
      %dma_wait3A = arith.constant 0 : i32
      %dma_wait3A_28 = arith.constant 0 : i32
      %dma_wait3A_29 = tpu.memref_slice %arg8[%run_scoped3A_15, %dma_wait3A, %dma_wait3A_28] : memref<2x128x64xf32, #tpu.memory_space<vmem>> -> memref<1x128x64xf32, #tpu.memory_space<vmem>>
      %dma_wait3A_30 = tpu.memref_squeeze %dma_wait3A_29 : memref<1x128x64xf32, #tpu.memory_space<vmem>> -> memref<128x64xf32, #tpu.memory_space<vmem>>
      %dma_wait3A_31 = arith.constant 0 : i32
      %dma_wait3A_32 = tpu.memref_slice %arg7[%run_scoped3A_16, %dma_wait3A_31] : memref<2x128xi32, #tpu.memory_space<vmem>> -> memref<1x128xi32, #tpu.memory_space<vmem>>
      %dma_wait3A_33 = tpu.memref_squeeze %dma_wait3A_32 : memref<1x128xi32, #tpu.memory_space<vmem>> -> memref<128xi32, #tpu.memory_space<vmem>>
      %dma_wait3A_34 = arith.constant 0 : i32
      %dma_wait3A_35 = arith.constant 0 : i32
      %dma_wait3A_36 = tpu.memref_slice %arg9[%dma_wait3A_34, %dma_wait3A_35] : memref<5376x64xf32, #tpu.memory_space<vmem_shared>> -> memref<5376x64xf32, #tpu.memory_space<vmem_shared>>
      tpu.wait_indirect_dma semaphore(%run_scoped3A_18 : memref<!tpu.dma_semaphore, #tpu.memory_space<semaphore_mem>>) src(%dma_wait3A_30 : memref<128x64xf32, #tpu.memory_space<vmem>>) dst(%dma_wait3A_36 : memref<5376x64xf32, #tpu.memory_space<vmem_shared>>)
      tpu.yield
    }) : () -> ()
    %barrier3A_17 = arith.constant 0 : index
    tpu.barrier barrier_id(%barrier3A_17)
    "tpu.region"() ({
      %run_scoped3A_18 = tpu.sem_alloc : memref<!tpu.dma_semaphore, #tpu.memory_space<semaphore_mem>>
      %dma_start3A = arith.constant 0 : i32
      %dma_start3A_19 = tpu.memref_slice %arg6[%arg0, %mul3A_2, %dma_start3A] : memref<2x5376x64xf32, #tpu.memory_space<hbm>> -> memref<1x336x64xf32, #tpu.memory_space<hbm>>
      %dma_start3A_20 = tpu.memref_squeeze %dma_start3A_19 : memref<1x336x64xf32, #tpu.memory_space<hbm>> -> memref<336x64xf32, #tpu.memory_space<hbm>>
      %dma_start3A_21 = arith.constant 0 : i32
      %dma_start3A_22 = tpu.memref_slice %arg9[%mul3A_2, %dma_start3A_21] : memref<5376x64xf32, #tpu.memory_space<vmem_shared>> -> memref<336x64xf32, #tpu.memory_space<vmem_shared>>
      tpu.enqueue_dma source(%dma_start3A_22 : memref<336x64xf32, #tpu.memory_space<vmem_shared>>) target(%dma_start3A_20 : memref<336x64xf32, #tpu.memory_space<hbm>>) target_semaphore(%run_scoped3A_18 : memref<!tpu.dma_semaphore, #tpu.memory_space<semaphore_mem>>)
      %dma_wait3A = arith.constant 0 : i32
      %dma_wait3A_23 = tpu.memref_slice %arg6[%arg0, %mul3A_2, %dma_wait3A] : memref<2x5376x64xf32, #tpu.memory_space<hbm>> -> memref<1x336x64xf32, #tpu.memory_space<hbm>>
      %dma_wait3A_24 = tpu.memref_squeeze %dma_wait3A_23 : memref<1x336x64xf32, #tpu.memory_space<hbm>> -> memref<336x64xf32, #tpu.memory_space<hbm>>
      %dma_wait3A_25 = arith.constant 0 : i32
      %dma_wait3A_26 = tpu.memref_slice %arg9[%mul3A_2, %dma_wait3A_25] : memref<5376x64xf32, #tpu.memory_space<vmem_shared>> -> memref<336x64xf32, #tpu.memory_space<vmem_shared>>
      tpu.wait_dma2 semaphore(%run_scoped3A_18 : memref<!tpu.dma_semaphore, #tpu.memory_space<semaphore_mem>>) src(%dma_wait3A_26 : memref<336x64xf32, #tpu.memory_space<vmem_shared>>) dst(%dma_wait3A_24 : memref<336x64xf32, #tpu.memory_space<hbm>>)
      tpu.yield
    }) : () -> ()
    return
  }
}

#map = affine_map<(d0, d1) -> (0, 0)>
#map1 = affine_map<(d0, d1) -> (0)>
module attributes {stable_mosaic.version = 14 : i64} {
  func.func @k(%arg0: i32, %arg1: i32, %arg2: memref<5376x64xf32, #tpu.memory_space<hbm>>, %arg3: memref<2048xi32, #tpu.memory_space<hbm>>, %arg4: memref<2048x64xf32, #tpu.memory_space<hbm>>, %arg5: memref<64xi32, #tpu.memory_space<vmem>>, %arg6: memref<64x64xf32, #tpu.memory_space<vmem>>, %arg7: memref<!tpu.dma_semaphore, #tpu.memory_space<semaphore_mem>>) attributes {dimension_semantics = [#tpu.dimension_semantics<core_parallel>, #tpu.dimension_semantics<subcore_parallel>], iteration_bounds = array<i64: 2, 16>, scalar_prefetch = 0 : i64, scratch_operands = 3 : i64, tpu.core_type = #tpu.core_type<sc_vector_subcore>, window_params = [{transform_indices = #map}, {transform_indices = #map1}, {transform_indices = #map}]} {
    %mul3A = arith.constant 2 : i32
    %mul3A_0 = arith.muli %arg1, %mul3A : i32
    %add3A = arith.addi %mul3A_0, %arg0 : i32
    %mul3A_1 = arith.constant 64 : i32
    %mul3A_2 = arith.muli %add3A, %mul3A_1 : i32
    "tpu.region"() ({
      %run_scoped3A = tpu.sem_alloc : memref<!tpu.dma_semaphore, #tpu.memory_space<semaphore_mem>>
      %dma_start3A_17 = tpu.memref_slice %arg3[%mul3A_2] : memref<2048xi32, #tpu.memory_space<hbm>> -> memref<64xi32, #tpu.memory_space<hbm>>
      %dma_start3A_18 = tpu.memref_slice %arg3[%mul3A_2] : memref<2048xi32, #tpu.memory_space<hbm>> -> memref<64xi32, #tpu.memory_space<hbm>>
      tpu.enqueue_dma source(%dma_start3A_18 : memref<64xi32, #tpu.memory_space<hbm>>) target(%arg5 : memref<64xi32, #tpu.memory_space<vmem>>) target_semaphore(%run_scoped3A : memref<!tpu.dma_semaphore, #tpu.memory_space<semaphore_mem>>)
      %dma_wait3A_19 = tpu.memref_slice %arg3[%mul3A_2] : memref<2048xi32, #tpu.memory_space<hbm>> -> memref<64xi32, #tpu.memory_space<hbm>>
      %dma_wait3A_20 = tpu.memref_slice %arg3[%mul3A_2] : memref<2048xi32, #tpu.memory_space<hbm>> -> memref<64xi32, #tpu.memory_space<hbm>>
      tpu.wait_dma2 semaphore(%run_scoped3A : memref<!tpu.dma_semaphore, #tpu.memory_space<semaphore_mem>>) src(%dma_wait3A_20 : memref<64xi32, #tpu.memory_space<hbm>>) dst(%arg5 : memref<64xi32, #tpu.memory_space<vmem>>)
      tpu.yield
    }) : () -> ()
    %dma_start3A = arith.constant 0 : i32
    %dma_start3A_3 = arith.constant 0 : i32
    %dma_start3A_4 = tpu.memref_slice %arg6[%dma_start3A, %dma_start3A_3] : memref<64x64xf32, #tpu.memory_space<vmem>> -> memref<64x64xf32, #tpu.memory_space<vmem>>
    %dma_start3A_5 = arith.constant 0 : i32
    %dma_start3A_6 = tpu.memref_slice %arg5[%dma_start3A_5] : memref<64xi32, #tpu.memory_space<vmem>> -> memref<64xi32, #tpu.memory_space<vmem>>
    %dma_start3A_7 = arith.constant 0 : i32
    %dma_start3A_8 = arith.constant 0 : i32
    %dma_start3A_9 = tpu.memref_slice %arg2[%dma_start3A_7, %dma_start3A_8] : memref<5376x64xf32, #tpu.memory_space<hbm>> -> memref<5376x64xf32, #tpu.memory_space<hbm>>
    tpu.enqueue_indirect_dma source(%dma_start3A_9 : memref<5376x64xf32, #tpu.memory_space<hbm>>) target(%dma_start3A_4 : memref<64x64xf32, #tpu.memory_space<vmem>>) offsets(%dma_start3A_6 : memref<64xi32, #tpu.memory_space<vmem>>) semaphore(%arg7 : memref<!tpu.dma_semaphore, #tpu.memory_space<semaphore_mem>>)
    %dma_wait3A = arith.constant 0 : i32
    %dma_wait3A_10 = arith.constant 0 : i32
    %dma_wait3A_11 = tpu.memref_slice %arg6[%dma_wait3A, %dma_wait3A_10] : memref<64x64xf32, #tpu.memory_space<vmem>> -> memref<64x64xf32, #tpu.memory_space<vmem>>
    %dma_wait3A_12 = arith.constant 0 : i32
    %dma_wait3A_13 = tpu.memref_slice %arg5[%dma_wait3A_12] : memref<64xi32, #tpu.memory_space<vmem>> -> memref<64xi32, #tpu.memory_space<vmem>>
    %dma_wait3A_14 = arith.constant 0 : i32
    %dma_wait3A_15 = arith.constant 0 : i32
    %dma_wait3A_16 = tpu.memref_slice %arg2[%dma_wait3A_14, %dma_wait3A_15] : memref<5376x64xf32, #tpu.memory_space<hbm>> -> memref<5376x64xf32, #tpu.memory_space<hbm>>
    tpu.wait_indirect_dma semaphore(%arg7 : memref<!tpu.dma_semaphore, #tpu.memory_space<semaphore_mem>>) src(%dma_wait3A_16 : memref<5376x64xf32, #tpu.memory_space<hbm>>) dst(%dma_wait3A_11 : memref<64x64xf32, #tpu.memory_space<vmem>>)
    "tpu.region"() ({
      %run_scoped3A = tpu.sem_alloc : memref<!tpu.dma_semaphore, #tpu.memory_space<semaphore_mem>>
      %dma_start3A_17 = arith.constant 0 : i32
      %dma_start3A_18 = tpu.memref_slice %arg4[%mul3A_2, %dma_start3A_17] : memref<2048x64xf32, #tpu.memory_space<hbm>> -> memref<64x64xf32, #tpu.memory_space<hbm>>
      %dma_start3A_19 = arith.constant 0 : i32
      %dma_start3A_20 = tpu.memref_slice %arg4[%mul3A_2, %dma_start3A_19] : memref<2048x64xf32, #tpu.memory_space<hbm>> -> memref<64x64xf32, #tpu.memory_space<hbm>>
      tpu.enqueue_dma source(%arg6 : memref<64x64xf32, #tpu.memory_space<vmem>>) target(%dma_start3A_20 : memref<64x64xf32, #tpu.memory_space<hbm>>) target_semaphore(%run_scoped3A : memref<!tpu.dma_semaphore, #tpu.memory_space<semaphore_mem>>)
      %dma_wait3A_21 = arith.constant 0 : i32
      %dma_wait3A_22 = tpu.memref_slice %arg4[%mul3A_2, %dma_wait3A_21] : memref<2048x64xf32, #tpu.memory_space<hbm>> -> memref<64x64xf32, #tpu.memory_space<hbm>>
      %dma_wait3A_23 = arith.constant 0 : i32
      %dma_wait3A_24 = tpu.memref_slice %arg4[%mul3A_2, %dma_wait3A_23] : memref<2048x64xf32, #tpu.memory_space<hbm>> -> memref<64x64xf32, #tpu.memory_space<hbm>>
      tpu.wait_dma2 semaphore(%run_scoped3A : memref<!tpu.dma_semaphore, #tpu.memory_space<semaphore_mem>>) src(%arg6 : memref<64x64xf32, #tpu.memory_space<vmem>>) dst(%dma_wait3A_24 : memref<64x64xf32, #tpu.memory_space<hbm>>)
      tpu.yield
    }) : () -> ()
    return
  }
}

#map = affine_map<(d0, d1) -> (0, 0, 0)>
#map1 = affine_map<(d0, d1) -> (0, 0)>
module attributes {stable_mosaic.version = 14 : i64} {
  func.func @k(%arg0: i32, %arg1: i32, %arg2: memref<32x64x64xf32, #tpu.memory_space<hbm>>, %arg3: memref<32x64xi32, #tpu.memory_space<hbm>>, %arg4: memref<5376x64xf32, #tpu.memory_space<hbm>>, %arg5: memref<5376x64xf32, #tpu.memory_space<hbm>>, %arg6: memref<2x5376x64xf32, #tpu.memory_space<hbm>>, %arg7: memref<1x64xi32, #tpu.memory_space<vmem>>, %arg8: memref<1x64x64xf32, #tpu.memory_space<vmem>>, %arg9: memref<5376x64xf32, #tpu.memory_space<vmem_shared>>) attributes {dimension_semantics = [#tpu.dimension_semantics<core_parallel>, #tpu.dimension_semantics<subcore_parallel>], iteration_bounds = array<i64: 2, 16>, scalar_prefetch = 0 : i64, scratch_operands = 3 : i64, tpu.core_type = #tpu.core_type<sc_vector_subcore>, window_params = [{transform_indices = #map}, {transform_indices = #map1}, {transform_indices = #map1}, {transform_indices = #map1}, {transform_indices = #map}]} {
    %mul3A = arith.constant 2 : i32
    %mul3A_0 = arith.muli %arg1, %mul3A : i32
    %add3A = arith.addi %mul3A_0, %arg0 : i32
    %mul3A_1 = arith.constant 336 : i32
    %mul3A_2 = arith.muli %arg1, %mul3A_1 : i32
    %eq3A = arith.constant 0 : i32
    %eq3A_3 = arith.cmpi eq, %arg0, %eq3A : i32
    %convert_element_type3A = arith.extui %eq3A_3 : i1 to i32
    %cond3A = arith.constant 0 : i32
    %cond3A_4 = arith.cmpi ne, %convert_element_type3A, %cond3A : i32
    scf.if %cond3A_4 {
      "tpu.region"() ({
        %run_scoped3A_16 = tpu.sem_alloc : memref<!tpu.dma_semaphore, #tpu.memory_space<semaphore_mem>>
        %dma_start3A = arith.constant 0 : i32
        %dma_start3A_17 = tpu.memref_slice %arg9[%mul3A_2, %dma_start3A] : memref<5376x64xf32, #tpu.memory_space<vmem_shared>> -> memref<336x64xf32, #tpu.memory_space<vmem_shared>>
        %dma_start3A_18 = arith.constant 0 : i32
        %dma_start3A_19 = tpu.memref_slice %arg4[%mul3A_2, %dma_start3A_18] : memref<5376x64xf32, #tpu.memory_space<hbm>> -> memref<336x64xf32, #tpu.memory_space<hbm>>
        tpu.enqueue_dma source(%dma_start3A_19 : memref<336x64xf32, #tpu.memory_space<hbm>>) target(%dma_start3A_17 : memref<336x64xf32, #tpu.memory_space<vmem_shared>>) target_semaphore(%run_scoped3A_16 : memref<!tpu.dma_semaphore, #tpu.memory_space<semaphore_mem>>)
        %dma_wait3A = arith.constant 0 : i32
        %dma_wait3A_20 = tpu.memref_slice %arg9[%mul3A_2, %dma_wait3A] : memref<5376x64xf32, #tpu.memory_space<vmem_shared>> -> memref<336x64xf32, #tpu.memory_space<vmem_shared>>
        %dma_wait3A_21 = arith.constant 0 : i32
        %dma_wait3A_22 = tpu.memref_slice %arg4[%mul3A_2, %dma_wait3A_21] : memref<5376x64xf32, #tpu.memory_space<hbm>> -> memref<336x64xf32, #tpu.memory_space<hbm>>
        tpu.wait_dma2 semaphore(%run_scoped3A_16 : memref<!tpu.dma_semaphore, #tpu.memory_space<semaphore_mem>>) src(%dma_wait3A_22 : memref<336x64xf32, #tpu.memory_space<hbm>>) dst(%dma_wait3A_20 : memref<336x64xf32, #tpu.memory_space<vmem_shared>>)
        tpu.yield
      }) : () -> ()
    } else {
    }
    %eq3A_5 = arith.constant 1 : i32
    %eq3A_6 = arith.cmpi eq, %arg0, %eq3A_5 : i32
    %convert_element_type3A_7 = arith.extui %eq3A_6 : i1 to i32
    %cond3A_8 = arith.constant 0 : i32
    %cond3A_9 = arith.cmpi ne, %convert_element_type3A_7, %cond3A_8 : i32
    scf.if %cond3A_9 {
      "tpu.region"() ({
        %run_scoped3A_16 = tpu.sem_alloc : memref<!tpu.dma_semaphore, #tpu.memory_space<semaphore_mem>>
        %dma_start3A = arith.constant 0 : i32
        %dma_start3A_17 = tpu.memref_slice %arg9[%mul3A_2, %dma_start3A] : memref<5376x64xf32, #tpu.memory_space<vmem_shared>> -> memref<336x64xf32, #tpu.memory_space<vmem_shared>>
        %dma_start3A_18 = arith.constant 0 : i32
        %dma_start3A_19 = tpu.memref_slice %arg5[%mul3A_2, %dma_start3A_18] : memref<5376x64xf32, #tpu.memory_space<hbm>> -> memref<336x64xf32, #tpu.memory_space<hbm>>
        tpu.enqueue_dma source(%dma_start3A_19 : memref<336x64xf32, #tpu.memory_space<hbm>>) target(%dma_start3A_17 : memref<336x64xf32, #tpu.memory_space<vmem_shared>>) target_semaphore(%run_scoped3A_16 : memref<!tpu.dma_semaphore, #tpu.memory_space<semaphore_mem>>)
        %dma_wait3A = arith.constant 0 : i32
        %dma_wait3A_20 = tpu.memref_slice %arg9[%mul3A_2, %dma_wait3A] : memref<5376x64xf32, #tpu.memory_space<vmem_shared>> -> memref<336x64xf32, #tpu.memory_space<vmem_shared>>
        %dma_wait3A_21 = arith.constant 0 : i32
        %dma_wait3A_22 = tpu.memref_slice %arg5[%mul3A_2, %dma_wait3A_21] : memref<5376x64xf32, #tpu.memory_space<hbm>> -> memref<336x64xf32, #tpu.memory_space<hbm>>
        tpu.wait_dma2 semaphore(%run_scoped3A_16 : memref<!tpu.dma_semaphore, #tpu.memory_space<semaphore_mem>>) src(%dma_wait3A_22 : memref<336x64xf32, #tpu.memory_space<hbm>>) dst(%dma_wait3A_20 : memref<336x64xf32, #tpu.memory_space<vmem_shared>>)
        tpu.yield
      }) : () -> ()
    } else {
    }
    %mul3A_10 = arith.constant 1 : i32
    %mul3A_11 = arith.muli %add3A, %mul3A_10 : i32
    "tpu.region"() ({
      %run_scoped3A_16 = tpu.sem_alloc : memref<!tpu.dma_semaphore, #tpu.memory_space<semaphore_mem>>
      %dma_start3A = arith.constant 0 : i32
      %dma_start3A_17 = tpu.memref_slice %arg3[%mul3A_11, %dma_start3A] : memref<32x64xi32, #tpu.memory_space<hbm>> -> memref<1x64xi32, #tpu.memory_space<hbm>>
      %dma_start3A_18 = arith.constant 0 : i32
      %dma_start3A_19 = tpu.memref_slice %arg3[%mul3A_11, %dma_start3A_18] : memref<32x64xi32, #tpu.memory_space<hbm>> -> memref<1x64xi32, #tpu.memory_space<hbm>>
      tpu.enqueue_dma source(%dma_start3A_19 : memref<1x64xi32, #tpu.memory_space<hbm>>) target(%arg7 : memref<1x64xi32, #tpu.memory_space<vmem>>) target_semaphore(%run_scoped3A_16 : memref<!tpu.dma_semaphore, #tpu.memory_space<semaphore_mem>>)
      %dma_wait3A = arith.constant 0 : i32
      %dma_wait3A_20 = tpu.memref_slice %arg3[%mul3A_11, %dma_wait3A] : memref<32x64xi32, #tpu.memory_space<hbm>> -> memref<1x64xi32, #tpu.memory_space<hbm>>
      %dma_wait3A_21 = arith.constant 0 : i32
      %dma_wait3A_22 = tpu.memref_slice %arg3[%mul3A_11, %dma_wait3A_21] : memref<32x64xi32, #tpu.memory_space<hbm>> -> memref<1x64xi32, #tpu.memory_space<hbm>>
      tpu.wait_dma2 semaphore(%run_scoped3A_16 : memref<!tpu.dma_semaphore, #tpu.memory_space<semaphore_mem>>) src(%dma_wait3A_22 : memref<1x64xi32, #tpu.memory_space<hbm>>) dst(%arg7 : memref<1x64xi32, #tpu.memory_space<vmem>>)
      tpu.yield
    }) : () -> ()
    %mul3A_12 = arith.constant 1 : i32
    %mul3A_13 = arith.muli %add3A, %mul3A_12 : i32
    "tpu.region"() ({
      %run_scoped3A_16 = tpu.sem_alloc : memref<!tpu.dma_semaphore, #tpu.memory_space<semaphore_mem>>
      %dma_start3A = arith.constant 0 : i32
      %dma_start3A_17 = arith.constant 0 : i32
      %dma_start3A_18 = tpu.memref_slice %arg2[%mul3A_13, %dma_start3A, %dma_start3A_17] : memref<32x64x64xf32, #tpu.memory_space<hbm>> -> memref<1x64x64xf32, #tpu.memory_space<hbm>>
      %dma_start3A_19 = arith.constant 0 : i32
      %dma_start3A_20 = arith.constant 0 : i32
      %dma_start3A_21 = tpu.memref_slice %arg2[%mul3A_13, %dma_start3A_19, %dma_start3A_20] : memref<32x64x64xf32, #tpu.memory_space<hbm>> -> memref<1x64x64xf32, #tpu.memory_space<hbm>>
      tpu.enqueue_dma source(%dma_start3A_21 : memref<1x64x64xf32, #tpu.memory_space<hbm>>) target(%arg8 : memref<1x64x64xf32, #tpu.memory_space<vmem>>) target_semaphore(%run_scoped3A_16 : memref<!tpu.dma_semaphore, #tpu.memory_space<semaphore_mem>>)
      %dma_wait3A = arith.constant 0 : i32
      %dma_wait3A_22 = arith.constant 0 : i32
      %dma_wait3A_23 = tpu.memref_slice %arg2[%mul3A_13, %dma_wait3A, %dma_wait3A_22] : memref<32x64x64xf32, #tpu.memory_space<hbm>> -> memref<1x64x64xf32, #tpu.memory_space<hbm>>
      %dma_wait3A_24 = arith.constant 0 : i32
      %dma_wait3A_25 = arith.constant 0 : i32
      %dma_wait3A_26 = tpu.memref_slice %arg2[%mul3A_13, %dma_wait3A_24, %dma_wait3A_25] : memref<32x64x64xf32, #tpu.memory_space<hbm>> -> memref<1x64x64xf32, #tpu.memory_space<hbm>>
      tpu.wait_dma2 semaphore(%run_scoped3A_16 : memref<!tpu.dma_semaphore, #tpu.memory_space<semaphore_mem>>) src(%dma_wait3A_26 : memref<1x64x64xf32, #tpu.memory_space<hbm>>) dst(%arg8 : memref<1x64x64xf32, #tpu.memory_space<vmem>>)
      tpu.yield
    }) : () -> ()
    %barrier3A = arith.constant 0 : index
    tpu.barrier barrier_id(%barrier3A)
    %run_scoped3A = arith.constant 0 : i32
    %run_scoped3A_14 = arith.constant 0 : i32
    "tpu.region"() ({
      %run_scoped3A_16 = tpu.sem_alloc : memref<!tpu.dma_semaphore, #tpu.memory_space<semaphore_mem>>
      %dma_start3A = arith.constant 0 : i32
      %dma_start3A_17 = arith.constant 0 : i32
      %dma_start3A_18 = tpu.memref_slice %arg8[%run_scoped3A, %dma_start3A, %dma_start3A_17] : memref<1x64x64xf32, #tpu.memory_space<vmem>> -> memref<1x64x64xf32, #tpu.memory_space<vmem>>
      %dma_start3A_19 = tpu.memref_squeeze %dma_start3A_18 : memref<1x64x64xf32, #tpu.memory_space<vmem>> -> memref<64x64xf32, #tpu.memory_space<vmem>>
      %dma_start3A_20 = arith.constant 0 : i32
      %dma_start3A_21 = tpu.memref_slice %arg7[%run_scoped3A_14, %dma_start3A_20] : memref<1x64xi32, #tpu.memory_space<vmem>> -> memref<1x64xi32, #tpu.memory_space<vmem>>
      %dma_start3A_22 = tpu.memref_squeeze %dma_start3A_21 : memref<1x64xi32, #tpu.memory_space<vmem>> -> memref<64xi32, #tpu.memory_space<vmem>>
      %dma_start3A_23 = arith.constant 0 : i32
      %dma_start3A_24 = arith.constant 0 : i32
      %dma_start3A_25 = tpu.memref_slice %arg9[%dma_start3A_23, %dma_start3A_24] : memref<5376x64xf32, #tpu.memory_space<vmem_shared>> -> memref<5376x64xf32, #tpu.memory_space<vmem_shared>>
      tpu.enqueue_indirect_dma source(%dma_start3A_19 : memref<64x64xf32, #tpu.memory_space<vmem>>) target(%dma_start3A_25 : memref<5376x64xf32, #tpu.memory_space<vmem_shared>>) offsets(%dma_start3A_22 : memref<64xi32, #tpu.memory_space<vmem>>) semaphore(%run_scoped3A_16 : memref<!tpu.dma_semaphore, #tpu.memory_space<semaphore_mem>>) {add = true}
      %dma_wait3A = arith.constant 0 : i32
      %dma_wait3A_26 = arith.constant 0 : i32
      %dma_wait3A_27 = tpu.memref_slice %arg8[%run_scoped3A, %dma_wait3A, %dma_wait3A_26] : memref<1x64x64xf32, #tpu.memory_space<vmem>> -> memref<1x64x64xf32, #tpu.memory_space<vmem>>
      %dma_wait3A_28 = tpu.memref_squeeze %dma_wait3A_27 : memref<1x64x64xf32, #tpu.memory_space<vmem>> -> memref<64x64xf32, #tpu.memory_space<vmem>>
      %dma_wait3A_29 = arith.constant 0 : i32
      %dma_wait3A_30 = tpu.memref_slice %arg7[%run_scoped3A_14, %dma_wait3A_29] : memref<1x64xi32, #tpu.memory_space<vmem>> -> memref<1x64xi32, #tpu.memory_space<vmem>>
      %dma_wait3A_31 = tpu.memref_squeeze %dma_wait3A_30 : memref<1x64xi32, #tpu.memory_space<vmem>> -> memref<64xi32, #tpu.memory_space<vmem>>
      %dma_wait3A_32 = arith.constant 0 : i32
      %dma_wait3A_33 = arith.constant 0 : i32
      %dma_wait3A_34 = tpu.memref_slice %arg9[%dma_wait3A_32, %dma_wait3A_33] : memref<5376x64xf32, #tpu.memory_space<vmem_shared>> -> memref<5376x64xf32, #tpu.memory_space<vmem_shared>>
      tpu.wait_indirect_dma semaphore(%run_scoped3A_16 : memref<!tpu.dma_semaphore, #tpu.memory_space<semaphore_mem>>) src(%dma_wait3A_28 : memref<64x64xf32, #tpu.memory_space<vmem>>) dst(%dma_wait3A_34 : memref<5376x64xf32, #tpu.memory_space<vmem_shared>>)
      tpu.yield
    }) : () -> ()
    %barrier3A_15 = arith.constant 0 : index
    tpu.barrier barrier_id(%barrier3A_15)
    "tpu.region"() ({
      %run_scoped3A_16 = tpu.sem_alloc : memref<!tpu.dma_semaphore, #tpu.memory_space<semaphore_mem>>
      %dma_start3A = arith.constant 0 : i32
      %dma_start3A_17 = tpu.memref_slice %arg6[%arg0, %mul3A_2, %dma_start3A] : memref<2x5376x64xf32, #tpu.memory_space<hbm>> -> memref<1x336x64xf32, #tpu.memory_space<hbm>>
      %dma_start3A_18 = tpu.memref_squeeze %dma_start3A_17 : memref<1x336x64xf32, #tpu.memory_space<hbm>> -> memref<336x64xf32, #tpu.memory_space<hbm>>
      %dma_start3A_19 = arith.constant 0 : i32
      %dma_start3A_20 = tpu.memref_slice %arg9[%mul3A_2, %dma_start3A_19] : memref<5376x64xf32, #tpu.memory_space<vmem_shared>> -> memref<336x64xf32, #tpu.memory_space<vmem_shared>>
      tpu.enqueue_dma source(%dma_start3A_20 : memref<336x64xf32, #tpu.memory_space<vmem_shared>>) target(%dma_start3A_18 : memref<336x64xf32, #tpu.memory_space<hbm>>) target_semaphore(%run_scoped3A_16 : memref<!tpu.dma_semaphore, #tpu.memory_space<semaphore_mem>>)
      %dma_wait3A = arith.constant 0 : i32
      %dma_wait3A_21 = tpu.memref_slice %arg6[%arg0, %mul3A_2, %dma_wait3A] : memref<2x5376x64xf32, #tpu.memory_space<hbm>> -> memref<1x336x64xf32, #tpu.memory_space<hbm>>
      %dma_wait3A_22 = tpu.memref_squeeze %dma_wait3A_21 : memref<1x336x64xf32, #tpu.memory_space<hbm>> -> memref<336x64xf32, #tpu.memory_space<hbm>>
      %dma_wait3A_23 = arith.constant 0 : i32
      %dma_wait3A_24 = tpu.memref_slice %arg9[%mul3A_2, %dma_wait3A_23] : memref<5376x64xf32, #tpu.memory_space<vmem_shared>> -> memref<336x64xf32, #tpu.memory_space<vmem_shared>>
      tpu.wait_dma2 semaphore(%run_scoped3A_16 : memref<!tpu.dma_semaphore, #tpu.memory_space<semaphore_mem>>) src(%dma_wait3A_24 : memref<336x64xf32, #tpu.memory_space<vmem_shared>>) dst(%dma_wait3A_22 : memref<336x64xf32, #tpu.memory_space<hbm>>)
      tpu.yield
    }) : () -> ()
    return
  }
}

#map = affine_map<(d0, d1) -> (0, 0)>
#map1 = affine_map<(d0, d1) -> (0)>
module attributes {stable_mosaic.version = 14 : i64} {
  func.func @k(%arg0: i32, %arg1: i32, %arg2: memref<5376x64xf32, #tpu.memory_space<hbm>>, %arg3: memref<32768xi32, #tpu.memory_space<hbm>>, %arg4: memref<32768x64xf32, #tpu.memory_space<hbm>>, %arg5: memref<1024xi32, #tpu.memory_space<vmem>>, %arg6: memref<1024x64xf32, #tpu.memory_space<vmem>>, %arg7: memref<!tpu.dma_semaphore, #tpu.memory_space<semaphore_mem>>) attributes {dimension_semantics = [#tpu.dimension_semantics<core_parallel>, #tpu.dimension_semantics<subcore_parallel>], iteration_bounds = array<i64: 2, 16>, scalar_prefetch = 0 : i64, scratch_operands = 3 : i64, tpu.core_type = #tpu.core_type<sc_vector_subcore>, window_params = [{transform_indices = #map}, {transform_indices = #map1}, {transform_indices = #map}]} {
    %mul3A = arith.constant 2 : i32
    %mul3A_0 = arith.muli %arg1, %mul3A : i32
    %add3A = arith.addi %mul3A_0, %arg0 : i32
    %mul3A_1 = arith.constant 1024 : i32
    %mul3A_2 = arith.muli %add3A, %mul3A_1 : i32
    "tpu.region"() ({
      %run_scoped3A = tpu.sem_alloc : memref<!tpu.dma_semaphore, #tpu.memory_space<semaphore_mem>>
      %dma_start3A_129 = tpu.memref_slice %arg3[%mul3A_2] : memref<32768xi32, #tpu.memory_space<hbm>> -> memref<1024xi32, #tpu.memory_space<hbm>>
      %dma_start3A_130 = tpu.memref_slice %arg3[%mul3A_2] : memref<32768xi32, #tpu.memory_space<hbm>> -> memref<1024xi32, #tpu.memory_space<hbm>>
      tpu.enqueue_dma source(%dma_start3A_130 : memref<1024xi32, #tpu.memory_space<hbm>>) target(%arg5 : memref<1024xi32, #tpu.memory_space<vmem>>) target_semaphore(%run_scoped3A : memref<!tpu.dma_semaphore, #tpu.memory_space<semaphore_mem>>)
      %dma_wait3A_131 = tpu.memref_slice %arg3[%mul3A_2] : memref<32768xi32, #tpu.memory_space<hbm>> -> memref<1024xi32, #tpu.memory_space<hbm>>
      %dma_wait3A_132 = tpu.memref_slice %arg3[%mul3A_2] : memref<32768xi32, #tpu.memory_space<hbm>> -> memref<1024xi32, #tpu.memory_space<hbm>>
      tpu.wait_dma2 semaphore(%run_scoped3A : memref<!tpu.dma_semaphore, #tpu.memory_space<semaphore_mem>>) src(%dma_wait3A_132 : memref<1024xi32, #tpu.memory_space<hbm>>) dst(%arg5 : memref<1024xi32, #tpu.memory_space<vmem>>)
      tpu.yield
    }) : () -> ()
    %dma_start3A = arith.constant 0 : i32
    %dma_start3A_3 = arith.constant 0 : i32
    %dma_start3A_4 = tpu.memref_slice %arg6[%dma_start3A, %dma_start3A_3] : memref<1024x64xf32, #tpu.memory_space<vmem>> -> memref<128x64xf32, #tpu.memory_space<vmem>>
    %dma_start3A_5 = arith.constant 0 : i32
    %dma_start3A_6 = tpu.memref_slice %arg5[%dma_start3A_5] : memref<1024xi32, #tpu.memory_space<vmem>> -> memref<128xi32, #tpu.memory_space<vmem>>
    %dma_start3A_7 = arith.constant 0 : i32
    %dma_start3A_8 = arith.constant 0 : i32
    %dma_start3A_9 = tpu.memref_slice %arg2[%dma_start3A_7, %dma_start3A_8] : memref<5376x64xf32, #tpu.memory_space<hbm>> -> memref<5376x64xf32, #tpu.memory_space<hbm>>
    tpu.enqueue_indirect_dma source(%dma_start3A_9 : memref<5376x64xf32, #tpu.memory_space<hbm>>) target(%dma_start3A_4 : memref<128x64xf32, #tpu.memory_space<vmem>>) offsets(%dma_start3A_6 : memref<128xi32, #tpu.memory_space<vmem>>) semaphore(%arg7 : memref<!tpu.dma_semaphore, #tpu.memory_space<semaphore_mem>>)
    %dma_start3A_10 = arith.constant 128 : i32
    %dma_start3A_11 = arith.constant 0 : i32
    %dma_start3A_12 = tpu.memref_slice %arg6[%dma_start3A_10, %dma_start3A_11] : memref<1024x64xf32, #tpu.memory_space<vmem>> -> memref<128x64xf32, #tpu.memory_space<vmem>>
    %dma_start3A_13 = arith.constant 128 : i32
    %dma_start3A_14 = tpu.memref_slice %arg5[%dma_start3A_13] : memref<1024xi32, #tpu.memory_space<vmem>> -> memref<128xi32, #tpu.memory_space<vmem>>
    %dma_start3A_15 = arith.constant 0 : i32
    %dma_start3A_16 = arith.constant 0 : i32
    %dma_start3A_17 = tpu.memref_slice %arg2[%dma_start3A_15, %dma_start3A_16] : memref<5376x64xf32, #tpu.memory_space<hbm>> -> memref<5376x64xf32, #tpu.memory_space<hbm>>
    tpu.enqueue_indirect_dma source(%dma_start3A_17 : memref<5376x64xf32, #tpu.memory_space<hbm>>) target(%dma_start3A_12 : memref<128x64xf32, #tpu.memory_space<vmem>>) offsets(%dma_start3A_14 : memref<128xi32, #tpu.memory_space<vmem>>) semaphore(%arg7 : memref<!tpu.dma_semaphore, #tpu.memory_space<semaphore_mem>>)
    %dma_start3A_18 = arith.constant 256 : i32
    %dma_start3A_19 = arith.constant 0 : i32
    %dma_start3A_20 = tpu.memref_slice %arg6[%dma_start3A_18, %dma_start3A_19] : memref<1024x64xf32, #tpu.memory_space<vmem>> -> memref<128x64xf32, #tpu.memory_space<vmem>>
    %dma_start3A_21 = arith.constant 256 : i32
    %dma_start3A_22 = tpu.memref_slice %arg5[%dma_start3A_21] : memref<1024xi32, #tpu.memory_space<vmem>> -> memref<128xi32, #tpu.memory_space<vmem>>
    %dma_start3A_23 = arith.constant 0 : i32
    %dma_start3A_24 = arith.constant 0 : i32
    %dma_start3A_25 = tpu.memref_slice %arg2[%dma_start3A_23, %dma_start3A_24] : memref<5376x64xf32, #tpu.memory_space<hbm>> -> memref<5376x64xf32, #tpu.memory_space<hbm>>
    tpu.enqueue_indirect_dma source(%dma_start3A_25 : memref<5376x64xf32, #tpu.memory_space<hbm>>) target(%dma_start3A_20 : memref<128x64xf32, #tpu.memory_space<vmem>>) offsets(%dma_start3A_22 : memref<128xi32, #tpu.memory_space<vmem>>) semaphore(%arg7 : memref<!tpu.dma_semaphore, #tpu.memory_space<semaphore_mem>>)
    %dma_start3A_26 = arith.constant 384 : i32
    %dma_start3A_27 = arith.constant 0 : i32
    %dma_start3A_28 = tpu.memref_slice %arg6[%dma_start3A_26, %dma_start3A_27] : memref<1024x64xf32, #tpu.memory_space<vmem>> -> memref<128x64xf32, #tpu.memory_space<vmem>>
    %dma_start3A_29 = arith.constant 384 : i32
    %dma_start3A_30 = tpu.memref_slice %arg5[%dma_start3A_29] : memref<1024xi32, #tpu.memory_space<vmem>> -> memref<128xi32, #tpu.memory_space<vmem>>
    %dma_start3A_31 = arith.constant 0 : i32
    %dma_start3A_32 = arith.constant 0 : i32
    %dma_start3A_33 = tpu.memref_slice %arg2[%dma_start3A_31, %dma_start3A_32] : memref<5376x64xf32, #tpu.memory_space<hbm>> -> memref<5376x64xf32, #tpu.memory_space<hbm>>
    tpu.enqueue_indirect_dma source(%dma_start3A_33 : memref<5376x64xf32, #tpu.memory_space<hbm>>) target(%dma_start3A_28 : memref<128x64xf32, #tpu.memory_space<vmem>>) offsets(%dma_start3A_30 : memref<128xi32, #tpu.memory_space<vmem>>) semaphore(%arg7 : memref<!tpu.dma_semaphore, #tpu.memory_space<semaphore_mem>>)
    %dma_start3A_34 = arith.constant 512 : i32
    %dma_start3A_35 = arith.constant 0 : i32
    %dma_start3A_36 = tpu.memref_slice %arg6[%dma_start3A_34, %dma_start3A_35] : memref<1024x64xf32, #tpu.memory_space<vmem>> -> memref<128x64xf32, #tpu.memory_space<vmem>>
    %dma_start3A_37 = arith.constant 512 : i32
    %dma_start3A_38 = tpu.memref_slice %arg5[%dma_start3A_37] : memref<1024xi32, #tpu.memory_space<vmem>> -> memref<128xi32, #tpu.memory_space<vmem>>
    %dma_start3A_39 = arith.constant 0 : i32
    %dma_start3A_40 = arith.constant 0 : i32
    %dma_start3A_41 = tpu.memref_slice %arg2[%dma_start3A_39, %dma_start3A_40] : memref<5376x64xf32, #tpu.memory_space<hbm>> -> memref<5376x64xf32, #tpu.memory_space<hbm>>
    tpu.enqueue_indirect_dma source(%dma_start3A_41 : memref<5376x64xf32, #tpu.memory_space<hbm>>) target(%dma_start3A_36 : memref<128x64xf32, #tpu.memory_space<vmem>>) offsets(%dma_start3A_38 : memref<128xi32, #tpu.memory_space<vmem>>) semaphore(%arg7 : memref<!tpu.dma_semaphore, #tpu.memory_space<semaphore_mem>>)
    %dma_start3A_42 = arith.constant 640 : i32
    %dma_start3A_43 = arith.constant 0 : i32
    %dma_start3A_44 = tpu.memref_slice %arg6[%dma_start3A_42, %dma_start3A_43] : memref<1024x64xf32, #tpu.memory_space<vmem>> -> memref<128x64xf32, #tpu.memory_space<vmem>>
    %dma_start3A_45 = arith.constant 640 : i32
    %dma_start3A_46 = tpu.memref_slice %arg5[%dma_start3A_45] : memref<1024xi32, #tpu.memory_space<vmem>> -> memref<128xi32, #tpu.memory_space<vmem>>
    %dma_start3A_47 = arith.constant 0 : i32
    %dma_start3A_48 = arith.constant 0 : i32
    %dma_start3A_49 = tpu.memref_slice %arg2[%dma_start3A_47, %dma_start3A_48] : memref<5376x64xf32, #tpu.memory_space<hbm>> -> memref<5376x64xf32, #tpu.memory_space<hbm>>
    tpu.enqueue_indirect_dma source(%dma_start3A_49 : memref<5376x64xf32, #tpu.memory_space<hbm>>) target(%dma_start3A_44 : memref<128x64xf32, #tpu.memory_space<vmem>>) offsets(%dma_start3A_46 : memref<128xi32, #tpu.memory_space<vmem>>) semaphore(%arg7 : memref<!tpu.dma_semaphore, #tpu.memory_space<semaphore_mem>>)
    %dma_start3A_50 = arith.constant 768 : i32
    %dma_start3A_51 = arith.constant 0 : i32
    %dma_start3A_52 = tpu.memref_slice %arg6[%dma_start3A_50, %dma_start3A_51] : memref<1024x64xf32, #tpu.memory_space<vmem>> -> memref<128x64xf32, #tpu.memory_space<vmem>>
    %dma_start3A_53 = arith.constant 768 : i32
    %dma_start3A_54 = tpu.memref_slice %arg5[%dma_start3A_53] : memref<1024xi32, #tpu.memory_space<vmem>> -> memref<128xi32, #tpu.memory_space<vmem>>
    %dma_start3A_55 = arith.constant 0 : i32
    %dma_start3A_56 = arith.constant 0 : i32
    %dma_start3A_57 = tpu.memref_slice %arg2[%dma_start3A_55, %dma_start3A_56] : memref<5376x64xf32, #tpu.memory_space<hbm>> -> memref<5376x64xf32, #tpu.memory_space<hbm>>
    tpu.enqueue_indirect_dma source(%dma_start3A_57 : memref<5376x64xf32, #tpu.memory_space<hbm>>) target(%dma_start3A_52 : memref<128x64xf32, #tpu.memory_space<vmem>>) offsets(%dma_start3A_54 : memref<128xi32, #tpu.memory_space<vmem>>) semaphore(%arg7 : memref<!tpu.dma_semaphore, #tpu.memory_space<semaphore_mem>>)
    %dma_start3A_58 = arith.constant 896 : i32
    %dma_start3A_59 = arith.constant 0 : i32
    %dma_start3A_60 = tpu.memref_slice %arg6[%dma_start3A_58, %dma_start3A_59] : memref<1024x64xf32, #tpu.memory_space<vmem>> -> memref<128x64xf32, #tpu.memory_space<vmem>>
    %dma_start3A_61 = arith.constant 896 : i32
    %dma_start3A_62 = tpu.memref_slice %arg5[%dma_start3A_61] : memref<1024xi32, #tpu.memory_space<vmem>> -> memref<128xi32, #tpu.memory_space<vmem>>
    %dma_start3A_63 = arith.constant 0 : i32
    %dma_start3A_64 = arith.constant 0 : i32
    %dma_start3A_65 = tpu.memref_slice %arg2[%dma_start3A_63, %dma_start3A_64] : memref<5376x64xf32, #tpu.memory_space<hbm>> -> memref<5376x64xf32, #tpu.memory_space<hbm>>
    tpu.enqueue_indirect_dma source(%dma_start3A_65 : memref<5376x64xf32, #tpu.memory_space<hbm>>) target(%dma_start3A_60 : memref<128x64xf32, #tpu.memory_space<vmem>>) offsets(%dma_start3A_62 : memref<128xi32, #tpu.memory_space<vmem>>) semaphore(%arg7 : memref<!tpu.dma_semaphore, #tpu.memory_space<semaphore_mem>>)
    %dma_wait3A = arith.constant 0 : i32
    %dma_wait3A_66 = arith.constant 0 : i32
    %dma_wait3A_67 = tpu.memref_slice %arg6[%dma_wait3A, %dma_wait3A_66] : memref<1024x64xf32, #tpu.memory_space<vmem>> -> memref<128x64xf32, #tpu.memory_space<vmem>>
    %dma_wait3A_68 = arith.constant 0 : i32
    %dma_wait3A_69 = tpu.memref_slice %arg5[%dma_wait3A_68] : memref<1024xi32, #tpu.memory_space<vmem>> -> memref<128xi32, #tpu.memory_space<vmem>>
    %dma_wait3A_70 = arith.constant 0 : i32
    %dma_wait3A_71 = arith.constant 0 : i32
    %dma_wait3A_72 = tpu.memref_slice %arg2[%dma_wait3A_70, %dma_wait3A_71] : memref<5376x64xf32, #tpu.memory_space<hbm>> -> memref<5376x64xf32, #tpu.memory_space<hbm>>
    tpu.wait_indirect_dma semaphore(%arg7 : memref<!tpu.dma_semaphore, #tpu.memory_space<semaphore_mem>>) src(%dma_wait3A_72 : memref<5376x64xf32, #tpu.memory_space<hbm>>) dst(%dma_wait3A_67 : memref<128x64xf32, #tpu.memory_space<vmem>>)
    %dma_wait3A_73 = arith.constant 128 : i32
    %dma_wait3A_74 = arith.constant 0 : i32
    %dma_wait3A_75 = tpu.memref_slice %arg6[%dma_wait3A_73, %dma_wait3A_74] : memref<1024x64xf32, #tpu.memory_space<vmem>> -> memref<128x64xf32, #tpu.memory_space<vmem>>
    %dma_wait3A_76 = arith.constant 128 : i32
    %dma_wait3A_77 = tpu.memref_slice %arg5[%dma_wait3A_76] : memref<1024xi32, #tpu.memory_space<vmem>> -> memref<128xi32, #tpu.memory_space<vmem>>
    %dma_wait3A_78 = arith.constant 0 : i32
    %dma_wait3A_79 = arith.constant 0 : i32
    %dma_wait3A_80 = tpu.memref_slice %arg2[%dma_wait3A_78, %dma_wait3A_79] : memref<5376x64xf32, #tpu.memory_space<hbm>> -> memref<5376x64xf32, #tpu.memory_space<hbm>>
    tpu.wait_indirect_dma semaphore(%arg7 : memref<!tpu.dma_semaphore, #tpu.memory_space<semaphore_mem>>) src(%dma_wait3A_80 : memref<5376x64xf32, #tpu.memory_space<hbm>>) dst(%dma_wait3A_75 : memref<128x64xf32, #tpu.memory_space<vmem>>)
    %dma_wait3A_81 = arith.constant 256 : i32
    %dma_wait3A_82 = arith.constant 0 : i32
    %dma_wait3A_83 = tpu.memref_slice %arg6[%dma_wait3A_81, %dma_wait3A_82] : memref<1024x64xf32, #tpu.memory_space<vmem>> -> memref<128x64xf32, #tpu.memory_space<vmem>>
    %dma_wait3A_84 = arith.constant 256 : i32
    %dma_wait3A_85 = tpu.memref_slice %arg5[%dma_wait3A_84] : memref<1024xi32, #tpu.memory_space<vmem>> -> memref<128xi32, #tpu.memory_space<vmem>>
    %dma_wait3A_86 = arith.constant 0 : i32
    %dma_wait3A_87 = arith.constant 0 : i32
    %dma_wait3A_88 = tpu.memref_slice %arg2[%dma_wait3A_86, %dma_wait3A_87] : memref<5376x64xf32, #tpu.memory_space<hbm>> -> memref<5376x64xf32, #tpu.memory_space<hbm>>
    tpu.wait_indirect_dma semaphore(%arg7 : memref<!tpu.dma_semaphore, #tpu.memory_space<semaphore_mem>>) src(%dma_wait3A_88 : memref<5376x64xf32, #tpu.memory_space<hbm>>) dst(%dma_wait3A_83 : memref<128x64xf32, #tpu.memory_space<vmem>>)
    %dma_wait3A_89 = arith.constant 384 : i32
    %dma_wait3A_90 = arith.constant 0 : i32
    %dma_wait3A_91 = tpu.memref_slice %arg6[%dma_wait3A_89, %dma_wait3A_90] : memref<1024x64xf32, #tpu.memory_space<vmem>> -> memref<128x64xf32, #tpu.memory_space<vmem>>
    %dma_wait3A_92 = arith.constant 384 : i32
    %dma_wait3A_93 = tpu.memref_slice %arg5[%dma_wait3A_92] : memref<1024xi32, #tpu.memory_space<vmem>> -> memref<128xi32, #tpu.memory_space<vmem>>
    %dma_wait3A_94 = arith.constant 0 : i32
    %dma_wait3A_95 = arith.constant 0 : i32
    %dma_wait3A_96 = tpu.memref_slice %arg2[%dma_wait3A_94, %dma_wait3A_95] : memref<5376x64xf32, #tpu.memory_space<hbm>> -> memref<5376x64xf32, #tpu.memory_space<hbm>>
    tpu.wait_indirect_dma semaphore(%arg7 : memref<!tpu.dma_semaphore, #tpu.memory_space<semaphore_mem>>) src(%dma_wait3A_96 : memref<5376x64xf32, #tpu.memory_space<hbm>>) dst(%dma_wait3A_91 : memref<128x64xf32, #tpu.memory_space<vmem>>)
    %dma_wait3A_97 = arith.constant 512 : i32
    %dma_wait3A_98 = arith.constant 0 : i32
    %dma_wait3A_99 = tpu.memref_slice %arg6[%dma_wait3A_97, %dma_wait3A_98] : memref<1024x64xf32, #tpu.memory_space<vmem>> -> memref<128x64xf32, #tpu.memory_space<vmem>>
    %dma_wait3A_100 = arith.constant 512 : i32
    %dma_wait3A_101 = tpu.memref_slice %arg5[%dma_wait3A_100] : memref<1024xi32, #tpu.memory_space<vmem>> -> memref<128xi32, #tpu.memory_space<vmem>>
    %dma_wait3A_102 = arith.constant 0 : i32
    %dma_wait3A_103 = arith.constant 0 : i32
    %dma_wait3A_104 = tpu.memref_slice %arg2[%dma_wait3A_102, %dma_wait3A_103] : memref<5376x64xf32, #tpu.memory_space<hbm>> -> memref<5376x64xf32, #tpu.memory_space<hbm>>
    tpu.wait_indirect_dma semaphore(%arg7 : memref<!tpu.dma_semaphore, #tpu.memory_space<semaphore_mem>>) src(%dma_wait3A_104 : memref<5376x64xf32, #tpu.memory_space<hbm>>) dst(%dma_wait3A_99 : memref<128x64xf32, #tpu.memory_space<vmem>>)
    %dma_wait3A_105 = arith.constant 640 : i32
    %dma_wait3A_106 = arith.constant 0 : i32
    %dma_wait3A_107 = tpu.memref_slice %arg6[%dma_wait3A_105, %dma_wait3A_106] : memref<1024x64xf32, #tpu.memory_space<vmem>> -> memref<128x64xf32, #tpu.memory_space<vmem>>
    %dma_wait3A_108 = arith.constant 640 : i32
    %dma_wait3A_109 = tpu.memref_slice %arg5[%dma_wait3A_108] : memref<1024xi32, #tpu.memory_space<vmem>> -> memref<128xi32, #tpu.memory_space<vmem>>
    %dma_wait3A_110 = arith.constant 0 : i32
    %dma_wait3A_111 = arith.constant 0 : i32
    %dma_wait3A_112 = tpu.memref_slice %arg2[%dma_wait3A_110, %dma_wait3A_111] : memref<5376x64xf32, #tpu.memory_space<hbm>> -> memref<5376x64xf32, #tpu.memory_space<hbm>>
    tpu.wait_indirect_dma semaphore(%arg7 : memref<!tpu.dma_semaphore, #tpu.memory_space<semaphore_mem>>) src(%dma_wait3A_112 : memref<5376x64xf32, #tpu.memory_space<hbm>>) dst(%dma_wait3A_107 : memref<128x64xf32, #tpu.memory_space<vmem>>)
    %dma_wait3A_113 = arith.constant 768 : i32
    %dma_wait3A_114 = arith.constant 0 : i32
    %dma_wait3A_115 = tpu.memref_slice %arg6[%dma_wait3A_113, %dma_wait3A_114] : memref<1024x64xf32, #tpu.memory_space<vmem>> -> memref<128x64xf32, #tpu.memory_space<vmem>>
    %dma_wait3A_116 = arith.constant 768 : i32
    %dma_wait3A_117 = tpu.memref_slice %arg5[%dma_wait3A_116] : memref<1024xi32, #tpu.memory_space<vmem>> -> memref<128xi32, #tpu.memory_space<vmem>>
    %dma_wait3A_118 = arith.constant 0 : i32
    %dma_wait3A_119 = arith.constant 0 : i32
    %dma_wait3A_120 = tpu.memref_slice %arg2[%dma_wait3A_118, %dma_wait3A_119] : memref<5376x64xf32, #tpu.memory_space<hbm>> -> memref<5376x64xf32, #tpu.memory_space<hbm>>
    tpu.wait_indirect_dma semaphore(%arg7 : memref<!tpu.dma_semaphore, #tpu.memory_space<semaphore_mem>>) src(%dma_wait3A_120 : memref<5376x64xf32, #tpu.memory_space<hbm>>) dst(%dma_wait3A_115 : memref<128x64xf32, #tpu.memory_space<vmem>>)
    %dma_wait3A_121 = arith.constant 896 : i32
    %dma_wait3A_122 = arith.constant 0 : i32
    %dma_wait3A_123 = tpu.memref_slice %arg6[%dma_wait3A_121, %dma_wait3A_122] : memref<1024x64xf32, #tpu.memory_space<vmem>> -> memref<128x64xf32, #tpu.memory_space<vmem>>
    %dma_wait3A_124 = arith.constant 896 : i32
    %dma_wait3A_125 = tpu.memref_slice %arg5[%dma_wait3A_124] : memref<1024xi32, #tpu.memory_space<vmem>> -> memref<128xi32, #tpu.memory_space<vmem>>
    %dma_wait3A_126 = arith.constant 0 : i32
    %dma_wait3A_127 = arith.constant 0 : i32
    %dma_wait3A_128 = tpu.memref_slice %arg2[%dma_wait3A_126, %dma_wait3A_127] : memref<5376x64xf32, #tpu.memory_space<hbm>> -> memref<5376x64xf32, #tpu.memory_space<hbm>>
    tpu.wait_indirect_dma semaphore(%arg7 : memref<!tpu.dma_semaphore, #tpu.memory_space<semaphore_mem>>) src(%dma_wait3A_128 : memref<5376x64xf32, #tpu.memory_space<hbm>>) dst(%dma_wait3A_123 : memref<128x64xf32, #tpu.memory_space<vmem>>)
    "tpu.region"() ({
      %run_scoped3A = tpu.sem_alloc : memref<!tpu.dma_semaphore, #tpu.memory_space<semaphore_mem>>
      %dma_start3A_129 = arith.constant 0 : i32
      %dma_start3A_130 = tpu.memref_slice %arg4[%mul3A_2, %dma_start3A_129] : memref<32768x64xf32, #tpu.memory_space<hbm>> -> memref<1024x64xf32, #tpu.memory_space<hbm>>
      %dma_start3A_131 = arith.constant 0 : i32
      %dma_start3A_132 = tpu.memref_slice %arg4[%mul3A_2, %dma_start3A_131] : memref<32768x64xf32, #tpu.memory_space<hbm>> -> memref<1024x64xf32, #tpu.memory_space<hbm>>
      tpu.enqueue_dma source(%arg6 : memref<1024x64xf32, #tpu.memory_space<vmem>>) target(%dma_start3A_132 : memref<1024x64xf32, #tpu.memory_space<hbm>>) target_semaphore(%run_scoped3A : memref<!tpu.dma_semaphore, #tpu.memory_space<semaphore_mem>>)
      %dma_wait3A_133 = arith.constant 0 : i32
      %dma_wait3A_134 = tpu.memref_slice %arg4[%mul3A_2, %dma_wait3A_133] : memref<32768x64xf32, #tpu.memory_space<hbm>> -> memref<1024x64xf32, #tpu.memory_space<hbm>>
      %dma_wait3A_135 = arith.constant 0 : i32
      %dma_wait3A_136 = tpu.memref_slice %arg4[%mul3A_2, %dma_wait3A_135] : memref<32768x64xf32, #tpu.memory_space<hbm>> -> memref<1024x64xf32, #tpu.memory_space<hbm>>
      tpu.wait_dma2 semaphore(%run_scoped3A : memref<!tpu.dma_semaphore, #tpu.memory_space<semaphore_mem>>) src(%arg6 : memref<1024x64xf32, #tpu.memory_space<vmem>>) dst(%dma_wait3A_136 : memref<1024x64xf32, #tpu.memory_space<hbm>>)
      tpu.yield
    }) : () -> ()
    return
  }
}

#map = affine_map<(d0, d1) -> (0, 0, 0)>
#map1 = affine_map<(d0, d1) -> (0, 0)>
module attributes {stable_mosaic.version = 14 : i64} {
  func.func @k(%arg0: i32, %arg1: i32, %arg2: memref<256x128x64xf32, #tpu.memory_space<hbm>>, %arg3: memref<256x128xi32, #tpu.memory_space<hbm>>, %arg4: memref<5376x64xf32, #tpu.memory_space<hbm>>, %arg5: memref<5376x64xf32, #tpu.memory_space<hbm>>, %arg6: memref<2x5376x64xf32, #tpu.memory_space<hbm>>, %arg7: memref<8x128xi32, #tpu.memory_space<vmem>>, %arg8: memref<8x128x64xf32, #tpu.memory_space<vmem>>, %arg9: memref<5376x64xf32, #tpu.memory_space<vmem_shared>>) attributes {dimension_semantics = [#tpu.dimension_semantics<core_parallel>, #tpu.dimension_semantics<subcore_parallel>], iteration_bounds = array<i64: 2, 16>, scalar_prefetch = 0 : i64, scratch_operands = 3 : i64, tpu.core_type = #tpu.core_type<sc_vector_subcore>, window_params = [{transform_indices = #map}, {transform_indices = #map1}, {transform_indices = #map1}, {transform_indices = #map1}, {transform_indices = #map}]} {
    %mul3A = arith.constant 2 : i32
    %mul3A_0 = arith.muli %arg1, %mul3A : i32
    %add3A = arith.addi %mul3A_0, %arg0 : i32
    %mul3A_1 = arith.constant 336 : i32
    %mul3A_2 = arith.muli %arg1, %mul3A_1 : i32
    %eq3A = arith.constant 0 : i32
    %eq3A_3 = arith.cmpi eq, %arg0, %eq3A : i32
    %convert_element_type3A = arith.extui %eq3A_3 : i1 to i32
    %cond3A = arith.constant 0 : i32
    %cond3A_4 = arith.cmpi ne, %convert_element_type3A, %cond3A : i32
    scf.if %cond3A_4 {
      "tpu.region"() ({
        %run_scoped3A_30 = tpu.sem_alloc : memref<!tpu.dma_semaphore, #tpu.memory_space<semaphore_mem>>
        %dma_start3A = arith.constant 0 : i32
        %dma_start3A_31 = tpu.memref_slice %arg9[%mul3A_2, %dma_start3A] : memref<5376x64xf32, #tpu.memory_space<vmem_shared>> -> memref<336x64xf32, #tpu.memory_space<vmem_shared>>
        %dma_start3A_32 = arith.constant 0 : i32
        %dma_start3A_33 = tpu.memref_slice %arg4[%mul3A_2, %dma_start3A_32] : memref<5376x64xf32, #tpu.memory_space<hbm>> -> memref<336x64xf32, #tpu.memory_space<hbm>>
        tpu.enqueue_dma source(%dma_start3A_33 : memref<336x64xf32, #tpu.memory_space<hbm>>) target(%dma_start3A_31 : memref<336x64xf32, #tpu.memory_space<vmem_shared>>) target_semaphore(%run_scoped3A_30 : memref<!tpu.dma_semaphore, #tpu.memory_space<semaphore_mem>>)
        %dma_wait3A = arith.constant 0 : i32
        %dma_wait3A_34 = tpu.memref_slice %arg9[%mul3A_2, %dma_wait3A] : memref<5376x64xf32, #tpu.memory_space<vmem_shared>> -> memref<336x64xf32, #tpu.memory_space<vmem_shared>>
        %dma_wait3A_35 = arith.constant 0 : i32
        %dma_wait3A_36 = tpu.memref_slice %arg4[%mul3A_2, %dma_wait3A_35] : memref<5376x64xf32, #tpu.memory_space<hbm>> -> memref<336x64xf32, #tpu.memory_space<hbm>>
        tpu.wait_dma2 semaphore(%run_scoped3A_30 : memref<!tpu.dma_semaphore, #tpu.memory_space<semaphore_mem>>) src(%dma_wait3A_36 : memref<336x64xf32, #tpu.memory_space<hbm>>) dst(%dma_wait3A_34 : memref<336x64xf32, #tpu.memory_space<vmem_shared>>)
        tpu.yield
      }) : () -> ()
    } else {
    }
    %eq3A_5 = arith.constant 1 : i32
    %eq3A_6 = arith.cmpi eq, %arg0, %eq3A_5 : i32
    %convert_element_type3A_7 = arith.extui %eq3A_6 : i1 to i32
    %cond3A_8 = arith.constant 0 : i32
    %cond3A_9 = arith.cmpi ne, %convert_element_type3A_7, %cond3A_8 : i32
    scf.if %cond3A_9 {
      "tpu.region"() ({
        %run_scoped3A_30 = tpu.sem_alloc : memref<!tpu.dma_semaphore, #tpu.memory_space<semaphore_mem>>
        %dma_start3A = arith.constant 0 : i32
        %dma_start3A_31 = tpu.memref_slice %arg9[%mul3A_2, %dma_start3A] : memref<5376x64xf32, #tpu.memory_space<vmem_shared>> -> memref<336x64xf32, #tpu.memory_space<vmem_shared>>
        %dma_start3A_32 = arith.constant 0 : i32
        %dma_start3A_33 = tpu.memref_slice %arg5[%mul3A_2, %dma_start3A_32] : memref<5376x64xf32, #tpu.memory_space<hbm>> -> memref<336x64xf32, #tpu.memory_space<hbm>>
        tpu.enqueue_dma source(%dma_start3A_33 : memref<336x64xf32, #tpu.memory_space<hbm>>) target(%dma_start3A_31 : memref<336x64xf32, #tpu.memory_space<vmem_shared>>) target_semaphore(%run_scoped3A_30 : memref<!tpu.dma_semaphore, #tpu.memory_space<semaphore_mem>>)
        %dma_wait3A = arith.constant 0 : i32
        %dma_wait3A_34 = tpu.memref_slice %arg9[%mul3A_2, %dma_wait3A] : memref<5376x64xf32, #tpu.memory_space<vmem_shared>> -> memref<336x64xf32, #tpu.memory_space<vmem_shared>>
        %dma_wait3A_35 = arith.constant 0 : i32
        %dma_wait3A_36 = tpu.memref_slice %arg5[%mul3A_2, %dma_wait3A_35] : memref<5376x64xf32, #tpu.memory_space<hbm>> -> memref<336x64xf32, #tpu.memory_space<hbm>>
        tpu.wait_dma2 semaphore(%run_scoped3A_30 : memref<!tpu.dma_semaphore, #tpu.memory_space<semaphore_mem>>) src(%dma_wait3A_36 : memref<336x64xf32, #tpu.memory_space<hbm>>) dst(%dma_wait3A_34 : memref<336x64xf32, #tpu.memory_space<vmem_shared>>)
        tpu.yield
      }) : () -> ()
    } else {
    }
    %mul3A_10 = arith.constant 8 : i32
    %mul3A_11 = arith.muli %add3A, %mul3A_10 : i32
    "tpu.region"() ({
      %run_scoped3A_30 = tpu.sem_alloc : memref<!tpu.dma_semaphore, #tpu.memory_space<semaphore_mem>>
      %dma_start3A = arith.constant 0 : i32
      %dma_start3A_31 = tpu.memref_slice %arg3[%mul3A_11, %dma_start3A] : memref<256x128xi32, #tpu.memory_space<hbm>> -> memref<8x128xi32, #tpu.memory_space<hbm>>
      %dma_start3A_32 = arith.constant 0 : i32
      %dma_start3A_33 = tpu.memref_slice %arg3[%mul3A_11, %dma_start3A_32] : memref<256x128xi32, #tpu.memory_space<hbm>> -> memref<8x128xi32, #tpu.memory_space<hbm>>
      tpu.enqueue_dma source(%dma_start3A_33 : memref<8x128xi32, #tpu.memory_space<hbm>>) target(%arg7 : memref<8x128xi32, #tpu.memory_space<vmem>>) target_semaphore(%run_scoped3A_30 : memref<!tpu.dma_semaphore, #tpu.memory_space<semaphore_mem>>)
      %dma_wait3A = arith.constant 0 : i32
      %dma_wait3A_34 = tpu.memref_slice %arg3[%mul3A_11, %dma_wait3A] : memref<256x128xi32, #tpu.memory_space<hbm>> -> memref<8x128xi32, #tpu.memory_space<hbm>>
      %dma_wait3A_35 = arith.constant 0 : i32
      %dma_wait3A_36 = tpu.memref_slice %arg3[%mul3A_11, %dma_wait3A_35] : memref<256x128xi32, #tpu.memory_space<hbm>> -> memref<8x128xi32, #tpu.memory_space<hbm>>
      tpu.wait_dma2 semaphore(%run_scoped3A_30 : memref<!tpu.dma_semaphore, #tpu.memory_space<semaphore_mem>>) src(%dma_wait3A_36 : memref<8x128xi32, #tpu.memory_space<hbm>>) dst(%arg7 : memref<8x128xi32, #tpu.memory_space<vmem>>)
      tpu.yield
    }) : () -> ()
    %mul3A_12 = arith.constant 8 : i32
    %mul3A_13 = arith.muli %add3A, %mul3A_12 : i32
    "tpu.region"() ({
      %run_scoped3A_30 = tpu.sem_alloc : memref<!tpu.dma_semaphore, #tpu.memory_space<semaphore_mem>>
      %dma_start3A = arith.constant 0 : i32
      %dma_start3A_31 = arith.constant 0 : i32
      %dma_start3A_32 = tpu.memref_slice %arg2[%mul3A_13, %dma_start3A, %dma_start3A_31] : memref<256x128x64xf32, #tpu.memory_space<hbm>> -> memref<8x128x64xf32, #tpu.memory_space<hbm>>
      %dma_start3A_33 = arith.constant 0 : i32
      %dma_start3A_34 = arith.constant 0 : i32
      %dma_start3A_35 = tpu.memref_slice %arg2[%mul3A_13, %dma_start3A_33, %dma_start3A_34] : memref<256x128x64xf32, #tpu.memory_space<hbm>> -> memref<8x128x64xf32, #tpu.memory_space<hbm>>
      tpu.enqueue_dma source(%dma_start3A_35 : memref<8x128x64xf32, #tpu.memory_space<hbm>>) target(%arg8 : memref<8x128x64xf32, #tpu.memory_space<vmem>>) target_semaphore(%run_scoped3A_30 : memref<!tpu.dma_semaphore, #tpu.memory_space<semaphore_mem>>)
      %dma_wait3A = arith.constant 0 : i32
      %dma_wait3A_36 = arith.constant 0 : i32
      %dma_wait3A_37 = tpu.memref_slice %arg2[%mul3A_13, %dma_wait3A, %dma_wait3A_36] : memref<256x128x64xf32, #tpu.memory_space<hbm>> -> memref<8x128x64xf32, #tpu.memory_space<hbm>>
      %dma_wait3A_38 = arith.constant 0 : i32
      %dma_wait3A_39 = arith.constant 0 : i32
      %dma_wait3A_40 = tpu.memref_slice %arg2[%mul3A_13, %dma_wait3A_38, %dma_wait3A_39] : memref<256x128x64xf32, #tpu.memory_space<hbm>> -> memref<8x128x64xf32, #tpu.memory_space<hbm>>
      tpu.wait_dma2 semaphore(%run_scoped3A_30 : memref<!tpu.dma_semaphore, #tpu.memory_space<semaphore_mem>>) src(%dma_wait3A_40 : memref<8x128x64xf32, #tpu.memory_space<hbm>>) dst(%arg8 : memref<8x128x64xf32, #tpu.memory_space<vmem>>)
      tpu.yield
    }) : () -> ()
    %barrier3A = arith.constant 0 : index
    tpu.barrier barrier_id(%barrier3A)
    %run_scoped3A = arith.constant 0 : i32
    %run_scoped3A_14 = arith.constant 0 : i32
    "tpu.region"() ({
      %run_scoped3A_30 = tpu.sem_alloc : memref<!tpu.dma_semaphore, #tpu.memory_space<semaphore_mem>>
      %dma_start3A = arith.constant 0 : i32
      %dma_start3A_31 = arith.constant 0 : i32
      %dma_start3A_32 = tpu.memref_slice %arg8[%run_scoped3A, %dma_start3A, %dma_start3A_31] : memref<8x128x64xf32, #tpu.memory_space<vmem>> -> memref<1x128x64xf32, #tpu.memory_space<vmem>>
      %dma_start3A_33 = tpu.memref_squeeze %dma_start3A_32 : memref<1x128x64xf32, #tpu.memory_space<vmem>> -> memref<128x64xf32, #tpu.memory_space<vmem>>
      %dma_start3A_34 = arith.constant 0 : i32
      %dma_start3A_35 = tpu.memref_slice %arg7[%run_scoped3A_14, %dma_start3A_34] : memref<8x128xi32, #tpu.memory_space<vmem>> -> memref<1x128xi32, #tpu.memory_space<vmem>>
      %dma_start3A_36 = tpu.memref_squeeze %dma_start3A_35 : memref<1x128xi32, #tpu.memory_space<vmem>> -> memref<128xi32, #tpu.memory_space<vmem>>
      %dma_start3A_37 = arith.constant 0 : i32
      %dma_start3A_38 = arith.constant 0 : i32
      %dma_start3A_39 = tpu.memref_slice %arg9[%dma_start3A_37, %dma_start3A_38] : memref<5376x64xf32, #tpu.memory_space<vmem_shared>> -> memref<5376x64xf32, #tpu.memory_space<vmem_shared>>
      tpu.enqueue_indirect_dma source(%dma_start3A_33 : memref<128x64xf32, #tpu.memory_space<vmem>>) target(%dma_start3A_39 : memref<5376x64xf32, #tpu.memory_space<vmem_shared>>) offsets(%dma_start3A_36 : memref<128xi32, #tpu.memory_space<vmem>>) semaphore(%run_scoped3A_30 : memref<!tpu.dma_semaphore, #tpu.memory_space<semaphore_mem>>) {add = true}
      %dma_wait3A = arith.constant 0 : i32
      %dma_wait3A_40 = arith.constant 0 : i32
      %dma_wait3A_41 = tpu.memref_slice %arg8[%run_scoped3A, %dma_wait3A, %dma_wait3A_40] : memref<8x128x64xf32, #tpu.memory_space<vmem>> -> memref<1x128x64xf32, #tpu.memory_space<vmem>>
      %dma_wait3A_42 = tpu.memref_squeeze %dma_wait3A_41 : memref<1x128x64xf32, #tpu.memory_space<vmem>> -> memref<128x64xf32, #tpu.memory_space<vmem>>
      %dma_wait3A_43 = arith.constant 0 : i32
      %dma_wait3A_44 = tpu.memref_slice %arg7[%run_scoped3A_14, %dma_wait3A_43] : memref<8x128xi32, #tpu.memory_space<vmem>> -> memref<1x128xi32, #tpu.memory_space<vmem>>
      %dma_wait3A_45 = tpu.memref_squeeze %dma_wait3A_44 : memref<1x128xi32, #tpu.memory_space<vmem>> -> memref<128xi32, #tpu.memory_space<vmem>>
      %dma_wait3A_46 = arith.constant 0 : i32
      %dma_wait3A_47 = arith.constant 0 : i32
      %dma_wait3A_48 = tpu.memref_slice %arg9[%dma_wait3A_46, %dma_wait3A_47] : memref<5376x64xf32, #tpu.memory_space<vmem_shared>> -> memref<5376x64xf32, #tpu.memory_space<vmem_shared>>
      tpu.wait_indirect_dma semaphore(%run_scoped3A_30 : memref<!tpu.dma_semaphore, #tpu.memory_space<semaphore_mem>>) src(%dma_wait3A_42 : memref<128x64xf32, #tpu.memory_space<vmem>>) dst(%dma_wait3A_48 : memref<5376x64xf32, #tpu.memory_space<vmem_shared>>)
      tpu.yield
    }) : () -> ()
    %run_scoped3A_15 = arith.constant 1 : i32
    %run_scoped3A_16 = arith.constant 1 : i32
    "tpu.region"() ({
      %run_scoped3A_30 = tpu.sem_alloc : memref<!tpu.dma_semaphore, #tpu.memory_space<semaphore_mem>>
      %dma_start3A = arith.constant 0 : i32
      %dma_start3A_31 = arith.constant 0 : i32
      %dma_start3A_32 = tpu.memref_slice %arg8[%run_scoped3A_15, %dma_start3A, %dma_start3A_31] : memref<8x128x64xf32, #tpu.memory_space<vmem>> -> memref<1x128x64xf32, #tpu.memory_space<vmem>>
      %dma_start3A_33 = tpu.memref_squeeze %dma_start3A_32 : memref<1x128x64xf32, #tpu.memory_space<vmem>> -> memref<128x64xf32, #tpu.memory_space<vmem>>
      %dma_start3A_34 = arith.constant 0 : i32
      %dma_start3A_35 = tpu.memref_slice %arg7[%run_scoped3A_16, %dma_start3A_34] : memref<8x128xi32, #tpu.memory_space<vmem>> -> memref<1x128xi32, #tpu.memory_space<vmem>>
      %dma_start3A_36 = tpu.memref_squeeze %dma_start3A_35 : memref<1x128xi32, #tpu.memory_space<vmem>> -> memref<128xi32, #tpu.memory_space<vmem>>
      %dma_start3A_37 = arith.constant 0 : i32
      %dma_start3A_38 = arith.constant 0 : i32
      %dma_start3A_39 = tpu.memref_slice %arg9[%dma_start3A_37, %dma_start3A_38] : memref<5376x64xf32, #tpu.memory_space<vmem_shared>> -> memref<5376x64xf32, #tpu.memory_space<vmem_shared>>
      tpu.enqueue_indirect_dma source(%dma_start3A_33 : memref<128x64xf32, #tpu.memory_space<vmem>>) target(%dma_start3A_39 : memref<5376x64xf32, #tpu.memory_space<vmem_shared>>) offsets(%dma_start3A_36 : memref<128xi32, #tpu.memory_space<vmem>>) semaphore(%run_scoped3A_30 : memref<!tpu.dma_semaphore, #tpu.memory_space<semaphore_mem>>) {add = true}
      %dma_wait3A = arith.constant 0 : i32
      %dma_wait3A_40 = arith.constant 0 : i32
      %dma_wait3A_41 = tpu.memref_slice %arg8[%run_scoped3A_15, %dma_wait3A, %dma_wait3A_40] : memref<8x128x64xf32, #tpu.memory_space<vmem>> -> memref<1x128x64xf32, #tpu.memory_space<vmem>>
      %dma_wait3A_42 = tpu.memref_squeeze %dma_wait3A_41 : memref<1x128x64xf32, #tpu.memory_space<vmem>> -> memref<128x64xf32, #tpu.memory_space<vmem>>
      %dma_wait3A_43 = arith.constant 0 : i32
      %dma_wait3A_44 = tpu.memref_slice %arg7[%run_scoped3A_16, %dma_wait3A_43] : memref<8x128xi32, #tpu.memory_space<vmem>> -> memref<1x128xi32, #tpu.memory_space<vmem>>
      %dma_wait3A_45 = tpu.memref_squeeze %dma_wait3A_44 : memref<1x128xi32, #tpu.memory_space<vmem>> -> memref<128xi32, #tpu.memory_space<vmem>>
      %dma_wait3A_46 = arith.constant 0 : i32
      %dma_wait3A_47 = arith.constant 0 : i32
      %dma_wait3A_48 = tpu.memref_slice %arg9[%dma_wait3A_46, %dma_wait3A_47] : memref<5376x64xf32, #tpu.memory_space<vmem_shared>> -> memref<5376x64xf32, #tpu.memory_space<vmem_shared>>
      tpu.wait_indirect_dma semaphore(%run_scoped3A_30 : memref<!tpu.dma_semaphore, #tpu.memory_space<semaphore_mem>>) src(%dma_wait3A_42 : memref<128x64xf32, #tpu.memory_space<vmem>>) dst(%dma_wait3A_48 : memref<5376x64xf32, #tpu.memory_space<vmem_shared>>)
      tpu.yield
    }) : () -> ()
    %run_scoped3A_17 = arith.constant 2 : i32
    %run_scoped3A_18 = arith.constant 2 : i32
    "tpu.region"() ({
      %run_scoped3A_30 = tpu.sem_alloc : memref<!tpu.dma_semaphore, #tpu.memory_space<semaphore_mem>>
      %dma_start3A = arith.constant 0 : i32
      %dma_start3A_31 = arith.constant 0 : i32
      %dma_start3A_32 = tpu.memref_slice %arg8[%run_scoped3A_17, %dma_start3A, %dma_start3A_31] : memref<8x128x64xf32, #tpu.memory_space<vmem>> -> memref<1x128x64xf32, #tpu.memory_space<vmem>>
      %dma_start3A_33 = tpu.memref_squeeze %dma_start3A_32 : memref<1x128x64xf32, #tpu.memory_space<vmem>> -> memref<128x64xf32, #tpu.memory_space<vmem>>
      %dma_start3A_34 = arith.constant 0 : i32
      %dma_start3A_35 = tpu.memref_slice %arg7[%run_scoped3A_18, %dma_start3A_34] : memref<8x128xi32, #tpu.memory_space<vmem>> -> memref<1x128xi32, #tpu.memory_space<vmem>>
      %dma_start3A_36 = tpu.memref_squeeze %dma_start3A_35 : memref<1x128xi32, #tpu.memory_space<vmem>> -> memref<128xi32, #tpu.memory_space<vmem>>
      %dma_start3A_37 = arith.constant 0 : i32
      %dma_start3A_38 = arith.constant 0 : i32
      %dma_start3A_39 = tpu.memref_slice %arg9[%dma_start3A_37, %dma_start3A_38] : memref<5376x64xf32, #tpu.memory_space<vmem_shared>> -> memref<5376x64xf32, #tpu.memory_space<vmem_shared>>
      tpu.enqueue_indirect_dma source(%dma_start3A_33 : memref<128x64xf32, #tpu.memory_space<vmem>>) target(%dma_start3A_39 : memref<5376x64xf32, #tpu.memory_space<vmem_shared>>) offsets(%dma_start3A_36 : memref<128xi32, #tpu.memory_space<vmem>>) semaphore(%run_scoped3A_30 : memref<!tpu.dma_semaphore, #tpu.memory_space<semaphore_mem>>) {add = true}
      %dma_wait3A = arith.constant 0 : i32
      %dma_wait3A_40 = arith.constant 0 : i32
      %dma_wait3A_41 = tpu.memref_slice %arg8[%run_scoped3A_17, %dma_wait3A, %dma_wait3A_40] : memref<8x128x64xf32, #tpu.memory_space<vmem>> -> memref<1x128x64xf32, #tpu.memory_space<vmem>>
      %dma_wait3A_42 = tpu.memref_squeeze %dma_wait3A_41 : memref<1x128x64xf32, #tpu.memory_space<vmem>> -> memref<128x64xf32, #tpu.memory_space<vmem>>
      %dma_wait3A_43 = arith.constant 0 : i32
      %dma_wait3A_44 = tpu.memref_slice %arg7[%run_scoped3A_18, %dma_wait3A_43] : memref<8x128xi32, #tpu.memory_space<vmem>> -> memref<1x128xi32, #tpu.memory_space<vmem>>
      %dma_wait3A_45 = tpu.memref_squeeze %dma_wait3A_44 : memref<1x128xi32, #tpu.memory_space<vmem>> -> memref<128xi32, #tpu.memory_space<vmem>>
      %dma_wait3A_46 = arith.constant 0 : i32
      %dma_wait3A_47 = arith.constant 0 : i32
      %dma_wait3A_48 = tpu.memref_slice %arg9[%dma_wait3A_46, %dma_wait3A_47] : memref<5376x64xf32, #tpu.memory_space<vmem_shared>> -> memref<5376x64xf32, #tpu.memory_space<vmem_shared>>
      tpu.wait_indirect_dma semaphore(%run_scoped3A_30 : memref<!tpu.dma_semaphore, #tpu.memory_space<semaphore_mem>>) src(%dma_wait3A_42 : memref<128x64xf32, #tpu.memory_space<vmem>>) dst(%dma_wait3A_48 : memref<5376x64xf32, #tpu.memory_space<vmem_shared>>)
      tpu.yield
    }) : () -> ()
    %run_scoped3A_19 = arith.constant 3 : i32
    %run_scoped3A_20 = arith.constant 3 : i32
    "tpu.region"() ({
      %run_scoped3A_30 = tpu.sem_alloc : memref<!tpu.dma_semaphore, #tpu.memory_space<semaphore_mem>>
      %dma_start3A = arith.constant 0 : i32
      %dma_start3A_31 = arith.constant 0 : i32
      %dma_start3A_32 = tpu.memref_slice %arg8[%run_scoped3A_19, %dma_start3A, %dma_start3A_31] : memref<8x128x64xf32, #tpu.memory_space<vmem>> -> memref<1x128x64xf32, #tpu.memory_space<vmem>>
      %dma_start3A_33 = tpu.memref_squeeze %dma_start3A_32 : memref<1x128x64xf32, #tpu.memory_space<vmem>> -> memref<128x64xf32, #tpu.memory_space<vmem>>
      %dma_start3A_34 = arith.constant 0 : i32
      %dma_start3A_35 = tpu.memref_slice %arg7[%run_scoped3A_20, %dma_start3A_34] : memref<8x128xi32, #tpu.memory_space<vmem>> -> memref<1x128xi32, #tpu.memory_space<vmem>>
      %dma_start3A_36 = tpu.memref_squeeze %dma_start3A_35 : memref<1x128xi32, #tpu.memory_space<vmem>> -> memref<128xi32, #tpu.memory_space<vmem>>
      %dma_start3A_37 = arith.constant 0 : i32
      %dma_start3A_38 = arith.constant 0 : i32
      %dma_start3A_39 = tpu.memref_slice %arg9[%dma_start3A_37, %dma_start3A_38] : memref<5376x64xf32, #tpu.memory_space<vmem_shared>> -> memref<5376x64xf32, #tpu.memory_space<vmem_shared>>
      tpu.enqueue_indirect_dma source(%dma_start3A_33 : memref<128x64xf32, #tpu.memory_space<vmem>>) target(%dma_start3A_39 : memref<5376x64xf32, #tpu.memory_space<vmem_shared>>) offsets(%dma_start3A_36 : memref<128xi32, #tpu.memory_space<vmem>>) semaphore(%run_scoped3A_30 : memref<!tpu.dma_semaphore, #tpu.memory_space<semaphore_mem>>) {add = true}
      %dma_wait3A = arith.constant 0 : i32
      %dma_wait3A_40 = arith.constant 0 : i32
      %dma_wait3A_41 = tpu.memref_slice %arg8[%run_scoped3A_19, %dma_wait3A, %dma_wait3A_40] : memref<8x128x64xf32, #tpu.memory_space<vmem>> -> memref<1x128x64xf32, #tpu.memory_space<vmem>>
      %dma_wait3A_42 = tpu.memref_squeeze %dma_wait3A_41 : memref<1x128x64xf32, #tpu.memory_space<vmem>> -> memref<128x64xf32, #tpu.memory_space<vmem>>
      %dma_wait3A_43 = arith.constant 0 : i32
      %dma_wait3A_44 = tpu.memref_slice %arg7[%run_scoped3A_20, %dma_wait3A_43] : memref<8x128xi32, #tpu.memory_space<vmem>> -> memref<1x128xi32, #tpu.memory_space<vmem>>
      %dma_wait3A_45 = tpu.memref_squeeze %dma_wait3A_44 : memref<1x128xi32, #tpu.memory_space<vmem>> -> memref<128xi32, #tpu.memory_space<vmem>>
      %dma_wait3A_46 = arith.constant 0 : i32
      %dma_wait3A_47 = arith.constant 0 : i32
      %dma_wait3A_48 = tpu.memref_slice %arg9[%dma_wait3A_46, %dma_wait3A_47] : memref<5376x64xf32, #tpu.memory_space<vmem_shared>> -> memref<5376x64xf32, #tpu.memory_space<vmem_shared>>
      tpu.wait_indirect_dma semaphore(%run_scoped3A_30 : memref<!tpu.dma_semaphore, #tpu.memory_space<semaphore_mem>>) src(%dma_wait3A_42 : memref<128x64xf32, #tpu.memory_space<vmem>>) dst(%dma_wait3A_48 : memref<5376x64xf32, #tpu.memory_space<vmem_shared>>)
      tpu.yield
    }) : () -> ()
    %run_scoped3A_21 = arith.constant 4 : i32
    %run_scoped3A_22 = arith.constant 4 : i32
    "tpu.region"() ({
      %run_scoped3A_30 = tpu.sem_alloc : memref<!tpu.dma_semaphore, #tpu.memory_space<semaphore_mem>>
      %dma_start3A = arith.constant 0 : i32
      %dma_start3A_31 = arith.constant 0 : i32
      %dma_start3A_32 = tpu.memref_slice %arg8[%run_scoped3A_21, %dma_start3A, %dma_start3A_31] : memref<8x128x64xf32, #tpu.memory_space<vmem>> -> memref<1x128x64xf32, #tpu.memory_space<vmem>>
      %dma_start3A_33 = tpu.memref_squeeze %dma_start3A_32 : memref<1x128x64xf32, #tpu.memory_space<vmem>> -> memref<128x64xf32, #tpu.memory_space<vmem>>
      %dma_start3A_34 = arith.constant 0 : i32
      %dma_start3A_35 = tpu.memref_slice %arg7[%run_scoped3A_22, %dma_start3A_34] : memref<8x128xi32, #tpu.memory_space<vmem>> -> memref<1x128xi32, #tpu.memory_space<vmem>>
      %dma_start3A_36 = tpu.memref_squeeze %dma_start3A_35 : memref<1x128xi32, #tpu.memory_space<vmem>> -> memref<128xi32, #tpu.memory_space<vmem>>
      %dma_start3A_37 = arith.constant 0 : i32
      %dma_start3A_38 = arith.constant 0 : i32
      %dma_start3A_39 = tpu.memref_slice %arg9[%dma_start3A_37, %dma_start3A_38] : memref<5376x64xf32, #tpu.memory_space<vmem_shared>> -> memref<5376x64xf32, #tpu.memory_space<vmem_shared>>
      tpu.enqueue_indirect_dma source(%dma_start3A_33 : memref<128x64xf32, #tpu.memory_space<vmem>>) target(%dma_start3A_39 : memref<5376x64xf32, #tpu.memory_space<vmem_shared>>) offsets(%dma_start3A_36 : memref<128xi32, #tpu.memory_space<vmem>>) semaphore(%run_scoped3A_30 : memref<!tpu.dma_semaphore, #tpu.memory_space<semaphore_mem>>) {add = true}
      %dma_wait3A = arith.constant 0 : i32
      %dma_wait3A_40 = arith.constant 0 : i32
      %dma_wait3A_41 = tpu.memref_slice %arg8[%run_scoped3A_21, %dma_wait3A, %dma_wait3A_40] : memref<8x128x64xf32, #tpu.memory_space<vmem>> -> memref<1x128x64xf32, #tpu.memory_space<vmem>>
      %dma_wait3A_42 = tpu.memref_squeeze %dma_wait3A_41 : memref<1x128x64xf32, #tpu.memory_space<vmem>> -> memref<128x64xf32, #tpu.memory_space<vmem>>
      %dma_wait3A_43 = arith.constant 0 : i32
      %dma_wait3A_44 = tpu.memref_slice %arg7[%run_scoped3A_22, %dma_wait3A_43] : memref<8x128xi32, #tpu.memory_space<vmem>> -> memref<1x128xi32, #tpu.memory_space<vmem>>
      %dma_wait3A_45 = tpu.memref_squeeze %dma_wait3A_44 : memref<1x128xi32, #tpu.memory_space<vmem>> -> memref<128xi32, #tpu.memory_space<vmem>>
      %dma_wait3A_46 = arith.constant 0 : i32
      %dma_wait3A_47 = arith.constant 0 : i32
      %dma_wait3A_48 = tpu.memref_slice %arg9[%dma_wait3A_46, %dma_wait3A_47] : memref<5376x64xf32, #tpu.memory_space<vmem_shared>> -> memref<5376x64xf32, #tpu.memory_space<vmem_shared>>
      tpu.wait_indirect_dma semaphore(%run_scoped3A_30 : memref<!tpu.dma_semaphore, #tpu.memory_space<semaphore_mem>>) src(%dma_wait3A_42 : memref<128x64xf32, #tpu.memory_space<vmem>>) dst(%dma_wait3A_48 : memref<5376x64xf32, #tpu.memory_space<vmem_shared>>)
      tpu.yield
    }) : () -> ()
    %run_scoped3A_23 = arith.constant 5 : i32
    %run_scoped3A_24 = arith.constant 5 : i32
    "tpu.region"() ({
      %run_scoped3A_30 = tpu.sem_alloc : memref<!tpu.dma_semaphore, #tpu.memory_space<semaphore_mem>>
      %dma_start3A = arith.constant 0 : i32
      %dma_start3A_31 = arith.constant 0 : i32
      %dma_start3A_32 = tpu.memref_slice %arg8[%run_scoped3A_23, %dma_start3A, %dma_start3A_31] : memref<8x128x64xf32, #tpu.memory_space<vmem>> -> memref<1x128x64xf32, #tpu.memory_space<vmem>>
      %dma_start3A_33 = tpu.memref_squeeze %dma_start3A_32 : memref<1x128x64xf32, #tpu.memory_space<vmem>> -> memref<128x64xf32, #tpu.memory_space<vmem>>
      %dma_start3A_34 = arith.constant 0 : i32
      %dma_start3A_35 = tpu.memref_slice %arg7[%run_scoped3A_24, %dma_start3A_34] : memref<8x128xi32, #tpu.memory_space<vmem>> -> memref<1x128xi32, #tpu.memory_space<vmem>>
      %dma_start3A_36 = tpu.memref_squeeze %dma_start3A_35 : memref<1x128xi32, #tpu.memory_space<vmem>> -> memref<128xi32, #tpu.memory_space<vmem>>
      %dma_start3A_37 = arith.constant 0 : i32
      %dma_start3A_38 = arith.constant 0 : i32
      %dma_start3A_39 = tpu.memref_slice %arg9[%dma_start3A_37, %dma_start3A_38] : memref<5376x64xf32, #tpu.memory_space<vmem_shared>> -> memref<5376x64xf32, #tpu.memory_space<vmem_shared>>
      tpu.enqueue_indirect_dma source(%dma_start3A_33 : memref<128x64xf32, #tpu.memory_space<vmem>>) target(%dma_start3A_39 : memref<5376x64xf32, #tpu.memory_space<vmem_shared>>) offsets(%dma_start3A_36 : memref<128xi32, #tpu.memory_space<vmem>>) semaphore(%run_scoped3A_30 : memref<!tpu.dma_semaphore, #tpu.memory_space<semaphore_mem>>) {add = true}
      %dma_wait3A = arith.constant 0 : i32
      %dma_wait3A_40 = arith.constant 0 : i32
      %dma_wait3A_41 = tpu.memref_slice %arg8[%run_scoped3A_23, %dma_wait3A, %dma_wait3A_40] : memref<8x128x64xf32, #tpu.memory_space<vmem>> -> memref<1x128x64xf32, #tpu.memory_space<vmem>>
      %dma_wait3A_42 = tpu.memref_squeeze %dma_wait3A_41 : memref<1x128x64xf32, #tpu.memory_space<vmem>> -> memref<128x64xf32, #tpu.memory_space<vmem>>
      %dma_wait3A_43 = arith.constant 0 : i32
      %dma_wait3A_44 = tpu.memref_slice %arg7[%run_scoped3A_24, %dma_wait3A_43] : memref<8x128xi32, #tpu.memory_space<vmem>> -> memref<1x128xi32, #tpu.memory_space<vmem>>
      %dma_wait3A_45 = tpu.memref_squeeze %dma_wait3A_44 : memref<1x128xi32, #tpu.memory_space<vmem>> -> memref<128xi32, #tpu.memory_space<vmem>>
      %dma_wait3A_46 = arith.constant 0 : i32
      %dma_wait3A_47 = arith.constant 0 : i32
      %dma_wait3A_48 = tpu.memref_slice %arg9[%dma_wait3A_46, %dma_wait3A_47] : memref<5376x64xf32, #tpu.memory_space<vmem_shared>> -> memref<5376x64xf32, #tpu.memory_space<vmem_shared>>
      tpu.wait_indirect_dma semaphore(%run_scoped3A_30 : memref<!tpu.dma_semaphore, #tpu.memory_space<semaphore_mem>>) src(%dma_wait3A_42 : memref<128x64xf32, #tpu.memory_space<vmem>>) dst(%dma_wait3A_48 : memref<5376x64xf32, #tpu.memory_space<vmem_shared>>)
      tpu.yield
    }) : () -> ()
    %run_scoped3A_25 = arith.constant 6 : i32
    %run_scoped3A_26 = arith.constant 6 : i32
    "tpu.region"() ({
      %run_scoped3A_30 = tpu.sem_alloc : memref<!tpu.dma_semaphore, #tpu.memory_space<semaphore_mem>>
      %dma_start3A = arith.constant 0 : i32
      %dma_start3A_31 = arith.constant 0 : i32
      %dma_start3A_32 = tpu.memref_slice %arg8[%run_scoped3A_25, %dma_start3A, %dma_start3A_31] : memref<8x128x64xf32, #tpu.memory_space<vmem>> -> memref<1x128x64xf32, #tpu.memory_space<vmem>>
      %dma_start3A_33 = tpu.memref_squeeze %dma_start3A_32 : memref<1x128x64xf32, #tpu.memory_space<vmem>> -> memref<128x64xf32, #tpu.memory_space<vmem>>
      %dma_start3A_34 = arith.constant 0 : i32
      %dma_start3A_35 = tpu.memref_slice %arg7[%run_scoped3A_26, %dma_start3A_34] : memref<8x128xi32, #tpu.memory_space<vmem>> -> memref<1x128xi32, #tpu.memory_space<vmem>>
      %dma_start3A_36 = tpu.memref_squeeze %dma_start3A_35 : memref<1x128xi32, #tpu.memory_space<vmem>> -> memref<128xi32, #tpu.memory_space<vmem>>
      %dma_start3A_37 = arith.constant 0 : i32
      %dma_start3A_38 = arith.constant 0 : i32
      %dma_start3A_39 = tpu.memref_slice %arg9[%dma_start3A_37, %dma_start3A_38] : memref<5376x64xf32, #tpu.memory_space<vmem_shared>> -> memref<5376x64xf32, #tpu.memory_space<vmem_shared>>
      tpu.enqueue_indirect_dma source(%dma_start3A_33 : memref<128x64xf32, #tpu.memory_space<vmem>>) target(%dma_start3A_39 : memref<5376x64xf32, #tpu.memory_space<vmem_shared>>) offsets(%dma_start3A_36 : memref<128xi32, #tpu.memory_space<vmem>>) semaphore(%run_scoped3A_30 : memref<!tpu.dma_semaphore, #tpu.memory_space<semaphore_mem>>) {add = true}
      %dma_wait3A = arith.constant 0 : i32
      %dma_wait3A_40 = arith.constant 0 : i32
      %dma_wait3A_41 = tpu.memref_slice %arg8[%run_scoped3A_25, %dma_wait3A, %dma_wait3A_40] : memref<8x128x64xf32, #tpu.memory_space<vmem>> -> memref<1x128x64xf32, #tpu.memory_space<vmem>>
      %dma_wait3A_42 = tpu.memref_squeeze %dma_wait3A_41 : memref<1x128x64xf32, #tpu.memory_space<vmem>> -> memref<128x64xf32, #tpu.memory_space<vmem>>
      %dma_wait3A_43 = arith.constant 0 : i32
      %dma_wait3A_44 = tpu.memref_slice %arg7[%run_scoped3A_26, %dma_wait3A_43] : memref<8x128xi32, #tpu.memory_space<vmem>> -> memref<1x128xi32, #tpu.memory_space<vmem>>
      %dma_wait3A_45 = tpu.memref_squeeze %dma_wait3A_44 : memref<1x128xi32, #tpu.memory_space<vmem>> -> memref<128xi32, #tpu.memory_space<vmem>>
      %dma_wait3A_46 = arith.constant 0 : i32
      %dma_wait3A_47 = arith.constant 0 : i32
      %dma_wait3A_48 = tpu.memref_slice %arg9[%dma_wait3A_46, %dma_wait3A_47] : memref<5376x64xf32, #tpu.memory_space<vmem_shared>> -> memref<5376x64xf32, #tpu.memory_space<vmem_shared>>
      tpu.wait_indirect_dma semaphore(%run_scoped3A_30 : memref<!tpu.dma_semaphore, #tpu.memory_space<semaphore_mem>>) src(%dma_wait3A_42 : memref<128x64xf32, #tpu.memory_space<vmem>>) dst(%dma_wait3A_48 : memref<5376x64xf32, #tpu.memory_space<vmem_shared>>)
      tpu.yield
    }) : () -> ()
    %run_scoped3A_27 = arith.constant 7 : i32
    %run_scoped3A_28 = arith.constant 7 : i32
    "tpu.region"() ({
      %run_scoped3A_30 = tpu.sem_alloc : memref<!tpu.dma_semaphore, #tpu.memory_space<semaphore_mem>>
      %dma_start3A = arith.constant 0 : i32
      %dma_start3A_31 = arith.constant 0 : i32
      %dma_start3A_32 = tpu.memref_slice %arg8[%run_scoped3A_27, %dma_start3A, %dma_start3A_31] : memref<8x128x64xf32, #tpu.memory_space<vmem>> -> memref<1x128x64xf32, #tpu.memory_space<vmem>>
      %dma_start3A_33 = tpu.memref_squeeze %dma_start3A_32 : memref<1x128x64xf32, #tpu.memory_space<vmem>> -> memref<128x64xf32, #tpu.memory_space<vmem>>
      %dma_start3A_34 = arith.constant 0 : i32
      %dma_start3A_35 = tpu.memref_slice %arg7[%run_scoped3A_28, %dma_start3A_34] : memref<8x128xi32, #tpu.memory_space<vmem>> -> memref<1x128xi32, #tpu.memory_space<vmem>>
      %dma_start3A_36 = tpu.memref_squeeze %dma_start3A_35 : memref<1x128xi32, #tpu.memory_space<vmem>> -> memref<128xi32, #tpu.memory_space<vmem>>
      %dma_start3A_37 = arith.constant 0 : i32
      %dma_start3A_38 = arith.constant 0 : i32
      %dma_start3A_39 = tpu.memref_slice %arg9[%dma_start3A_37, %dma_start3A_38] : memref<5376x64xf32, #tpu.memory_space<vmem_shared>> -> memref<5376x64xf32, #tpu.memory_space<vmem_shared>>
      tpu.enqueue_indirect_dma source(%dma_start3A_33 : memref<128x64xf32, #tpu.memory_space<vmem>>) target(%dma_start3A_39 : memref<5376x64xf32, #tpu.memory_space<vmem_shared>>) offsets(%dma_start3A_36 : memref<128xi32, #tpu.memory_space<vmem>>) semaphore(%run_scoped3A_30 : memref<!tpu.dma_semaphore, #tpu.memory_space<semaphore_mem>>) {add = true}
      %dma_wait3A = arith.constant 0 : i32
      %dma_wait3A_40 = arith.constant 0 : i32
      %dma_wait3A_41 = tpu.memref_slice %arg8[%run_scoped3A_27, %dma_wait3A, %dma_wait3A_40] : memref<8x128x64xf32, #tpu.memory_space<vmem>> -> memref<1x128x64xf32, #tpu.memory_space<vmem>>
      %dma_wait3A_42 = tpu.memref_squeeze %dma_wait3A_41 : memref<1x128x64xf32, #tpu.memory_space<vmem>> -> memref<128x64xf32, #tpu.memory_space<vmem>>
      %dma_wait3A_43 = arith.constant 0 : i32
      %dma_wait3A_44 = tpu.memref_slice %arg7[%run_scoped3A_28, %dma_wait3A_43] : memref<8x128xi32, #tpu.memory_space<vmem>> -> memref<1x128xi32, #tpu.memory_space<vmem>>
      %dma_wait3A_45 = tpu.memref_squeeze %dma_wait3A_44 : memref<1x128xi32, #tpu.memory_space<vmem>> -> memref<128xi32, #tpu.memory_space<vmem>>
      %dma_wait3A_46 = arith.constant 0 : i32
      %dma_wait3A_47 = arith.constant 0 : i32
      %dma_wait3A_48 = tpu.memref_slice %arg9[%dma_wait3A_46, %dma_wait3A_47] : memref<5376x64xf32, #tpu.memory_space<vmem_shared>> -> memref<5376x64xf32, #tpu.memory_space<vmem_shared>>
      tpu.wait_indirect_dma semaphore(%run_scoped3A_30 : memref<!tpu.dma_semaphore, #tpu.memory_space<semaphore_mem>>) src(%dma_wait3A_42 : memref<128x64xf32, #tpu.memory_space<vmem>>) dst(%dma_wait3A_48 : memref<5376x64xf32, #tpu.memory_space<vmem_shared>>)
      tpu.yield
    }) : () -> ()
    %barrier3A_29 = arith.constant 0 : index
    tpu.barrier barrier_id(%barrier3A_29)
    "tpu.region"() ({
      %run_scoped3A_30 = tpu.sem_alloc : memref<!tpu.dma_semaphore, #tpu.memory_space<semaphore_mem>>
      %dma_start3A = arith.constant 0 : i32
      %dma_start3A_31 = tpu.memref_slice %arg6[%arg0, %mul3A_2, %dma_start3A] : memref<2x5376x64xf32, #tpu.memory_space<hbm>> -> memref<1x336x64xf32, #tpu.memory_space<hbm>>
      %dma_start3A_32 = tpu.memref_squeeze %dma_start3A_31 : memref<1x336x64xf32, #tpu.memory_space<hbm>> -> memref<336x64xf32, #tpu.memory_space<hbm>>
      %dma_start3A_33 = arith.constant 0 : i32
      %dma_start3A_34 = tpu.memref_slice %arg9[%mul3A_2, %dma_start3A_33] : memref<5376x64xf32, #tpu.memory_space<vmem_shared>> -> memref<336x64xf32, #tpu.memory_space<vmem_shared>>
      tpu.enqueue_dma source(%dma_start3A_34 : memref<336x64xf32, #tpu.memory_space<vmem_shared>>) target(%dma_start3A_32 : memref<336x64xf32, #tpu.memory_space<hbm>>) target_semaphore(%run_scoped3A_30 : memref<!tpu.dma_semaphore, #tpu.memory_space<semaphore_mem>>)
      %dma_wait3A = arith.constant 0 : i32
      %dma_wait3A_35 = tpu.memref_slice %arg6[%arg0, %mul3A_2, %dma_wait3A] : memref<2x5376x64xf32, #tpu.memory_space<hbm>> -> memref<1x336x64xf32, #tpu.memory_space<hbm>>
      %dma_wait3A_36 = tpu.memref_squeeze %dma_wait3A_35 : memref<1x336x64xf32, #tpu.memory_space<hbm>> -> memref<336x64xf32, #tpu.memory_space<hbm>>
      %dma_wait3A_37 = arith.constant 0 : i32
      %dma_wait3A_38 = tpu.memref_slice %arg9[%mul3A_2, %dma_wait3A_37] : memref<5376x64xf32, #tpu.memory_space<vmem_shared>> -> memref<336x64xf32, #tpu.memory_space<vmem_shared>>
      tpu.wait_dma2 semaphore(%run_scoped3A_30 : memref<!tpu.dma_semaphore, #tpu.memory_space<semaphore_mem>>) src(%dma_wait3A_38 : memref<336x64xf32, #tpu.memory_space<vmem_shared>>) dst(%dma_wait3A_36 : memref<336x64xf32, #tpu.memory_space<hbm>>)
      tpu.yield
    }) : () -> ()
    return
  }
}

#map = affine_map<(d0, d1) -> (0, 0)>
#map1 = affine_map<(d0, d1) -> (0)>
module attributes {stable_mosaic.version = 14 : i64} {
  func.func @k(%arg0: i32, %arg1: i32, %arg2: memref<5376x64xf32, #tpu.memory_space<hbm>>, %arg3: memref<8192xi32, #tpu.memory_space<hbm>>, %arg4: memref<8192x64xf32, #tpu.memory_space<hbm>>, %arg5: memref<256xi32, #tpu.memory_space<vmem>>, %arg6: memref<256x64xf32, #tpu.memory_space<vmem>>, %arg7: memref<!tpu.dma_semaphore, #tpu.memory_space<semaphore_mem>>) attributes {dimension_semantics = [#tpu.dimension_semantics<core_parallel>, #tpu.dimension_semantics<subcore_parallel>], iteration_bounds = array<i64: 2, 16>, scalar_prefetch = 0 : i64, scratch_operands = 3 : i64, tpu.core_type = #tpu.core_type<sc_vector_subcore>, window_params = [{transform_indices = #map}, {transform_indices = #map1}, {transform_indices = #map}]} {
    %mul3A = arith.constant 2 : i32
    %mul3A_0 = arith.muli %arg1, %mul3A : i32
    %add3A = arith.addi %mul3A_0, %arg0 : i32
    %mul3A_1 = arith.constant 256 : i32
    %mul3A_2 = arith.muli %add3A, %mul3A_1 : i32
    "tpu.region"() ({
      %run_scoped3A = tpu.sem_alloc : memref<!tpu.dma_semaphore, #tpu.memory_space<semaphore_mem>>
      %dma_start3A_33 = tpu.memref_slice %arg3[%mul3A_2] : memref<8192xi32, #tpu.memory_space<hbm>> -> memref<256xi32, #tpu.memory_space<hbm>>
      %dma_start3A_34 = tpu.memref_slice %arg3[%mul3A_2] : memref<8192xi32, #tpu.memory_space<hbm>> -> memref<256xi32, #tpu.memory_space<hbm>>
      tpu.enqueue_dma source(%dma_start3A_34 : memref<256xi32, #tpu.memory_space<hbm>>) target(%arg5 : memref<256xi32, #tpu.memory_space<vmem>>) target_semaphore(%run_scoped3A : memref<!tpu.dma_semaphore, #tpu.memory_space<semaphore_mem>>)
      %dma_wait3A_35 = tpu.memref_slice %arg3[%mul3A_2] : memref<8192xi32, #tpu.memory_space<hbm>> -> memref<256xi32, #tpu.memory_space<hbm>>
      %dma_wait3A_36 = tpu.memref_slice %arg3[%mul3A_2] : memref<8192xi32, #tpu.memory_space<hbm>> -> memref<256xi32, #tpu.memory_space<hbm>>
      tpu.wait_dma2 semaphore(%run_scoped3A : memref<!tpu.dma_semaphore, #tpu.memory_space<semaphore_mem>>) src(%dma_wait3A_36 : memref<256xi32, #tpu.memory_space<hbm>>) dst(%arg5 : memref<256xi32, #tpu.memory_space<vmem>>)
      tpu.yield
    }) : () -> ()
    %dma_start3A = arith.constant 0 : i32
    %dma_start3A_3 = arith.constant 0 : i32
    %dma_start3A_4 = tpu.memref_slice %arg6[%dma_start3A, %dma_start3A_3] : memref<256x64xf32, #tpu.memory_space<vmem>> -> memref<128x64xf32, #tpu.memory_space<vmem>>
    %dma_start3A_5 = arith.constant 0 : i32
    %dma_start3A_6 = tpu.memref_slice %arg5[%dma_start3A_5] : memref<256xi32, #tpu.memory_space<vmem>> -> memref<128xi32, #tpu.memory_space<vmem>>
    %dma_start3A_7 = arith.constant 0 : i32
    %dma_start3A_8 = arith.constant 0 : i32
    %dma_start3A_9 = tpu.memref_slice %arg2[%dma_start3A_7, %dma_start3A_8] : memref<5376x64xf32, #tpu.memory_space<hbm>> -> memref<5376x64xf32, #tpu.memory_space<hbm>>
    tpu.enqueue_indirect_dma source(%dma_start3A_9 : memref<5376x64xf32, #tpu.memory_space<hbm>>) target(%dma_start3A_4 : memref<128x64xf32, #tpu.memory_space<vmem>>) offsets(%dma_start3A_6 : memref<128xi32, #tpu.memory_space<vmem>>) semaphore(%arg7 : memref<!tpu.dma_semaphore, #tpu.memory_space<semaphore_mem>>)
    %dma_start3A_10 = arith.constant 128 : i32
    %dma_start3A_11 = arith.constant 0 : i32
    %dma_start3A_12 = tpu.memref_slice %arg6[%dma_start3A_10, %dma_start3A_11] : memref<256x64xf32, #tpu.memory_space<vmem>> -> memref<128x64xf32, #tpu.memory_space<vmem>>
    %dma_start3A_13 = arith.constant 128 : i32
    %dma_start3A_14 = tpu.memref_slice %arg5[%dma_start3A_13] : memref<256xi32, #tpu.memory_space<vmem>> -> memref<128xi32, #tpu.memory_space<vmem>>
    %dma_start3A_15 = arith.constant 0 : i32
    %dma_start3A_16 = arith.constant 0 : i32
    %dma_start3A_17 = tpu.memref_slice %arg2[%dma_start3A_15, %dma_start3A_16] : memref<5376x64xf32, #tpu.memory_space<hbm>> -> memref<5376x64xf32, #tpu.memory_space<hbm>>
    tpu.enqueue_indirect_dma source(%dma_start3A_17 : memref<5376x64xf32, #tpu.memory_space<hbm>>) target(%dma_start3A_12 : memref<128x64xf32, #tpu.memory_space<vmem>>) offsets(%dma_start3A_14 : memref<128xi32, #tpu.memory_space<vmem>>) semaphore(%arg7 : memref<!tpu.dma_semaphore, #tpu.memory_space<semaphore_mem>>)
    %dma_wait3A = arith.constant 0 : i32
    %dma_wait3A_18 = arith.constant 0 : i32
    %dma_wait3A_19 = tpu.memref_slice %arg6[%dma_wait3A, %dma_wait3A_18] : memref<256x64xf32, #tpu.memory_space<vmem>> -> memref<128x64xf32, #tpu.memory_space<vmem>>
    %dma_wait3A_20 = arith.constant 0 : i32
    %dma_wait3A_21 = tpu.memref_slice %arg5[%dma_wait3A_20] : memref<256xi32, #tpu.memory_space<vmem>> -> memref<128xi32, #tpu.memory_space<vmem>>
    %dma_wait3A_22 = arith.constant 0 : i32
    %dma_wait3A_23 = arith.constant 0 : i32
    %dma_wait3A_24 = tpu.memref_slice %arg2[%dma_wait3A_22, %dma_wait3A_23] : memref<5376x64xf32, #tpu.memory_space<hbm>> -> memref<5376x64xf32, #tpu.memory_space<hbm>>
    tpu.wait_indirect_dma semaphore(%arg7 : memref<!tpu.dma_semaphore, #tpu.memory_space<semaphore_mem>>) src(%dma_wait3A_24 : memref<5376x64xf32, #tpu.memory_space<hbm>>) dst(%dma_wait3A_19 : memref<128x64xf32, #tpu.memory_space<vmem>>)
    %dma_wait3A_25 = arith.constant 128 : i32
    %dma_wait3A_26 = arith.constant 0 : i32
    %dma_wait3A_27 = tpu.memref_slice %arg6[%dma_wait3A_25, %dma_wait3A_26] : memref<256x64xf32, #tpu.memory_space<vmem>> -> memref<128x64xf32, #tpu.memory_space<vmem>>
    %dma_wait3A_28 = arith.constant 128 : i32
    %dma_wait3A_29 = tpu.memref_slice %arg5[%dma_wait3A_28] : memref<256xi32, #tpu.memory_space<vmem>> -> memref<128xi32, #tpu.memory_space<vmem>>
    %dma_wait3A_30 = arith.constant 0 : i32
    %dma_wait3A_31 = arith.constant 0 : i32
    %dma_wait3A_32 = tpu.memref_slice %arg2[%dma_wait3A_30, %dma_wait3A_31] : memref<5376x64xf32, #tpu.memory_space<hbm>> -> memref<5376x64xf32, #tpu.memory_space<hbm>>
    tpu.wait_indirect_dma semaphore(%arg7 : memref<!tpu.dma_semaphore, #tpu.memory_space<semaphore_mem>>) src(%dma_wait3A_32 : memref<5376x64xf32, #tpu.memory_space<hbm>>) dst(%dma_wait3A_27 : memref<128x64xf32, #tpu.memory_space<vmem>>)
    "tpu.region"() ({
      %run_scoped3A = tpu.sem_alloc : memref<!tpu.dma_semaphore, #tpu.memory_space<semaphore_mem>>
      %dma_start3A_33 = arith.constant 0 : i32
      %dma_start3A_34 = tpu.memref_slice %arg4[%mul3A_2, %dma_start3A_33] : memref<8192x64xf32, #tpu.memory_space<hbm>> -> memref<256x64xf32, #tpu.memory_space<hbm>>
      %dma_start3A_35 = arith.constant 0 : i32
      %dma_start3A_36 = tpu.memref_slice %arg4[%mul3A_2, %dma_start3A_35] : memref<8192x64xf32, #tpu.memory_space<hbm>> -> memref<256x64xf32, #tpu.memory_space<hbm>>
      tpu.enqueue_dma source(%arg6 : memref<256x64xf32, #tpu.memory_space<vmem>>) target(%dma_start3A_36 : memref<256x64xf32, #tpu.memory_space<hbm>>) target_semaphore(%run_scoped3A : memref<!tpu.dma_semaphore, #tpu.memory_space<semaphore_mem>>)
      %dma_wait3A_37 = arith.constant 0 : i32
      %dma_wait3A_38 = tpu.memref_slice %arg4[%mul3A_2, %dma_wait3A_37] : memref<8192x64xf32, #tpu.memory_space<hbm>> -> memref<256x64xf32, #tpu.memory_space<hbm>>
      %dma_wait3A_39 = arith.constant 0 : i32
      %dma_wait3A_40 = tpu.memref_slice %arg4[%mul3A_2, %dma_wait3A_39] : memref<8192x64xf32, #tpu.memory_space<hbm>> -> memref<256x64xf32, #tpu.memory_space<hbm>>
      tpu.wait_dma2 semaphore(%run_scoped3A : memref<!tpu.dma_semaphore, #tpu.memory_space<semaphore_mem>>) src(%arg6 : memref<256x64xf32, #tpu.memory_space<vmem>>) dst(%dma_wait3A_40 : memref<256x64xf32, #tpu.memory_space<hbm>>)
      tpu.yield
    }) : () -> ()
    return
  }
}

#map = affine_map<(d0, d1) -> (0, 0, 0)>
#map1 = affine_map<(d0, d1) -> (0, 0)>
module attributes {stable_mosaic.version = 14 : i64} {
  func.func @k(%arg0: i32, %arg1: i32, %arg2: memref<64x128x64xf32, #tpu.memory_space<hbm>>, %arg3: memref<64x128xi32, #tpu.memory_space<hbm>>, %arg4: memref<5376x64xf32, #tpu.memory_space<hbm>>, %arg5: memref<5376x64xf32, #tpu.memory_space<hbm>>, %arg6: memref<2x5376x64xf32, #tpu.memory_space<hbm>>, %arg7: memref<2x128xi32, #tpu.memory_space<vmem>>, %arg8: memref<2x128x64xf32, #tpu.memory_space<vmem>>, %arg9: memref<5376x64xf32, #tpu.memory_space<vmem_shared>>) attributes {dimension_semantics = [#tpu.dimension_semantics<core_parallel>, #tpu.dimension_semantics<subcore_parallel>], iteration_bounds = array<i64: 2, 16>, scalar_prefetch = 0 : i64, scratch_operands = 3 : i64, tpu.core_type = #tpu.core_type<sc_vector_subcore>, window_params = [{transform_indices = #map}, {transform_indices = #map1}, {transform_indices = #map1}, {transform_indices = #map1}, {transform_indices = #map}]} {
    %mul3A = arith.constant 2 : i32
    %mul3A_0 = arith.muli %arg1, %mul3A : i32
    %add3A = arith.addi %mul3A_0, %arg0 : i32
    %mul3A_1 = arith.constant 336 : i32
    %mul3A_2 = arith.muli %arg1, %mul3A_1 : i32
    %eq3A = arith.constant 0 : i32
    %eq3A_3 = arith.cmpi eq, %arg0, %eq3A : i32
    %convert_element_type3A = arith.extui %eq3A_3 : i1 to i32
    %cond3A = arith.constant 0 : i32
    %cond3A_4 = arith.cmpi ne, %convert_element_type3A, %cond3A : i32
    scf.if %cond3A_4 {
      "tpu.region"() ({
        %run_scoped3A_18 = tpu.sem_alloc : memref<!tpu.dma_semaphore, #tpu.memory_space<semaphore_mem>>
        %dma_start3A = arith.constant 0 : i32
        %dma_start3A_19 = tpu.memref_slice %arg9[%mul3A_2, %dma_start3A] : memref<5376x64xf32, #tpu.memory_space<vmem_shared>> -> memref<336x64xf32, #tpu.memory_space<vmem_shared>>
        %dma_start3A_20 = arith.constant 0 : i32
        %dma_start3A_21 = tpu.memref_slice %arg4[%mul3A_2, %dma_start3A_20] : memref<5376x64xf32, #tpu.memory_space<hbm>> -> memref<336x64xf32, #tpu.memory_space<hbm>>
        tpu.enqueue_dma source(%dma_start3A_21 : memref<336x64xf32, #tpu.memory_space<hbm>>) target(%dma_start3A_19 : memref<336x64xf32, #tpu.memory_space<vmem_shared>>) target_semaphore(%run_scoped3A_18 : memref<!tpu.dma_semaphore, #tpu.memory_space<semaphore_mem>>)
        %dma_wait3A = arith.constant 0 : i32
        %dma_wait3A_22 = tpu.memref_slice %arg9[%mul3A_2, %dma_wait3A] : memref<5376x64xf32, #tpu.memory_space<vmem_shared>> -> memref<336x64xf32, #tpu.memory_space<vmem_shared>>
        %dma_wait3A_23 = arith.constant 0 : i32
        %dma_wait3A_24 = tpu.memref_slice %arg4[%mul3A_2, %dma_wait3A_23] : memref<5376x64xf32, #tpu.memory_space<hbm>> -> memref<336x64xf32, #tpu.memory_space<hbm>>
        tpu.wait_dma2 semaphore(%run_scoped3A_18 : memref<!tpu.dma_semaphore, #tpu.memory_space<semaphore_mem>>) src(%dma_wait3A_24 : memref<336x64xf32, #tpu.memory_space<hbm>>) dst(%dma_wait3A_22 : memref<336x64xf32, #tpu.memory_space<vmem_shared>>)
        tpu.yield
      }) : () -> ()
    } else {
    }
    %eq3A_5 = arith.constant 1 : i32
    %eq3A_6 = arith.cmpi eq, %arg0, %eq3A_5 : i32
    %convert_element_type3A_7 = arith.extui %eq3A_6 : i1 to i32
    %cond3A_8 = arith.constant 0 : i32
    %cond3A_9 = arith.cmpi ne, %convert_element_type3A_7, %cond3A_8 : i32
    scf.if %cond3A_9 {
      "tpu.region"() ({
        %run_scoped3A_18 = tpu.sem_alloc : memref<!tpu.dma_semaphore, #tpu.memory_space<semaphore_mem>>
        %dma_start3A = arith.constant 0 : i32
        %dma_start3A_19 = tpu.memref_slice %arg9[%mul3A_2, %dma_start3A] : memref<5376x64xf32, #tpu.memory_space<vmem_shared>> -> memref<336x64xf32, #tpu.memory_space<vmem_shared>>
        %dma_start3A_20 = arith.constant 0 : i32
        %dma_start3A_21 = tpu.memref_slice %arg5[%mul3A_2, %dma_start3A_20] : memref<5376x64xf32, #tpu.memory_space<hbm>> -> memref<336x64xf32, #tpu.memory_space<hbm>>
        tpu.enqueue_dma source(%dma_start3A_21 : memref<336x64xf32, #tpu.memory_space<hbm>>) target(%dma_start3A_19 : memref<336x64xf32, #tpu.memory_space<vmem_shared>>) target_semaphore(%run_scoped3A_18 : memref<!tpu.dma_semaphore, #tpu.memory_space<semaphore_mem>>)
        %dma_wait3A = arith.constant 0 : i32
        %dma_wait3A_22 = tpu.memref_slice %arg9[%mul3A_2, %dma_wait3A] : memref<5376x64xf32, #tpu.memory_space<vmem_shared>> -> memref<336x64xf32, #tpu.memory_space<vmem_shared>>
        %dma_wait3A_23 = arith.constant 0 : i32
        %dma_wait3A_24 = tpu.memref_slice %arg5[%mul3A_2, %dma_wait3A_23] : memref<5376x64xf32, #tpu.memory_space<hbm>> -> memref<336x64xf32, #tpu.memory_space<hbm>>
        tpu.wait_dma2 semaphore(%run_scoped3A_18 : memref<!tpu.dma_semaphore, #tpu.memory_space<semaphore_mem>>) src(%dma_wait3A_24 : memref<336x64xf32, #tpu.memory_space<hbm>>) dst(%dma_wait3A_22 : memref<336x64xf32, #tpu.memory_space<vmem_shared>>)
        tpu.yield
      }) : () -> ()
    } else {
    }
    %mul3A_10 = arith.constant 2 : i32
    %mul3A_11 = arith.muli %add3A, %mul3A_10 : i32
    "tpu.region"() ({
      %run_scoped3A_18 = tpu.sem_alloc : memref<!tpu.dma_semaphore, #tpu.memory_space<semaphore_mem>>
      %dma_start3A = arith.constant 0 : i32
      %dma_start3A_19 = tpu.memref_slice %arg3[%mul3A_11, %dma_start3A] : memref<64x128xi32, #tpu.memory_space<hbm>> -> memref<2x128xi32, #tpu.memory_space<hbm>>
      %dma_start3A_20 = arith.constant 0 : i32
      %dma_start3A_21 = tpu.memref_slice %arg3[%mul3A_11, %dma_start3A_20] : memref<64x128xi32, #tpu.memory_space<hbm>> -> memref<2x128xi32, #tpu.memory_space<hbm>>
      tpu.enqueue_dma source(%dma_start3A_21 : memref<2x128xi32, #tpu.memory_space<hbm>>) target(%arg7 : memref<2x128xi32, #tpu.memory_space<vmem>>) target_semaphore(%run_scoped3A_18 : memref<!tpu.dma_semaphore, #tpu.memory_space<semaphore_mem>>)
      %dma_wait3A = arith.constant 0 : i32
      %dma_wait3A_22 = tpu.memref_slice %arg3[%mul3A_11, %dma_wait3A] : memref<64x128xi32, #tpu.memory_space<hbm>> -> memref<2x128xi32, #tpu.memory_space<hbm>>
      %dma_wait3A_23 = arith.constant 0 : i32
      %dma_wait3A_24 = tpu.memref_slice %arg3[%mul3A_11, %dma_wait3A_23] : memref<64x128xi32, #tpu.memory_space<hbm>> -> memref<2x128xi32, #tpu.memory_space<hbm>>
      tpu.wait_dma2 semaphore(%run_scoped3A_18 : memref<!tpu.dma_semaphore, #tpu.memory_space<semaphore_mem>>) src(%dma_wait3A_24 : memref<2x128xi32, #tpu.memory_space<hbm>>) dst(%arg7 : memref<2x128xi32, #tpu.memory_space<vmem>>)
      tpu.yield
    }) : () -> ()
    %mul3A_12 = arith.constant 2 : i32
    %mul3A_13 = arith.muli %add3A, %mul3A_12 : i32
    "tpu.region"() ({
      %run_scoped3A_18 = tpu.sem_alloc : memref<!tpu.dma_semaphore, #tpu.memory_space<semaphore_mem>>
      %dma_start3A = arith.constant 0 : i32
      %dma_start3A_19 = arith.constant 0 : i32
      %dma_start3A_20 = tpu.memref_slice %arg2[%mul3A_13, %dma_start3A, %dma_start3A_19] : memref<64x128x64xf32, #tpu.memory_space<hbm>> -> memref<2x128x64xf32, #tpu.memory_space<hbm>>
      %dma_start3A_21 = arith.constant 0 : i32
      %dma_start3A_22 = arith.constant 0 : i32
      %dma_start3A_23 = tpu.memref_slice %arg2[%mul3A_13, %dma_start3A_21, %dma_start3A_22] : memref<64x128x64xf32, #tpu.memory_space<hbm>> -> memref<2x128x64xf32, #tpu.memory_space<hbm>>
      tpu.enqueue_dma source(%dma_start3A_23 : memref<2x128x64xf32, #tpu.memory_space<hbm>>) target(%arg8 : memref<2x128x64xf32, #tpu.memory_space<vmem>>) target_semaphore(%run_scoped3A_18 : memref<!tpu.dma_semaphore, #tpu.memory_space<semaphore_mem>>)
      %dma_wait3A = arith.constant 0 : i32
      %dma_wait3A_24 = arith.constant 0 : i32
      %dma_wait3A_25 = tpu.memref_slice %arg2[%mul3A_13, %dma_wait3A, %dma_wait3A_24] : memref<64x128x64xf32, #tpu.memory_space<hbm>> -> memref<2x128x64xf32, #tpu.memory_space<hbm>>
      %dma_wait3A_26 = arith.constant 0 : i32
      %dma_wait3A_27 = arith.constant 0 : i32
      %dma_wait3A_28 = tpu.memref_slice %arg2[%mul3A_13, %dma_wait3A_26, %dma_wait3A_27] : memref<64x128x64xf32, #tpu.memory_space<hbm>> -> memref<2x128x64xf32, #tpu.memory_space<hbm>>
      tpu.wait_dma2 semaphore(%run_scoped3A_18 : memref<!tpu.dma_semaphore, #tpu.memory_space<semaphore_mem>>) src(%dma_wait3A_28 : memref<2x128x64xf32, #tpu.memory_space<hbm>>) dst(%arg8 : memref<2x128x64xf32, #tpu.memory_space<vmem>>)
      tpu.yield
    }) : () -> ()
    %barrier3A = arith.constant 0 : index
    tpu.barrier barrier_id(%barrier3A)
    %run_scoped3A = arith.constant 0 : i32
    %run_scoped3A_14 = arith.constant 0 : i32
    "tpu.region"() ({
      %run_scoped3A_18 = tpu.sem_alloc : memref<!tpu.dma_semaphore, #tpu.memory_space<semaphore_mem>>
      %dma_start3A = arith.constant 0 : i32
      %dma_start3A_19 = arith.constant 0 : i32
      %dma_start3A_20 = tpu.memref_slice %arg8[%run_scoped3A, %dma_start3A, %dma_start3A_19] : memref<2x128x64xf32, #tpu.memory_space<vmem>> -> memref<1x128x64xf32, #tpu.memory_space<vmem>>
      %dma_start3A_21 = tpu.memref_squeeze %dma_start3A_20 : memref<1x128x64xf32, #tpu.memory_space<vmem>> -> memref<128x64xf32, #tpu.memory_space<vmem>>
      %dma_start3A_22 = arith.constant 0 : i32
      %dma_start3A_23 = tpu.memref_slice %arg7[%run_scoped3A_14, %dma_start3A_22] : memref<2x128xi32, #tpu.memory_space<vmem>> -> memref<1x128xi32, #tpu.memory_space<vmem>>
      %dma_start3A_24 = tpu.memref_squeeze %dma_start3A_23 : memref<1x128xi32, #tpu.memory_space<vmem>> -> memref<128xi32, #tpu.memory_space<vmem>>
      %dma_start3A_25 = arith.constant 0 : i32
      %dma_start3A_26 = arith.constant 0 : i32
      %dma_start3A_27 = tpu.memref_slice %arg9[%dma_start3A_25, %dma_start3A_26] : memref<5376x64xf32, #tpu.memory_space<vmem_shared>> -> memref<5376x64xf32, #tpu.memory_space<vmem_shared>>
      tpu.enqueue_indirect_dma source(%dma_start3A_21 : memref<128x64xf32, #tpu.memory_space<vmem>>) target(%dma_start3A_27 : memref<5376x64xf32, #tpu.memory_space<vmem_shared>>) offsets(%dma_start3A_24 : memref<128xi32, #tpu.memory_space<vmem>>) semaphore(%run_scoped3A_18 : memref<!tpu.dma_semaphore, #tpu.memory_space<semaphore_mem>>) {add = true}
      %dma_wait3A = arith.constant 0 : i32
      %dma_wait3A_28 = arith.constant 0 : i32
      %dma_wait3A_29 = tpu.memref_slice %arg8[%run_scoped3A, %dma_wait3A, %dma_wait3A_28] : memref<2x128x64xf32, #tpu.memory_space<vmem>> -> memref<1x128x64xf32, #tpu.memory_space<vmem>>
      %dma_wait3A_30 = tpu.memref_squeeze %dma_wait3A_29 : memref<1x128x64xf32, #tpu.memory_space<vmem>> -> memref<128x64xf32, #tpu.memory_space<vmem>>
      %dma_wait3A_31 = arith.constant 0 : i32
      %dma_wait3A_32 = tpu.memref_slice %arg7[%run_scoped3A_14, %dma_wait3A_31] : memref<2x128xi32, #tpu.memory_space<vmem>> -> memref<1x128xi32, #tpu.memory_space<vmem>>
      %dma_wait3A_33 = tpu.memref_squeeze %dma_wait3A_32 : memref<1x128xi32, #tpu.memory_space<vmem>> -> memref<128xi32, #tpu.memory_space<vmem>>
      %dma_wait3A_34 = arith.constant 0 : i32
      %dma_wait3A_35 = arith.constant 0 : i32
      %dma_wait3A_36 = tpu.memref_slice %arg9[%dma_wait3A_34, %dma_wait3A_35] : memref<5376x64xf32, #tpu.memory_space<vmem_shared>> -> memref<5376x64xf32, #tpu.memory_space<vmem_shared>>
      tpu.wait_indirect_dma semaphore(%run_scoped3A_18 : memref<!tpu.dma_semaphore, #tpu.memory_space<semaphore_mem>>) src(%dma_wait3A_30 : memref<128x64xf32, #tpu.memory_space<vmem>>) dst(%dma_wait3A_36 : memref<5376x64xf32, #tpu.memory_space<vmem_shared>>)
      tpu.yield
    }) : () -> ()
    %run_scoped3A_15 = arith.constant 1 : i32
    %run_scoped3A_16 = arith.constant 1 : i32
    "tpu.region"() ({
      %run_scoped3A_18 = tpu.sem_alloc : memref<!tpu.dma_semaphore, #tpu.memory_space<semaphore_mem>>
      %dma_start3A = arith.constant 0 : i32
      %dma_start3A_19 = arith.constant 0 : i32
      %dma_start3A_20 = tpu.memref_slice %arg8[%run_scoped3A_15, %dma_start3A, %dma_start3A_19] : memref<2x128x64xf32, #tpu.memory_space<vmem>> -> memref<1x128x64xf32, #tpu.memory_space<vmem>>
      %dma_start3A_21 = tpu.memref_squeeze %dma_start3A_20 : memref<1x128x64xf32, #tpu.memory_space<vmem>> -> memref<128x64xf32, #tpu.memory_space<vmem>>
      %dma_start3A_22 = arith.constant 0 : i32
      %dma_start3A_23 = tpu.memref_slice %arg7[%run_scoped3A_16, %dma_start3A_22] : memref<2x128xi32, #tpu.memory_space<vmem>> -> memref<1x128xi32, #tpu.memory_space<vmem>>
      %dma_start3A_24 = tpu.memref_squeeze %dma_start3A_23 : memref<1x128xi32, #tpu.memory_space<vmem>> -> memref<128xi32, #tpu.memory_space<vmem>>
      %dma_start3A_25 = arith.constant 0 : i32
      %dma_start3A_26 = arith.constant 0 : i32
      %dma_start3A_27 = tpu.memref_slice %arg9[%dma_start3A_25, %dma_start3A_26] : memref<5376x64xf32, #tpu.memory_space<vmem_shared>> -> memref<5376x64xf32, #tpu.memory_space<vmem_shared>>
      tpu.enqueue_indirect_dma source(%dma_start3A_21 : memref<128x64xf32, #tpu.memory_space<vmem>>) target(%dma_start3A_27 : memref<5376x64xf32, #tpu.memory_space<vmem_shared>>) offsets(%dma_start3A_24 : memref<128xi32, #tpu.memory_space<vmem>>) semaphore(%run_scoped3A_18 : memref<!tpu.dma_semaphore, #tpu.memory_space<semaphore_mem>>) {add = true}
      %dma_wait3A = arith.constant 0 : i32
      %dma_wait3A_28 = arith.constant 0 : i32
      %dma_wait3A_29 = tpu.memref_slice %arg8[%run_scoped3A_15, %dma_wait3A, %dma_wait3A_28] : memref<2x128x64xf32, #tpu.memory_space<vmem>> -> memref<1x128x64xf32, #tpu.memory_space<vmem>>
      %dma_wait3A_30 = tpu.memref_squeeze %dma_wait3A_29 : memref<1x128x64xf32, #tpu.memory_space<vmem>> -> memref<128x64xf32, #tpu.memory_space<vmem>>
      %dma_wait3A_31 = arith.constant 0 : i32
      %dma_wait3A_32 = tpu.memref_slice %arg7[%run_scoped3A_16, %dma_wait3A_31] : memref<2x128xi32, #tpu.memory_space<vmem>> -> memref<1x128xi32, #tpu.memory_space<vmem>>
      %dma_wait3A_33 = tpu.memref_squeeze %dma_wait3A_32 : memref<1x128xi32, #tpu.memory_space<vmem>> -> memref<128xi32, #tpu.memory_space<vmem>>
      %dma_wait3A_34 = arith.constant 0 : i32
      %dma_wait3A_35 = arith.constant 0 : i32
      %dma_wait3A_36 = tpu.memref_slice %arg9[%dma_wait3A_34, %dma_wait3A_35] : memref<5376x64xf32, #tpu.memory_space<vmem_shared>> -> memref<5376x64xf32, #tpu.memory_space<vmem_shared>>
      tpu.wait_indirect_dma semaphore(%run_scoped3A_18 : memref<!tpu.dma_semaphore, #tpu.memory_space<semaphore_mem>>) src(%dma_wait3A_30 : memref<128x64xf32, #tpu.memory_space<vmem>>) dst(%dma_wait3A_36 : memref<5376x64xf32, #tpu.memory_space<vmem_shared>>)
      tpu.yield
    }) : () -> ()
    %barrier3A_17 = arith.constant 0 : index
    tpu.barrier barrier_id(%barrier3A_17)
    "tpu.region"() ({
      %run_scoped3A_18 = tpu.sem_alloc : memref<!tpu.dma_semaphore, #tpu.memory_space<semaphore_mem>>
      %dma_start3A = arith.constant 0 : i32
      %dma_start3A_19 = tpu.memref_slice %arg6[%arg0, %mul3A_2, %dma_start3A] : memref<2x5376x64xf32, #tpu.memory_space<hbm>> -> memref<1x336x64xf32, #tpu.memory_space<hbm>>
      %dma_start3A_20 = tpu.memref_squeeze %dma_start3A_19 : memref<1x336x64xf32, #tpu.memory_space<hbm>> -> memref<336x64xf32, #tpu.memory_space<hbm>>
      %dma_start3A_21 = arith.constant 0 : i32
      %dma_start3A_22 = tpu.memref_slice %arg9[%mul3A_2, %dma_start3A_21] : memref<5376x64xf32, #tpu.memory_space<vmem_shared>> -> memref<336x64xf32, #tpu.memory_space<vmem_shared>>
      tpu.enqueue_dma source(%dma_start3A_22 : memref<336x64xf32, #tpu.memory_space<vmem_shared>>) target(%dma_start3A_20 : memref<336x64xf32, #tpu.memory_space<hbm>>) target_semaphore(%run_scoped3A_18 : memref<!tpu.dma_semaphore, #tpu.memory_space<semaphore_mem>>)
      %dma_wait3A = arith.constant 0 : i32
      %dma_wait3A_23 = tpu.memref_slice %arg6[%arg0, %mul3A_2, %dma_wait3A] : memref<2x5376x64xf32, #tpu.memory_space<hbm>> -> memref<1x336x64xf32, #tpu.memory_space<hbm>>
      %dma_wait3A_24 = tpu.memref_squeeze %dma_wait3A_23 : memref<1x336x64xf32, #tpu.memory_space<hbm>> -> memref<336x64xf32, #tpu.memory_space<hbm>>
      %dma_wait3A_25 = arith.constant 0 : i32
      %dma_wait3A_26 = tpu.memref_slice %arg9[%mul3A_2, %dma_wait3A_25] : memref<5376x64xf32, #tpu.memory_space<vmem_shared>> -> memref<336x64xf32, #tpu.memory_space<vmem_shared>>
      tpu.wait_dma2 semaphore(%run_scoped3A_18 : memref<!tpu.dma_semaphore, #tpu.memory_space<semaphore_mem>>) src(%dma_wait3A_26 : memref<336x64xf32, #tpu.memory_space<vmem_shared>>) dst(%dma_wait3A_24 : memref<336x64xf32, #tpu.memory_space<hbm>>)
      tpu.yield
    }) : () -> ()
    return
  }
}

module attributes {stable_mosaic.version = 14 : i64} {
  func.func @body(%arg0: memref<5376x8xf32, #tpu.memory_space<vmem>>, %arg1: memref<8x64xf32, #tpu.memory_space<vmem>>, %arg2: memref<1x64xf32, #tpu.memory_space<vmem>>, %arg3: memref<5376x64xf32, #tpu.memory_space<vmem>>) attributes {dimension_semantics = [], scalar_prefetch = 0 : i64, scratch_operands = 0 : i64, tpu.core_type = #tpu.core_type<tc>} {
    %get3A = arith.constant 0 : index
    %get3A_0 = arith.constant 0 : index
    %get3A_1 = vector.load %arg0[%get3A, %get3A_0] : memref<5376x8xf32, #tpu.memory_space<vmem>>, vector<5376x8xf32>
    %get3A_2 = arith.constant 0 : index
    %get3A_3 = arith.constant 0 : index
    %get3A_4 = vector.load %arg1[%get3A_2, %get3A_3] : memref<8x64xf32, #tpu.memory_space<vmem>>, vector<8x64xf32>
    %dot_general3A = arith.constant dense<0.000000e+00> : vector<5376x64xf32>
    %dot_general3A_5 = tpu.matmul %get3A_1, %get3A_4, %dot_general3A {dimension_numbers = #tpu.dot_dimension_numbers<[1], [0], [0], [1], [0, 0, 1, 1], [], []>, transpose_lhs_hint = false} : vector<5376x8xf32>, vector<8x64xf32>, vector<5376x64xf32> -> vector<5376x64xf32>
    %get3A_6 = arith.constant 0 : index
    %get3A_7 = arith.constant 0 : index
    %get3A_8 = vector.load %arg2[%get3A_6, %get3A_7] : memref<1x64xf32, #tpu.memory_space<vmem>>, vector<1x64xf32>
    %add3A = vector.broadcast %get3A_8 : vector<1x64xf32> to vector<5376x64xf32>
    %add3A_9 = arith.addf %dot_general3A_5, %add3A : vector<5376x64xf32>
    %swap3A = arith.constant 0 : index
    %swap3A_10 = arith.constant 0 : index
    %swap3A_11 = vector.load %arg3[%swap3A, %swap3A_10] : memref<5376x64xf32, #tpu.memory_space<vmem>>, vector<5376x64xf32>
    tpu.vector_store %arg3[%swap3A, %swap3A_10], %add3A_9 {strides = array<i32>} : memref<5376x64xf32, #tpu.memory_space<vmem>>, vector<5376x64xf32>,
    return
  }
}

module attributes {stable_mosaic.version = 14 : i64} {
  func.func @body(%arg0: i32, %arg1: memref<8x1024xf32, #tpu.memory_space<vmem>>, %arg2: memref<1024x64xf32, #tpu.memory_space<vmem>>, %arg3: memref<64x8xf32, #tpu.memory_space<vmem>>, %arg4: memref<64x1xf32, #tpu.memory_space<vmem>>, %arg5: memref<4096x64xf32, #tpu.memory_space<vmem>>, %arg6: memref<4096x1xf32, #tpu.memory_space<vmem>>, %arg7: memref<1024x64xf32, #tpu.memory_space<vmem>>) attributes {dimension_semantics = [#tpu.dimension_semantics<arbitrary>], iteration_bounds = array<i64: 8>, scalar_prefetch = 0 : i64, scratch_operands = 0 : i64, tpu.core_type = #tpu.core_type<tc>, window_params = [{transform_indices = @transform_0, window_bounds = array<i64: 8, 1024>}, {transform_indices = @transform_1, window_bounds = array<i64: 1024, 64>}, {pipeline_mode = #tpu.pipeline_mode<synchronous>, transform_indices = @transform_2, window_bounds = array<i64: 64, 8>}, {pipeline_mode = #tpu.pipeline_mode<synchronous>, transform_indices = @transform_3, window_bounds = array<i64: 64, 1>}, {pipeline_mode = #tpu.pipeline_mode<synchronous>, transform_indices = @transform_4, window_bounds = array<i64: 4096, 64>}, {pipeline_mode = #tpu.pipeline_mode<synchronous>, transform_indices = @transform_5, window_bounds = array<i64: 4096, 1>}, {transform_indices = @transform_6, window_bounds = array<i64: 1024, 64>}]} {
    %get3A = arith.constant 0 : index
    %get3A_0 = arith.constant 0 : index
    %get3A_1 = vector.load %arg1[%get3A, %get3A_0] : memref<8x1024xf32, #tpu.memory_space<vmem>>, vector<8x1024xf32>
    %get3A_2 = arith.constant 0 : index
    %get3A_3 = arith.constant 0 : index
    %get3A_4 = vector.load %arg3[%get3A_2, %get3A_3] : memref<64x8xf32, #tpu.memory_space<vmem>>, vector<64x8xf32>
    %dot_general3A = arith.constant dense<0.000000e+00> : vector<64x1024xf32>
    %dot_general3A_5 = tpu.matmul %get3A_4, %get3A_1, %dot_general3A {dimension_numbers = #tpu.dot_dimension_numbers<[1], [0], [0], [1], [0, 0, 1, 1], [], []>, transpose_lhs_hint = false} : vector<64x8xf32>, vector<8x1024xf32>, vector<64x1024xf32> -> vector<64x1024xf32>
    %get3A_6 = arith.constant 0 : index
    %get3A_7 = arith.constant 0 : index
    %get3A_8 = vector.load %arg4[%get3A_6, %get3A_7] : memref<64x1xf32, #tpu.memory_space<vmem>>, vector<64x1xf32>
    %add3A = vector.broadcast %get3A_8 : vector<64x1xf32> to vector<64x1024xf32>
    %add3A_9 = arith.addf %dot_general3A_5, %add3A : vector<64x1024xf32>
    %max3A = arith.constant 0.000000e+00 : f32
    %max3A_10 = vector.broadcast %max3A : f32 to vector<64x1024xf32>
    %max3A_11 = arith.maximumf %add3A_9, %max3A_10 : vector<64x1024xf32>
    %get3A_12 = arith.constant 0 : index
    %get3A_13 = arith.constant 0 : index
    %get3A_14 = vector.load %arg5[%get3A_12, %get3A_13] : memref<4096x64xf32, #tpu.memory_space<vmem>>, vector<4096x64xf32>
    %dot_general3A_15 = arith.constant dense<0.000000e+00> : vector<4096x1024xf32>
    %dot_general3A_16 = tpu.matmul %get3A_14, %max3A_11, %dot_general3A_15 {dimension_numbers = #tpu.dot_dimension_numbers<[1], [0], [0], [1], [0, 0, 1, 1], [], []>, transpose_lhs_hint = false} : vector<4096x64xf32>, vector<64x1024xf32>, vector<4096x1024xf32> -> vector<4096x1024xf32>
    %get3A_17 = arith.constant 0 : index
    %get3A_18 = arith.constant 0 : index
    %get3A_19 = vector.load %arg6[%get3A_17, %get3A_18] : memref<4096x1xf32, #tpu.memory_space<vmem>>, vector<4096x1xf32>
    %add3A_20 = vector.broadcast %get3A_19 : vector<4096x1xf32> to vector<4096x1024xf32>
    %add3A_21 = arith.addf %dot_general3A_16, %add3A_20 : vector<4096x1024xf32>
    %get3A_22 = arith.constant 0 : index
    %get3A_23 = arith.constant 0 : index
    %get3A_24 = vector.load %arg2[%get3A_22, %get3A_23] : memref<1024x64xf32, #tpu.memory_space<vmem>>, vector<1024x64xf32>
    %transpose3A = tpu.transpose %get3A_24, [1, 0] : vector<1024x64xf32> -> vector<64x1024xf32>
    %convert_element_type3A = arith.truncf %transpose3A : vector<64x1024xf32> to vector<64x1024xbf16>
    %convert_element_type3A_25 = arith.extf %convert_element_type3A : vector<64x1024xbf16> to vector<64x1024xf32>
    %convert_element_type3A_26 = arith.truncf %add3A_21 : vector<4096x1024xf32> to vector<4096x1024xbf16>
    %convert_element_type3A_27 = arith.extf %convert_element_type3A_26 : vector<4096x1024xbf16> to vector<4096x1024xf32>
    %reshape3A = vector.shape_cast %convert_element_type3A_27 : vector<4096x1024xf32> to vector<64x64x1024xf32>
    %broadcast_in_dim3A = vector.shape_cast %convert_element_type3A_25 : vector<64x1024xf32> to vector<64x1x1024xf32>
    %broadcast_in_dim3A_28 = vector.broadcast %broadcast_in_dim3A : vector<64x1x1024xf32> to vector<64x64x1024xf32>
    %mul3A = arith.mulf %broadcast_in_dim3A_28, %reshape3A : vector<64x64x1024xf32>
    %reduce_sum3A = arith.constant dense<0.000000e+00> : vector<64x1024xf32>
    %reduce_sum3A_29 = vector.multi_reduction <add>, %mul3A, %reduce_sum3A [0] : vector<64x64x1024xf32> to vector<64x1024xf32>
    %transpose3A_30 = tpu.transpose %reduce_sum3A_29, [1, 0] : vector<64x1024xf32> -> vector<1024x64xf32>
    %swap3A = arith.constant 0 : index
    %swap3A_31 = arith.constant 0 : index
    %swap3A_32 = vector.load %arg7[%swap3A, %swap3A_31] : memref<1024x64xf32, #tpu.memory_space<vmem>>, vector<1024x64xf32>
    tpu.vector_store %arg7[%swap3A, %swap3A_31], %transpose3A_30 {strides = array<i32>} : memref<1024x64xf32, #tpu.memory_space<vmem>>, vector<1024x64xf32>,
    return
  }
  func.func @transform_0(%arg0: i32) -> (i32, i32) {
    %c0_i32 = arith.constant 0 : i32
    %c0_i32_0 = arith.constant 0 : i32
    return %c0_i32, %arg0 : i32, i32
  }
  func.func @transform_1(%arg0: i32) -> (i32, i32) {
    %c0_i32 = arith.constant 0 : i32
    %c0_i32_0 = arith.constant 0 : i32
    return %arg0, %c0_i32 : i32, i32
  }
  func.func @transform_2(%arg0: i32) -> (i32, i32) {
    %c0_i32 = arith.constant 0 : i32
    %c0_i32_0 = arith.constant 0 : i32
    %c0_i32_1 = arith.constant 0 : i32
    return %c0_i32, %c0_i32_0 : i32, i32
  }
  func.func @transform_3(%arg0: i32) -> (i32, i32) {
    %c0_i32 = arith.constant 0 : i32
    %c0_i32_0 = arith.constant 0 : i32
    %c0_i32_1 = arith.constant 0 : i32
    return %c0_i32, %c0_i32_0 : i32, i32
  }
  func.func @transform_4(%arg0: i32) -> (i32, i32) {
    %c0_i32 = arith.constant 0 : i32
    %c0_i32_0 = arith.constant 0 : i32
    %c0_i32_1 = arith.constant 0 : i32
    return %c0_i32, %c0_i32_0 : i32, i32
  }
  func.func @transform_5(%arg0: i32) -> (i32, i32) {
    %c0_i32 = arith.constant 0 : i32
    %c0_i32_0 = arith.constant 0 : i32
    %c0_i32_1 = arith.constant 0 : i32
    return %c0_i32, %c0_i32_0 : i32, i32
  }
  func.func @transform_6(%arg0: i32) -> (i32, i32) {
    %c0_i32 = arith.constant 0 : i32
    %c0_i32_0 = arith.constant 0 : i32
    return %arg0, %c0_i32 : i32, i32
  }
}

module attributes {stable_mosaic.version = 14 : i64} {
  func.func @body(%arg0: memref<2x5376x64xf32, #tpu.memory_space<vmem>>, %arg1: memref<5376x64xf32, #tpu.memory_space<vmem>>) attributes {dimension_semantics = [], scalar_prefetch = 0 : i64, scratch_operands = 0 : i64, tpu.core_type = #tpu.core_type<tc>} {
    %get3A = arith.constant 0 : index
    %get3A_0 = arith.constant 0 : index
    %get3A_1 = arith.constant 0 : index
    %get3A_2 = vector.load %arg0[%get3A, %get3A_0, %get3A_1] : memref<2x5376x64xf32, #tpu.memory_space<vmem>>, vector<1x5376x64xf32>
    %get3A_3 = vector.shape_cast %get3A_2 : vector<1x5376x64xf32> to vector<5376x64xf32>
    %get3A_4 = arith.constant 1 : index
    %get3A_5 = arith.constant 0 : index
    %get3A_6 = arith.constant 0 : index
    %get3A_7 = vector.load %arg0[%get3A_4, %get3A_5, %get3A_6] : memref<2x5376x64xf32, #tpu.memory_space<vmem>>, vector<1x5376x64xf32>
    %get3A_8 = vector.shape_cast %get3A_7 : vector<1x5376x64xf32> to vector<5376x64xf32>
    %add3A = arith.addf %get3A_3, %get3A_8 : vector<5376x64xf32>
    %max3A = arith.constant 0.000000e+00 : f32
    %max3A_9 = vector.broadcast %max3A : f32 to vector<5376x64xf32>
    %max3A_10 = arith.maximumf %add3A, %max3A_9 : vector<5376x64xf32>
    %swap3A = arith.constant 0 : index
    %swap3A_11 = arith.constant 0 : index
    %swap3A_12 = vector.load %arg1[%swap3A, %swap3A_11] : memref<5376x64xf32, #tpu.memory_space<vmem>>, vector<5376x64xf32>
    tpu.vector_store %arg1[%swap3A, %swap3A_11], %max3A_10 {strides = array<i32>} : memref<5376x64xf32, #tpu.memory_space<vmem>>, vector<5376x64xf32>,
    return
  }
}

module attributes {stable_mosaic.version = 14 : i64} {
  func.func @body(%arg0: i32, %arg1: memref<8x512xf32, #tpu.memory_space<vmem>>, %arg2: memref<512x64xf32, #tpu.memory_space<vmem>>, %arg3: memref<32x8xf32, #tpu.memory_space<vmem>>, %arg4: memref<32x1xf32, #tpu.memory_space<vmem>>, %arg5: memref<4096x32xf32, #tpu.memory_space<vmem>>, %arg6: memref<4096x1xf32, #tpu.memory_space<vmem>>, %arg7: memref<512x64xf32, #tpu.memory_space<vmem>>) attributes {dimension_semantics = [#tpu.dimension_semantics<arbitrary>], iteration_bounds = array<i64: 4>, scalar_prefetch = 0 : i64, scratch_operands = 0 : i64, tpu.core_type = #tpu.core_type<tc>, window_params = [{transform_indices = @transform_0, window_bounds = array<i64: 8, 512>}, {transform_indices = @transform_1, window_bounds = array<i64: 512, 64>}, {pipeline_mode = #tpu.pipeline_mode<synchronous>, transform_indices = @transform_2, window_bounds = array<i64: 32, 8>}, {pipeline_mode = #tpu.pipeline_mode<synchronous>, transform_indices = @transform_3, window_bounds = array<i64: 32, 1>}, {pipeline_mode = #tpu.pipeline_mode<synchronous>, transform_indices = @transform_4, window_bounds = array<i64: 4096, 32>}, {pipeline_mode = #tpu.pipeline_mode<synchronous>, transform_indices = @transform_5, window_bounds = array<i64: 4096, 1>}, {transform_indices = @transform_6, window_bounds = array<i64: 512, 64>}]} {
    %get3A = arith.constant 0 : index
    %get3A_0 = arith.constant 0 : index
    %get3A_1 = vector.load %arg1[%get3A, %get3A_0] : memref<8x512xf32, #tpu.memory_space<vmem>>, vector<8x512xf32>
    %get3A_2 = arith.constant 0 : index
    %get3A_3 = arith.constant 0 : index
    %get3A_4 = vector.load %arg3[%get3A_2, %get3A_3] : memref<32x8xf32, #tpu.memory_space<vmem>>, vector<32x8xf32>
    %dot_general3A = arith.constant dense<0.000000e+00> : vector<32x512xf32>
    %dot_general3A_5 = tpu.matmul %get3A_4, %get3A_1, %dot_general3A {dimension_numbers = #tpu.dot_dimension_numbers<[1], [0], [0], [1], [0, 0, 1, 1], [], []>, transpose_lhs_hint = false} : vector<32x8xf32>, vector<8x512xf32>, vector<32x512xf32> -> vector<32x512xf32>
    %get3A_6 = arith.constant 0 : index
    %get3A_7 = arith.constant 0 : index
    %get3A_8 = vector.load %arg4[%get3A_6, %get3A_7] : memref<32x1xf32, #tpu.memory_space<vmem>>, vector<32x1xf32>
    %add3A = vector.broadcast %get3A_8 : vector<32x1xf32> to vector<32x512xf32>
    %add3A_9 = arith.addf %dot_general3A_5, %add3A : vector<32x512xf32>
    %max3A = arith.constant 0.000000e+00 : f32
    %max3A_10 = vector.broadcast %max3A : f32 to vector<32x512xf32>
    %max3A_11 = arith.maximumf %add3A_9, %max3A_10 : vector<32x512xf32>
    %get3A_12 = arith.constant 0 : index
    %get3A_13 = arith.constant 0 : index
    %get3A_14 = vector.load %arg5[%get3A_12, %get3A_13] : memref<4096x32xf32, #tpu.memory_space<vmem>>, vector<4096x32xf32>
    %dot_general3A_15 = arith.constant dense<0.000000e+00> : vector<4096x512xf32>
    %dot_general3A_16 = tpu.matmul %get3A_14, %max3A_11, %dot_general3A_15 {dimension_numbers = #tpu.dot_dimension_numbers<[1], [0], [0], [1], [0, 0, 1, 1], [], []>, transpose_lhs_hint = false} : vector<4096x32xf32>, vector<32x512xf32>, vector<4096x512xf32> -> vector<4096x512xf32>
    %get3A_17 = arith.constant 0 : index
    %get3A_18 = arith.constant 0 : index
    %get3A_19 = vector.load %arg6[%get3A_17, %get3A_18] : memref<4096x1xf32, #tpu.memory_space<vmem>>, vector<4096x1xf32>
    %add3A_20 = vector.broadcast %get3A_19 : vector<4096x1xf32> to vector<4096x512xf32>
    %add3A_21 = arith.addf %dot_general3A_16, %add3A_20 : vector<4096x512xf32>
    %get3A_22 = arith.constant 0 : index
    %get3A_23 = arith.constant 0 : index
    %get3A_24 = vector.load %arg2[%get3A_22, %get3A_23] : memref<512x64xf32, #tpu.memory_space<vmem>>, vector<512x64xf32>
    %transpose3A = tpu.transpose %get3A_24, [1, 0] : vector<512x64xf32> -> vector<64x512xf32>
    %convert_element_type3A = arith.truncf %transpose3A : vector<64x512xf32> to vector<64x512xbf16>
    %convert_element_type3A_25 = arith.extf %convert_element_type3A : vector<64x512xbf16> to vector<64x512xf32>
    %convert_element_type3A_26 = arith.truncf %add3A_21 : vector<4096x512xf32> to vector<4096x512xbf16>
    %convert_element_type3A_27 = arith.extf %convert_element_type3A_26 : vector<4096x512xbf16> to vector<4096x512xf32>
    %reshape3A = vector.shape_cast %convert_element_type3A_27 : vector<4096x512xf32> to vector<64x64x512xf32>
    %broadcast_in_dim3A = vector.shape_cast %convert_element_type3A_25 : vector<64x512xf32> to vector<64x1x512xf32>
    %broadcast_in_dim3A_28 = vector.broadcast %broadcast_in_dim3A : vector<64x1x512xf32> to vector<64x64x512xf32>
    %mul3A = arith.mulf %broadcast_in_dim3A_28, %reshape3A : vector<64x64x512xf32>
    %reduce_sum3A = arith.constant dense<0.000000e+00> : vector<64x512xf32>
    %reduce_sum3A_29 = vector.multi_reduction <add>, %mul3A, %reduce_sum3A [0] : vector<64x64x512xf32> to vector<64x512xf32>
    %transpose3A_30 = tpu.transpose %reduce_sum3A_29, [1, 0] : vector<64x512xf32> -> vector<512x64xf32>
    %swap3A = arith.constant 0 : index
    %swap3A_31 = arith.constant 0 : index
    %swap3A_32 = vector.load %arg7[%swap3A, %swap3A_31] : memref<512x64xf32, #tpu.memory_space<vmem>>, vector<512x64xf32>
    tpu.vector_store %arg7[%swap3A, %swap3A_31], %transpose3A_30 {strides = array<i32>} : memref<512x64xf32, #tpu.memory_space<vmem>>, vector<512x64xf32>,
    return
  }
  func.func @transform_0(%arg0: i32) -> (i32, i32) {
    %c0_i32 = arith.constant 0 : i32
    %c0_i32_0 = arith.constant 0 : i32
    return %c0_i32, %arg0 : i32, i32
  }
  func.func @transform_1(%arg0: i32) -> (i32, i32) {
    %c0_i32 = arith.constant 0 : i32
    %c0_i32_0 = arith.constant 0 : i32
    return %arg0, %c0_i32 : i32, i32
  }
  func.func @transform_2(%arg0: i32) -> (i32, i32) {
    %c0_i32 = arith.constant 0 : i32
    %c0_i32_0 = arith.constant 0 : i32
    %c0_i32_1 = arith.constant 0 : i32
    return %c0_i32, %c0_i32_0 : i32, i32
  }
  func.func @transform_3(%arg0: i32) -> (i32, i32) {
    %c0_i32 = arith.constant 0 : i32
    %c0_i32_0 = arith.constant 0 : i32
    %c0_i32_1 = arith.constant 0 : i32
    return %c0_i32, %c0_i32_0 : i32, i32
  }
  func.func @transform_4(%arg0: i32) -> (i32, i32) {
    %c0_i32 = arith.constant 0 : i32
    %c0_i32_0 = arith.constant 0 : i32
    %c0_i32_1 = arith.constant 0 : i32
    return %c0_i32, %c0_i32_0 : i32, i32
  }
  func.func @transform_5(%arg0: i32) -> (i32, i32) {
    %c0_i32 = arith.constant 0 : i32
    %c0_i32_0 = arith.constant 0 : i32
    %c0_i32_1 = arith.constant 0 : i32
    return %c0_i32, %c0_i32_0 : i32, i32
  }
  func.func @transform_6(%arg0: i32) -> (i32, i32) {
    %c0_i32 = arith.constant 0 : i32
    %c0_i32_0 = arith.constant 0 : i32
    return %arg0, %c0_i32 : i32, i32
  }
}

module attributes {stable_mosaic.version = 14 : i64} {
  func.func @body(%arg0: i32, %arg1: memref<8x512xf32, #tpu.memory_space<vmem>>, %arg2: memref<512x64xf32, #tpu.memory_space<vmem>>, %arg3: memref<16x8xf32, #tpu.memory_space<vmem>>, %arg4: memref<16x1xf32, #tpu.memory_space<vmem>>, %arg5: memref<16x16xf32, #tpu.memory_space<vmem>>, %arg6: memref<16x1xf32, #tpu.memory_space<vmem>>, %arg7: memref<4096x16xf32, #tpu.memory_space<vmem>>, %arg8: memref<4096x1xf32, #tpu.memory_space<vmem>>, %arg9: memref<512x64xf32, #tpu.memory_space<vmem>>) attributes {dimension_semantics = [#tpu.dimension_semantics<arbitrary>], iteration_bounds = array<i64: 4>, scalar_prefetch = 0 : i64, scratch_operands = 0 : i64, tpu.core_type = #tpu.core_type<tc>, window_params = [{transform_indices = @transform_0, window_bounds = array<i64: 8, 512>}, {transform_indices = @transform_1, window_bounds = array<i64: 512, 64>}, {pipeline_mode = #tpu.pipeline_mode<synchronous>, transform_indices = @transform_2, window_bounds = array<i64: 16, 8>}, {pipeline_mode = #tpu.pipeline_mode<synchronous>, transform_indices = @transform_3, window_bounds = array<i64: 16, 1>}, {pipeline_mode = #tpu.pipeline_mode<synchronous>, transform_indices = @transform_4, window_bounds = array<i64: 16, 16>}, {pipeline_mode = #tpu.pipeline_mode<synchronous>, transform_indices = @transform_5, window_bounds = array<i64: 16, 1>}, {pipeline_mode = #tpu.pipeline_mode<synchronous>, transform_indices = @transform_6, window_bounds = array<i64: 4096, 16>}, {pipeline_mode = #tpu.pipeline_mode<synchronous>, transform_indices = @transform_7, window_bounds = array<i64: 4096, 1>}, {transform_indices = @transform_8, window_bounds = array<i64: 512, 64>}]} {
    %get3A = arith.constant 0 : index
    %get3A_0 = arith.constant 0 : index
    %get3A_1 = vector.load %arg1[%get3A, %get3A_0] : memref<8x512xf32, #tpu.memory_space<vmem>>, vector<8x512xf32>
    %get3A_2 = arith.constant 0 : index
    %get3A_3 = arith.constant 0 : index
    %get3A_4 = vector.load %arg3[%get3A_2, %get3A_3] : memref<16x8xf32, #tpu.memory_space<vmem>>, vector<16x8xf32>
    %dot_general3A = arith.constant dense<0.000000e+00> : vector<16x512xf32>
    %dot_general3A_5 = tpu.matmul %get3A_4, %get3A_1, %dot_general3A {dimension_numbers = #tpu.dot_dimension_numbers<[1], [0], [0], [1], [0, 0, 1, 1], [], []>, transpose_lhs_hint = false} : vector<16x8xf32>, vector<8x512xf32>, vector<16x512xf32> -> vector<16x512xf32>
    %get3A_6 = arith.constant 0 : index
    %get3A_7 = arith.constant 0 : index
    %get3A_8 = vector.load %arg4[%get3A_6, %get3A_7] : memref<16x1xf32, #tpu.memory_space<vmem>>, vector<16x1xf32>
    %add3A = vector.broadcast %get3A_8 : vector<16x1xf32> to vector<16x512xf32>
    %add3A_9 = arith.addf %dot_general3A_5, %add3A : vector<16x512xf32>
    %max3A = arith.constant 0.000000e+00 : f32
    %max3A_10 = vector.broadcast %max3A : f32 to vector<16x512xf32>
    %max3A_11 = arith.maximumf %add3A_9, %max3A_10 : vector<16x512xf32>
    %get3A_12 = arith.constant 0 : index
    %get3A_13 = arith.constant 0 : index
    %get3A_14 = vector.load %arg5[%get3A_12, %get3A_13] : memref<16x16xf32, #tpu.memory_space<vmem>>, vector<16x16xf32>
    %dot_general3A_15 = arith.constant dense<0.000000e+00> : vector<16x512xf32>
    %dot_general3A_16 = tpu.matmul %get3A_14, %max3A_11, %dot_general3A_15 {dimension_numbers = #tpu.dot_dimension_numbers<[1], [0], [0], [1], [0, 0, 1, 1], [], []>, transpose_lhs_hint = false} : vector<16x16xf32>, vector<16x512xf32>, vector<16x512xf32> -> vector<16x512xf32>
    %get3A_17 = arith.constant 0 : index
    %get3A_18 = arith.constant 0 : index
    %get3A_19 = vector.load %arg6[%get3A_17, %get3A_18] : memref<16x1xf32, #tpu.memory_space<vmem>>, vector<16x1xf32>
    %add3A_20 = vector.broadcast %get3A_19 : vector<16x1xf32> to vector<16x512xf32>
    %add3A_21 = arith.addf %dot_general3A_16, %add3A_20 : vector<16x512xf32>
    %max3A_22 = arith.constant 0.000000e+00 : f32
    %max3A_23 = vector.broadcast %max3A_22 : f32 to vector<16x512xf32>
    %max3A_24 = arith.maximumf %add3A_21, %max3A_23 : vector<16x512xf32>
    %get3A_25 = arith.constant 0 : index
    %get3A_26 = arith.constant 0 : index
    %get3A_27 = vector.load %arg7[%get3A_25, %get3A_26] : memref<4096x16xf32, #tpu.memory_space<vmem>>, vector<4096x16xf32>
    %dot_general3A_28 = arith.constant dense<0.000000e+00> : vector<4096x512xf32>
    %dot_general3A_29 = tpu.matmul %get3A_27, %max3A_24, %dot_general3A_28 {dimension_numbers = #tpu.dot_dimension_numbers<[1], [0], [0], [1], [0, 0, 1, 1], [], []>, transpose_lhs_hint = false} : vector<4096x16xf32>, vector<16x512xf32>, vector<4096x512xf32> -> vector<4096x512xf32>
    %get3A_30 = arith.constant 0 : index
    %get3A_31 = arith.constant 0 : index
    %get3A_32 = vector.load %arg8[%get3A_30, %get3A_31] : memref<4096x1xf32, #tpu.memory_space<vmem>>, vector<4096x1xf32>
    %add3A_33 = vector.broadcast %get3A_32 : vector<4096x1xf32> to vector<4096x512xf32>
    %add3A_34 = arith.addf %dot_general3A_29, %add3A_33 : vector<4096x512xf32>
    %get3A_35 = arith.constant 0 : index
    %get3A_36 = arith.constant 0 : index
    %get3A_37 = vector.load %arg2[%get3A_35, %get3A_36] : memref<512x64xf32, #tpu.memory_space<vmem>>, vector<512x64xf32>
    %transpose3A = tpu.transpose %get3A_37, [1, 0] : vector<512x64xf32> -> vector<64x512xf32>
    %convert_element_type3A = arith.truncf %transpose3A : vector<64x512xf32> to vector<64x512xbf16>
    %convert_element_type3A_38 = arith.extf %convert_element_type3A : vector<64x512xbf16> to vector<64x512xf32>
    %convert_element_type3A_39 = arith.truncf %add3A_34 : vector<4096x512xf32> to vector<4096x512xbf16>
    %convert_element_type3A_40 = arith.extf %convert_element_type3A_39 : vector<4096x512xbf16> to vector<4096x512xf32>
    %reshape3A = vector.shape_cast %convert_element_type3A_40 : vector<4096x512xf32> to vector<64x64x512xf32>
    %broadcast_in_dim3A = vector.shape_cast %convert_element_type3A_38 : vector<64x512xf32> to vector<64x1x512xf32>
    %broadcast_in_dim3A_41 = vector.broadcast %broadcast_in_dim3A : vector<64x1x512xf32> to vector<64x64x512xf32>
    %mul3A = arith.mulf %broadcast_in_dim3A_41, %reshape3A : vector<64x64x512xf32>
    %reduce_sum3A = arith.constant dense<0.000000e+00> : vector<64x512xf32>
    %reduce_sum3A_42 = vector.multi_reduction <add>, %mul3A, %reduce_sum3A [0] : vector<64x64x512xf32> to vector<64x512xf32>
    %transpose3A_43 = tpu.transpose %reduce_sum3A_42, [1, 0] : vector<64x512xf32> -> vector<512x64xf32>
    %swap3A = arith.constant 0 : index
    %swap3A_44 = arith.constant 0 : index
    %swap3A_45 = vector.load %arg9[%swap3A, %swap3A_44] : memref<512x64xf32, #tpu.memory_space<vmem>>, vector<512x64xf32>
    tpu.vector_store %arg9[%swap3A, %swap3A_44], %transpose3A_43 {strides = array<i32>} : memref<512x64xf32, #tpu.memory_space<vmem>>, vector<512x64xf32>,
    return
  }
  func.func @transform_0(%arg0: i32) -> (i32, i32) {
    %c0_i32 = arith.constant 0 : i32
    %c0_i32_0 = arith.constant 0 : i32
    return %c0_i32, %arg0 : i32, i32
  }
  func.func @transform_1(%arg0: i32) -> (i32, i32) {
    %c0_i32 = arith.constant 0 : i32
    %c0_i32_0 = arith.constant 0 : i32
    return %arg0, %c0_i32 : i32, i32
  }
  func.func @transform_2(%arg0: i32) -> (i32, i32) {
    %c0_i32 = arith.constant 0 : i32
    %c0_i32_0 = arith.constant 0 : i32
    %c0_i32_1 = arith.constant 0 : i32
    return %c0_i32, %c0_i32_0 : i32, i32
  }
  func.func @transform_3(%arg0: i32) -> (i32, i32) {
    %c0_i32 = arith.constant 0 : i32
    %c0_i32_0 = arith.constant 0 : i32
    %c0_i32_1 = arith.constant 0 : i32
    return %c0_i32, %c0_i32_0 : i32, i32
  }
  func.func @transform_4(%arg0: i32) -> (i32, i32) {
    %c0_i32 = arith.constant 0 : i32
    %c0_i32_0 = arith.constant 0 : i32
    %c0_i32_1 = arith.constant 0 : i32
    return %c0_i32, %c0_i32_0 : i32, i32
  }
  func.func @transform_5(%arg0: i32) -> (i32, i32) {
    %c0_i32 = arith.constant 0 : i32
    %c0_i32_0 = arith.constant 0 : i32
    %c0_i32_1 = arith.constant 0 : i32
    return %c0_i32, %c0_i32_0 : i32, i32
  }
  func.func @transform_6(%arg0: i32) -> (i32, i32) {
    %c0_i32 = arith.constant 0 : i32
    %c0_i32_0 = arith.constant 0 : i32
    %c0_i32_1 = arith.constant 0 : i32
    return %c0_i32, %c0_i32_0 : i32, i32
  }
  func.func @transform_7(%arg0: i32) -> (i32, i32) {
    %c0_i32 = arith.constant 0 : i32
    %c0_i32_0 = arith.constant 0 : i32
    %c0_i32_1 = arith.constant 0 : i32
    return %c0_i32, %c0_i32_0 : i32, i32
  }
  func.func @transform_8(%arg0: i32) -> (i32, i32) {
    %c0_i32 = arith.constant 0 : i32
    %c0_i32_0 = arith.constant 0 : i32
    return %arg0, %c0_i32 : i32, i32
  }
}

module attributes {stable_mosaic.version = 14 : i64} {
  func.func @body(%arg0: i32, %arg1: memref<8x1024xf32, #tpu.memory_space<vmem>>, %arg2: memref<1024x64xf32, #tpu.memory_space<vmem>>, %arg3: memref<32x8xf32, #tpu.memory_space<vmem>>, %arg4: memref<32x1xf32, #tpu.memory_space<vmem>>, %arg5: memref<32x32xf32, #tpu.memory_space<vmem>>, %arg6: memref<32x1xf32, #tpu.memory_space<vmem>>, %arg7: memref<4096x32xf32, #tpu.memory_space<vmem>>, %arg8: memref<4096x1xf32, #tpu.memory_space<vmem>>, %arg9: memref<1024x64xf32, #tpu.memory_space<vmem>>) attributes {dimension_semantics = [#tpu.dimension_semantics<arbitrary>], iteration_bounds = array<i64: 8>, scalar_prefetch = 0 : i64, scratch_operands = 0 : i64, tpu.core_type = #tpu.core_type<tc>, window_params = [{transform_indices = @transform_0, window_bounds = array<i64: 8, 1024>}, {transform_indices = @transform_1, window_bounds = array<i64: 1024, 64>}, {pipeline_mode = #tpu.pipeline_mode<synchronous>, transform_indices = @transform_2, window_bounds = array<i64: 32, 8>}, {pipeline_mode = #tpu.pipeline_mode<synchronous>, transform_indices = @transform_3, window_bounds = array<i64: 32, 1>}, {pipeline_mode = #tpu.pipeline_mode<synchronous>, transform_indices = @transform_4, window_bounds = array<i64: 32, 32>}, {pipeline_mode = #tpu.pipeline_mode<synchronous>, transform_indices = @transform_5, window_bounds = array<i64: 32, 1>}, {pipeline_mode = #tpu.pipeline_mode<synchronous>, transform_indices = @transform_6, window_bounds = array<i64: 4096, 32>}, {pipeline_mode = #tpu.pipeline_mode<synchronous>, transform_indices = @transform_7, window_bounds = array<i64: 4096, 1>}, {transform_indices = @transform_8, window_bounds = array<i64: 1024, 64>}]} {
    %get3A = arith.constant 0 : index
    %get3A_0 = arith.constant 0 : index
    %get3A_1 = vector.load %arg1[%get3A, %get3A_0] : memref<8x1024xf32, #tpu.memory_space<vmem>>, vector<8x1024xf32>
    %get3A_2 = arith.constant 0 : index
    %get3A_3 = arith.constant 0 : index
    %get3A_4 = vector.load %arg3[%get3A_2, %get3A_3] : memref<32x8xf32, #tpu.memory_space<vmem>>, vector<32x8xf32>
    %dot_general3A = arith.constant dense<0.000000e+00> : vector<32x1024xf32>
    %dot_general3A_5 = tpu.matmul %get3A_4, %get3A_1, %dot_general3A {dimension_numbers = #tpu.dot_dimension_numbers<[1], [0], [0], [1], [0, 0, 1, 1], [], []>, transpose_lhs_hint = false} : vector<32x8xf32>, vector<8x1024xf32>, vector<32x1024xf32> -> vector<32x1024xf32>
    %get3A_6 = arith.constant 0 : index
    %get3A_7 = arith.constant 0 : index
    %get3A_8 = vector.load %arg4[%get3A_6, %get3A_7] : memref<32x1xf32, #tpu.memory_space<vmem>>, vector<32x1xf32>
    %add3A = vector.broadcast %get3A_8 : vector<32x1xf32> to vector<32x1024xf32>
    %add3A_9 = arith.addf %dot_general3A_5, %add3A : vector<32x1024xf32>
    %max3A = arith.constant 0.000000e+00 : f32
    %max3A_10 = vector.broadcast %max3A : f32 to vector<32x1024xf32>
    %max3A_11 = arith.maximumf %add3A_9, %max3A_10 : vector<32x1024xf32>
    %get3A_12 = arith.constant 0 : index
    %get3A_13 = arith.constant 0 : index
    %get3A_14 = vector.load %arg5[%get3A_12, %get3A_13] : memref<32x32xf32, #tpu.memory_space<vmem>>, vector<32x32xf32>
    %dot_general3A_15 = arith.constant dense<0.000000e+00> : vector<32x1024xf32>
    %dot_general3A_16 = tpu.matmul %get3A_14, %max3A_11, %dot_general3A_15 {dimension_numbers = #tpu.dot_dimension_numbers<[1], [0], [0], [1], [0, 0, 1, 1], [], []>, transpose_lhs_hint = false} : vector<32x32xf32>, vector<32x1024xf32>, vector<32x1024xf32> -> vector<32x1024xf32>
    %get3A_17 = arith.constant 0 : index
    %get3A_18 = arith.constant 0 : index
    %get3A_19 = vector.load %arg6[%get3A_17, %get3A_18] : memref<32x1xf32, #tpu.memory_space<vmem>>, vector<32x1xf32>
    %add3A_20 = vector.broadcast %get3A_19 : vector<32x1xf32> to vector<32x1024xf32>
    %add3A_21 = arith.addf %dot_general3A_16, %add3A_20 : vector<32x1024xf32>
    %max3A_22 = arith.constant 0.000000e+00 : f32
    %max3A_23 = vector.broadcast %max3A_22 : f32 to vector<32x1024xf32>
    %max3A_24 = arith.maximumf %add3A_21, %max3A_23 : vector<32x1024xf32>
    %get3A_25 = arith.constant 0 : index
    %get3A_26 = arith.constant 0 : index
    %get3A_27 = vector.load %arg7[%get3A_25, %get3A_26] : memref<4096x32xf32, #tpu.memory_space<vmem>>, vector<4096x32xf32>
    %dot_general3A_28 = arith.constant dense<0.000000e+00> : vector<4096x1024xf32>
    %dot_general3A_29 = tpu.matmul %get3A_27, %max3A_24, %dot_general3A_28 {dimension_numbers = #tpu.dot_dimension_numbers<[1], [0], [0], [1], [0, 0, 1, 1], [], []>, transpose_lhs_hint = false} : vector<4096x32xf32>, vector<32x1024xf32>, vector<4096x1024xf32> -> vector<4096x1024xf32>
    %get3A_30 = arith.constant 0 : index
    %get3A_31 = arith.constant 0 : index
    %get3A_32 = vector.load %arg8[%get3A_30, %get3A_31] : memref<4096x1xf32, #tpu.memory_space<vmem>>, vector<4096x1xf32>
    %add3A_33 = vector.broadcast %get3A_32 : vector<4096x1xf32> to vector<4096x1024xf32>
    %add3A_34 = arith.addf %dot_general3A_29, %add3A_33 : vector<4096x1024xf32>
    %get3A_35 = arith.constant 0 : index
    %get3A_36 = arith.constant 0 : index
    %get3A_37 = vector.load %arg2[%get3A_35, %get3A_36] : memref<1024x64xf32, #tpu.memory_space<vmem>>, vector<1024x64xf32>
    %transpose3A = tpu.transpose %get3A_37, [1, 0] : vector<1024x64xf32> -> vector<64x1024xf32>
    %convert_element_type3A = arith.truncf %transpose3A : vector<64x1024xf32> to vector<64x1024xbf16>
    %convert_element_type3A_38 = arith.extf %convert_element_type3A : vector<64x1024xbf16> to vector<64x1024xf32>
    %convert_element_type3A_39 = arith.truncf %add3A_34 : vector<4096x1024xf32> to vector<4096x1024xbf16>
    %convert_element_type3A_40 = arith.extf %convert_element_type3A_39 : vector<4096x1024xbf16> to vector<4096x1024xf32>
    %reshape3A = vector.shape_cast %convert_element_type3A_40 : vector<4096x1024xf32> to vector<64x64x1024xf32>
    %broadcast_in_dim3A = vector.shape_cast %convert_element_type3A_38 : vector<64x1024xf32> to vector<64x1x1024xf32>
    %broadcast_in_dim3A_41 = vector.broadcast %broadcast_in_dim3A : vector<64x1x1024xf32> to vector<64x64x1024xf32>
    %mul3A = arith.mulf %broadcast_in_dim3A_41, %reshape3A : vector<64x64x1024xf32>
    %reduce_sum3A = arith.constant dense<0.000000e+00> : vector<64x1024xf32>
    %reduce_sum3A_42 = vector.multi_reduction <add>, %mul3A, %reduce_sum3A [0] : vector<64x64x1024xf32> to vector<64x1024xf32>
    %transpose3A_43 = tpu.transpose %reduce_sum3A_42, [1, 0] : vector<64x1024xf32> -> vector<1024x64xf32>
    %swap3A = arith.constant 0 : index
    %swap3A_44 = arith.constant 0 : index
    %swap3A_45 = vector.load %arg9[%swap3A, %swap3A_44] : memref<1024x64xf32, #tpu.memory_space<vmem>>, vector<1024x64xf32>
    tpu.vector_store %arg9[%swap3A, %swap3A_44], %transpose3A_43 {strides = array<i32>} : memref<1024x64xf32, #tpu.memory_space<vmem>>, vector<1024x64xf32>,
    return
  }
  func.func @transform_0(%arg0: i32) -> (i32, i32) {
    %c0_i32 = arith.constant 0 : i32
    %c0_i32_0 = arith.constant 0 : i32
    return %c0_i32, %arg0 : i32, i32
  }
  func.func @transform_1(%arg0: i32) -> (i32, i32) {
    %c0_i32 = arith.constant 0 : i32
    %c0_i32_0 = arith.constant 0 : i32
    return %arg0, %c0_i32 : i32, i32
  }
  func.func @transform_2(%arg0: i32) -> (i32, i32) {
    %c0_i32 = arith.constant 0 : i32
    %c0_i32_0 = arith.constant 0 : i32
    %c0_i32_1 = arith.constant 0 : i32
    return %c0_i32, %c0_i32_0 : i32, i32
  }
  func.func @transform_3(%arg0: i32) -> (i32, i32) {
    %c0_i32 = arith.constant 0 : i32
    %c0_i32_0 = arith.constant 0 : i32
    %c0_i32_1 = arith.constant 0 : i32
    return %c0_i32, %c0_i32_0 : i32, i32
  }
  func.func @transform_4(%arg0: i32) -> (i32, i32) {
    %c0_i32 = arith.constant 0 : i32
    %c0_i32_0 = arith.constant 0 : i32
    %c0_i32_1 = arith.constant 0 : i32
    return %c0_i32, %c0_i32_0 : i32, i32
  }
  func.func @transform_5(%arg0: i32) -> (i32, i32) {
    %c0_i32 = arith.constant 0 : i32
    %c0_i32_0 = arith.constant 0 : i32
    %c0_i32_1 = arith.constant 0 : i32
    return %c0_i32, %c0_i32_0 : i32, i32
  }
  func.func @transform_6(%arg0: i32) -> (i32, i32) {
    %c0_i32 = arith.constant 0 : i32
    %c0_i32_0 = arith.constant 0 : i32
    %c0_i32_1 = arith.constant 0 : i32
    return %c0_i32, %c0_i32_0 : i32, i32
  }
  func.func @transform_7(%arg0: i32) -> (i32, i32) {
    %c0_i32 = arith.constant 0 : i32
    %c0_i32_0 = arith.constant 0 : i32
    %c0_i32_1 = arith.constant 0 : i32
    return %c0_i32, %c0_i32_0 : i32, i32
  }
  func.func @transform_8(%arg0: i32) -> (i32, i32) {
    %c0_i32 = arith.constant 0 : i32
    %c0_i32_0 = arith.constant 0 : i32
    return %arg0, %c0_i32 : i32, i32
  }
}

module attributes {stable_mosaic.version = 14 : i64} {
  func.func @body(%arg0: i32, %arg1: memref<8x1024xf32, #tpu.memory_space<vmem>>, %arg2: memref<1024x64xf32, #tpu.memory_space<vmem>>, %arg3: memref<64x8xf32, #tpu.memory_space<vmem>>, %arg4: memref<64x1xf32, #tpu.memory_space<vmem>>, %arg5: memref<64x64xf32, #tpu.memory_space<vmem>>, %arg6: memref<64x1xf32, #tpu.memory_space<vmem>>, %arg7: memref<4096x64xf32, #tpu.memory_space<vmem>>, %arg8: memref<4096x1xf32, #tpu.memory_space<vmem>>, %arg9: memref<1024x64xf32, #tpu.memory_space<vmem>>) attributes {dimension_semantics = [#tpu.dimension_semantics<arbitrary>], iteration_bounds = array<i64: 32>, scalar_prefetch = 0 : i64, scratch_operands = 0 : i64, tpu.core_type = #tpu.core_type<tc>, window_params = [{transform_indices = @transform_0, window_bounds = array<i64: 8, 1024>}, {transform_indices = @transform_1, window_bounds = array<i64: 1024, 64>}, {pipeline_mode = #tpu.pipeline_mode<synchronous>, transform_indices = @transform_2, window_bounds = array<i64: 64, 8>}, {pipeline_mode = #tpu.pipeline_mode<synchronous>, transform_indices = @transform_3, window_bounds = array<i64: 64, 1>}, {pipeline_mode = #tpu.pipeline_mode<synchronous>, transform_indices = @transform_4, window_bounds = array<i64: 64, 64>}, {pipeline_mode = #tpu.pipeline_mode<synchronous>, transform_indices = @transform_5, window_bounds = array<i64: 64, 1>}, {pipeline_mode = #tpu.pipeline_mode<synchronous>, transform_indices = @transform_6, window_bounds = array<i64: 4096, 64>}, {pipeline_mode = #tpu.pipeline_mode<synchronous>, transform_indices = @transform_7, window_bounds = array<i64: 4096, 1>}, {transform_indices = @transform_8, window_bounds = array<i64: 1024, 64>}]} {
    %get3A = arith.constant 0 : index
    %get3A_0 = arith.constant 0 : index
    %get3A_1 = vector.load %arg1[%get3A, %get3A_0] : memref<8x1024xf32, #tpu.memory_space<vmem>>, vector<8x1024xf32>
    %get3A_2 = arith.constant 0 : index
    %get3A_3 = arith.constant 0 : index
    %get3A_4 = vector.load %arg3[%get3A_2, %get3A_3] : memref<64x8xf32, #tpu.memory_space<vmem>>, vector<64x8xf32>
    %dot_general3A = arith.constant dense<0.000000e+00> : vector<64x1024xf32>
    %dot_general3A_5 = tpu.matmul %get3A_4, %get3A_1, %dot_general3A {dimension_numbers = #tpu.dot_dimension_numbers<[1], [0], [0], [1], [0, 0, 1, 1], [], []>, transpose_lhs_hint = false} : vector<64x8xf32>, vector<8x1024xf32>, vector<64x1024xf32> -> vector<64x1024xf32>
    %get3A_6 = arith.constant 0 : index
    %get3A_7 = arith.constant 0 : index
    %get3A_8 = vector.load %arg4[%get3A_6, %get3A_7] : memref<64x1xf32, #tpu.memory_space<vmem>>, vector<64x1xf32>
    %add3A = vector.broadcast %get3A_8 : vector<64x1xf32> to vector<64x1024xf32>
    %add3A_9 = arith.addf %dot_general3A_5, %add3A : vector<64x1024xf32>
    %max3A = arith.constant 0.000000e+00 : f32
    %max3A_10 = vector.broadcast %max3A : f32 to vector<64x1024xf32>
    %max3A_11 = arith.maximumf %add3A_9, %max3A_10 : vector<64x1024xf32>
    %get3A_12 = arith.constant 0 : index
    %get3A_13 = arith.constant 0 : index
    %get3A_14 = vector.load %arg5[%get3A_12, %get3A_13] : memref<64x64xf32, #tpu.memory_space<vmem>>, vector<64x64xf32>
    %dot_general3A_15 = arith.constant dense<0.000000e+00> : vector<64x1024xf32>
    %dot_general3A_16 = tpu.matmul %get3A_14, %max3A_11, %dot_general3A_15 {dimension_numbers = #tpu.dot_dimension_numbers<[1], [0], [0], [1], [0, 0, 1, 1], [], []>, transpose_lhs_hint = false} : vector<64x64xf32>, vector<64x1024xf32>, vector<64x1024xf32> -> vector<64x1024xf32>
    %get3A_17 = arith.constant 0 : index
    %get3A_18 = arith.constant 0 : index
    %get3A_19 = vector.load %arg6[%get3A_17, %get3A_18] : memref<64x1xf32, #tpu.memory_space<vmem>>, vector<64x1xf32>
    %add3A_20 = vector.broadcast %get3A_19 : vector<64x1xf32> to vector<64x1024xf32>
    %add3A_21 = arith.addf %dot_general3A_16, %add3A_20 : vector<64x1024xf32>
    %max3A_22 = arith.constant 0.000000e+00 : f32
    %max3A_23 = vector.broadcast %max3A_22 : f32 to vector<64x1024xf32>
    %max3A_24 = arith.maximumf %add3A_21, %max3A_23 : vector<64x1024xf32>
    %get3A_25 = arith.constant 0 : index
    %get3A_26 = arith.constant 0 : index
    %get3A_27 = vector.load %arg7[%get3A_25, %get3A_26] : memref<4096x64xf32, #tpu.memory_space<vmem>>, vector<4096x64xf32>
    %dot_general3A_28 = arith.constant dense<0.000000e+00> : vector<4096x1024xf32>
    %dot_general3A_29 = tpu.matmul %get3A_27, %max3A_24, %dot_general3A_28 {dimension_numbers = #tpu.dot_dimension_numbers<[1], [0], [0], [1], [0, 0, 1, 1], [], []>, transpose_lhs_hint = false} : vector<4096x64xf32>, vector<64x1024xf32>, vector<4096x1024xf32> -> vector<4096x1024xf32>
    %get3A_30 = arith.constant 0 : index
    %get3A_31 = arith.constant 0 : index
    %get3A_32 = vector.load %arg8[%get3A_30, %get3A_31] : memref<4096x1xf32, #tpu.memory_space<vmem>>, vector<4096x1xf32>
    %add3A_33 = vector.broadcast %get3A_32 : vector<4096x1xf32> to vector<4096x1024xf32>
    %add3A_34 = arith.addf %dot_general3A_29, %add3A_33 : vector<4096x1024xf32>
    %get3A_35 = arith.constant 0 : index
    %get3A_36 = arith.constant 0 : index
    %get3A_37 = vector.load %arg2[%get3A_35, %get3A_36] : memref<1024x64xf32, #tpu.memory_space<vmem>>, vector<1024x64xf32>
    %transpose3A = tpu.transpose %get3A_37, [1, 0] : vector<1024x64xf32> -> vector<64x1024xf32>
    %convert_element_type3A = arith.truncf %transpose3A : vector<64x1024xf32> to vector<64x1024xbf16>
    %convert_element_type3A_38 = arith.extf %convert_element_type3A : vector<64x1024xbf16> to vector<64x1024xf32>
    %convert_element_type3A_39 = arith.truncf %add3A_34 : vector<4096x1024xf32> to vector<4096x1024xbf16>
    %convert_element_type3A_40 = arith.extf %convert_element_type3A_39 : vector<4096x1024xbf16> to vector<4096x1024xf32>
    %reshape3A = vector.shape_cast %convert_element_type3A_40 : vector<4096x1024xf32> to vector<64x64x1024xf32>
    %broadcast_in_dim3A = vector.shape_cast %convert_element_type3A_38 : vector<64x1024xf32> to vector<64x1x1024xf32>
    %broadcast_in_dim3A_41 = vector.broadcast %broadcast_in_dim3A : vector<64x1x1024xf32> to vector<64x64x1024xf32>
    %mul3A = arith.mulf %broadcast_in_dim3A_41, %reshape3A : vector<64x64x1024xf32>
    %reduce_sum3A = arith.constant dense<0.000000e+00> : vector<64x1024xf32>
    %reduce_sum3A_42 = vector.multi_reduction <add>, %mul3A, %reduce_sum3A [0] : vector<64x64x1024xf32> to vector<64x1024xf32>
    %transpose3A_43 = tpu.transpose %reduce_sum3A_42, [1, 0] : vector<64x1024xf32> -> vector<1024x64xf32>
    %swap3A = arith.constant 0 : index
    %swap3A_44 = arith.constant 0 : index
    %swap3A_45 = vector.load %arg9[%swap3A, %swap3A_44] : memref<1024x64xf32, #tpu.memory_space<vmem>>, vector<1024x64xf32>
    tpu.vector_store %arg9[%swap3A, %swap3A_44], %transpose3A_43 {strides = array<i32>} : memref<1024x64xf32, #tpu.memory_space<vmem>>, vector<1024x64xf32>,
    return
  }
  func.func @transform_0(%arg0: i32) -> (i32, i32) {
    %c0_i32 = arith.constant 0 : i32
    %c0_i32_0 = arith.constant 0 : i32
    return %c0_i32, %arg0 : i32, i32
  }
  func.func @transform_1(%arg0: i32) -> (i32, i32) {
    %c0_i32 = arith.constant 0 : i32
    %c0_i32_0 = arith.constant 0 : i32
    return %arg0, %c0_i32 : i32, i32
  }
  func.func @transform_2(%arg0: i32) -> (i32, i32) {
    %c0_i32 = arith.constant 0 : i32
    %c0_i32_0 = arith.constant 0 : i32
    %c0_i32_1 = arith.constant 0 : i32
    return %c0_i32, %c0_i32_0 : i32, i32
  }
  func.func @transform_3(%arg0: i32) -> (i32, i32) {
    %c0_i32 = arith.constant 0 : i32
    %c0_i32_0 = arith.constant 0 : i32
    %c0_i32_1 = arith.constant 0 : i32
    return %c0_i32, %c0_i32_0 : i32, i32
  }
  func.func @transform_4(%arg0: i32) -> (i32, i32) {
    %c0_i32 = arith.constant 0 : i32
    %c0_i32_0 = arith.constant 0 : i32
    %c0_i32_1 = arith.constant 0 : i32
    return %c0_i32, %c0_i32_0 : i32, i32
  }
  func.func @transform_5(%arg0: i32) -> (i32, i32) {
    %c0_i32 = arith.constant 0 : i32
    %c0_i32_0 = arith.constant 0 : i32
    %c0_i32_1 = arith.constant 0 : i32
    return %c0_i32, %c0_i32_0 : i32, i32
  }
  func.func @transform_6(%arg0: i32) -> (i32, i32) {
    %c0_i32 = arith.constant 0 : i32
    %c0_i32_0 = arith.constant 0 : i32
    %c0_i32_1 = arith.constant 0 : i32
    return %c0_i32, %c0_i32_0 : i32, i32
  }
  func.func @transform_7(%arg0: i32) -> (i32, i32) {
    %c0_i32 = arith.constant 0 : i32
    %c0_i32_0 = arith.constant 0 : i32
    %c0_i32_1 = arith.constant 0 : i32
    return %c0_i32, %c0_i32_0 : i32, i32
  }
  func.func @transform_8(%arg0: i32) -> (i32, i32) {
    %c0_i32 = arith.constant 0 : i32
    %c0_i32_0 = arith.constant 0 : i32
    return %arg0, %c0_i32 : i32, i32
  }
}

module attributes {stable_mosaic.version = 14 : i64} {
  func.func @body(%arg0: memref<4096x64xf32, #tpu.memory_space<vmem>>, %arg1: memref<64x128xf32, #tpu.memory_space<vmem>>, %arg2: memref<1x128xf32, #tpu.memory_space<vmem>>, %arg3: memref<128x1xf32, #tpu.memory_space<vmem>>, %arg4: memref<1x1xf32, #tpu.memory_space<vmem>>, %arg5: memref<4096x1xf32, #tpu.memory_space<vmem>>) attributes {dimension_semantics = [], scalar_prefetch = 0 : i64, scratch_operands = 0 : i64, tpu.core_type = #tpu.core_type<tc>} {
    %get3A = arith.constant 0 : index
    %get3A_0 = arith.constant 0 : index
    %get3A_1 = vector.load %arg0[%get3A, %get3A_0] : memref<4096x64xf32, #tpu.memory_space<vmem>>, vector<4096x64xf32>
    %get3A_2 = arith.constant 0 : index
    %get3A_3 = arith.constant 0 : index
    %get3A_4 = vector.load %arg1[%get3A_2, %get3A_3] : memref<64x128xf32, #tpu.memory_space<vmem>>, vector<64x128xf32>
    %dot_general3A = arith.constant dense<0.000000e+00> : vector<4096x128xf32>
    %dot_general3A_5 = tpu.matmul %get3A_1, %get3A_4, %dot_general3A {dimension_numbers = #tpu.dot_dimension_numbers<[1], [0], [0], [1], [0, 0, 1, 1], [], []>, transpose_lhs_hint = false} : vector<4096x64xf32>, vector<64x128xf32>, vector<4096x128xf32> -> vector<4096x128xf32>
    %get3A_6 = arith.constant 0 : index
    %get3A_7 = arith.constant 0 : index
    %get3A_8 = vector.load %arg2[%get3A_6, %get3A_7] : memref<1x128xf32, #tpu.memory_space<vmem>>, vector<1x128xf32>
    %add3A = vector.broadcast %get3A_8 : vector<1x128xf32> to vector<4096x128xf32>
    %add3A_9 = arith.addf %dot_general3A_5, %add3A : vector<4096x128xf32>
    %max3A = arith.constant 0.000000e+00 : f32
    %max3A_10 = vector.broadcast %max3A : f32 to vector<4096x128xf32>
    %max3A_11 = arith.maximumf %add3A_9, %max3A_10 : vector<4096x128xf32>
    %get3A_12 = arith.constant 0 : index
    %get3A_13 = arith.constant 0 : index
    %get3A_14 = vector.load %arg3[%get3A_12, %get3A_13] : memref<128x1xf32, #tpu.memory_space<vmem>>, vector<128x1xf32>
    %dot_general3A_15 = arith.constant dense<0.000000e+00> : vector<4096x1xf32>
    %dot_general3A_16 = tpu.matmul %max3A_11, %get3A_14, %dot_general3A_15 {dimension_numbers = #tpu.dot_dimension_numbers<[1], [0], [0], [1], [0, 0, 1, 1], [], []>, transpose_lhs_hint = false} : vector<4096x128xf32>, vector<128x1xf32>, vector<4096x1xf32> -> vector<4096x1xf32>
    %get3A_17 = arith.constant 0 : index
    %get3A_18 = arith.constant 0 : index
    %get3A_19 = vector.load %arg4[%get3A_17, %get3A_18] : memref<1x1xf32, #tpu.memory_space<vmem>>, vector<1x1xf32>
    %add3A_20 = vector.broadcast %get3A_19 : vector<1x1xf32> to vector<4096x1xf32>
    %add3A_21 = arith.addf %dot_general3A_16, %add3A_20 : vector<4096x1xf32>
    %swap3A = arith.constant 0 : index
    %swap3A_22 = arith.constant 0 : index
    %swap3A_23 = vector.load %arg5[%swap3A, %swap3A_22] : memref<4096x1xf32, #tpu.memory_space<vmem>>, vector<4096x1xf32>
    tpu.vector_store %arg5[%swap3A, %swap3A_22], %add3A_21 {strides = array<i32>} : memref<4096x1xf32, #tpu.memory_space<vmem>>, vector<4096x1xf32>,
    return
  }
}

</mosaic_0001>

<sc_bundles>
// kernel: kernel.32.cloned.1.call-start
scs
__scs_entry_jumppad:
0x0: {  	(pc) =	sbr.rel $0x88, $3  }
0x1: {  	(tag) =	ssettag $0x0;
	lr =	simm.s32 $0x1  }
0x2: {  	[smem:$0x3F69] =	sst lr;
	_ =	strace $0xD0000000  }
0x3: {  	_ = 	snop  }
0x4: {  	_ = 	snop  }
0x5: {  	_ = 	snop  }
0x6: {  	_ = 	snop  }
0x7: {  	_ = 	snop  }
__scs_overlays_trampoline_lowered:
0x8: {  	[smem:$0x3F78] =	sst s0  }
0x9: {  	[smem:$0x3F79] =	sst s1  }
0xa: {  	[smem:$0x3F7A] =	sst s2  }
0xb: {  	[smem:$0x3F7B] =	sst s3  }
0xc: {  	[smem:$0x3F7C] =	sst s4  }
0xd: {  	[smem:$0x3F7D] =	sst s5  }
0xe: {  	[smem:$0x3F7E] =	sst s6  }
0xf: {  	[smem:$0x3F7F] =	sst s7  }
0x10: {  	[smem:$0x3F80] =	sst s8  }
0x11: {  	[smem:$0x3F81] =	sst s9;
	s0 =	simm.s32 @!p0 $0x0  }
0x12: {  	s1 =	sld [smem:$0x3F67];
	s0 =	simm.s32 @p0 $0x1  }
0x13: {  	[smem:$0x3F82] =	sst s0;
	s0 =	simm.s32 @!p1 $0x0  }
0x14: {  	s2 =	sld [smem:$0x3F66];
	s0 =	simm.s32 @p1 $0x1  }
0x15: {  	[smem:$0x3F83] =	sst s0;
	s0 =	simm.s32 @!p2 $0x0  }
0x16: {  	s3 =	sld [smem:$0x3FDB];
	s0 =	simm.s32 @p2 $0x1  }
0x17: {  	s4 =	simm.s32 $0x1BF5;
	[smem:$0x3F85] =	sst s0  }
0x18: {  	s0 =	sld [smem:$0x3F68];
	_ =	swait.ge [sflag:s4], $0x0  }
0x19: {  	s7 =	sld [smem:$0x3F69]  }
0x1a: {  	s8 =	sadd.s32 $0xFFFFE003, lr  }
0x1b: {  	s9 =	sadd.s32 $0xFFFFFEF7, lr;
	s5 =	simm.s32 $0xFFFFFFFF;
	p2 =	slt.u32 s8, $0xFFFFF086  }
0x1c: {  	p1 =	slt.u32 s9, $0xF7A;
	s5 =	simm.s32 @!p2 $0x0  }
0x1d: {  	s5 =	simm.s32 @p1 $0x1;
	p0 =	seq.s32 s7, s2  }
0x1e: {  	s7 =	smul.u32 @!p0 $0xF7A, s2;
	p2 =	seq.s32 @!p0 s5, $0x0  }
0x1f: {  	s9 =	smul.u32 $0xF7A, s1;
	s8 =	simm.s32 @!p0 $0x1BF5;
	p2 =	por !p2, p0  }
0x20: {  	[sflag:s8] =	ssyncset.s32 @!p0 $0xFFFFF086;
	s6 =	sadd.s32 @!p0 s3, s7;
	s7 =	simm.s32 @!p0 $0x108  }
0x21: {  	s3 =	sadd.s32 s3, s9;
	s6 =	sadd.s32 @!p0 $0x88, s6;
	s7 =	simm.s32 @p2 $0x1082  }
0x22: {  	[simem:s7], [sflag:s8] =	dma.local @!p0 [hbm:s6], $0xF7A  }
0x23: {  	s9 =	sor.u32 $0xD0000000, s2;
	s6 =	simm.s32 $0x108;
	_ =	swait.ge @!p0 [sflag:s8], $0x0  }
0x24: {  	s3 =	sadd.s32 $0x88, s3;
	s6 =	simm.s32 @!p1 $0x1082;
	[sflag:s4] =	ssyncset.s32 $0xFFFFF086  }
0x25: {  	[simem:s6], [sflag:s4] =	dma.local [hbm:s3], $0xF7A  }
0x26: {  	[smem:$0x3F69] =	sst s1;
	(tag) =	ssettag s2;
	_ =	strace s9  }
0x27: {  	s1 =	sld [smem:$0x3F79]  }
0x28: {  	s2 =	sld [smem:$0x3F7A]  }
0x29: {  	s4 =	sld [smem:$0x3F7C]  }
0x2a: {  	p0 =	seq.s32 s5, $0x0;
	s5 =	sld [smem:$0x3F7D]  }
0x2b: {  	s6 =	sld [smem:$0x3F7E]  }
0x2c: {  	s7 =	sld [smem:$0x3F7F]  }
0x2d: {  	s3 =	simm.s32 $0x108;
	s8 =	sld [smem:$0x3F80]  }
0x2e: {  	s3 =	simm.s32 @!p0 $0x1082;
	s9 =	sld [smem:$0x3F81]  }
0x2f: {  	lr =	sadd.s32 s0, s3;
	s0 =	sld [smem:$0x3F78]  }
0x30: {  	s3 =	sld [smem:$0x3F7B]  }
0x31: {  	[smem:$0x3F84] =	sst s10  }
0x32: {  	s10 =	sld [smem:$0x3F82];
	_ =	sdelay $0x3  }
0x33: {  	p0 =	seq.s32 s10, $0x1;
	s10 =	sld [smem:$0x3F84];
	_ =	sdelay $0x3  }
0x34: {  	[smem:$0x3F84] =	sst s10  }
0x35: {  	s10 =	sld [smem:$0x3F83];
	_ =	sdelay $0x3  }
0x36: {  	p1 =	seq.s32 s10, $0x1;
	s10 =	sld [smem:$0x3F84];
	_ =	sdelay $0x3  }
0x37: {  	[smem:$0x3F84] =	sst s10  }
0x38: {  	s10 =	sld [smem:$0x3F85]  }
0x39: {  	_ = 	snop;
	(pc) =	sbr.ind lr, $3  }
0x3a: {  	_ = 	snop  }
0x3b: {  	_ = 	snop  }
0x3c: {  	p2 =	seq.s32 s10, $0x1;
	s10 =	sld [smem:$0x3F84]  }
0x3d: {  	_ =	shalt  }
0x3e: {  	_ =	shalt  }
0x3f: {  	_ =	shalt  }
0x40: {  	_ =	shalt  }
0x41: {  	_ =	shalt  }
0x42: {  	_ =	shalt  }
0x43: {  	_ =	shalt  }
0x44: {  	_ =	shalt  }
0x45: {  	_ =	shalt  }
0x46: {  	_ =	shalt  }
0x47: {  	_ =	shalt  }
0x48: {  	_ =	shalt  }
0x49: {  	_ =	shalt  }
0x4a: {  	_ =	shalt  }
0x4b: {  	_ =	shalt  }
0x4c: {  	_ =	shalt  }
0x4d: {  	_ =	shalt  }
0x4e: {  	_ =	shalt  }
0x4f: {  	_ =	shalt  }
0x50: {  	_ =	shalt  }
0x51: {  	_ =	shalt  }
0x52: {  	_ =	shalt  }
0x53: {  	_ =	shalt  }
0x54: {  	_ =	shalt  }
0x55: {  	_ =	shalt  }
0x56: {  	_ =	shalt  }
0x57: {  	_ =	shalt  }
0x58: {  	_ =	shalt  }
0x59: {  	_ =	shalt  }
0x5a: {  	_ =	shalt  }
0x5b: {  	_ =	shalt  }
0x5c: {  	_ =	shalt  }
0x5d: {  	_ =	shalt  }
0x5e: {  	_ =	shalt  }
0x5f: {  	_ =	shalt  }
0x60: {  	_ =	shalt  }
0x61: {  	_ =	shalt  }
0x62: {  	_ =	shalt  }
0x63: {  	_ =	shalt  }
0x64: {  	_ =	shalt  }
0x65: {  	_ =	shalt  }
0x66: {  	_ =	shalt  }
0x67: {  	_ =	shalt  }
0x68: {  	_ =	shalt  }
0x69: {  	_ =	shalt  }
0x6a: {  	_ =	shalt  }
0x6b: {  	_ =	shalt  }
0x6c: {  	_ =	shalt  }
0x6d: {  	_ =	shalt  }
0x6e: {  	_ =	shalt  }
0x6f: {  	_ =	shalt  }
0x70: {  	_ =	shalt  }
0x71: {  	_ =	shalt  }
0x72: {  	_ =	shalt  }
0x73: {  	_ =	shalt  }
0x74: {  	_ =	shalt  }
0x75: {  	_ =	shalt  }
0x76: {  	_ =	shalt  }
0x77: {  	_ =	shalt  }
0x78: {  	_ =	shalt  }
0x79: {  	_ =	shalt  }
0x7a: {  	_ =	shalt  }
0x7b: {  	_ =	shalt  }
0x7c: {  	_ =	shalt  }
0x7d: {  	_ =	shalt  }
0x7e: {  	_ =	shalt  }
0x7f: {  	_ =	shalt  }
0x80: {  	_ =	shalt  }
0x81: {  	_ =	shalt  }
0x82: {  	_ =	shalt  }
0x83: {  	_ =	shalt  }
0x84: {  	_ =	shalt  }
0x85: {  	_ =	shalt  }
0x86: {  	_ =	shalt  }
0x87: {  	_ =	shalt  }
.Lfunc_end0:
.L_simem_size_0:
called_computation_lowered:
.L_overlay_start_0:
0x88: {  	s2 =	sld [smem:$0x3FD9]  }
0x89: {  	s3 =	sld [smem:$0x3FFE];
	_ =	sdelay $0x1  }
0x8a: {  	s1 =	srdreg.scid  }
0x8b: {  	s0 =	sand.u32 $0x1, s1  }
0x8c: {  	s17 =	sshll.u32 s0, $0xA;
	s2 =	sadd.s32 s3, s2  }
0x8d: {  	s2 =	sadd.s32 s2, s17  }
0x8e: {  	[smem:$0x3F90] =	sst s2  }
0x8f: {  	_ = 	snop  }
0x90: {  	s2 =	sld [smem:$0x3FC8];
	(tm) =	ssettm $0x1  }
0x91: {  	s18 =	sld [smem:$0x3FFB];
	_ =	sdelay $0x3  }
0x92: {  	_ =	strace s18  }
0x93: {  	s3 =	sld [smem:$0x3FFC];
	_ =	sdelay $0x3  }
0x94: {  	_ =	strace s3  }
0x95: {  	s3 =	sld [smem:$0x3FFD];
	_ =	sdelay $0x3  }
0x96: {  	_ =	strace s3  }
0x97: {  	_ =	strace $0x8FFFFFFF  }
0x98: {  	s19 =	sld [smem:$0x3FDB];
	_ =	sdelay $0x1  }
0x99: {  	s4 =	simm.s32 $_scs_section_size  }
0x9a: {  	s5 =	simm.s32 $_size__tile_overlayer_lowered;
	s6 =	simm.s32 $_tile_overlayer_lowered  }
0x9b: {  	s22 =	simm.s32 $0x1BFF;
	s21 =	sshll.u32 s6, $0x1;
	s3 =	sadd.s32 s4, s19  }
0x9c: {  	s7 =	simm.s32 $0x0;
	s20 =	sshll.u32 s5, $0x1;
	s5 =	sadd.s32 s21, s3  }
0x9d: {  	[timem:s7], [sflag:s22] =	dma.local [hbm:s5], s20  }
0x9e: {  	_ =	swait.ge [sflag:s22], s20  }
0x9f: {  	s4 =	ssub.s32 $0x0, s20;
	[sflag:s22] =	ssyncset.done $0x0  }
0xa0: {  	[sflag:s22] =	ssyncadd.s32 s4;
	_ =	sdelay $0x1  }
0xa1: {  	s23 =	simm.s32 $0x1B8B  }
0xa2: {  	_ =	swait.ge [sflag:s23], $0x1  }
0xa3: {  	[sflag:s23] =	ssyncset.done $0x0  }
0xa4: {  	s25 =	simm.s32 $0x1B8E;
	s24 =	sld [smem:$0x3FFE];
	[sflag:s23] =	ssyncadd.s32 $0xFFFFFFFF  }
0xa5: {  	s26 =	simm.s32 $execute0_lowered;
	[smem:$0x3FD2] =	sst s25  }
0xa6: {  	s5 =	sshll.u32 s26, $0x1;
	_ =	strace $0x80000046;
	[dreg:$0x1] =	wrdreg $0xFFFFFFFF  }
0xa7: {  	s28 =	simm.s32 $_size_execute0_lowered;
	s3 =	sadd.s32 s3, s5;
	[dreg:$0x0] =	wrdreg $0x0  }
0xa8: {  	s5 =	sshll.u32 s28, $0x1;
	[dreg:$0x2] =	wrdreg s3  }
0xa9: {  	[dreg:$0x3] =	wrdreg s5  }
0xaa: {  	[dreg:$0x4] =	wrdreg $0xC0  }
0xab: {  	_ =	task [dreg:s7], $0x5FFFF  }
0xac: {  	[dreg:$0x1] =	wrdreg $0xFFFFFFFF  }
0xad: {  	[dreg:$0x0] =	wrdreg $0x60  }
0xae: {  	[dreg:$0x2] =	wrdreg s24  }
0xaf: {  	[dreg:$0x3] =	wrdreg s2  }
0xb0: {  	[dreg:$0x4] =	wrdreg $0x9  }
0xb1: {  	_ =	task.clear_ibuf [dreg:s7], $0x5FFFF;
	_ =	strace $0x90000046  }
0xb2: {  	s29 =	simm.s32 $0x9;
	_ =	strace $0x80000048  }
0xb3: {  	_ =	swait.ge [sflag:s29], $0x1  }
0xb4: {  	[sflag:s29] =	ssyncadd.s32 $0xFFFFFFFF  }
0xb5: {  	_ =	strace $0x90000048  }
0xb6: {  	_ =	sfence  }
0xb7: {  	s30 =	sld [smem:$0x0];
	_ =	sdelay $0x2  }
0xb8: {  	s31 =	sshll.u32 s1, $0xD;
	s1 =	sshrl.u32 s1, $0x2  }
0xb9: {  	s3 =	sand.u32 $0x4000, s31;
	s1 =	sadd.s32 s1, s30  }
0xba: {  	s0 =	sor.u32 s3, s0;
	s1 =	sshll.u32 s1, $0x11  }
0xbb: {  	s0 =	sor.u32 s1, s0  }
0xbc: {  	s0 =	sadd.s32 $0x8F2B, s0  }
0xbd: {  	[sflag:s0] =	ssyncadd.remote.s32 $0x1  }
0xbe: {  	_ =	sfence.sel $0xFFFF  }
0xbf: {  	[dreg:$0x0] =	wrdreg $0xFFFFFFFF;
	(pc) =	sbr.abs _section_cstart, $3  }
0xc0: {  	[dreg:$0x1] =	wrdreg $0xFFFFFFFF  }
0xc1: {  	_ =	task.clear_ibuf [dreg:s7], $0x2FFFF;
	_ =	strace $0x9FFFFFFF  }
0xc2: {  	(tm) =	ssettm $0x7FFFFFFF  }
0xc3: {  	_ =	shalt  }
tec
execute0_lowered:
.L_overlay_start_1:
0x0: {  	(tag) =	ssettag $0x1  }
0x1: {  	s1 =	srdreg.scid  }
0x2: {  	s10 =	rddreg [dreg:$0x0];
	s0 =	stileid.u32;
	s11 =	sand.u32 $0x1, s1  }
0x3: {  	s3 =	rddreg [dreg:$0x1];
	s4 =	sshll.u32 s0, $0x9;
	s5 =	sshll.u32 s11, $0x8  }
0x4: {  	s2 =	simm.s32 $0x0;
	s1 =	rddreg [dreg:$0x2];
	s12 =	sor.u32 s5, s4  }
0x5: {  	[smem:$0x7FF] =	sst s2;
	s4 =	sshrl.u32 s12, $0x3  }
0x6: {  	_ =	strace $0x80000047;
	s4 =	sadd.s32 s3, s4;
	s3 =	simm.s32 $0x2  }
0x7: {  	[tilespmem:s2], [sflag:$0x2] =	stream.linear.gather [hbm4b:s4+s2], $0x100, $0x38;
	[tilespmem:$0x4100] =	vst v63  }
0x8: {  	_ =	swait.ge [sflag:s3], $0x100  }
0x9: {  	s6 =	simm.s32 $0x80;
	[sflag:s3] =	ssyncset.done $0x0  }
0xa: {  	s7 =	simm.s32 $0x100;
	s5 =	sadd.s32 $0x9400, s10;
	[sflag:s3] =	ssyncadd.s32 $0xFFFFFF00  }
0xb: {  	[tilespmem:s7], [sflag:$0x1] =	stream.indirect.gather [hbm4b:s5+s6], $0x40, s2, s6, $0xb8;
	[tilespmem:$0x4100] =	vst v63  }
0xc: {  	s8 =	simm.s32 $0x2100;
	s9 =	simm.s32 $0x1;
	s11 =	ssub.s32 $0x2, s11  }
0xd: {  	[tilespmem:s8], [sflag:$0x1] =	stream.indirect.gather [hbm4b:s5+s6], $0x40, s6, s6, $0xb8;
	[tilespmem:$0x4100] =	vst v63  }
0xe: {  	s13 =	sshrl.u32 s11, $0x1;
	_ =	swait.ge [sflag:s9], $0x2000  }
0xf: {  	s11 =	ssub.s32 s11, s13;
	[sflag:s9] =	ssyncset.done $0x0  }
0x10: {  	s11 =	smax.u32 s11, $0x1;
	[sflag:s9] =	ssyncadd.s32 $0xFFFFE000  }
0x11: {  	s12 =	sshll.u32 s12, $0x3;
	p0 =	sne.s32 s11, $0x1;
	_ =	swait.ge [sflag:s9], $0x2000  }
.Ltmp0:
0x12: {  	s10 =	sadd.s32 s12, s10;
	[sflag:s9] =	ssyncset.done $0x0;
	(pc) =	sbr.rel @!p0 .LBB2_2-.Ltmp0, $4  }
0x13: {  	s10 =	sadd.s32 $0x13C00, s10;
	[sflag:s9] =	ssyncadd.s32 $0xFFFFE000  }
0x14: {  	[hbm4b:s10+s2] =	stream.linear.scatter [tilespmem:s7], [sflag:$0x2], $0x4000, $0x38;
	[tilespmem:$0x4100] =	vst v63  }
0x15: {  	_ =	swait.ge [sflag:s3], $0x4000  }
0x16: {  	s11 =	sadd.s32 $0xFFFFFFFF, s11;
	[sflag:s3] =	ssyncset.done $0x0  }
.LBB2_1:
0x17: {  	p0 =	sne.s32 s11, $0x1;
	s11 =	sadd.s32 $0xFFFFFFFF, s11;
	[sflag:s3] =	ssyncadd.s32 $0xFFFFC000  }
0x18: {  	[tilespmem:s2], [sflag:$0x2] =	stream.linear.gather [hbm4b:s4+s2], $0x100, $0x38;
	[tilespmem:$0x4100] =	vst v63  }
0x19: {  	_ =	swait.ge [sflag:s3], $0x100  }
0x1a: {  	[sflag:s3] =	ssyncset.done $0x0  }
0x1b: {  	[sflag:s3] =	ssyncadd.s32 $0xFFFFFF00  }
0x1c: {  	[tilespmem:s7], [sflag:$0x1] =	stream.indirect.gather [hbm4b:s5+s6], $0x40, s2, s6, $0xb8;
	[tilespmem:$0x4100] =	vst v63  }
0x1d: {  	_ = 	snop  }
0x1e: {  	[tilespmem:s8], [sflag:$0x1] =	stream.indirect.gather [hbm4b:s5+s6], $0x40, s6, s6, $0xb8;
	[tilespmem:$0x4100] =	vst v63  }
0x1f: {  	_ =	swait.ge [sflag:s9], $0x2000  }
0x20: {  	[sflag:s9] =	ssyncset.done $0x0  }
0x21: {  	[sflag:s9] =	ssyncadd.s32 $0xFFFFE000  }
0x22: {  	_ =	swait.ge [sflag:s9], $0x2000  }
.Ltmp1:
0x23: {  	[sflag:s9] =	ssyncset.done $0x0;
	(pc) =	sbr.rel @p0 .LBB2_1-.Ltmp1, $4  }
0x24: {  	[sflag:s9] =	ssyncadd.s32 $0xFFFFE000  }
0x25: {  	[hbm4b:s10+s2] =	stream.linear.scatter [tilespmem:s7], [sflag:$0x2], $0x4000, $0x38;
	[tilespmem:$0x4100] =	vst v63  }
0x26: {  	_ =	swait.ge [sflag:s3], $0x4000  }
0x27: {  	[sflag:s3] =	ssyncset.done $0x0  }
.LBB2_2:
0x28: {  	[sflag:s3] =	ssyncadd.s32 $0xFFFFC000  }
0x29: {  	_ =	sfence.sel $0x180000  }
0x2a: {  	[bflag:$0x0] =	sbarrier.arrive $0xFFFF  }
0x2b: {  	p0 =	sne.s32 s0, $0x0;
	_ =	strace $0x90000047  }
0x2c: {  	s0 =	sadd.s32 @!p0 $0x100000, s1;
	[bflag:$0x2] =	sbarrier.arrive $0xFFFF  }
0x2d: {  	[sflag:s0] =	ssyncadd.tile.s32 @!p0 $0x1;
	_ =	shalt  }
.Lfunc_end2:
_tile_overlayer_lowered:
.L_overlay_start_2:
0x2e: {  	(tag) =	ssettag $0x2  }
0x2f: {  	s0 =	rddreg [dreg:$0x0];
	s2 =	stileid.u32  }
0x30: {  	s1 =	rddreg [dreg:$0x1];
	p0 =	sne.s32 s2, $0x0  }
0x31: {  	s3 =	rddreg [dreg:$0x2];
	[bflag:$0x3] =	sbarrier.arrive $0xFFFF;
	s2 =	simm.s32 @!p0 $0x1C02  }
0x32: {  	[timem:s3], [sflag:s2] =	dma.local @!p0 [hbm:s0], s1  }
0x33: {  	s0 =	simm.s32 @!p0 $0x2  }
0x34: {  	_ =	swait.ge @!p0 [sflag:s0], s1  }
0x35: {  	s1 =	ssub.s32 @!p0 $0x0, s1;
	[sflag:s0] =	ssyncset.done @!p0 $0x0  }
0x36: {  	[sflag:s0] =	ssyncadd.s32 @!p0 s1  }
0x37: {  	[bflag:$0x3] =	sbarrier.arrive $0xFFFF  }
0x38: {  	_ =	shalt  }

// kernel: kernel.35.cloned.1.call-start
scs
__scs_entry_jumppad:
0x0: {  	(pc) =	sbr.rel $0x88, $3  }
0x1: {  	(tag) =	ssettag $0x0;
	lr =	simm.s32 $0x1  }
0x2: {  	[smem:$0x3F69] =	sst lr;
	_ =	strace $0xD0000000  }
0x3: {  	_ = 	snop  }
0x4: {  	_ = 	snop  }
0x5: {  	_ = 	snop  }
0x6: {  	_ = 	snop  }
0x7: {  	_ = 	snop  }
__scs_overlays_trampoline_lowered:
0x8: {  	[smem:$0x3F78] =	sst s0  }
0x9: {  	[smem:$0x3F79] =	sst s1  }
0xa: {  	[smem:$0x3F7A] =	sst s2  }
0xb: {  	[smem:$0x3F7B] =	sst s3  }
0xc: {  	[smem:$0x3F7C] =	sst s4  }
0xd: {  	[smem:$0x3F7D] =	sst s5  }
0xe: {  	[smem:$0x3F7E] =	sst s6  }
0xf: {  	[smem:$0x3F7F] =	sst s7  }
0x10: {  	[smem:$0x3F80] =	sst s8  }
0x11: {  	[smem:$0x3F81] =	sst s9;
	s0 =	simm.s32 @!p0 $0x0  }
0x12: {  	s1 =	sld [smem:$0x3F67];
	s0 =	simm.s32 @p0 $0x1  }
0x13: {  	[smem:$0x3F82] =	sst s0;
	s0 =	simm.s32 @!p1 $0x0  }
0x14: {  	s2 =	sld [smem:$0x3F66];
	s0 =	simm.s32 @p1 $0x1  }
0x15: {  	[smem:$0x3F83] =	sst s0;
	s0 =	simm.s32 @!p2 $0x0  }
0x16: {  	s3 =	sld [smem:$0x3FDB];
	s0 =	simm.s32 @p2 $0x1  }
0x17: {  	s4 =	simm.s32 $0x1BF5;
	[smem:$0x3F85] =	sst s0  }
0x18: {  	s0 =	sld [smem:$0x3F68];
	_ =	swait.ge [sflag:s4], $0x0  }
0x19: {  	s7 =	sld [smem:$0x3F69]  }
0x1a: {  	s8 =	sadd.s32 $0xFFFFE003, lr  }
0x1b: {  	s9 =	sadd.s32 $0xFFFFFEF7, lr;
	s5 =	simm.s32 $0xFFFFFFFF;
	p2 =	slt.u32 s8, $0xFFFFF086  }
0x1c: {  	p1 =	slt.u32 s9, $0xF7A;
	s5 =	simm.s32 @!p2 $0x0  }
0x1d: {  	s5 =	simm.s32 @p1 $0x1;
	p0 =	seq.s32 s7, s2  }
0x1e: {  	s7 =	smul.u32 @!p0 $0xF7A, s2;
	p2 =	seq.s32 @!p0 s5, $0x0  }
0x1f: {  	s9 =	smul.u32 $0xF7A, s1;
	s8 =	simm.s32 @!p0 $0x1BF5;
	p2 =	por !p2, p0  }
0x20: {  	[sflag:s8] =	ssyncset.s32 @!p0 $0xFFFFF086;
	s6 =	sadd.s32 @!p0 s3, s7;
	s7 =	simm.s32 @!p0 $0x108  }
0x21: {  	s3 =	sadd.s32 s3, s9;
	s6 =	sadd.s32 @!p0 $0x88, s6;
	s7 =	simm.s32 @p2 $0x1082  }
0x22: {  	[simem:s7], [sflag:s8] =	dma.local @!p0 [hbm:s6], $0xF7A  }
0x23: {  	s9 =	sor.u32 $0xD0000000, s2;
	s6 =	simm.s32 $0x108;
	_ =	swait.ge @!p0 [sflag:s8], $0x0  }
0x24: {  	s3 =	sadd.s32 $0x88, s3;
	s6 =	simm.s32 @!p1 $0x1082;
	[sflag:s4] =	ssyncset.s32 $0xFFFFF086  }
0x25: {  	[simem:s6], [sflag:s4] =	dma.local [hbm:s3], $0xF7A  }
0x26: {  	[smem:$0x3F69] =	sst s1;
	(tag) =	ssettag s2;
	_ =	strace s9  }
0x27: {  	s1 =	sld [smem:$0x3F79]  }
0x28: {  	s2 =	sld [smem:$0x3F7A]  }
0x29: {  	s4 =	sld [smem:$0x3F7C]  }
0x2a: {  	p0 =	seq.s32 s5, $0x0;
	s5 =	sld [smem:$0x3F7D]  }
0x2b: {  	s6 =	sld [smem:$0x3F7E]  }
0x2c: {  	s7 =	sld [smem:$0x3F7F]  }
0x2d: {  	s3 =	simm.s32 $0x108;
	s8 =	sld [smem:$0x3F80]  }
0x2e: {  	s3 =	simm.s32 @!p0 $0x1082;
	s9 =	sld [smem:$0x3F81]  }
0x2f: {  	lr =	sadd.s32 s0, s3;
	s0 =	sld [smem:$0x3F78]  }
0x30: {  	s3 =	sld [smem:$0x3F7B]  }
0x31: {  	[smem:$0x3F84] =	sst s10  }
0x32: {  	s10 =	sld [smem:$0x3F82];
	_ =	sdelay $0x3  }
0x33: {  	p0 =	seq.s32 s10, $0x1;
	s10 =	sld [smem:$0x3F84];
	_ =	sdelay $0x3  }
0x34: {  	[smem:$0x3F84] =	sst s10  }
0x35: {  	s10 =	sld [smem:$0x3F83];
	_ =	sdelay $0x3  }
0x36: {  	p1 =	seq.s32 s10, $0x1;
	s10 =	sld [smem:$0x3F84];
	_ =	sdelay $0x3  }
0x37: {  	[smem:$0x3F84] =	sst s10  }
0x38: {  	s10 =	sld [smem:$0x3F85]  }
0x39: {  	_ = 	snop;
	(pc) =	sbr.ind lr, $3  }
0x3a: {  	_ = 	snop  }
0x3b: {  	_ = 	snop  }
0x3c: {  	p2 =	seq.s32 s10, $0x1;
	s10 =	sld [smem:$0x3F84]  }
0x3d: {  	_ =	shalt  }
0x3e: {  	_ =	shalt  }
0x3f: {  	_ =	shalt  }
0x40: {  	_ =	shalt  }
0x41: {  	_ =	shalt  }
0x42: {  	_ =	shalt  }
0x43: {  	_ =	shalt  }
0x44: {  	_ =	shalt  }
0x45: {  	_ =	shalt  }
0x46: {  	_ =	shalt  }
0x47: {  	_ =	shalt  }
0x48: {  	_ =	shalt  }
0x49: {  	_ =	shalt  }
0x4a: {  	_ =	shalt  }
0x4b: {  	_ =	shalt  }
0x4c: {  	_ =	shalt  }
0x4d: {  	_ =	shalt  }
0x4e: {  	_ =	shalt  }
0x4f: {  	_ =	shalt  }
0x50: {  	_ =	shalt  }
0x51: {  	_ =	shalt  }
0x52: {  	_ =	shalt  }
0x53: {  	_ =	shalt  }
0x54: {  	_ =	shalt  }
0x55: {  	_ =	shalt  }
0x56: {  	_ =	shalt  }
0x57: {  	_ =	shalt  }
0x58: {  	_ =	shalt  }
0x59: {  	_ =	shalt  }
0x5a: {  	_ =	shalt  }
0x5b: {  	_ =	shalt  }
0x5c: {  	_ =	shalt  }
0x5d: {  	_ =	shalt  }
0x5e: {  	_ =	shalt  }
0x5f: {  	_ =	shalt  }
0x60: {  	_ =	shalt  }
0x61: {  	_ =	shalt  }
0x62: {  	_ =	shalt  }
0x63: {  	_ =	shalt  }
0x64: {  	_ =	shalt  }
0x65: {  	_ =	shalt  }
0x66: {  	_ =	shalt  }
0x67: {  	_ =	shalt  }
0x68: {  	_ =	shalt  }
0x69: {  	_ =	shalt  }
0x6a: {  	_ =	shalt  }
0x6b: {  	_ =	shalt  }
0x6c: {  	_ =	shalt  }
0x6d: {  	_ =	shalt  }
0x6e: {  	_ =	shalt  }
0x6f: {  	_ =	shalt  }
0x70: {  	_ =	shalt  }
0x71: {  	_ =	shalt  }
0x72: {  	_ =	shalt  }
0x73: {  	_ =	shalt  }
0x74: {  	_ =	shalt  }
0x75: {  	_ =	shalt  }
0x76: {  	_ =	shalt  }
0x77: {  	_ =	shalt  }
0x78: {  	_ =	shalt  }
0x79: {  	_ =	shalt  }
0x7a: {  	_ =	shalt  }
0x7b: {  	_ =	shalt  }
0x7c: {  	_ =	shalt  }
0x7d: {  	_ =	shalt  }
0x7e: {  	_ =	shalt  }
0x7f: {  	_ =	shalt  }
0x80: {  	_ =	shalt  }
0x81: {  	_ =	shalt  }
0x82: {  	_ =	shalt  }
0x83: {  	_ =	shalt  }
0x84: {  	_ =	shalt  }
0x85: {  	_ =	shalt  }
0x86: {  	_ =	shalt  }
0x87: {  	_ =	shalt  }
.Lfunc_end0:
.L_simem_size_0:
called_computation.1_lowered:
.L_overlay_start_0:
0x88: {  	s2 =	sld [smem:$0x3FD9]  }
0x89: {  	s3 =	sld [smem:$0x3FFE];
	_ =	sdelay $0x1  }
0x8a: {  	s1 =	srdreg.scid  }
0x8b: {  	s0 =	sand.u32 $0x1, s1  }
0x8c: {  	s17 =	sshll.u32 s0, $0xA;
	s2 =	sadd.s32 s3, s2  }
0x8d: {  	s2 =	sadd.s32 s2, s17  }
0x8e: {  	[smem:$0x3F90] =	sst s2  }
0x8f: {  	_ = 	snop  }
0x90: {  	s2 =	sld [smem:$0x3FC7];
	(tm) =	ssettm $0x1  }
0x91: {  	s18 =	sld [smem:$0x3FFB];
	_ =	sdelay $0x3  }
0x92: {  	_ =	strace s18  }
0x93: {  	s3 =	sld [smem:$0x3FFC];
	_ =	sdelay $0x3  }
0x94: {  	_ =	strace s3  }
0x95: {  	s3 =	sld [smem:$0x3FFD];
	_ =	sdelay $0x3  }
0x96: {  	_ =	strace s3  }
0x97: {  	_ =	strace $0x8FFFFFFF  }
0x98: {  	s19 =	sld [smem:$0x3FDB];
	_ =	sdelay $0x1  }
0x99: {  	s4 =	simm.s32 $_scs_section_size  }
0x9a: {  	s5 =	simm.s32 $_size__tile_overlayer_lowered;
	s6 =	simm.s32 $_tile_overlayer_lowered  }
0x9b: {  	s22 =	simm.s32 $0x1BFF;
	s21 =	sshll.u32 s6, $0x1;
	s3 =	sadd.s32 s4, s19  }
0x9c: {  	s7 =	simm.s32 $0x0;
	s20 =	sshll.u32 s5, $0x1;
	s5 =	sadd.s32 s21, s3  }
0x9d: {  	[timem:s7], [sflag:s22] =	dma.local [hbm:s5], s20  }
0x9e: {  	_ =	swait.ge [sflag:s22], s20  }
0x9f: {  	s4 =	ssub.s32 $0x0, s20;
	[sflag:s22] =	ssyncset.done $0x0  }
0xa0: {  	[sflag:s22] =	ssyncadd.s32 s4;
	_ =	sdelay $0x1  }
0xa1: {  	s23 =	simm.s32 $0x1B8B  }
0xa2: {  	_ =	swait.ge [sflag:s23], $0x1  }
0xa3: {  	[sflag:s23] =	ssyncset.done $0x0  }
0xa4: {  	s25 =	simm.s32 $0x1B8E;
	s24 =	sld [smem:$0x3FFE];
	[sflag:s23] =	ssyncadd.s32 $0xFFFFFFFF  }
0xa5: {  	s26 =	simm.s32 $execute0_lowered;
	[smem:$0x3FD2] =	sst s25  }
0xa6: {  	s5 =	sshll.u32 s26, $0x1;
	_ =	strace $0x80000049;
	[dreg:$0x1] =	wrdreg $0xFFFFFFFF  }
0xa7: {  	s28 =	simm.s32 $_size_execute0_lowered;
	s3 =	sadd.s32 s3, s5;
	[dreg:$0x0] =	wrdreg $0x0  }
0xa8: {  	s5 =	sshll.u32 s28, $0x1;
	[dreg:$0x2] =	wrdreg s3  }
0xa9: {  	[dreg:$0x3] =	wrdreg s5  }
0xaa: {  	[dreg:$0x4] =	wrdreg $0xC0  }
0xab: {  	_ =	task [dreg:s7], $0x5FFFF  }
0xac: {  	[dreg:$0x1] =	wrdreg $0xFFFFFFFF  }
0xad: {  	[dreg:$0x0] =	wrdreg $0x60  }
0xae: {  	[dreg:$0x2] =	wrdreg s24  }
0xaf: {  	[dreg:$0x3] =	wrdreg s2  }
0xb0: {  	[dreg:$0x4] =	wrdreg $0x41000  }
0xb1: {  	[dreg:$0x5] =	wrdreg $0x9  }
0xb2: {  	_ =	task.clear_ibuf [dreg:s7], $0x6FFFF;
	_ =	strace $0x90000049  }
0xb3: {  	s29 =	simm.s32 $0x9;
	_ =	strace $0x8000004B  }
0xb4: {  	_ =	swait.ge [sflag:s29], $0x1  }
0xb5: {  	[sflag:s29] =	ssyncadd.s32 $0xFFFFFFFF  }
0xb6: {  	_ =	strace $0x9000004B  }
0xb7: {  	_ =	sfence  }
0xb8: {  	s30 =	sld [smem:$0x0];
	_ =	sdelay $0x2  }
0xb9: {  	s31 =	sshll.u32 s1, $0xD;
	s1 =	sshrl.u32 s1, $0x2  }
0xba: {  	s3 =	sand.u32 $0x4000, s31;
	s1 =	sadd.s32 s1, s30  }
0xbb: {  	s0 =	sor.u32 s3, s0;
	s1 =	sshll.u32 s1, $0x11  }
0xbc: {  	s0 =	sor.u32 s1, s0  }
0xbd: {  	s0 =	sadd.s32 $0x8F2B, s0  }
0xbe: {  	[sflag:s0] =	ssyncadd.remote.s32 $0x1  }
0xbf: {  	_ =	sfence.sel $0xFFFF  }
0xc0: {  	[dreg:$0x0] =	wrdreg $0xFFFFFFFF;
	(pc) =	sbr.abs _section_cstart, $3  }
0xc1: {  	[dreg:$0x1] =	wrdreg $0xFFFFFFFF  }
0xc2: {  	_ =	task.clear_ibuf [dreg:s7], $0x2FFFF;
	_ =	strace $0x9FFFFFFF  }
0xc3: {  	(tm) =	ssettm $0x7FFFFFFF  }
tec
execute0_lowered:
.L_overlay_start_1:
0x0: {  	(tag) =	ssettag $0x1  }
0x1: {  	s13 =	rddreg [dreg:$0x0]  }
0x2: {  	s8 =	rddreg [dreg:$0x1]  }
0x3: {  	s2 =	rddreg [dreg:$0x2]  }
0x4: {  	s0 =	rddreg [dreg:$0x3];
	s3 =	simm.s32 $0x0;
	s4 =	srdreg.scid  }
0x5: {  	s1 =	stileid.u32;
	[smem:$0x7FF] =	sst s3;
	s14 =	sand.u32 $0x1, s4  }
0x6: {  	s15 =	smul.u32 $0x5400, s1;
	s4 =	simm.s32 $0x23C00;
	s9 =	sshll.u32 s1, $0x2  }
0x7: {  	s30 =	sshll.u32 s1, $0x6;
	p0 =	seq.s32 s14, $0x1;
	_ =	strace $0x8000004A  }
0x8: {  	s10 =	sshll.u32 s14, $0x1;
	s4 =	simm.s32 @!p0 $0x9400;
	s6 =	sadd.s32 s15, s2  }
0x9: {  	s5 =	sshrl.u32 s15, $0x3;
	s4 =	sadd.s32 s4, s13;
	s7 =	sshrl.u32 s6, $0x3  }
0xa: {  	s6 =	simm.s32 $0x1;
	s4 =	sadd.s32 s4, s5;
	s5 =	sor.u32 $0x1C01, s30  }
0xb: {  	[spmem:s7], [sflag:s5] =	dma.local [hbm:s4], $0xA80  }
0xc: {  	s9 =	sor.u32 s10, s9;
	_ =	swait.ge [sflag:s6], $0xA80  }
0xd: {  	s10 =	sshll.u32 s9, $0x4;
	[sflag:s6] =	ssyncset.done $0x0  }
0xe: {  	s8 =	sadd.s32 s8, s10;
	[sflag:s6] =	ssyncadd.s32 $0xFFFFF580  }
0xf: {  	[tilespmem:s3], [sflag:$0x1] =	stream.linear.gather [hbm4b:s8+s3], $0x100, $0x38;
	[tilespmem:$0x9500] =	vst v63  }
0x10: {  	s9 =	sshll.u32 s9, $0xA;
	_ =	swait.ge [sflag:s6], $0x100  }
0x11: {  	s9 =	sadd.s32 s9, s13;
	[sflag:s6] =	ssyncset.done $0x0  }
0x12: {  	s10 =	simm.s32 $0x100;
	s9 =	sadd.s32 $0x13C00, s9;
	[sflag:s6] =	ssyncadd.s32 $0xFFFFFF00  }
0x13: {  	[tilespmem:s10], [sflag:$0x1] =	stream.linear.gather [hbm4b:s9+s3], $0x4000, $0x38;
	[tilespmem:$0x9500] =	vst v63  }
0x14: {  	_ =	swait.ge [sflag:s6], $0x4000  }
0x15: {  	[sflag:s6] =	ssyncset.done $0x0  }
0x16: {  	[sflag:s6] =	ssyncadd.s32 $0xFFFFC000  }
0x17: {  	s11 =	simm.s32 $0x80;
	[bflag:$0x0] =	sbarrier.arrive $0xFFFF  }
0x18: {  	[spmem:s2] =	stream.indirect.scatter.add.f32 [tilespmem:s10], [sflag:$0x1], $0x40, s3, s11, $0xb8;
	[tilespmem:$0x9500] =	vst v63  }
0x19: {  	s16 =	smul.u32 $0x54000, s14;
	s14 =	ssub.s32 $0x2, s14;
	_ =	swait.ge [sflag:s6], $0x2000  }
0x1a: {  	s31 =	sshrl.u32 s14, $0x1;
	[sflag:s6] =	ssyncset.done $0x0  }
0x1b: {  	s12 =	simm.s32 $0x2100;
	s14 =	ssub.s32 s14, s31;
	[sflag:s6] =	ssyncadd.s32 $0xFFFFE000  }
0x1c: {  	[spmem:s2] =	stream.indirect.scatter.add.f32 [tilespmem:s12], [sflag:$0x1], $0x40, s11, s11, $0xb8;
	[tilespmem:$0x9500] =	vst v63  }
0x1d: {  	s15 =	sadd.s32 s15, s16;
	s14 =	smax.u32 s14, $0x1;
	_ =	swait.ge [sflag:s6], $0x2000  }
0x1e: {  	s15 =	sshrl.u32 s15, $0x3;
	p0 =	sne.s32 s14, $0x1;
	[sflag:s6] =	ssyncset.done $0x0  }
.Ltmp0:
0x1f: {  	s13 =	sadd.s32 s15, s13;
	[sflag:s6] =	ssyncadd.s32 $0xFFFFE000;
	(pc) =	sbr.rel @!p0 .LBB2_2-.Ltmp0, $4  }
0x20: {  	s13 =	sadd.s32 $0x2E400, s13;
	[bflag:$0x0] =	sbarrier.arrive $0xFFFF  }
0x21: {  	[hbm:s13], [sflag:s5] =	dma.local [spmem:s7], $0xA80  }
0x22: {  	_ =	swait.ge [sflag:s6], $0xA80  }
0x23: {  	s14 =	sadd.s32 $0xFFFFFFFF, s14;
	[sflag:s6] =	ssyncset.done $0x0  }
.LBB2_1:
0x24: {  	p0 =	sne.s32 s14, $0x1;
	s14 =	sadd.s32 $0xFFFFFFFF, s14;
	[sflag:s6] =	ssyncadd.s32 $0xFFFFF580  }
0x25: {  	[spmem:s7], [sflag:s5] =	dma.local [hbm:s4], $0xA80  }
0x26: {  	_ =	swait.ge [sflag:s6], $0xA80  }
0x27: {  	[sflag:s6] =	ssyncset.done $0x0  }
0x28: {  	[sflag:s6] =	ssyncadd.s32 $0xFFFFF580  }
0x29: {  	[tilespmem:s3], [sflag:$0x1] =	stream.linear.gather [hbm4b:s8+s3], $0x100, $0x38;
	[tilespmem:$0x9500] =	vst v63  }
0x2a: {  	_ =	swait.ge [sflag:s6], $0x100  }
0x2b: {  	[sflag:s6] =	ssyncset.done $0x0  }
0x2c: {  	[sflag:s6] =	ssyncadd.s32 $0xFFFFFF00  }
0x2d: {  	[tilespmem:s10], [sflag:$0x1] =	stream.linear.gather [hbm4b:s9+s3], $0x4000, $0x38;
	[tilespmem:$0x9500] =	vst v63  }
0x2e: {  	_ =	swait.ge [sflag:s6], $0x4000  }
0x2f: {  	[sflag:s6] =	ssyncset.done $0x0  }
0x30: {  	[sflag:s6] =	ssyncadd.s32 $0xFFFFC000  }
0x31: {  	[bflag:$0x0] =	sbarrier.arrive $0xFFFF  }
0x32: {  	[spmem:s2] =	stream.indirect.scatter.add.f32 [tilespmem:s10], [sflag:$0x1], $0x40, s3, s11, $0xb8;
	[tilespmem:$0x9500] =	vst v63  }
0x33: {  	_ =	swait.ge [sflag:s6], $0x2000  }
0x34: {  	[sflag:s6] =	ssyncset.done $0x0  }
0x35: {  	[sflag:s6] =	ssyncadd.s32 $0xFFFFE000  }
0x36: {  	[spmem:s2] =	stream.indirect.scatter.add.f32 [tilespmem:s12], [sflag:$0x1], $0x40, s11, s11, $0xb8;
	[tilespmem:$0x9500] =	vst v63  }
0x37: {  	_ =	swait.ge [sflag:s6], $0x2000  }
0x38: {  	[sflag:s6] =	ssyncset.done $0x0  }
.Ltmp1:
0x39: {  	[sflag:s6] =	ssyncadd.s32 $0xFFFFE000;
	(pc) =	sbr.rel @p0 .LBB2_1-.Ltmp1, $4  }
0x3a: {  	[bflag:$0x0] =	sbarrier.arrive $0xFFFF  }
0x3b: {  	[hbm:s13], [sflag:s5] =	dma.local [spmem:s7], $0xA80  }
0x3c: {  	_ =	swait.ge [sflag:s6], $0xA80  }
0x3d: {  	[sflag:s6] =	ssyncset.done $0x0  }
.LBB2_2:
0x3e: {  	[sflag:s6] =	ssyncadd.s32 $0xFFFFF580  }
0x3f: {  	_ =	sfence.sel $0x180000  }
0x40: {  	[bflag:$0x0] =	sbarrier.arrive $0xFFFF  }
0x41: {  	p0 =	sne.s32 s1, $0x0;
	_ =	strace $0x9000004A  }
0x42: {  	s0 =	sadd.s32 @!p0 $0x100000, s0;
	[bflag:$0x2] =	sbarrier.arrive $0xFFFF  }
0x43: {  	[sflag:s0] =	ssyncadd.tile.s32 @!p0 $0x1;
	_ =	shalt  }
.Lfunc_end2:
_tile_overlayer_lowered:
.L_overlay_start_2:
0x44: {  	(tag) =	ssettag $0x2  }
0x45: {  	s0 =	rddreg [dreg:$0x0];
	s2 =	stileid.u32  }
0x46: {  	s1 =	rddreg [dreg:$0x1];
	p0 =	sne.s32 s2, $0x0  }
0x47: {  	s3 =	rddreg [dreg:$0x2];
	[bflag:$0x3] =	sbarrier.arrive $0xFFFF;
	s2 =	simm.s32 @!p0 $0x1C01  }
0x48: {  	[timem:s3], [sflag:s2] =	dma.local @!p0 [hbm:s0], s1  }
0x49: {  	s0 =	simm.s32 @!p0 $0x1  }
0x4a: {  	_ =	swait.ge @!p0 [sflag:s0], s1  }
0x4b: {  	s1 =	ssub.s32 @!p0 $0x0, s1;
	[sflag:s0] =	ssyncset.done @!p0 $0x0  }
0x4c: {  	[sflag:s0] =	ssyncadd.s32 @!p0 s1  }
0x4d: {  	[bflag:$0x3] =	sbarrier.arrive $0xFFFF  }
0x4e: {  	_ =	shalt  }

// kernel: kernel.38.cloned.1.call-start
scs
__scs_entry_jumppad:
0x0: {  	(pc) =	sbr.rel $0x88, $3  }
0x1: {  	(tag) =	ssettag $0x0;
	lr =	simm.s32 $0x1  }
0x2: {  	[smem:$0x3F69] =	sst lr;
	_ =	strace $0xD0000000  }
0x3: {  	_ = 	snop  }
0x4: {  	_ = 	snop  }
0x5: {  	_ = 	snop  }
0x6: {  	_ = 	snop  }
0x7: {  	_ = 	snop  }
__scs_overlays_trampoline_lowered:
0x8: {  	[smem:$0x3F78] =	sst s0  }
0x9: {  	[smem:$0x3F79] =	sst s1  }
0xa: {  	[smem:$0x3F7A] =	sst s2  }
0xb: {  	[smem:$0x3F7B] =	sst s3  }
0xc: {  	[smem:$0x3F7C] =	sst s4  }
0xd: {  	[smem:$0x3F7D] =	sst s5  }
0xe: {  	[smem:$0x3F7E] =	sst s6  }
0xf: {  	[smem:$0x3F7F] =	sst s7  }
0x10: {  	[smem:$0x3F80] =	sst s8  }
0x11: {  	[smem:$0x3F81] =	sst s9;
	s0 =	simm.s32 @!p0 $0x0  }
0x12: {  	s1 =	sld [smem:$0x3F67];
	s0 =	simm.s32 @p0 $0x1  }
0x13: {  	[smem:$0x3F82] =	sst s0;
	s0 =	simm.s32 @!p1 $0x0  }
0x14: {  	s2 =	sld [smem:$0x3F66];
	s0 =	simm.s32 @p1 $0x1  }
0x15: {  	[smem:$0x3F83] =	sst s0;
	s0 =	simm.s32 @!p2 $0x0  }
0x16: {  	s3 =	sld [smem:$0x3FDB];
	s0 =	simm.s32 @p2 $0x1  }
0x17: {  	s4 =	simm.s32 $0x1BF5;
	[smem:$0x3F85] =	sst s0  }
0x18: {  	s0 =	sld [smem:$0x3F68];
	_ =	swait.ge [sflag:s4], $0x0  }
0x19: {  	s7 =	sld [smem:$0x3F69]  }
0x1a: {  	s8 =	sadd.s32 $0xFFFFE003, lr  }
0x1b: {  	s9 =	sadd.s32 $0xFFFFFEF7, lr;
	s5 =	simm.s32 $0xFFFFFFFF;
	p2 =	slt.u32 s8, $0xFFFFF086  }
0x1c: {  	p1 =	slt.u32 s9, $0xF7A;
	s5 =	simm.s32 @!p2 $0x0  }
0x1d: {  	s5 =	simm.s32 @p1 $0x1;
	p0 =	seq.s32 s7, s2  }
0x1e: {  	s7 =	smul.u32 @!p0 $0xF7A, s2;
	p2 =	seq.s32 @!p0 s5, $0x0  }
0x1f: {  	s9 =	smul.u32 $0xF7A, s1;
	s8 =	simm.s32 @!p0 $0x1BF5;
	p2 =	por !p2, p0  }
0x20: {  	[sflag:s8] =	ssyncset.s32 @!p0 $0xFFFFF086;
	s6 =	sadd.s32 @!p0 s3, s7;
	s7 =	simm.s32 @!p0 $0x108  }
0x21: {  	s3 =	sadd.s32 s3, s9;
	s6 =	sadd.s32 @!p0 $0x88, s6;
	s7 =	simm.s32 @p2 $0x1082  }
0x22: {  	[simem:s7], [sflag:s8] =	dma.local @!p0 [hbm:s6], $0xF7A  }
0x23: {  	s9 =	sor.u32 $0xD0000000, s2;
	s6 =	simm.s32 $0x108;
	_ =	swait.ge @!p0 [sflag:s8], $0x0  }
0x24: {  	s3 =	sadd.s32 $0x88, s3;
	s6 =	simm.s32 @!p1 $0x1082;
	[sflag:s4] =	ssyncset.s32 $0xFFFFF086  }
0x25: {  	[simem:s6], [sflag:s4] =	dma.local [hbm:s3], $0xF7A  }
0x26: {  	[smem:$0x3F69] =	sst s1;
	(tag) =	ssettag s2;
	_ =	strace s9  }
0x27: {  	s1 =	sld [smem:$0x3F79]  }
0x28: {  	s2 =	sld [smem:$0x3F7A]  }
0x29: {  	s4 =	sld [smem:$0x3F7C]  }
0x2a: {  	p0 =	seq.s32 s5, $0x0;
	s5 =	sld [smem:$0x3F7D]  }
0x2b: {  	s6 =	sld [smem:$0x3F7E]  }
0x2c: {  	s7 =	sld [smem:$0x3F7F]  }
0x2d: {  	s3 =	simm.s32 $0x108;
	s8 =	sld [smem:$0x3F80]  }
0x2e: {  	s3 =	simm.s32 @!p0 $0x1082;
	s9 =	sld [smem:$0x3F81]  }
0x2f: {  	lr =	sadd.s32 s0, s3;
	s0 =	sld [smem:$0x3F78]  }
0x30: {  	s3 =	sld [smem:$0x3F7B]  }
0x31: {  	[smem:$0x3F84] =	sst s10  }
0x32: {  	s10 =	sld [smem:$0x3F82];
	_ =	sdelay $0x3  }
0x33: {  	p0 =	seq.s32 s10, $0x1;
	s10 =	sld [smem:$0x3F84];
	_ =	sdelay $0x3  }
0x34: {  	[smem:$0x3F84] =	sst s10  }
0x35: {  	s10 =	sld [smem:$0x3F83];
	_ =	sdelay $0x3  }
0x36: {  	p1 =	seq.s32 s10, $0x1;
	s10 =	sld [smem:$0x3F84];
	_ =	sdelay $0x3  }
0x37: {  	[smem:$0x3F84] =	sst s10  }
0x38: {  	s10 =	sld [smem:$0x3F85]  }
0x39: {  	_ = 	snop;
	(pc) =	sbr.ind lr, $3  }
0x3a: {  	_ = 	snop  }
0x3b: {  	_ = 	snop  }
0x3c: {  	p2 =	seq.s32 s10, $0x1;
	s10 =	sld [smem:$0x3F84]  }
0x3d: {  	_ =	shalt  }
0x3e: {  	_ =	shalt  }
0x3f: {  	_ =	shalt  }
0x40: {  	_ =	shalt  }
0x41: {  	_ =	shalt  }
0x42: {  	_ =	shalt  }
0x43: {  	_ =	shalt  }
0x44: {  	_ =	shalt  }
0x45: {  	_ =	shalt  }
0x46: {  	_ =	shalt  }
0x47: {  	_ =	shalt  }
0x48: {  	_ =	shalt  }
0x49: {  	_ =	shalt  }
0x4a: {  	_ =	shalt  }
0x4b: {  	_ =	shalt  }
0x4c: {  	_ =	shalt  }
0x4d: {  	_ =	shalt  }
0x4e: {  	_ =	shalt  }
0x4f: {  	_ =	shalt  }
0x50: {  	_ =	shalt  }
0x51: {  	_ =	shalt  }
0x52: {  	_ =	shalt  }
0x53: {  	_ =	shalt  }
0x54: {  	_ =	shalt  }
0x55: {  	_ =	shalt  }
0x56: {  	_ =	shalt  }
0x57: {  	_ =	shalt  }
0x58: {  	_ =	shalt  }
0x59: {  	_ =	shalt  }
0x5a: {  	_ =	shalt  }
0x5b: {  	_ =	shalt  }
0x5c: {  	_ =	shalt  }
0x5d: {  	_ =	shalt  }
0x5e: {  	_ =	shalt  }
0x5f: {  	_ =	shalt  }
0x60: {  	_ =	shalt  }
0x61: {  	_ =	shalt  }
0x62: {  	_ =	shalt  }
0x63: {  	_ =	shalt  }
0x64: {  	_ =	shalt  }
0x65: {  	_ =	shalt  }
0x66: {  	_ =	shalt  }
0x67: {  	_ =	shalt  }
0x68: {  	_ =	shalt  }
0x69: {  	_ =	shalt  }
0x6a: {  	_ =	shalt  }
0x6b: {  	_ =	shalt  }
0x6c: {  	_ =	shalt  }
0x6d: {  	_ =	shalt  }
0x6e: {  	_ =	shalt  }
0x6f: {  	_ =	shalt  }
0x70: {  	_ =	shalt  }
0x71: {  	_ =	shalt  }
0x72: {  	_ =	shalt  }
0x73: {  	_ =	shalt  }
0x74: {  	_ =	shalt  }
0x75: {  	_ =	shalt  }
0x76: {  	_ =	shalt  }
0x77: {  	_ =	shalt  }
0x78: {  	_ =	shalt  }
0x79: {  	_ =	shalt  }
0x7a: {  	_ =	shalt  }
0x7b: {  	_ =	shalt  }
0x7c: {  	_ =	shalt  }
0x7d: {  	_ =	shalt  }
0x7e: {  	_ =	shalt  }
0x7f: {  	_ =	shalt  }
0x80: {  	_ =	shalt  }
0x81: {  	_ =	shalt  }
0x82: {  	_ =	shalt  }
0x83: {  	_ =	shalt  }
0x84: {  	_ =	shalt  }
0x85: {  	_ =	shalt  }
0x86: {  	_ =	shalt  }
0x87: {  	_ =	shalt  }
.Lfunc_end0:
.L_simem_size_0:
called_computation.2_lowered:
.L_overlay_start_0:
0x88: {  	s2 =	sld [smem:$0x3FD9]  }
0x89: {  	s3 =	sld [smem:$0x3FFE];
	_ =	sdelay $0x1  }
0x8a: {  	s1 =	srdreg.scid  }
0x8b: {  	s0 =	sand.u32 $0x1, s1  }
0x8c: {  	s17 =	sshll.u32 s0, $0xA;
	s2 =	sadd.s32 s3, s2  }
0x8d: {  	s2 =	sadd.s32 s2, s17  }
0x8e: {  	[smem:$0x3F90] =	sst s2  }
0x8f: {  	_ = 	snop  }
0x90: {  	s2 =	sld [smem:$0x3FC6];
	(tm) =	ssettm $0x1  }
0x91: {  	s18 =	sld [smem:$0x3FFB];
	_ =	sdelay $0x3  }
0x92: {  	_ =	strace s18  }
0x93: {  	s3 =	sld [smem:$0x3FFC];
	_ =	sdelay $0x3  }
0x94: {  	_ =	strace s3  }
0x95: {  	s3 =	sld [smem:$0x3FFD];
	_ =	sdelay $0x3  }
0x96: {  	_ =	strace s3  }
0x97: {  	_ =	strace $0x8FFFFFFF  }
0x98: {  	s19 =	sld [smem:$0x3FDB];
	_ =	sdelay $0x1  }
0x99: {  	s4 =	simm.s32 $_scs_section_size  }
0x9a: {  	s5 =	simm.s32 $_size__tile_overlayer_lowered;
	s6 =	simm.s32 $_tile_overlayer_lowered  }
0x9b: {  	s22 =	simm.s32 $0x1BFF;
	s21 =	sshll.u32 s6, $0x1;
	s3 =	sadd.s32 s4, s19  }
0x9c: {  	s7 =	simm.s32 $0x0;
	s20 =	sshll.u32 s5, $0x1;
	s5 =	sadd.s32 s21, s3  }
0x9d: {  	[timem:s7], [sflag:s22] =	dma.local [hbm:s5], s20  }
0x9e: {  	_ =	swait.ge [sflag:s22], s20  }
0x9f: {  	s4 =	ssub.s32 $0x0, s20;
	[sflag:s22] =	ssyncset.done $0x0  }
0xa0: {  	[sflag:s22] =	ssyncadd.s32 s4;
	_ =	sdelay $0x1  }
0xa1: {  	s23 =	simm.s32 $0x1B8B  }
0xa2: {  	_ =	swait.ge [sflag:s23], $0x1  }
0xa3: {  	[sflag:s23] =	ssyncset.done $0x0  }
0xa4: {  	s25 =	simm.s32 $0x1B8E;
	s24 =	sld [smem:$0x3FFE];
	[sflag:s23] =	ssyncadd.s32 $0xFFFFFFFF  }
0xa5: {  	s26 =	simm.s32 $execute0_lowered;
	[smem:$0x3FD2] =	sst s25  }
0xa6: {  	s5 =	sshll.u32 s26, $0x1;
	_ =	strace $0x8000004C;
	[dreg:$0x1] =	wrdreg $0xFFFFFFFF  }
0xa7: {  	s28 =	simm.s32 $_size_execute0_lowered;
	s3 =	sadd.s32 s3, s5;
	[dreg:$0x0] =	wrdreg $0x0  }
0xa8: {  	s5 =	sshll.u32 s28, $0x1;
	[dreg:$0x2] =	wrdreg s3  }
0xa9: {  	[dreg:$0x3] =	wrdreg s5  }
0xaa: {  	[dreg:$0x4] =	wrdreg $0xC0  }
0xab: {  	_ =	task [dreg:s7], $0x5FFFF  }
0xac: {  	[dreg:$0x1] =	wrdreg $0xFFFFFFFF  }
0xad: {  	[dreg:$0x0] =	wrdreg $0x60  }
0xae: {  	[dreg:$0x2] =	wrdreg s24  }
0xaf: {  	[dreg:$0x3] =	wrdreg s2  }
0xb0: {  	[dreg:$0x4] =	wrdreg $0x9  }
0xb1: {  	_ =	task.clear_ibuf [dreg:s7], $0x5FFFF;
	_ =	strace $0x9000004C  }
0xb2: {  	s29 =	simm.s32 $0x9;
	_ =	strace $0x8000004E  }
0xb3: {  	_ =	swait.ge [sflag:s29], $0x1  }
0xb4: {  	[sflag:s29] =	ssyncadd.s32 $0xFFFFFFFF  }
0xb5: {  	_ =	strace $0x9000004E  }
0xb6: {  	_ =	sfence  }
0xb7: {  	s30 =	sld [smem:$0x0];
	_ =	sdelay $0x2  }
0xb8: {  	s31 =	sshll.u32 s1, $0xD;
	s1 =	sshrl.u32 s1, $0x2  }
0xb9: {  	s3 =	sand.u32 $0x4000, s31;
	s1 =	sadd.s32 s1, s30  }
0xba: {  	s0 =	sor.u32 s3, s0;
	s1 =	sshll.u32 s1, $0x11  }
0xbb: {  	s0 =	sor.u32 s1, s0  }
0xbc: {  	s0 =	sadd.s32 $0x8F2B, s0  }
0xbd: {  	[sflag:s0] =	ssyncadd.remote.s32 $0x1  }
0xbe: {  	_ =	sfence.sel $0xFFFF  }
0xbf: {  	[dreg:$0x0] =	wrdreg $0xFFFFFFFF;
	(pc) =	sbr.abs _section_cstart, $3  }
0xc0: {  	[dreg:$0x1] =	wrdreg $0xFFFFFFFF  }
0xc1: {  	_ =	task.clear_ibuf [dreg:s7], $0x2FFFF;
	_ =	strace $0x9FFFFFFF  }
0xc2: {  	(tm) =	ssettm $0x7FFFFFFF  }
0xc3: {  	_ =	shalt  }
tec
execute0_lowered:
.L_overlay_start_1:
0x0: {  	(tag) =	ssettag $0x1  }
0x1: {  	s1 =	srdreg.scid  }
0x2: {  	s8 =	rddreg [dreg:$0x0];
	s0 =	stileid.u32  }
0x3: {  	s3 =	rddreg [dreg:$0x1];
	s2 =	simm.s32 $0x0;
	s6 =	sand.u32 $0x1, s1  }
0x4: {  	s4 =	sshll.u32 s0, $0x7;
	s1 =	rddreg [dreg:$0x2];
	s5 =	sshll.u32 s6, $0x6  }
0x5: {  	s7 =	simm.s32 $0x1;
	[smem:$0x7FF] =	sst s2;
	s9 =	sor.u32 s5, s4  }
0x6: {  	_ =	strace $0x8000004D;
	s10 =	ssub.s32 $0x2, s6;
	s4 =	sshrl.u32 s9, $0x3  }
0x7: {  	s6 =	simm.s32 $0x40;
	s4 =	sadd.s32 s3, s4;
	s3 =	simm.s32 $0x2  }
0x8: {  	[tilespmem:s2], [sflag:$0x2] =	stream.linear.gather [hbm4b:s4+s2], $0x40, $0x38;
	[tilespmem:$0x1040] =	vst v63  }
0x9: {  	s5 =	sadd.s32 $0x9400, s8;
	s11 =	sshrl.u32 s10, $0x1;
	_ =	swait.ge [sflag:s3], $0x40  }
0xa: {  	s9 =	sshll.u32 s9, $0x3;
	s31 =	ssub.s32 s10, s11;
	[sflag:s3] =	ssyncset.done $0x0  }
0xb: {  	s8 =	sadd.s32 s9, s8;
	s9 =	smax.u32 s31, $0x1;
	[sflag:s3] =	ssyncadd.s32 $0xFFFFFFC0  }
0xc: {  	[tilespmem:s6], [sflag:$0x1] =	stream.indirect.gather [hbm4b:s5+s6], $0x40, s2, s6, $0xb8;
	[tilespmem:$0x1040] =	vst v63  }
0xd: {  	p0 =	sne.s32 s9, $0x1;
	_ =	swait.ge [sflag:s7], $0x1000  }
.Ltmp0:
0xe: {  	[sflag:s7] =	ssyncset.done $0x0;
	(pc) =	sbr.rel @!p0 .LBB2_2-.Ltmp0, $4  }
0xf: {  	s8 =	sadd.s32 $0x13C00, s8;
	[sflag:s7] =	ssyncadd.s32 $0xFFFFF000  }
0x10: {  	[hbm4b:s8+s2] =	stream.linear.scatter [tilespmem:s6], [sflag:$0x2], $0x1000, $0x38;
	[tilespmem:$0x1040] =	vst v63  }
0x11: {  	_ =	swait.ge [sflag:s3], $0x1000  }
0x12: {  	s9 =	sadd.s32 $0xFFFFFFFF, s9;
	[sflag:s3] =	ssyncset.done $0x0  }
.LBB2_1:
0x13: {  	p0 =	sne.s32 s9, $0x1;
	s9 =	sadd.s32 $0xFFFFFFFF, s9;
	[sflag:s3] =	ssyncadd.s32 $0xFFFFF000  }
0x14: {  	[tilespmem:s2], [sflag:$0x2] =	stream.linear.gather [hbm4b:s4+s2], $0x40, $0x38;
	[tilespmem:$0x1040] =	vst v63  }
0x15: {  	_ =	swait.ge [sflag:s3], $0x40  }
0x16: {  	[sflag:s3] =	ssyncset.done $0x0  }
0x17: {  	[sflag:s3] =	ssyncadd.s32 $0xFFFFFFC0  }
0x18: {  	[tilespmem:s6], [sflag:$0x1] =	stream.indirect.gather [hbm4b:s5+s6], $0x40, s2, s6, $0xb8;
	[tilespmem:$0x1040] =	vst v63  }
0x19: {  	_ =	swait.ge [sflag:s7], $0x1000  }
.Ltmp1:
0x1a: {  	[sflag:s7] =	ssyncset.done $0x0;
	(pc) =	sbr.rel @p0 .LBB2_1-.Ltmp1, $4  }
0x1b: {  	[sflag:s7] =	ssyncadd.s32 $0xFFFFF000  }
0x1c: {  	[hbm4b:s8+s2] =	stream.linear.scatter [tilespmem:s6], [sflag:$0x2], $0x1000, $0x38;
	[tilespmem:$0x1040] =	vst v63  }
0x1d: {  	_ =	swait.ge [sflag:s3], $0x1000  }
0x1e: {  	[sflag:s3] =	ssyncset.done $0x0  }
.LBB2_2:
0x1f: {  	[sflag:s3] =	ssyncadd.s32 $0xFFFFF000  }
0x20: {  	_ =	sfence.sel $0x180000  }
0x21: {  	[bflag:$0x0] =	sbarrier.arrive $0xFFFF  }
0x22: {  	p0 =	sne.s32 s0, $0x0;
	_ =	strace $0x9000004D  }
0x23: {  	s0 =	sadd.s32 @!p0 $0x100000, s1;
	[bflag:$0x2] =	sbarrier.arrive $0xFFFF  }
0x24: {  	[sflag:s0] =	ssyncadd.tile.s32 @!p0 $0x1;
	_ =	shalt  }
.Lfunc_end2:
_tile_overlayer_lowered:
.L_overlay_start_2:
0x25: {  	(tag) =	ssettag $0x2  }
0x26: {  	s0 =	rddreg [dreg:$0x0];
	s2 =	stileid.u32  }
0x27: {  	s1 =	rddreg [dreg:$0x1];
	p0 =	sne.s32 s2, $0x0  }
0x28: {  	s3 =	rddreg [dreg:$0x2];
	[bflag:$0x3] =	sbarrier.arrive $0xFFFF;
	s2 =	simm.s32 @!p0 $0x1C02  }
0x29: {  	[timem:s3], [sflag:s2] =	dma.local @!p0 [hbm:s0], s1  }
0x2a: {  	s0 =	simm.s32 @!p0 $0x2  }
0x2b: {  	_ =	swait.ge @!p0 [sflag:s0], s1  }
0x2c: {  	s1 =	ssub.s32 @!p0 $0x0, s1;
	[sflag:s0] =	ssyncset.done @!p0 $0x0  }
0x2d: {  	[sflag:s0] =	ssyncadd.s32 @!p0 s1  }
0x2e: {  	[bflag:$0x3] =	sbarrier.arrive $0xFFFF  }
0x2f: {  	_ =	shalt  }

// kernel: kernel.41.cloned.1.call-start
scs
__scs_entry_jumppad:
0x0: {  	(pc) =	sbr.rel $0x88, $3  }
0x1: {  	(tag) =	ssettag $0x0;
	lr =	simm.s32 $0x1  }
0x2: {  	[smem:$0x3F69] =	sst lr;
	_ =	strace $0xD0000000  }
0x3: {  	_ = 	snop  }
0x4: {  	_ = 	snop  }
0x5: {  	_ = 	snop  }
0x6: {  	_ = 	snop  }
0x7: {  	_ = 	snop  }
__scs_overlays_trampoline_lowered:
0x8: {  	[smem:$0x3F78] =	sst s0  }
0x9: {  	[smem:$0x3F79] =	sst s1  }
0xa: {  	[smem:$0x3F7A] =	sst s2  }
0xb: {  	[smem:$0x3F7B] =	sst s3  }
0xc: {  	[smem:$0x3F7C] =	sst s4  }
0xd: {  	[smem:$0x3F7D] =	sst s5  }
0xe: {  	[smem:$0x3F7E] =	sst s6  }
0xf: {  	[smem:$0x3F7F] =	sst s7  }
0x10: {  	[smem:$0x3F80] =	sst s8  }
0x11: {  	[smem:$0x3F81] =	sst s9;
	s0 =	simm.s32 @!p0 $0x0  }
0x12: {  	s1 =	sld [smem:$0x3F67];
	s0 =	simm.s32 @p0 $0x1  }
0x13: {  	[smem:$0x3F82] =	sst s0;
	s0 =	simm.s32 @!p1 $0x0  }
0x14: {  	s2 =	sld [smem:$0x3F66];
	s0 =	simm.s32 @p1 $0x1  }
0x15: {  	[smem:$0x3F83] =	sst s0;
	s0 =	simm.s32 @!p2 $0x0  }
0x16: {  	s3 =	sld [smem:$0x3FDB];
	s0 =	simm.s32 @p2 $0x1  }
0x17: {  	s4 =	simm.s32 $0x1BF5;
	[smem:$0x3F85] =	sst s0  }
0x18: {  	s0 =	sld [smem:$0x3F68];
	_ =	swait.ge [sflag:s4], $0x0  }
0x19: {  	s7 =	sld [smem:$0x3F69]  }
0x1a: {  	s8 =	sadd.s32 $0xFFFFE003, lr  }
0x1b: {  	s9 =	sadd.s32 $0xFFFFFEF7, lr;
	s5 =	simm.s32 $0xFFFFFFFF;
	p2 =	slt.u32 s8, $0xFFFFF086  }
0x1c: {  	p1 =	slt.u32 s9, $0xF7A;
	s5 =	simm.s32 @!p2 $0x0  }
0x1d: {  	s5 =	simm.s32 @p1 $0x1;
	p0 =	seq.s32 s7, s2  }
0x1e: {  	s7 =	smul.u32 @!p0 $0xF7A, s2;
	p2 =	seq.s32 @!p0 s5, $0x0  }
0x1f: {  	s9 =	smul.u32 $0xF7A, s1;
	s8 =	simm.s32 @!p0 $0x1BF5;
	p2 =	por !p2, p0  }
0x20: {  	[sflag:s8] =	ssyncset.s32 @!p0 $0xFFFFF086;
	s6 =	sadd.s32 @!p0 s3, s7;
	s7 =	simm.s32 @!p0 $0x108  }
0x21: {  	s3 =	sadd.s32 s3, s9;
	s6 =	sadd.s32 @!p0 $0x88, s6;
	s7 =	simm.s32 @p2 $0x1082  }
0x22: {  	[simem:s7], [sflag:s8] =	dma.local @!p0 [hbm:s6], $0xF7A  }
0x23: {  	s9 =	sor.u32 $0xD0000000, s2;
	s6 =	simm.s32 $0x108;
	_ =	swait.ge @!p0 [sflag:s8], $0x0  }
0x24: {  	s3 =	sadd.s32 $0x88, s3;
	s6 =	simm.s32 @!p1 $0x1082;
	[sflag:s4] =	ssyncset.s32 $0xFFFFF086  }
0x25: {  	[simem:s6], [sflag:s4] =	dma.local [hbm:s3], $0xF7A  }
0x26: {  	[smem:$0x3F69] =	sst s1;
	(tag) =	ssettag s2;
	_ =	strace s9  }
0x27: {  	s1 =	sld [smem:$0x3F79]  }
0x28: {  	s2 =	sld [smem:$0x3F7A]  }
0x29: {  	s4 =	sld [smem:$0x3F7C]  }
0x2a: {  	p0 =	seq.s32 s5, $0x0;
	s5 =	sld [smem:$0x3F7D]  }
0x2b: {  	s6 =	sld [smem:$0x3F7E]  }
0x2c: {  	s7 =	sld [smem:$0x3F7F]  }
0x2d: {  	s3 =	simm.s32 $0x108;
	s8 =	sld [smem:$0x3F80]  }
0x2e: {  	s3 =	simm.s32 @!p0 $0x1082;
	s9 =	sld [smem:$0x3F81]  }
0x2f: {  	lr =	sadd.s32 s0, s3;
	s0 =	sld [smem:$0x3F78]  }
0x30: {  	s3 =	sld [smem:$0x3F7B]  }
0x31: {  	[smem:$0x3F84] =	sst s10  }
0x32: {  	s10 =	sld [smem:$0x3F82];
	_ =	sdelay $0x3  }
0x33: {  	p0 =	seq.s32 s10, $0x1;
	s10 =	sld [smem:$0x3F84];
	_ =	sdelay $0x3  }
0x34: {  	[smem:$0x3F84] =	sst s10  }
0x35: {  	s10 =	sld [smem:$0x3F83];
	_ =	sdelay $0x3  }
0x36: {  	p1 =	seq.s32 s10, $0x1;
	s10 =	sld [smem:$0x3F84];
	_ =	sdelay $0x3  }
0x37: {  	[smem:$0x3F84] =	sst s10  }
0x38: {  	s10 =	sld [smem:$0x3F85]  }
0x39: {  	_ = 	snop;
	(pc) =	sbr.ind lr, $3  }
0x3a: {  	_ = 	snop  }
0x3b: {  	_ = 	snop  }
0x3c: {  	p2 =	seq.s32 s10, $0x1;
	s10 =	sld [smem:$0x3F84]  }
0x3d: {  	_ =	shalt  }
0x3e: {  	_ =	shalt  }
0x3f: {  	_ =	shalt  }
0x40: {  	_ =	shalt  }
0x41: {  	_ =	shalt  }
0x42: {  	_ =	shalt  }
0x43: {  	_ =	shalt  }
0x44: {  	_ =	shalt  }
0x45: {  	_ =	shalt  }
0x46: {  	_ =	shalt  }
0x47: {  	_ =	shalt  }
0x48: {  	_ =	shalt  }
0x49: {  	_ =	shalt  }
0x4a: {  	_ =	shalt  }
0x4b: {  	_ =	shalt  }
0x4c: {  	_ =	shalt  }
0x4d: {  	_ =	shalt  }
0x4e: {  	_ =	shalt  }
0x4f: {  	_ =	shalt  }
0x50: {  	_ =	shalt  }
0x51: {  	_ =	shalt  }
0x52: {  	_ =	shalt  }
0x53: {  	_ =	shalt  }
0x54: {  	_ =	shalt  }
0x55: {  	_ =	shalt  }
0x56: {  	_ =	shalt  }
0x57: {  	_ =	shalt  }
0x58: {  	_ =	shalt  }
0x59: {  	_ =	shalt  }
0x5a: {  	_ =	shalt  }
0x5b: {  	_ =	shalt  }
0x5c: {  	_ =	shalt  }
0x5d: {  	_ =	shalt  }
0x5e: {  	_ =	shalt  }
0x5f: {  	_ =	shalt  }
0x60: {  	_ =	shalt  }
0x61: {  	_ =	shalt  }
0x62: {  	_ =	shalt  }
0x63: {  	_ =	shalt  }
0x64: {  	_ =	shalt  }
0x65: {  	_ =	shalt  }
0x66: {  	_ =	shalt  }
0x67: {  	_ =	shalt  }
0x68: {  	_ =	shalt  }
0x69: {  	_ =	shalt  }
0x6a: {  	_ =	shalt  }
0x6b: {  	_ =	shalt  }
0x6c: {  	_ =	shalt  }
0x6d: {  	_ =	shalt  }
0x6e: {  	_ =	shalt  }
0x6f: {  	_ =	shalt  }
0x70: {  	_ =	shalt  }
0x71: {  	_ =	shalt  }
0x72: {  	_ =	shalt  }
0x73: {  	_ =	shalt  }
0x74: {  	_ =	shalt  }
0x75: {  	_ =	shalt  }
0x76: {  	_ =	shalt  }
0x77: {  	_ =	shalt  }
0x78: {  	_ =	shalt  }
0x79: {  	_ =	shalt  }
0x7a: {  	_ =	shalt  }
0x7b: {  	_ =	shalt  }
0x7c: {  	_ =	shalt  }
0x7d: {  	_ =	shalt  }
0x7e: {  	_ =	shalt  }
0x7f: {  	_ =	shalt  }
0x80: {  	_ =	shalt  }
0x81: {  	_ =	shalt  }
0x82: {  	_ =	shalt  }
0x83: {  	_ =	shalt  }
0x84: {  	_ =	shalt  }
0x85: {  	_ =	shalt  }
0x86: {  	_ =	shalt  }
0x87: {  	_ =	shalt  }
.Lfunc_end0:
.L_simem_size_0:
called_computation.3_lowered:
.L_overlay_start_0:
0x88: {  	s2 =	sld [smem:$0x3FD9]  }
0x89: {  	s3 =	sld [smem:$0x3FFE];
	_ =	sdelay $0x1  }
0x8a: {  	s1 =	srdreg.scid  }
0x8b: {  	s0 =	sand.u32 $0x1, s1  }
0x8c: {  	s17 =	sshll.u32 s0, $0xA;
	s2 =	sadd.s32 s3, s2  }
0x8d: {  	s2 =	sadd.s32 s2, s17  }
0x8e: {  	[smem:$0x3F90] =	sst s2  }
0x8f: {  	_ = 	snop  }
0x90: {  	s2 =	sld [smem:$0x3FC5];
	(tm) =	ssettm $0x1  }
0x91: {  	s18 =	sld [smem:$0x3FFB];
	_ =	sdelay $0x3  }
0x92: {  	_ =	strace s18  }
0x93: {  	s3 =	sld [smem:$0x3FFC];
	_ =	sdelay $0x3  }
0x94: {  	_ =	strace s3  }
0x95: {  	s3 =	sld [smem:$0x3FFD];
	_ =	sdelay $0x3  }
0x96: {  	_ =	strace s3  }
0x97: {  	_ =	strace $0x8FFFFFFF  }
0x98: {  	s19 =	sld [smem:$0x3FDB];
	_ =	sdelay $0x1  }
0x99: {  	s4 =	simm.s32 $_scs_section_size  }
0x9a: {  	s5 =	simm.s32 $_size__tile_overlayer_lowered;
	s6 =	simm.s32 $_tile_overlayer_lowered  }
0x9b: {  	s22 =	simm.s32 $0x1BFF;
	s21 =	sshll.u32 s6, $0x1;
	s3 =	sadd.s32 s4, s19  }
0x9c: {  	s7 =	simm.s32 $0x0;
	s20 =	sshll.u32 s5, $0x1;
	s5 =	sadd.s32 s21, s3  }
0x9d: {  	[timem:s7], [sflag:s22] =	dma.local [hbm:s5], s20  }
0x9e: {  	_ =	swait.ge [sflag:s22], s20  }
0x9f: {  	s4 =	ssub.s32 $0x0, s20;
	[sflag:s22] =	ssyncset.done $0x0  }
0xa0: {  	[sflag:s22] =	ssyncadd.s32 s4;
	_ =	sdelay $0x1  }
0xa1: {  	s23 =	simm.s32 $0x1B8B  }
0xa2: {  	_ =	swait.ge [sflag:s23], $0x1  }
0xa3: {  	[sflag:s23] =	ssyncset.done $0x0  }
0xa4: {  	s25 =	simm.s32 $0x1B8E;
	s24 =	sld [smem:$0x3FFE];
	[sflag:s23] =	ssyncadd.s32 $0xFFFFFFFF  }
0xa5: {  	s26 =	simm.s32 $execute0_lowered;
	[smem:$0x3FD2] =	sst s25  }
0xa6: {  	s5 =	sshll.u32 s26, $0x1;
	_ =	strace $0x8000004F;
	[dreg:$0x1] =	wrdreg $0xFFFFFFFF  }
0xa7: {  	s28 =	simm.s32 $_size_execute0_lowered;
	s3 =	sadd.s32 s3, s5;
	[dreg:$0x0] =	wrdreg $0x0  }
0xa8: {  	s5 =	sshll.u32 s28, $0x1;
	[dreg:$0x2] =	wrdreg s3  }
0xa9: {  	[dreg:$0x3] =	wrdreg s5  }
0xaa: {  	[dreg:$0x4] =	wrdreg $0xC0  }
0xab: {  	_ =	task [dreg:s7], $0x5FFFF  }
0xac: {  	[dreg:$0x1] =	wrdreg $0xFFFFFFFF  }
0xad: {  	[dreg:$0x0] =	wrdreg $0x60  }
0xae: {  	[dreg:$0x2] =	wrdreg s24  }
0xaf: {  	[dreg:$0x3] =	wrdreg s2  }
0xb0: {  	[dreg:$0x4] =	wrdreg $0x10400  }
0xb1: {  	[dreg:$0x5] =	wrdreg $0x9  }
0xb2: {  	_ =	task.clear_ibuf [dreg:s7], $0x6FFFF;
	_ =	strace $0x9000004F  }
0xb3: {  	s29 =	simm.s32 $0x9;
	_ =	strace $0x80000051  }
0xb4: {  	_ =	swait.ge [sflag:s29], $0x1  }
0xb5: {  	[sflag:s29] =	ssyncadd.s32 $0xFFFFFFFF  }
0xb6: {  	_ =	strace $0x90000051  }
0xb7: {  	_ =	sfence  }
0xb8: {  	s30 =	sld [smem:$0x0];
	_ =	sdelay $0x2  }
0xb9: {  	s31 =	sshll.u32 s1, $0xD;
	s1 =	sshrl.u32 s1, $0x2  }
0xba: {  	s3 =	sand.u32 $0x4000, s31;
	s1 =	sadd.s32 s1, s30  }
0xbb: {  	s0 =	sor.u32 s3, s0;
	s1 =	sshll.u32 s1, $0x11  }
0xbc: {  	s0 =	sor.u32 s1, s0  }
0xbd: {  	s0 =	sadd.s32 $0x8F2B, s0  }
0xbe: {  	[sflag:s0] =	ssyncadd.remote.s32 $0x1  }
0xbf: {  	_ =	sfence.sel $0xFFFF  }
0xc0: {  	[dreg:$0x0] =	wrdreg $0xFFFFFFFF;
	(pc) =	sbr.abs _section_cstart, $3  }
0xc1: {  	[dreg:$0x1] =	wrdreg $0xFFFFFFFF  }
0xc2: {  	_ =	task.clear_ibuf [dreg:s7], $0x2FFFF;
	_ =	strace $0x9FFFFFFF  }
0xc3: {  	(tm) =	ssettm $0x7FFFFFFF  }
tec
execute0_lowered:
.L_overlay_start_1:
0x0: {  	(tag) =	ssettag $0x1  }
0x1: {  	s11 =	rddreg [dreg:$0x0]  }
0x2: {  	s8 =	rddreg [dreg:$0x1]  }
0x3: {  	s2 =	rddreg [dreg:$0x2]  }
0x4: {  	s0 =	rddreg [dreg:$0x3];
	s3 =	simm.s32 $0x0;
	s4 =	srdreg.scid  }
0x5: {  	s1 =	stileid.u32;
	[smem:$0x7FF] =	sst s3  }
0x6: {  	s12 =	sand.u32 $0x1, s4;
	s13 =	smul.u32 $0x5400, s1;
	s4 =	simm.s32 $0x23C00  }
0x7: {  	s9 =	sshll.u32 s1, $0x1;
	s30 =	sshll.u32 s1, $0x6;
	p0 =	seq.s32 s12, $0x1  }
0x8: {  	_ =	strace $0x80000050;
	s4 =	simm.s32 @!p0 $0x9400;
	s6 =	sadd.s32 s13, s2  }
0x9: {  	s5 =	sshrl.u32 s13, $0x3;
	s4 =	sadd.s32 s4, s11;
	s7 =	sshrl.u32 s6, $0x3  }
0xa: {  	s6 =	simm.s32 $0x1;
	s4 =	sadd.s32 s4, s5;
	s5 =	sor.u32 $0x1C01, s30  }
0xb: {  	[spmem:s7], [sflag:s5] =	dma.local [hbm:s4], $0xA80  }
0xc: {  	s9 =	sor.u32 s12, s9;
	_ =	swait.ge [sflag:s6], $0xA80  }
0xd: {  	s10 =	sshll.u32 s9, $0x3;
	[sflag:s6] =	ssyncset.done $0x0  }
0xe: {  	s8 =	sadd.s32 s8, s10;
	[sflag:s6] =	ssyncadd.s32 $0xFFFFF580  }
0xf: {  	[tilespmem:s3], [sflag:$0x1] =	stream.linear.gather [hbm4b:s8+s3], $0x40, $0x38;
	[tilespmem:$0x6440] =	vst v63  }
0x10: {  	s9 =	sshll.u32 s9, $0x9;
	_ =	swait.ge [sflag:s6], $0x40  }
0x11: {  	s9 =	sadd.s32 s9, s11;
	[sflag:s6] =	ssyncset.done $0x0  }
0x12: {  	s10 =	simm.s32 $0x40;
	s9 =	sadd.s32 $0x13C00, s9;
	[sflag:s6] =	ssyncadd.s32 $0xFFFFFFC0  }
0x13: {  	[tilespmem:s10], [sflag:$0x1] =	stream.linear.gather [hbm4b:s9+s3], $0x1000, $0x38;
	[tilespmem:$0x6440] =	vst v63  }
0x14: {  	_ =	swait.ge [sflag:s6], $0x1000  }
0x15: {  	s14 =	smul.u32 $0x54000, s12;
	s12 =	ssub.s32 $0x2, s12;
	[sflag:s6] =	ssyncset.done $0x0  }
0x16: {  	s31 =	sshrl.u32 s12, $0x1;
	[sflag:s6] =	ssyncadd.s32 $0xFFFFF000  }
0x17: {  	s12 =	ssub.s32 s12, s31;
	[bflag:$0x0] =	sbarrier.arrive $0xFFFF  }
0x18: {  	[spmem:s2] =	stream.indirect.scatter.add.f32 [tilespmem:s10], [sflag:$0x1], $0x40, s3, s10, $0xb8;
	[tilespmem:$0x6440] =	vst v63  }
0x19: {  	s13 =	sadd.s32 s13, s14;
	s12 =	smax.u32 s12, $0x1;
	_ =	swait.ge [sflag:s6], $0x1000  }
0x1a: {  	s13 =	sshrl.u32 s13, $0x3;
	p0 =	sne.s32 s12, $0x1;
	[sflag:s6] =	ssyncset.done $0x0  }
.Ltmp0:
0x1b: {  	s11 =	sadd.s32 s13, s11;
	[sflag:s6] =	ssyncadd.s32 $0xFFFFF000;
	(pc) =	sbr.rel @!p0 .LBB2_2-.Ltmp0, $4  }
0x1c: {  	s11 =	sadd.s32 $0x2E400, s11;
	[bflag:$0x0] =	sbarrier.arrive $0xFFFF  }
0x1d: {  	[hbm:s11], [sflag:s5] =	dma.local [spmem:s7], $0xA80  }
0x1e: {  	_ =	swait.ge [sflag:s6], $0xA80  }
0x1f: {  	s12 =	sadd.s32 $0xFFFFFFFF, s12;
	[sflag:s6] =	ssyncset.done $0x0  }
.LBB2_1:
0x20: {  	p0 =	sne.s32 s12, $0x1;
	s12 =	sadd.s32 $0xFFFFFFFF, s12;
	[sflag:s6] =	ssyncadd.s32 $0xFFFFF580  }
0x21: {  	[spmem:s7], [sflag:s5] =	dma.local [hbm:s4], $0xA80  }
0x22: {  	_ =	swait.ge [sflag:s6], $0xA80  }
0x23: {  	[sflag:s6] =	ssyncset.done $0x0  }
0x24: {  	[sflag:s6] =	ssyncadd.s32 $0xFFFFF580  }
0x25: {  	[tilespmem:s3], [sflag:$0x1] =	stream.linear.gather [hbm4b:s8+s3], $0x40, $0x38;
	[tilespmem:$0x6440] =	vst v63  }
0x26: {  	_ =	swait.ge [sflag:s6], $0x40  }
0x27: {  	[sflag:s6] =	ssyncset.done $0x0  }
0x28: {  	[sflag:s6] =	ssyncadd.s32 $0xFFFFFFC0  }
0x29: {  	[tilespmem:s10], [sflag:$0x1] =	stream.linear.gather [hbm4b:s9+s3], $0x1000, $0x38;
	[tilespmem:$0x6440] =	vst v63  }
0x2a: {  	_ =	swait.ge [sflag:s6], $0x1000  }
0x2b: {  	[sflag:s6] =	ssyncset.done $0x0  }
0x2c: {  	[sflag:s6] =	ssyncadd.s32 $0xFFFFF000  }
0x2d: {  	[bflag:$0x0] =	sbarrier.arrive $0xFFFF  }
0x2e: {  	[spmem:s2] =	stream.indirect.scatter.add.f32 [tilespmem:s10], [sflag:$0x1], $0x40, s3, s10, $0xb8;
	[tilespmem:$0x6440] =	vst v63  }
0x2f: {  	_ =	swait.ge [sflag:s6], $0x1000  }
0x30: {  	[sflag:s6] =	ssyncset.done $0x0  }
.Ltmp1:
0x31: {  	[sflag:s6] =	ssyncadd.s32 $0xFFFFF000;
	(pc) =	sbr.rel @p0 .LBB2_1-.Ltmp1, $4  }
0x32: {  	[bflag:$0x0] =	sbarrier.arrive $0xFFFF  }
0x33: {  	[hbm:s11], [sflag:s5] =	dma.local [spmem:s7], $0xA80  }
0x34: {  	_ =	swait.ge [sflag:s6], $0xA80  }
0x35: {  	[sflag:s6] =	ssyncset.done $0x0  }
.LBB2_2:
0x36: {  	[sflag:s6] =	ssyncadd.s32 $0xFFFFF580  }
0x37: {  	_ =	sfence.sel $0x180000  }
0x38: {  	[bflag:$0x0] =	sbarrier.arrive $0xFFFF  }
0x39: {  	p0 =	sne.s32 s1, $0x0;
	_ =	strace $0x90000050  }
0x3a: {  	s0 =	sadd.s32 @!p0 $0x100000, s0;
	[bflag:$0x2] =	sbarrier.arrive $0xFFFF  }
0x3b: {  	[sflag:s0] =	ssyncadd.tile.s32 @!p0 $0x1;
	_ =	shalt  }
.Lfunc_end2:
_tile_overlayer_lowered:
.L_overlay_start_2:
0x3c: {  	(tag) =	ssettag $0x2  }
0x3d: {  	s0 =	rddreg [dreg:$0x0];
	s2 =	stileid.u32  }
0x3e: {  	s1 =	rddreg [dreg:$0x1];
	p0 =	sne.s32 s2, $0x0  }
0x3f: {  	s3 =	rddreg [dreg:$0x2];
	[bflag:$0x3] =	sbarrier.arrive $0xFFFF;
	s2 =	simm.s32 @!p0 $0x1C01  }
0x40: {  	[timem:s3], [sflag:s2] =	dma.local @!p0 [hbm:s0], s1  }
0x41: {  	s0 =	simm.s32 @!p0 $0x1  }
0x42: {  	_ =	swait.ge @!p0 [sflag:s0], s1  }
0x43: {  	s1 =	ssub.s32 @!p0 $0x0, s1;
	[sflag:s0] =	ssyncset.done @!p0 $0x0  }
0x44: {  	[sflag:s0] =	ssyncadd.s32 @!p0 s1  }
0x45: {  	[bflag:$0x3] =	sbarrier.arrive $0xFFFF  }
0x46: {  	_ =	shalt  }

// kernel: kernel.44.cloned.1.call-start
scs
__scs_entry_jumppad:
0x0: {  	(pc) =	sbr.rel $0x88, $3  }
0x1: {  	(tag) =	ssettag $0x0;
	lr =	simm.s32 $0x1  }
0x2: {  	[smem:$0x3F69] =	sst lr;
	_ =	strace $0xD0000000  }
0x3: {  	_ = 	snop  }
0x4: {  	_ = 	snop  }
0x5: {  	_ = 	snop  }
0x6: {  	_ = 	snop  }
0x7: {  	_ = 	snop  }
__scs_overlays_trampoline_lowered:
0x8: {  	[smem:$0x3F78] =	sst s0  }
0x9: {  	[smem:$0x3F79] =	sst s1  }
0xa: {  	[smem:$0x3F7A] =	sst s2  }
0xb: {  	[smem:$0x3F7B] =	sst s3  }
0xc: {  	[smem:$0x3F7C] =	sst s4  }
0xd: {  	[smem:$0x3F7D] =	sst s5  }
0xe: {  	[smem:$0x3F7E] =	sst s6  }
0xf: {  	[smem:$0x3F7F] =	sst s7  }
0x10: {  	[smem:$0x3F80] =	sst s8  }
0x11: {  	[smem:$0x3F81] =	sst s9;
	s0 =	simm.s32 @!p0 $0x0  }
0x12: {  	s1 =	sld [smem:$0x3F67];
	s0 =	simm.s32 @p0 $0x1  }
0x13: {  	[smem:$0x3F82] =	sst s0;
	s0 =	simm.s32 @!p1 $0x0  }
0x14: {  	s2 =	sld [smem:$0x3F66];
	s0 =	simm.s32 @p1 $0x1  }
0x15: {  	[smem:$0x3F83] =	sst s0;
	s0 =	simm.s32 @!p2 $0x0  }
0x16: {  	s3 =	sld [smem:$0x3FDB];
	s0 =	simm.s32 @p2 $0x1  }
0x17: {  	s4 =	simm.s32 $0x1BF5;
	[smem:$0x3F85] =	sst s0  }
0x18: {  	s0 =	sld [smem:$0x3F68];
	_ =	swait.ge [sflag:s4], $0x0  }
0x19: {  	s7 =	sld [smem:$0x3F69]  }
0x1a: {  	s8 =	sadd.s32 $0xFFFFE003, lr  }
0x1b: {  	s9 =	sadd.s32 $0xFFFFFEF7, lr;
	s5 =	simm.s32 $0xFFFFFFFF;
	p2 =	slt.u32 s8, $0xFFFFF086  }
0x1c: {  	p1 =	slt.u32 s9, $0xF7A;
	s5 =	simm.s32 @!p2 $0x0  }
0x1d: {  	s5 =	simm.s32 @p1 $0x1;
	p0 =	seq.s32 s7, s2  }
0x1e: {  	s7 =	smul.u32 @!p0 $0xF7A, s2;
	p2 =	seq.s32 @!p0 s5, $0x0  }
0x1f: {  	s9 =	smul.u32 $0xF7A, s1;
	s8 =	simm.s32 @!p0 $0x1BF5;
	p2 =	por !p2, p0  }
0x20: {  	[sflag:s8] =	ssyncset.s32 @!p0 $0xFFFFF086;
	s6 =	sadd.s32 @!p0 s3, s7;
	s7 =	simm.s32 @!p0 $0x108  }
0x21: {  	s3 =	sadd.s32 s3, s9;
	s6 =	sadd.s32 @!p0 $0x88, s6;
	s7 =	simm.s32 @p2 $0x1082  }
0x22: {  	[simem:s7], [sflag:s8] =	dma.local @!p0 [hbm:s6], $0xF7A  }
0x23: {  	s9 =	sor.u32 $0xD0000000, s2;
	s6 =	simm.s32 $0x108;
	_ =	swait.ge @!p0 [sflag:s8], $0x0  }
0x24: {  	s3 =	sadd.s32 $0x88, s3;
	s6 =	simm.s32 @!p1 $0x1082;
	[sflag:s4] =	ssyncset.s32 $0xFFFFF086  }
0x25: {  	[simem:s6], [sflag:s4] =	dma.local [hbm:s3], $0xF7A  }
0x26: {  	[smem:$0x3F69] =	sst s1;
	(tag) =	ssettag s2;
	_ =	strace s9  }
0x27: {  	s1 =	sld [smem:$0x3F79]  }
0x28: {  	s2 =	sld [smem:$0x3F7A]  }
0x29: {  	s4 =	sld [smem:$0x3F7C]  }
0x2a: {  	p0 =	seq.s32 s5, $0x0;
	s5 =	sld [smem:$0x3F7D]  }
0x2b: {  	s6 =	sld [smem:$0x3F7E]  }
0x2c: {  	s7 =	sld [smem:$0x3F7F]  }
0x2d: {  	s3 =	simm.s32 $0x108;
	s8 =	sld [smem:$0x3F80]  }
0x2e: {  	s3 =	simm.s32 @!p0 $0x1082;
	s9 =	sld [smem:$0x3F81]  }
0x2f: {  	lr =	sadd.s32 s0, s3;
	s0 =	sld [smem:$0x3F78]  }
0x30: {  	s3 =	sld [smem:$0x3F7B]  }
0x31: {  	[smem:$0x3F84] =	sst s10  }
0x32: {  	s10 =	sld [smem:$0x3F82];
	_ =	sdelay $0x3  }
0x33: {  	p0 =	seq.s32 s10, $0x1;
	s10 =	sld [smem:$0x3F84];
	_ =	sdelay $0x3  }
0x34: {  	[smem:$0x3F84] =	sst s10  }
0x35: {  	s10 =	sld [smem:$0x3F83];
	_ =	sdelay $0x3  }
0x36: {  	p1 =	seq.s32 s10, $0x1;
	s10 =	sld [smem:$0x3F84];
	_ =	sdelay $0x3  }
0x37: {  	[smem:$0x3F84] =	sst s10  }
0x38: {  	s10 =	sld [smem:$0x3F85]  }
0x39: {  	_ = 	snop;
	(pc) =	sbr.ind lr, $3  }
0x3a: {  	_ = 	snop  }
0x3b: {  	_ = 	snop  }
0x3c: {  	p2 =	seq.s32 s10, $0x1;
	s10 =	sld [smem:$0x3F84]  }
0x3d: {  	_ =	shalt  }
0x3e: {  	_ =	shalt  }
0x3f: {  	_ =	shalt  }
0x40: {  	_ =	shalt  }
0x41: {  	_ =	shalt  }
0x42: {  	_ =	shalt  }
0x43: {  	_ =	shalt  }
0x44: {  	_ =	shalt  }
0x45: {  	_ =	shalt  }
0x46: {  	_ =	shalt  }
0x47: {  	_ =	shalt  }
0x48: {  	_ =	shalt  }
0x49: {  	_ =	shalt  }
0x4a: {  	_ =	shalt  }
0x4b: {  	_ =	shalt  }
0x4c: {  	_ =	shalt  }
0x4d: {  	_ =	shalt  }
0x4e: {  	_ =	shalt  }
0x4f: {  	_ =	shalt  }
0x50: {  	_ =	shalt  }
0x51: {  	_ =	shalt  }
0x52: {  	_ =	shalt  }
0x53: {  	_ =	shalt  }
0x54: {  	_ =	shalt  }
0x55: {  	_ =	shalt  }
0x56: {  	_ =	shalt  }
0x57: {  	_ =	shalt  }
0x58: {  	_ =	shalt  }
0x59: {  	_ =	shalt  }
0x5a: {  	_ =	shalt  }
0x5b: {  	_ =	shalt  }
0x5c: {  	_ =	shalt  }
0x5d: {  	_ =	shalt  }
0x5e: {  	_ =	shalt  }
0x5f: {  	_ =	shalt  }
0x60: {  	_ =	shalt  }
0x61: {  	_ =	shalt  }
0x62: {  	_ =	shalt  }
0x63: {  	_ =	shalt  }
0x64: {  	_ =	shalt  }
0x65: {  	_ =	shalt  }
0x66: {  	_ =	shalt  }
0x67: {  	_ =	shalt  }
0x68: {  	_ =	shalt  }
0x69: {  	_ =	shalt  }
0x6a: {  	_ =	shalt  }
0x6b: {  	_ =	shalt  }
0x6c: {  	_ =	shalt  }
0x6d: {  	_ =	shalt  }
0x6e: {  	_ =	shalt  }
0x6f: {  	_ =	shalt  }
0x70: {  	_ =	shalt  }
0x71: {  	_ =	shalt  }
0x72: {  	_ =	shalt  }
0x73: {  	_ =	shalt  }
0x74: {  	_ =	shalt  }
0x75: {  	_ =	shalt  }
0x76: {  	_ =	shalt  }
0x77: {  	_ =	shalt  }
0x78: {  	_ =	shalt  }
0x79: {  	_ =	shalt  }
0x7a: {  	_ =	shalt  }
0x7b: {  	_ =	shalt  }
0x7c: {  	_ =	shalt  }
0x7d: {  	_ =	shalt  }
0x7e: {  	_ =	shalt  }
0x7f: {  	_ =	shalt  }
0x80: {  	_ =	shalt  }
0x81: {  	_ =	shalt  }
0x82: {  	_ =	shalt  }
0x83: {  	_ =	shalt  }
0x84: {  	_ =	shalt  }
0x85: {  	_ =	shalt  }
0x86: {  	_ =	shalt  }
0x87: {  	_ =	shalt  }
.Lfunc_end0:
.L_simem_size_0:
called_computation.4_lowered:
.L_overlay_start_0:
0x88: {  	s2 =	sld [smem:$0x3FD9]  }
0x89: {  	s3 =	sld [smem:$0x3FFE];
	_ =	sdelay $0x1  }
0x8a: {  	s1 =	srdreg.scid  }
0x8b: {  	s0 =	sand.u32 $0x1, s1  }
0x8c: {  	s17 =	sshll.u32 s0, $0xA;
	s2 =	sadd.s32 s3, s2  }
0x8d: {  	s2 =	sadd.s32 s2, s17  }
0x8e: {  	[smem:$0x3F90] =	sst s2  }
0x8f: {  	_ = 	snop  }
0x90: {  	s2 =	sld [smem:$0x3FBE];
	(tm) =	ssettm $0x1  }
0x91: {  	s18 =	sld [smem:$0x3FFB];
	_ =	sdelay $0x3  }
0x92: {  	_ =	strace s18  }
0x93: {  	s3 =	sld [smem:$0x3FFC];
	_ =	sdelay $0x3  }
0x94: {  	_ =	strace s3  }
0x95: {  	s3 =	sld [smem:$0x3FFD];
	_ =	sdelay $0x3  }
0x96: {  	_ =	strace s3  }
0x97: {  	_ =	strace $0x8FFFFFFF  }
0x98: {  	s19 =	sld [smem:$0x3FDB];
	_ =	sdelay $0x1  }
0x99: {  	s4 =	simm.s32 $_scs_section_size  }
0x9a: {  	s5 =	simm.s32 $_size__tile_overlayer_lowered;
	s6 =	simm.s32 $_tile_overlayer_lowered  }
0x9b: {  	s22 =	simm.s32 $0x1BFF;
	s21 =	sshll.u32 s6, $0x1;
	s3 =	sadd.s32 s4, s19  }
0x9c: {  	s7 =	simm.s32 $0x0;
	s20 =	sshll.u32 s5, $0x1;
	s5 =	sadd.s32 s21, s3  }
0x9d: {  	[timem:s7], [sflag:s22] =	dma.local [hbm:s5], s20  }
0x9e: {  	_ =	swait.ge [sflag:s22], s20  }
0x9f: {  	s4 =	ssub.s32 $0x0, s20;
	[sflag:s22] =	ssyncset.done $0x0  }
0xa0: {  	[sflag:s22] =	ssyncadd.s32 s4;
	_ =	sdelay $0x1  }
0xa1: {  	s23 =	simm.s32 $0x1B8B  }
0xa2: {  	_ =	swait.ge [sflag:s23], $0x1  }
0xa3: {  	[sflag:s23] =	ssyncset.done $0x0  }
0xa4: {  	s25 =	simm.s32 $0x1B8E;
	s24 =	sld [smem:$0x3FFE];
	[sflag:s23] =	ssyncadd.s32 $0xFFFFFFFF  }
0xa5: {  	s26 =	simm.s32 $execute0_lowered;
	[smem:$0x3FD2] =	sst s25  }
0xa6: {  	s5 =	sshll.u32 s26, $0x1;
	_ =	strace $0x80000052;
	[dreg:$0x1] =	wrdreg $0xFFFFFFFF  }
0xa7: {  	s28 =	simm.s32 $_size_execute0_lowered;
	s3 =	sadd.s32 s3, s5;
	[dreg:$0x0] =	wrdreg $0x0  }
0xa8: {  	s5 =	sshll.u32 s28, $0x1;
	[dreg:$0x2] =	wrdreg s3  }
0xa9: {  	[dreg:$0x3] =	wrdreg s5  }
0xaa: {  	[dreg:$0x4] =	wrdreg $0xC0  }
0xab: {  	_ =	task [dreg:s7], $0x5FFFF  }
0xac: {  	[dreg:$0x1] =	wrdreg $0xFFFFFFFF  }
0xad: {  	[dreg:$0x0] =	wrdreg $0x60  }
0xae: {  	[dreg:$0x2] =	wrdreg s24  }
0xaf: {  	[dreg:$0x3] =	wrdreg s2  }
0xb0: {  	[dreg:$0x4] =	wrdreg $0x9  }
0xb1: {  	_ =	task.clear_ibuf [dreg:s7], $0x5FFFF;
	_ =	strace $0x90000052  }
0xb2: {  	s29 =	simm.s32 $0x9;
	_ =	strace $0x80000054  }
0xb3: {  	_ =	swait.ge [sflag:s29], $0x1  }
0xb4: {  	[sflag:s29] =	ssyncadd.s32 $0xFFFFFFFF  }
0xb5: {  	_ =	strace $0x90000054  }
0xb6: {  	_ =	sfence  }
0xb7: {  	s30 =	sld [smem:$0x0];
	_ =	sdelay $0x2  }
0xb8: {  	s31 =	sshll.u32 s1, $0xD;
	s1 =	sshrl.u32 s1, $0x2  }
0xb9: {  	s3 =	sand.u32 $0x4000, s31;
	s1 =	sadd.s32 s1, s30  }
0xba: {  	s0 =	sor.u32 s3, s0;
	s1 =	sshll.u32 s1, $0x11  }
0xbb: {  	s0 =	sor.u32 s1, s0  }
0xbc: {  	s0 =	sadd.s32 $0x8F2B, s0  }
0xbd: {  	[sflag:s0] =	ssyncadd.remote.s32 $0x1  }
0xbe: {  	_ =	sfence.sel $0xFFFF  }
0xbf: {  	[dreg:$0x0] =	wrdreg $0xFFFFFFFF;
	(pc) =	sbr.abs _section_cstart, $3  }
0xc0: {  	[dreg:$0x1] =	wrdreg $0xFFFFFFFF  }
0xc1: {  	_ =	task.clear_ibuf [dreg:s7], $0x2FFFF;
	_ =	strace $0x9FFFFFFF  }
0xc2: {  	(tm) =	ssettm $0x7FFFFFFF  }
0xc3: {  	_ =	shalt  }
tec
execute0_lowered:
.L_overlay_start_1:
0x0: {  	(tag) =	ssettag $0x1  }
0x1: {  	s1 =	srdreg.scid  }
0x2: {  	s8 =	rddreg [dreg:$0x0];
	s0 =	stileid.u32  }
0x3: {  	s3 =	rddreg [dreg:$0x1];
	s2 =	simm.s32 $0x0;
	s6 =	sand.u32 $0x1, s1  }
0x4: {  	s4 =	sshll.u32 s0, $0x7;
	s1 =	rddreg [dreg:$0x2];
	s5 =	sshll.u32 s6, $0x6  }
0x5: {  	s7 =	simm.s32 $0x1;
	[smem:$0x7FF] =	sst s2;
	s9 =	sor.u32 s5, s4  }
0x6: {  	_ =	strace $0x80000053;
	s10 =	ssub.s32 $0x2, s6;
	s4 =	sshrl.u32 s9, $0x3  }
0x7: {  	s6 =	simm.s32 $0x40;
	s4 =	sadd.s32 s3, s4;
	s3 =	simm.s32 $0x2  }
0x8: {  	[tilespmem:s2], [sflag:$0x2] =	stream.linear.gather [hbm4b:s4+s2], $0x40, $0x38;
	[tilespmem:$0x1040] =	vst v63  }
0x9: {  	s5 =	sadd.s32 $0x9400, s8;
	s11 =	sshrl.u32 s10, $0x1;
	_ =	swait.ge [sflag:s3], $0x40  }
0xa: {  	s9 =	sshll.u32 s9, $0x3;
	s31 =	ssub.s32 s10, s11;
	[sflag:s3] =	ssyncset.done $0x0  }
0xb: {  	s8 =	sadd.s32 s9, s8;
	s9 =	smax.u32 s31, $0x1;
	[sflag:s3] =	ssyncadd.s32 $0xFFFFFFC0  }
0xc: {  	[tilespmem:s6], [sflag:$0x1] =	stream.indirect.gather [hbm4b:s5+s6], $0x40, s2, s6, $0xb8;
	[tilespmem:$0x1040] =	vst v63  }
0xd: {  	p0 =	sne.s32 s9, $0x1;
	_ =	swait.ge [sflag:s7], $0x1000  }
.Ltmp0:
0xe: {  	[sflag:s7] =	ssyncset.done $0x0;
	(pc) =	sbr.rel @!p0 .LBB2_2-.Ltmp0, $4  }
0xf: {  	s8 =	sadd.s32 $0x13C00, s8;
	[sflag:s7] =	ssyncadd.s32 $0xFFFFF000  }
0x10: {  	[hbm4b:s8+s2] =	stream.linear.scatter [tilespmem:s6], [sflag:$0x2], $0x1000, $0x38;
	[tilespmem:$0x1040] =	vst v63  }
0x11: {  	_ =	swait.ge [sflag:s3], $0x1000  }
0x12: {  	s9 =	sadd.s32 $0xFFFFFFFF, s9;
	[sflag:s3] =	ssyncset.done $0x0  }
.LBB2_1:
0x13: {  	p0 =	sne.s32 s9, $0x1;
	s9 =	sadd.s32 $0xFFFFFFFF, s9;
	[sflag:s3] =	ssyncadd.s32 $0xFFFFF000  }
0x14: {  	[tilespmem:s2], [sflag:$0x2] =	stream.linear.gather [hbm4b:s4+s2], $0x40, $0x38;
	[tilespmem:$0x1040] =	vst v63  }
0x15: {  	_ =	swait.ge [sflag:s3], $0x40  }
0x16: {  	[sflag:s3] =	ssyncset.done $0x0  }
0x17: {  	[sflag:s3] =	ssyncadd.s32 $0xFFFFFFC0  }
0x18: {  	[tilespmem:s6], [sflag:$0x1] =	stream.indirect.gather [hbm4b:s5+s6], $0x40, s2, s6, $0xb8;
	[tilespmem:$0x1040] =	vst v63  }
0x19: {  	_ =	swait.ge [sflag:s7], $0x1000  }
.Ltmp1:
0x1a: {  	[sflag:s7] =	ssyncset.done $0x0;
	(pc) =	sbr.rel @p0 .LBB2_1-.Ltmp1, $4  }
0x1b: {  	[sflag:s7] =	ssyncadd.s32 $0xFFFFF000  }
0x1c: {  	[hbm4b:s8+s2] =	stream.linear.scatter [tilespmem:s6], [sflag:$0x2], $0x1000, $0x38;
	[tilespmem:$0x1040] =	vst v63  }
0x1d: {  	_ =	swait.ge [sflag:s3], $0x1000  }
0x1e: {  	[sflag:s3] =	ssyncset.done $0x0  }
.LBB2_2:
0x1f: {  	[sflag:s3] =	ssyncadd.s32 $0xFFFFF000  }
0x20: {  	_ =	sfence.sel $0x180000  }
0x21: {  	[bflag:$0x0] =	sbarrier.arrive $0xFFFF  }
0x22: {  	p0 =	sne.s32 s0, $0x0;
	_ =	strace $0x90000053  }
0x23: {  	s0 =	sadd.s32 @!p0 $0x100000, s1;
	[bflag:$0x2] =	sbarrier.arrive $0xFFFF  }
0x24: {  	[sflag:s0] =	ssyncadd.tile.s32 @!p0 $0x1;
	_ =	shalt  }
.Lfunc_end2:
_tile_overlayer_lowered:
.L_overlay_start_2:
0x25: {  	(tag) =	ssettag $0x2  }
0x26: {  	s0 =	rddreg [dreg:$0x0];
	s2 =	stileid.u32  }
0x27: {  	s1 =	rddreg [dreg:$0x1];
	p0 =	sne.s32 s2, $0x0  }
0x28: {  	s3 =	rddreg [dreg:$0x2];
	[bflag:$0x3] =	sbarrier.arrive $0xFFFF;
	s2 =	simm.s32 @!p0 $0x1C02  }
0x29: {  	[timem:s3], [sflag:s2] =	dma.local @!p0 [hbm:s0], s1  }
0x2a: {  	s0 =	simm.s32 @!p0 $0x2  }
0x2b: {  	_ =	swait.ge @!p0 [sflag:s0], s1  }
0x2c: {  	s1 =	ssub.s32 @!p0 $0x0, s1;
	[sflag:s0] =	ssyncset.done @!p0 $0x0  }
0x2d: {  	[sflag:s0] =	ssyncadd.s32 @!p0 s1  }
0x2e: {  	[bflag:$0x3] =	sbarrier.arrive $0xFFFF  }
0x2f: {  	_ =	shalt  }

// kernel: kernel.47.cloned.1.call-start
scs
__scs_entry_jumppad:
0x0: {  	(pc) =	sbr.rel $0x88, $3  }
0x1: {  	(tag) =	ssettag $0x0;
	lr =	simm.s32 $0x1  }
0x2: {  	[smem:$0x3F69] =	sst lr;
	_ =	strace $0xD0000000  }
0x3: {  	_ = 	snop  }
0x4: {  	_ = 	snop  }
0x5: {  	_ = 	snop  }
0x6: {  	_ = 	snop  }
0x7: {  	_ = 	snop  }
__scs_overlays_trampoline_lowered:
0x8: {  	[smem:$0x3F78] =	sst s0  }
0x9: {  	[smem:$0x3F79] =	sst s1  }
0xa: {  	[smem:$0x3F7A] =	sst s2  }
0xb: {  	[smem:$0x3F7B] =	sst s3  }
0xc: {  	[smem:$0x3F7C] =	sst s4  }
0xd: {  	[smem:$0x3F7D] =	sst s5  }
0xe: {  	[smem:$0x3F7E] =	sst s6  }
0xf: {  	[smem:$0x3F7F] =	sst s7  }
0x10: {  	[smem:$0x3F80] =	sst s8  }
0x11: {  	[smem:$0x3F81] =	sst s9;
	s0 =	simm.s32 @!p0 $0x0  }
0x12: {  	s1 =	sld [smem:$0x3F67];
	s0 =	simm.s32 @p0 $0x1  }
0x13: {  	[smem:$0x3F82] =	sst s0;
	s0 =	simm.s32 @!p1 $0x0  }
0x14: {  	s2 =	sld [smem:$0x3F66];
	s0 =	simm.s32 @p1 $0x1  }
0x15: {  	[smem:$0x3F83] =	sst s0;
	s0 =	simm.s32 @!p2 $0x0  }
0x16: {  	s3 =	sld [smem:$0x3FDB];
	s0 =	simm.s32 @p2 $0x1  }
0x17: {  	s4 =	simm.s32 $0x1BF5;
	[smem:$0x3F85] =	sst s0  }
0x18: {  	s0 =	sld [smem:$0x3F68];
	_ =	swait.ge [sflag:s4], $0x0  }
0x19: {  	s7 =	sld [smem:$0x3F69]  }
0x1a: {  	s8 =	sadd.s32 $0xFFFFE003, lr  }
0x1b: {  	s9 =	sadd.s32 $0xFFFFFEF7, lr;
	s5 =	simm.s32 $0xFFFFFFFF;
	p2 =	slt.u32 s8, $0xFFFFF086  }
0x1c: {  	p1 =	slt.u32 s9, $0xF7A;
	s5 =	simm.s32 @!p2 $0x0  }
0x1d: {  	s5 =	simm.s32 @p1 $0x1;
	p0 =	seq.s32 s7, s2  }
0x1e: {  	s7 =	smul.u32 @!p0 $0xF7A, s2;
	p2 =	seq.s32 @!p0 s5, $0x0  }
0x1f: {  	s9 =	smul.u32 $0xF7A, s1;
	s8 =	simm.s32 @!p0 $0x1BF5;
	p2 =	por !p2, p0  }
0x20: {  	[sflag:s8] =	ssyncset.s32 @!p0 $0xFFFFF086;
	s6 =	sadd.s32 @!p0 s3, s7;
	s7 =	simm.s32 @!p0 $0x108  }
0x21: {  	s3 =	sadd.s32 s3, s9;
	s6 =	sadd.s32 @!p0 $0x88, s6;
	s7 =	simm.s32 @p2 $0x1082  }
0x22: {  	[simem:s7], [sflag:s8] =	dma.local @!p0 [hbm:s6], $0xF7A  }
0x23: {  	s9 =	sor.u32 $0xD0000000, s2;
	s6 =	simm.s32 $0x108;
	_ =	swait.ge @!p0 [sflag:s8], $0x0  }
0x24: {  	s3 =	sadd.s32 $0x88, s3;
	s6 =	simm.s32 @!p1 $0x1082;
	[sflag:s4] =	ssyncset.s32 $0xFFFFF086  }
0x25: {  	[simem:s6], [sflag:s4] =	dma.local [hbm:s3], $0xF7A  }
0x26: {  	[smem:$0x3F69] =	sst s1;
	(tag) =	ssettag s2;
	_ =	strace s9  }
0x27: {  	s1 =	sld [smem:$0x3F79]  }
0x28: {  	s2 =	sld [smem:$0x3F7A]  }
0x29: {  	s4 =	sld [smem:$0x3F7C]  }
0x2a: {  	p0 =	seq.s32 s5, $0x0;
	s5 =	sld [smem:$0x3F7D]  }
0x2b: {  	s6 =	sld [smem:$0x3F7E]  }
0x2c: {  	s7 =	sld [smem:$0x3F7F]  }
0x2d: {  	s3 =	simm.s32 $0x108;
	s8 =	sld [smem:$0x3F80]  }
0x2e: {  	s3 =	simm.s32 @!p0 $0x1082;
	s9 =	sld [smem:$0x3F81]  }
0x2f: {  	lr =	sadd.s32 s0, s3;
	s0 =	sld [smem:$0x3F78]  }
0x30: {  	s3 =	sld [smem:$0x3F7B]  }
0x31: {  	[smem:$0x3F84] =	sst s10  }
0x32: {  	s10 =	sld [smem:$0x3F82];
	_ =	sdelay $0x3  }
0x33: {  	p0 =	seq.s32 s10, $0x1;
	s10 =	sld [smem:$0x3F84];
	_ =	sdelay $0x3  }
0x34: {  	[smem:$0x3F84] =	sst s10  }
0x35: {  	s10 =	sld [smem:$0x3F83];
	_ =	sdelay $0x3  }
0x36: {  	p1 =	seq.s32 s10, $0x1;
	s10 =	sld [smem:$0x3F84];
	_ =	sdelay $0x3  }
0x37: {  	[smem:$0x3F84] =	sst s10  }
0x38: {  	s10 =	sld [smem:$0x3F85]  }
0x39: {  	_ = 	snop;
	(pc) =	sbr.ind lr, $3  }
0x3a: {  	_ = 	snop  }
0x3b: {  	_ = 	snop  }
0x3c: {  	p2 =	seq.s32 s10, $0x1;
	s10 =	sld [smem:$0x3F84]  }
0x3d: {  	_ =	shalt  }
0x3e: {  	_ =	shalt  }
0x3f: {  	_ =	shalt  }
0x40: {  	_ =	shalt  }
0x41: {  	_ =	shalt  }
0x42: {  	_ =	shalt  }
0x43: {  	_ =	shalt  }
0x44: {  	_ =	shalt  }
0x45: {  	_ =	shalt  }
0x46: {  	_ =	shalt  }
0x47: {  	_ =	shalt  }
0x48: {  	_ =	shalt  }
0x49: {  	_ =	shalt  }
0x4a: {  	_ =	shalt  }
0x4b: {  	_ =	shalt  }
0x4c: {  	_ =	shalt  }
0x4d: {  	_ =	shalt  }
0x4e: {  	_ =	shalt  }
0x4f: {  	_ =	shalt  }
0x50: {  	_ =	shalt  }
0x51: {  	_ =	shalt  }
0x52: {  	_ =	shalt  }
0x53: {  	_ =	shalt  }
0x54: {  	_ =	shalt  }
0x55: {  	_ =	shalt  }
0x56: {  	_ =	shalt  }
0x57: {  	_ =	shalt  }
0x58: {  	_ =	shalt  }
0x59: {  	_ =	shalt  }
0x5a: {  	_ =	shalt  }
0x5b: {  	_ =	shalt  }
0x5c: {  	_ =	shalt  }
0x5d: {  	_ =	shalt  }
0x5e: {  	_ =	shalt  }
0x5f: {  	_ =	shalt  }
0x60: {  	_ =	shalt  }
0x61: {  	_ =	shalt  }
0x62: {  	_ =	shalt  }
0x63: {  	_ =	shalt  }
0x64: {  	_ =	shalt  }
0x65: {  	_ =	shalt  }
0x66: {  	_ =	shalt  }
0x67: {  	_ =	shalt  }
0x68: {  	_ =	shalt  }
0x69: {  	_ =	shalt  }
0x6a: {  	_ =	shalt  }
0x6b: {  	_ =	shalt  }
0x6c: {  	_ =	shalt  }
0x6d: {  	_ =	shalt  }
0x6e: {  	_ =	shalt  }
0x6f: {  	_ =	shalt  }
0x70: {  	_ =	shalt  }
0x71: {  	_ =	shalt  }
0x72: {  	_ =	shalt  }
0x73: {  	_ =	shalt  }
0x74: {  	_ =	shalt  }
0x75: {  	_ =	shalt  }
0x76: {  	_ =	shalt  }
0x77: {  	_ =	shalt  }
0x78: {  	_ =	shalt  }
0x79: {  	_ =	shalt  }
0x7a: {  	_ =	shalt  }
0x7b: {  	_ =	shalt  }
0x7c: {  	_ =	shalt  }
0x7d: {  	_ =	shalt  }
0x7e: {  	_ =	shalt  }
0x7f: {  	_ =	shalt  }
0x80: {  	_ =	shalt  }
0x81: {  	_ =	shalt  }
0x82: {  	_ =	shalt  }
0x83: {  	_ =	shalt  }
0x84: {  	_ =	shalt  }
0x85: {  	_ =	shalt  }
0x86: {  	_ =	shalt  }
0x87: {  	_ =	shalt  }
.Lfunc_end0:
.L_simem_size_0:
called_computation.5_lowered:
.L_overlay_start_0:
0x88: {  	s2 =	sld [smem:$0x3FD9]  }
0x89: {  	s3 =	sld [smem:$0x3FFE];
	_ =	sdelay $0x1  }
0x8a: {  	s1 =	srdreg.scid  }
0x8b: {  	s0 =	sand.u32 $0x1, s1  }
0x8c: {  	s17 =	sshll.u32 s0, $0xA;
	s2 =	sadd.s32 s3, s2  }
0x8d: {  	s2 =	sadd.s32 s2, s17  }
0x8e: {  	[smem:$0x3F90] =	sst s2  }
0x8f: {  	_ = 	snop  }
0x90: {  	s2 =	sld [smem:$0x3FBD];
	(tm) =	ssettm $0x1  }
0x91: {  	s18 =	sld [smem:$0x3FFB];
	_ =	sdelay $0x3  }
0x92: {  	_ =	strace s18  }
0x93: {  	s3 =	sld [smem:$0x3FFC];
	_ =	sdelay $0x3  }
0x94: {  	_ =	strace s3  }
0x95: {  	s3 =	sld [smem:$0x3FFD];
	_ =	sdelay $0x3  }
0x96: {  	_ =	strace s3  }
0x97: {  	_ =	strace $0x8FFFFFFF  }
0x98: {  	s19 =	sld [smem:$0x3FDB];
	_ =	sdelay $0x1  }
0x99: {  	s4 =	simm.s32 $_scs_section_size  }
0x9a: {  	s5 =	simm.s32 $_size__tile_overlayer_lowered;
	s6 =	simm.s32 $_tile_overlayer_lowered  }
0x9b: {  	s22 =	simm.s32 $0x1BFF;
	s21 =	sshll.u32 s6, $0x1;
	s3 =	sadd.s32 s4, s19  }
0x9c: {  	s7 =	simm.s32 $0x0;
	s20 =	sshll.u32 s5, $0x1;
	s5 =	sadd.s32 s21, s3  }
0x9d: {  	[timem:s7], [sflag:s22] =	dma.local [hbm:s5], s20  }
0x9e: {  	_ =	swait.ge [sflag:s22], s20  }
0x9f: {  	s4 =	ssub.s32 $0x0, s20;
	[sflag:s22] =	ssyncset.done $0x0  }
0xa0: {  	[sflag:s22] =	ssyncadd.s32 s4;
	_ =	sdelay $0x1  }
0xa1: {  	s23 =	simm.s32 $0x1B8B  }
0xa2: {  	_ =	swait.ge [sflag:s23], $0x1  }
0xa3: {  	[sflag:s23] =	ssyncset.done $0x0  }
0xa4: {  	s25 =	simm.s32 $0x1B8E;
	s24 =	sld [smem:$0x3FFE];
	[sflag:s23] =	ssyncadd.s32 $0xFFFFFFFF  }
0xa5: {  	s26 =	simm.s32 $execute0_lowered;
	[smem:$0x3FD2] =	sst s25  }
0xa6: {  	s5 =	sshll.u32 s26, $0x1;
	_ =	strace $0x80000055;
	[dreg:$0x1] =	wrdreg $0xFFFFFFFF  }
0xa7: {  	s28 =	simm.s32 $_size_execute0_lowered;
	s3 =	sadd.s32 s3, s5;
	[dreg:$0x0] =	wrdreg $0x0  }
0xa8: {  	s5 =	sshll.u32 s28, $0x1;
	[dreg:$0x2] =	wrdreg s3  }
0xa9: {  	[dreg:$0x3] =	wrdreg s5  }
0xaa: {  	[dreg:$0x4] =	wrdreg $0xC0  }
0xab: {  	_ =	task [dreg:s7], $0x5FFFF  }
0xac: {  	[dreg:$0x1] =	wrdreg $0xFFFFFFFF  }
0xad: {  	[dreg:$0x0] =	wrdreg $0x60  }
0xae: {  	[dreg:$0x2] =	wrdreg s24  }
0xaf: {  	[dreg:$0x3] =	wrdreg s2  }
0xb0: {  	[dreg:$0x4] =	wrdreg $0x10400  }
0xb1: {  	[dreg:$0x5] =	wrdreg $0x9  }
0xb2: {  	_ =	task.clear_ibuf [dreg:s7], $0x6FFFF;
	_ =	strace $0x90000055  }
0xb3: {  	s29 =	simm.s32 $0x9;
	_ =	strace $0x80000057  }
0xb4: {  	_ =	swait.ge [sflag:s29], $0x1  }
0xb5: {  	[sflag:s29] =	ssyncadd.s32 $0xFFFFFFFF  }
0xb6: {  	_ =	strace $0x90000057  }
0xb7: {  	_ =	sfence  }
0xb8: {  	s30 =	sld [smem:$0x0];
	_ =	sdelay $0x2  }
0xb9: {  	s31 =	sshll.u32 s1, $0xD;
	s1 =	sshrl.u32 s1, $0x2  }
0xba: {  	s3 =	sand.u32 $0x4000, s31;
	s1 =	sadd.s32 s1, s30  }
0xbb: {  	s0 =	sor.u32 s3, s0;
	s1 =	sshll.u32 s1, $0x11  }
0xbc: {  	s0 =	sor.u32 s1, s0  }
0xbd: {  	s0 =	sadd.s32 $0x8F2B, s0  }
0xbe: {  	[sflag:s0] =	ssyncadd.remote.s32 $0x1  }
0xbf: {  	_ =	sfence.sel $0xFFFF  }
0xc0: {  	[dreg:$0x0] =	wrdreg $0xFFFFFFFF;
	(pc) =	sbr.abs _section_cstart, $3  }
0xc1: {  	[dreg:$0x1] =	wrdreg $0xFFFFFFFF  }
0xc2: {  	_ =	task.clear_ibuf [dreg:s7], $0x2FFFF;
	_ =	strace $0x9FFFFFFF  }
0xc3: {  	(tm) =	ssettm $0x7FFFFFFF  }
tec
execute0_lowered:
.L_overlay_start_1:
0x0: {  	(tag) =	ssettag $0x1  }
0x1: {  	s11 =	rddreg [dreg:$0x0]  }
0x2: {  	s8 =	rddreg [dreg:$0x1]  }
0x3: {  	s2 =	rddreg [dreg:$0x2]  }
0x4: {  	s0 =	rddreg [dreg:$0x3];
	s3 =	simm.s32 $0x0;
	s4 =	srdreg.scid  }
0x5: {  	s1 =	stileid.u32;
	[smem:$0x7FF] =	sst s3  }
0x6: {  	s12 =	sand.u32 $0x1, s4;
	s13 =	smul.u32 $0x5400, s1;
	s4 =	simm.s32 $0x23C00  }
0x7: {  	s9 =	sshll.u32 s1, $0x1;
	s30 =	sshll.u32 s1, $0x6;
	p0 =	seq.s32 s12, $0x1  }
0x8: {  	_ =	strace $0x80000056;
	s4 =	simm.s32 @!p0 $0x9400;
	s6 =	sadd.s32 s13, s2  }
0x9: {  	s5 =	sshrl.u32 s13, $0x3;
	s4 =	sadd.s32 s4, s11;
	s7 =	sshrl.u32 s6, $0x3  }
0xa: {  	s6 =	simm.s32 $0x1;
	s4 =	sadd.s32 s4, s5;
	s5 =	sor.u32 $0x1C01, s30  }
0xb: {  	[spmem:s7], [sflag:s5] =	dma.local [hbm:s4], $0xA80  }
0xc: {  	s9 =	sor.u32 s12, s9;
	_ =	swait.ge [sflag:s6], $0xA80  }
0xd: {  	s10 =	sshll.u32 s9, $0x3;
	[sflag:s6] =	ssyncset.done $0x0  }
0xe: {  	s8 =	sadd.s32 s8, s10;
	[sflag:s6] =	ssyncadd.s32 $0xFFFFF580  }
0xf: {  	[tilespmem:s3], [sflag:$0x1] =	stream.linear.gather [hbm4b:s8+s3], $0x40, $0x38;
	[tilespmem:$0x6440] =	vst v63  }
0x10: {  	s9 =	sshll.u32 s9, $0x9;
	_ =	swait.ge [sflag:s6], $0x40  }
0x11: {  	s9 =	sadd.s32 s9, s11;
	[sflag:s6] =	ssyncset.done $0x0  }
0x12: {  	s10 =	simm.s32 $0x40;
	s9 =	sadd.s32 $0x13C00, s9;
	[sflag:s6] =	ssyncadd.s32 $0xFFFFFFC0  }
0x13: {  	[tilespmem:s10], [sflag:$0x1] =	stream.linear.gather [hbm4b:s9+s3], $0x1000, $0x38;
	[tilespmem:$0x6440] =	vst v63  }
0x14: {  	_ =	swait.ge [sflag:s6], $0x1000  }
0x15: {  	s14 =	smul.u32 $0x54000, s12;
	s12 =	ssub.s32 $0x2, s12;
	[sflag:s6] =	ssyncset.done $0x0  }
0x16: {  	s31 =	sshrl.u32 s12, $0x1;
	[sflag:s6] =	ssyncadd.s32 $0xFFFFF000  }
0x17: {  	s12 =	ssub.s32 s12, s31;
	[bflag:$0x0] =	sbarrier.arrive $0xFFFF  }
0x18: {  	[spmem:s2] =	stream.indirect.scatter.add.f32 [tilespmem:s10], [sflag:$0x1], $0x40, s3, s10, $0xb8;
	[tilespmem:$0x6440] =	vst v63  }
0x19: {  	s13 =	sadd.s32 s13, s14;
	s12 =	smax.u32 s12, $0x1;
	_ =	swait.ge [sflag:s6], $0x1000  }
0x1a: {  	s13 =	sshrl.u32 s13, $0x3;
	p0 =	sne.s32 s12, $0x1;
	[sflag:s6] =	ssyncset.done $0x0  }
.Ltmp0:
0x1b: {  	s11 =	sadd.s32 s13, s11;
	[sflag:s6] =	ssyncadd.s32 $0xFFFFF000;
	(pc) =	sbr.rel @!p0 .LBB2_2-.Ltmp0, $4  }
0x1c: {  	s11 =	sadd.s32 $0x2E400, s11;
	[bflag:$0x0] =	sbarrier.arrive $0xFFFF  }
0x1d: {  	[hbm:s11], [sflag:s5] =	dma.local [spmem:s7], $0xA80  }
0x1e: {  	_ =	swait.ge [sflag:s6], $0xA80  }
0x1f: {  	s12 =	sadd.s32 $0xFFFFFFFF, s12;
	[sflag:s6] =	ssyncset.done $0x0  }
.LBB2_1:
0x20: {  	p0 =	sne.s32 s12, $0x1;
	s12 =	sadd.s32 $0xFFFFFFFF, s12;
	[sflag:s6] =	ssyncadd.s32 $0xFFFFF580  }
0x21: {  	[spmem:s7], [sflag:s5] =	dma.local [hbm:s4], $0xA80  }
0x22: {  	_ =	swait.ge [sflag:s6], $0xA80  }
0x23: {  	[sflag:s6] =	ssyncset.done $0x0  }
0x24: {  	[sflag:s6] =	ssyncadd.s32 $0xFFFFF580  }
0x25: {  	[tilespmem:s3], [sflag:$0x1] =	stream.linear.gather [hbm4b:s8+s3], $0x40, $0x38;
	[tilespmem:$0x6440] =	vst v63  }
0x26: {  	_ =	swait.ge [sflag:s6], $0x40  }
0x27: {  	[sflag:s6] =	ssyncset.done $0x0  }
0x28: {  	[sflag:s6] =	ssyncadd.s32 $0xFFFFFFC0  }
0x29: {  	[tilespmem:s10], [sflag:$0x1] =	stream.linear.gather [hbm4b:s9+s3], $0x1000, $0x38;
	[tilespmem:$0x6440] =	vst v63  }
0x2a: {  	_ =	swait.ge [sflag:s6], $0x1000  }
0x2b: {  	[sflag:s6] =	ssyncset.done $0x0  }
0x2c: {  	[sflag:s6] =	ssyncadd.s32 $0xFFFFF000  }
0x2d: {  	[bflag:$0x0] =	sbarrier.arrive $0xFFFF  }
0x2e: {  	[spmem:s2] =	stream.indirect.scatter.add.f32 [tilespmem:s10], [sflag:$0x1], $0x40, s3, s10, $0xb8;
	[tilespmem:$0x6440] =	vst v63  }
0x2f: {  	_ =	swait.ge [sflag:s6], $0x1000  }
0x30: {  	[sflag:s6] =	ssyncset.done $0x0  }
.Ltmp1:
0x31: {  	[sflag:s6] =	ssyncadd.s32 $0xFFFFF000;
	(pc) =	sbr.rel @p0 .LBB2_1-.Ltmp1, $4  }
0x32: {  	[bflag:$0x0] =	sbarrier.arrive $0xFFFF  }
0x33: {  	[hbm:s11], [sflag:s5] =	dma.local [spmem:s7], $0xA80  }
0x34: {  	_ =	swait.ge [sflag:s6], $0xA80  }
0x35: {  	[sflag:s6] =	ssyncset.done $0x0  }
.LBB2_2:
0x36: {  	[sflag:s6] =	ssyncadd.s32 $0xFFFFF580  }
0x37: {  	_ =	sfence.sel $0x180000  }
0x38: {  	[bflag:$0x0] =	sbarrier.arrive $0xFFFF  }
0x39: {  	p0 =	sne.s32 s1, $0x0;
	_ =	strace $0x90000056  }
0x3a: {  	s0 =	sadd.s32 @!p0 $0x100000, s0;
	[bflag:$0x2] =	sbarrier.arrive $0xFFFF  }
0x3b: {  	[sflag:s0] =	ssyncadd.tile.s32 @!p0 $0x1;
	_ =	shalt  }
.Lfunc_end2:
_tile_overlayer_lowered:
.L_overlay_start_2:
0x3c: {  	(tag) =	ssettag $0x2  }
0x3d: {  	s0 =	rddreg [dreg:$0x0];
	s2 =	stileid.u32  }
0x3e: {  	s1 =	rddreg [dreg:$0x1];
	p0 =	sne.s32 s2, $0x0  }
0x3f: {  	s3 =	rddreg [dreg:$0x2];
	[bflag:$0x3] =	sbarrier.arrive $0xFFFF;
	s2 =	simm.s32 @!p0 $0x1C01  }
0x40: {  	[timem:s3], [sflag:s2] =	dma.local @!p0 [hbm:s0], s1  }
0x41: {  	s0 =	simm.s32 @!p0 $0x1  }
0x42: {  	_ =	swait.ge @!p0 [sflag:s0], s1  }
0x43: {  	s1 =	ssub.s32 @!p0 $0x0, s1;
	[sflag:s0] =	ssyncset.done @!p0 $0x0  }
0x44: {  	[sflag:s0] =	ssyncadd.s32 @!p0 s1  }
0x45: {  	[bflag:$0x3] =	sbarrier.arrive $0xFFFF  }
0x46: {  	_ =	shalt  }

// kernel: kernel.50.cloned.1.call-start
scs
__scs_entry_jumppad:
0x0: {  	(pc) =	sbr.rel $0x88, $3  }
0x1: {  	(tag) =	ssettag $0x0;
	lr =	simm.s32 $0x1  }
0x2: {  	[smem:$0x3F69] =	sst lr;
	_ =	strace $0xD0000000  }
0x3: {  	_ = 	snop  }
0x4: {  	_ = 	snop  }
0x5: {  	_ = 	snop  }
0x6: {  	_ = 	snop  }
0x7: {  	_ = 	snop  }
__scs_overlays_trampoline_lowered:
0x8: {  	[smem:$0x3F78] =	sst s0  }
0x9: {  	[smem:$0x3F79] =	sst s1  }
0xa: {  	[smem:$0x3F7A] =	sst s2  }
0xb: {  	[smem:$0x3F7B] =	sst s3  }
0xc: {  	[smem:$0x3F7C] =	sst s4  }
0xd: {  	[smem:$0x3F7D] =	sst s5  }
0xe: {  	[smem:$0x3F7E] =	sst s6  }
0xf: {  	[smem:$0x3F7F] =	sst s7  }
0x10: {  	[smem:$0x3F80] =	sst s8  }
0x11: {  	[smem:$0x3F81] =	sst s9;
	s0 =	simm.s32 @!p0 $0x0  }
0x12: {  	s1 =	sld [smem:$0x3F67];
	s0 =	simm.s32 @p0 $0x1  }
0x13: {  	[smem:$0x3F82] =	sst s0;
	s0 =	simm.s32 @!p1 $0x0  }
0x14: {  	s2 =	sld [smem:$0x3F66];
	s0 =	simm.s32 @p1 $0x1  }
0x15: {  	[smem:$0x3F83] =	sst s0;
	s0 =	simm.s32 @!p2 $0x0  }
0x16: {  	s3 =	sld [smem:$0x3FDB];
	s0 =	simm.s32 @p2 $0x1  }
0x17: {  	s4 =	simm.s32 $0x1BF5;
	[smem:$0x3F85] =	sst s0  }
0x18: {  	s0 =	sld [smem:$0x3F68];
	_ =	swait.ge [sflag:s4], $0x0  }
0x19: {  	s7 =	sld [smem:$0x3F69]  }
0x1a: {  	s8 =	sadd.s32 $0xFFFFE003, lr  }
0x1b: {  	s9 =	sadd.s32 $0xFFFFFEF7, lr;
	s5 =	simm.s32 $0xFFFFFFFF;
	p2 =	slt.u32 s8, $0xFFFFF086  }
0x1c: {  	p1 =	slt.u32 s9, $0xF7A;
	s5 =	simm.s32 @!p2 $0x0  }
0x1d: {  	s5 =	simm.s32 @p1 $0x1;
	p0 =	seq.s32 s7, s2  }
0x1e: {  	s7 =	smul.u32 @!p0 $0xF7A, s2;
	p2 =	seq.s32 @!p0 s5, $0x0  }
0x1f: {  	s9 =	smul.u32 $0xF7A, s1;
	s8 =	simm.s32 @!p0 $0x1BF5;
	p2 =	por !p2, p0  }
0x20: {  	[sflag:s8] =	ssyncset.s32 @!p0 $0xFFFFF086;
	s6 =	sadd.s32 @!p0 s3, s7;
	s7 =	simm.s32 @!p0 $0x108  }
0x21: {  	s3 =	sadd.s32 s3, s9;
	s6 =	sadd.s32 @!p0 $0x88, s6;
	s7 =	simm.s32 @p2 $0x1082  }
0x22: {  	[simem:s7], [sflag:s8] =	dma.local @!p0 [hbm:s6], $0xF7A  }
0x23: {  	s9 =	sor.u32 $0xD0000000, s2;
	s6 =	simm.s32 $0x108;
	_ =	swait.ge @!p0 [sflag:s8], $0x0  }
0x24: {  	s3 =	sadd.s32 $0x88, s3;
	s6 =	simm.s32 @!p1 $0x1082;
	[sflag:s4] =	ssyncset.s32 $0xFFFFF086  }
0x25: {  	[simem:s6], [sflag:s4] =	dma.local [hbm:s3], $0xF7A  }
0x26: {  	[smem:$0x3F69] =	sst s1;
	(tag) =	ssettag s2;
	_ =	strace s9  }
0x27: {  	s1 =	sld [smem:$0x3F79]  }
0x28: {  	s2 =	sld [smem:$0x3F7A]  }
0x29: {  	s4 =	sld [smem:$0x3F7C]  }
0x2a: {  	p0 =	seq.s32 s5, $0x0;
	s5 =	sld [smem:$0x3F7D]  }
0x2b: {  	s6 =	sld [smem:$0x3F7E]  }
0x2c: {  	s7 =	sld [smem:$0x3F7F]  }
0x2d: {  	s3 =	simm.s32 $0x108;
	s8 =	sld [smem:$0x3F80]  }
0x2e: {  	s3 =	simm.s32 @!p0 $0x1082;
	s9 =	sld [smem:$0x3F81]  }
0x2f: {  	lr =	sadd.s32 s0, s3;
	s0 =	sld [smem:$0x3F78]  }
0x30: {  	s3 =	sld [smem:$0x3F7B]  }
0x31: {  	[smem:$0x3F84] =	sst s10  }
0x32: {  	s10 =	sld [smem:$0x3F82];
	_ =	sdelay $0x3  }
0x33: {  	p0 =	seq.s32 s10, $0x1;
	s10 =	sld [smem:$0x3F84];
	_ =	sdelay $0x3  }
0x34: {  	[smem:$0x3F84] =	sst s10  }
0x35: {  	s10 =	sld [smem:$0x3F83];
	_ =	sdelay $0x3  }
0x36: {  	p1 =	seq.s32 s10, $0x1;
	s10 =	sld [smem:$0x3F84];
	_ =	sdelay $0x3  }
0x37: {  	[smem:$0x3F84] =	sst s10  }
0x38: {  	s10 =	sld [smem:$0x3F85]  }
0x39: {  	_ = 	snop;
	(pc) =	sbr.ind lr, $3  }
0x3a: {  	_ = 	snop  }
0x3b: {  	_ = 	snop  }
0x3c: {  	p2 =	seq.s32 s10, $0x1;
	s10 =	sld [smem:$0x3F84]  }
0x3d: {  	_ =	shalt  }
0x3e: {  	_ =	shalt  }
0x3f: {  	_ =	shalt  }
0x40: {  	_ =	shalt  }
0x41: {  	_ =	shalt  }
0x42: {  	_ =	shalt  }
0x43: {  	_ =	shalt  }
0x44: {  	_ =	shalt  }
0x45: {  	_ =	shalt  }
0x46: {  	_ =	shalt  }
0x47: {  	_ =	shalt  }
0x48: {  	_ =	shalt  }
0x49: {  	_ =	shalt  }
0x4a: {  	_ =	shalt  }
0x4b: {  	_ =	shalt  }
0x4c: {  	_ =	shalt  }
0x4d: {  	_ =	shalt  }
0x4e: {  	_ =	shalt  }
0x4f: {  	_ =	shalt  }
0x50: {  	_ =	shalt  }
0x51: {  	_ =	shalt  }
0x52: {  	_ =	shalt  }
0x53: {  	_ =	shalt  }
0x54: {  	_ =	shalt  }
0x55: {  	_ =	shalt  }
0x56: {  	_ =	shalt  }
0x57: {  	_ =	shalt  }
0x58: {  	_ =	shalt  }
0x59: {  	_ =	shalt  }
0x5a: {  	_ =	shalt  }
0x5b: {  	_ =	shalt  }
0x5c: {  	_ =	shalt  }
0x5d: {  	_ =	shalt  }
0x5e: {  	_ =	shalt  }
0x5f: {  	_ =	shalt  }
0x60: {  	_ =	shalt  }
0x61: {  	_ =	shalt  }
0x62: {  	_ =	shalt  }
0x63: {  	_ =	shalt  }
0x64: {  	_ =	shalt  }
0x65: {  	_ =	shalt  }
0x66: {  	_ =	shalt  }
0x67: {  	_ =	shalt  }
0x68: {  	_ =	shalt  }
0x69: {  	_ =	shalt  }
0x6a: {  	_ =	shalt  }
0x6b: {  	_ =	shalt  }
0x6c: {  	_ =	shalt  }
0x6d: {  	_ =	shalt  }
0x6e: {  	_ =	shalt  }
0x6f: {  	_ =	shalt  }
0x70: {  	_ =	shalt  }
0x71: {  	_ =	shalt  }
0x72: {  	_ =	shalt  }
0x73: {  	_ =	shalt  }
0x74: {  	_ =	shalt  }
0x75: {  	_ =	shalt  }
0x76: {  	_ =	shalt  }
0x77: {  	_ =	shalt  }
0x78: {  	_ =	shalt  }
0x79: {  	_ =	shalt  }
0x7a: {  	_ =	shalt  }
0x7b: {  	_ =	shalt  }
0x7c: {  	_ =	shalt  }
0x7d: {  	_ =	shalt  }
0x7e: {  	_ =	shalt  }
0x7f: {  	_ =	shalt  }
0x80: {  	_ =	shalt  }
0x81: {  	_ =	shalt  }
0x82: {  	_ =	shalt  }
0x83: {  	_ =	shalt  }
0x84: {  	_ =	shalt  }
0x85: {  	_ =	shalt  }
0x86: {  	_ =	shalt  }
0x87: {  	_ =	shalt  }
.Lfunc_end0:
.L_simem_size_0:
called_computation.6_lowered:
.L_overlay_start_0:
0x88: {  	s2 =	sld [smem:$0x3FD9]  }
0x89: {  	s3 =	sld [smem:$0x3FFE];
	_ =	sdelay $0x1  }
0x8a: {  	s1 =	srdreg.scid  }
0x8b: {  	s0 =	sand.u32 $0x1, s1  }
0x8c: {  	s17 =	sshll.u32 s0, $0xA;
	s2 =	sadd.s32 s3, s2  }
0x8d: {  	s2 =	sadd.s32 s2, s17  }
0x8e: {  	[smem:$0x3F90] =	sst s2  }
0x8f: {  	_ = 	snop  }
0x90: {  	s2 =	sld [smem:$0x3FC0];
	(tm) =	ssettm $0x1  }
0x91: {  	s18 =	sld [smem:$0x3FFB];
	_ =	sdelay $0x3  }
0x92: {  	_ =	strace s18  }
0x93: {  	s3 =	sld [smem:$0x3FFC];
	_ =	sdelay $0x3  }
0x94: {  	_ =	strace s3  }
0x95: {  	s3 =	sld [smem:$0x3FFD];
	_ =	sdelay $0x3  }
0x96: {  	_ =	strace s3  }
0x97: {  	_ =	strace $0x8FFFFFFF  }
0x98: {  	s19 =	sld [smem:$0x3FDB];
	_ =	sdelay $0x1  }
0x99: {  	s4 =	simm.s32 $_scs_section_size  }
0x9a: {  	s5 =	simm.s32 $_size__tile_overlayer_lowered;
	s6 =	simm.s32 $_tile_overlayer_lowered  }
0x9b: {  	s22 =	simm.s32 $0x1BFF;
	s21 =	sshll.u32 s6, $0x1;
	s3 =	sadd.s32 s4, s19  }
0x9c: {  	s7 =	simm.s32 $0x0;
	s20 =	sshll.u32 s5, $0x1;
	s5 =	sadd.s32 s21, s3  }
0x9d: {  	[timem:s7], [sflag:s22] =	dma.local [hbm:s5], s20  }
0x9e: {  	_ =	swait.ge [sflag:s22], s20  }
0x9f: {  	s4 =	ssub.s32 $0x0, s20;
	[sflag:s22] =	ssyncset.done $0x0  }
0xa0: {  	[sflag:s22] =	ssyncadd.s32 s4;
	_ =	sdelay $0x1  }
0xa1: {  	s23 =	simm.s32 $0x1B8B  }
0xa2: {  	_ =	swait.ge [sflag:s23], $0x1  }
0xa3: {  	[sflag:s23] =	ssyncset.done $0x0  }
0xa4: {  	s25 =	simm.s32 $0x1B8E;
	s24 =	sld [smem:$0x3FFE];
	[sflag:s23] =	ssyncadd.s32 $0xFFFFFFFF  }
0xa5: {  	s26 =	simm.s32 $execute0_lowered;
	[smem:$0x3FD2] =	sst s25  }
0xa6: {  	s5 =	sshll.u32 s26, $0x1;
	_ =	strace $0x80000058;
	[dreg:$0x1] =	wrdreg $0xFFFFFFFF  }
0xa7: {  	s28 =	simm.s32 $_size_execute0_lowered;
	s3 =	sadd.s32 s3, s5;
	[dreg:$0x0] =	wrdreg $0x0  }
0xa8: {  	s5 =	sshll.u32 s28, $0x1;
	[dreg:$0x2] =	wrdreg s3  }
0xa9: {  	[dreg:$0x3] =	wrdreg s5  }
0xaa: {  	[dreg:$0x4] =	wrdreg $0xC0  }
0xab: {  	_ =	task [dreg:s7], $0x5FFFF  }
0xac: {  	[dreg:$0x1] =	wrdreg $0xFFFFFFFF  }
0xad: {  	[dreg:$0x0] =	wrdreg $0x60  }
0xae: {  	[dreg:$0x2] =	wrdreg s24  }
0xaf: {  	[dreg:$0x3] =	wrdreg s2  }
0xb0: {  	[dreg:$0x4] =	wrdreg $0x9  }
0xb1: {  	_ =	task.clear_ibuf [dreg:s7], $0x5FFFF;
	_ =	strace $0x90000058  }
0xb2: {  	s29 =	simm.s32 $0x9;
	_ =	strace $0x8000005A  }
0xb3: {  	_ =	swait.ge [sflag:s29], $0x1  }
0xb4: {  	[sflag:s29] =	ssyncadd.s32 $0xFFFFFFFF  }
0xb5: {  	_ =	strace $0x9000005A  }
0xb6: {  	_ =	sfence  }
0xb7: {  	s30 =	sld [smem:$0x0];
	_ =	sdelay $0x2  }
0xb8: {  	s31 =	sshll.u32 s1, $0xD;
	s1 =	sshrl.u32 s1, $0x2  }
0xb9: {  	s3 =	sand.u32 $0x4000, s31;
	s1 =	sadd.s32 s1, s30  }
0xba: {  	s0 =	sor.u32 s3, s0;
	s1 =	sshll.u32 s1, $0x11  }
0xbb: {  	s0 =	sor.u32 s1, s0  }
0xbc: {  	s0 =	sadd.s32 $0x8F2B, s0  }
0xbd: {  	[sflag:s0] =	ssyncadd.remote.s32 $0x1  }
0xbe: {  	_ =	sfence.sel $0xFFFF  }
0xbf: {  	[dreg:$0x0] =	wrdreg $0xFFFFFFFF;
	(pc) =	sbr.abs _section_cstart, $3  }
0xc0: {  	[dreg:$0x1] =	wrdreg $0xFFFFFFFF  }
0xc1: {  	_ =	task.clear_ibuf [dreg:s7], $0x2FFFF;
	_ =	strace $0x9FFFFFFF  }
0xc2: {  	(tm) =	ssettm $0x7FFFFFFF  }
0xc3: {  	_ =	shalt  }
tec
execute0_lowered:
.L_overlay_start_1:
0x0: {  	(tag) =	ssettag $0x1  }
0x1: {  	s1 =	srdreg.scid  }
0x2: {  	s10 =	rddreg [dreg:$0x0];
	s0 =	stileid.u32;
	s11 =	sand.u32 $0x1, s1  }
0x3: {  	s3 =	rddreg [dreg:$0x1];
	s4 =	sshll.u32 s0, $0x9;
	s5 =	sshll.u32 s11, $0x8  }
0x4: {  	s2 =	simm.s32 $0x0;
	s1 =	rddreg [dreg:$0x2];
	s12 =	sor.u32 s5, s4  }
0x5: {  	[smem:$0x7FF] =	sst s2;
	s4 =	sshrl.u32 s12, $0x3  }
0x6: {  	_ =	strace $0x80000059;
	s4 =	sadd.s32 s3, s4;
	s3 =	simm.s32 $0x2  }
0x7: {  	[tilespmem:s2], [sflag:$0x2] =	stream.linear.gather [hbm4b:s4+s2], $0x100, $0x38;
	[tilespmem:$0x4100] =	vst v63  }
0x8: {  	_ =	swait.ge [sflag:s3], $0x100  }
0x9: {  	s6 =	simm.s32 $0x80;
	[sflag:s3] =	ssyncset.done $0x0  }
0xa: {  	s7 =	simm.s32 $0x100;
	s5 =	sadd.s32 $0x9400, s10;
	[sflag:s3] =	ssyncadd.s32 $0xFFFFFF00  }
0xb: {  	[tilespmem:s7], [sflag:$0x1] =	stream.indirect.gather [hbm4b:s5+s6], $0x40, s2, s6, $0xb8;
	[tilespmem:$0x4100] =	vst v63  }
0xc: {  	s8 =	simm.s32 $0x2100;
	s9 =	simm.s32 $0x1;
	s11 =	ssub.s32 $0x2, s11  }
0xd: {  	[tilespmem:s8], [sflag:$0x1] =	stream.indirect.gather [hbm4b:s5+s6], $0x40, s6, s6, $0xb8;
	[tilespmem:$0x4100] =	vst v63  }
0xe: {  	s13 =	sshrl.u32 s11, $0x1;
	_ =	swait.ge [sflag:s9], $0x2000  }
0xf: {  	s11 =	ssub.s32 s11, s13;
	[sflag:s9] =	ssyncset.done $0x0  }
0x10: {  	s11 =	smax.u32 s11, $0x1;
	[sflag:s9] =	ssyncadd.s32 $0xFFFFE000  }
0x11: {  	s12 =	sshll.u32 s12, $0x3;
	p0 =	sne.s32 s11, $0x1;
	_ =	swait.ge [sflag:s9], $0x2000  }
.Ltmp0:
0x12: {  	s10 =	sadd.s32 s12, s10;
	[sflag:s9] =	ssyncset.done $0x0;
	(pc) =	sbr.rel @!p0 .LBB2_2-.Ltmp0, $4  }
0x13: {  	s10 =	sadd.s32 $0x13C00, s10;
	[sflag:s9] =	ssyncadd.s32 $0xFFFFE000  }
0x14: {  	[hbm4b:s10+s2] =	stream.linear.scatter [tilespmem:s7], [sflag:$0x2], $0x4000, $0x38;
	[tilespmem:$0x4100] =	vst v63  }
0x15: {  	_ =	swait.ge [sflag:s3], $0x4000  }
0x16: {  	s11 =	sadd.s32 $0xFFFFFFFF, s11;
	[sflag:s3] =	ssyncset.done $0x0  }
.LBB2_1:
0x17: {  	p0 =	sne.s32 s11, $0x1;
	s11 =	sadd.s32 $0xFFFFFFFF, s11;
	[sflag:s3] =	ssyncadd.s32 $0xFFFFC000  }
0x18: {  	[tilespmem:s2], [sflag:$0x2] =	stream.linear.gather [hbm4b:s4+s2], $0x100, $0x38;
	[tilespmem:$0x4100] =	vst v63  }
0x19: {  	_ =	swait.ge [sflag:s3], $0x100  }
0x1a: {  	[sflag:s3] =	ssyncset.done $0x0  }
0x1b: {  	[sflag:s3] =	ssyncadd.s32 $0xFFFFFF00  }
0x1c: {  	[tilespmem:s7], [sflag:$0x1] =	stream.indirect.gather [hbm4b:s5+s6], $0x40, s2, s6, $0xb8;
	[tilespmem:$0x4100] =	vst v63  }
0x1d: {  	_ = 	snop  }
0x1e: {  	[tilespmem:s8], [sflag:$0x1] =	stream.indirect.gather [hbm4b:s5+s6], $0x40, s6, s6, $0xb8;
	[tilespmem:$0x4100] =	vst v63  }
0x1f: {  	_ =	swait.ge [sflag:s9], $0x2000  }
0x20: {  	[sflag:s9] =	ssyncset.done $0x0  }
0x21: {  	[sflag:s9] =	ssyncadd.s32 $0xFFFFE000  }
0x22: {  	_ =	swait.ge [sflag:s9], $0x2000  }
.Ltmp1:
0x23: {  	[sflag:s9] =	ssyncset.done $0x0;
	(pc) =	sbr.rel @p0 .LBB2_1-.Ltmp1, $4  }
0x24: {  	[sflag:s9] =	ssyncadd.s32 $0xFFFFE000  }
0x25: {  	[hbm4b:s10+s2] =	stream.linear.scatter [tilespmem:s7], [sflag:$0x2], $0x4000, $0x38;
	[tilespmem:$0x4100] =	vst v63  }
0x26: {  	_ =	swait.ge [sflag:s3], $0x4000  }
0x27: {  	[sflag:s3] =	ssyncset.done $0x0  }
.LBB2_2:
0x28: {  	[sflag:s3] =	ssyncadd.s32 $0xFFFFC000  }
0x29: {  	_ =	sfence.sel $0x180000  }
0x2a: {  	[bflag:$0x0] =	sbarrier.arrive $0xFFFF  }
0x2b: {  	p0 =	sne.s32 s0, $0x0;
	_ =	strace $0x90000059  }
0x2c: {  	s0 =	sadd.s32 @!p0 $0x100000, s1;
	[bflag:$0x2] =	sbarrier.arrive $0xFFFF  }
0x2d: {  	[sflag:s0] =	ssyncadd.tile.s32 @!p0 $0x1;
	_ =	shalt  }
.Lfunc_end2:
_tile_overlayer_lowered:
.L_overlay_start_2:
0x2e: {  	(tag) =	ssettag $0x2  }
0x2f: {  	s0 =	rddreg [dreg:$0x0];
	s2 =	stileid.u32  }
0x30: {  	s1 =	rddreg [dreg:$0x1];
	p0 =	sne.s32 s2, $0x0  }
0x31: {  	s3 =	rddreg [dreg:$0x2];
	[bflag:$0x3] =	sbarrier.arrive $0xFFFF;
	s2 =	simm.s32 @!p0 $0x1C02  }
0x32: {  	[timem:s3], [sflag:s2] =	dma.local @!p0 [hbm:s0], s1  }
0x33: {  	s0 =	simm.s32 @!p0 $0x2  }
0x34: {  	_ =	swait.ge @!p0 [sflag:s0], s1  }
0x35: {  	s1 =	ssub.s32 @!p0 $0x0, s1;
	[sflag:s0] =	ssyncset.done @!p0 $0x0  }
0x36: {  	[sflag:s0] =	ssyncadd.s32 @!p0 s1  }
0x37: {  	[bflag:$0x3] =	sbarrier.arrive $0xFFFF  }
0x38: {  	_ =	shalt  }

// kernel: kernel.53.cloned.1.call-start
scs
__scs_entry_jumppad:
0x0: {  	(pc) =	sbr.rel $0x88, $3  }
0x1: {  	(tag) =	ssettag $0x0;
	lr =	simm.s32 $0x1  }
0x2: {  	[smem:$0x3F69] =	sst lr;
	_ =	strace $0xD0000000  }
0x3: {  	_ = 	snop  }
0x4: {  	_ = 	snop  }
0x5: {  	_ = 	snop  }
0x6: {  	_ = 	snop  }
0x7: {  	_ = 	snop  }
__scs_overlays_trampoline_lowered:
0x8: {  	[smem:$0x3F78] =	sst s0  }
0x9: {  	[smem:$0x3F79] =	sst s1  }
0xa: {  	[smem:$0x3F7A] =	sst s2  }
0xb: {  	[smem:$0x3F7B] =	sst s3  }
0xc: {  	[smem:$0x3F7C] =	sst s4  }
0xd: {  	[smem:$0x3F7D] =	sst s5  }
0xe: {  	[smem:$0x3F7E] =	sst s6  }
0xf: {  	[smem:$0x3F7F] =	sst s7  }
0x10: {  	[smem:$0x3F80] =	sst s8  }
0x11: {  	[smem:$0x3F81] =	sst s9;
	s0 =	simm.s32 @!p0 $0x0  }
0x12: {  	s1 =	sld [smem:$0x3F67];
	s0 =	simm.s32 @p0 $0x1  }
0x13: {  	[smem:$0x3F82] =	sst s0;
	s0 =	simm.s32 @!p1 $0x0  }
0x14: {  	s2 =	sld [smem:$0x3F66];
	s0 =	simm.s32 @p1 $0x1  }
0x15: {  	[smem:$0x3F83] =	sst s0;
	s0 =	simm.s32 @!p2 $0x0  }
0x16: {  	s3 =	sld [smem:$0x3FDB];
	s0 =	simm.s32 @p2 $0x1  }
0x17: {  	s4 =	simm.s32 $0x1BF5;
	[smem:$0x3F85] =	sst s0  }
0x18: {  	s0 =	sld [smem:$0x3F68];
	_ =	swait.ge [sflag:s4], $0x0  }
0x19: {  	s7 =	sld [smem:$0x3F69]  }
0x1a: {  	s8 =	sadd.s32 $0xFFFFE003, lr  }
0x1b: {  	s9 =	sadd.s32 $0xFFFFFEF7, lr;
	s5 =	simm.s32 $0xFFFFFFFF;
	p2 =	slt.u32 s8, $0xFFFFF086  }
0x1c: {  	p1 =	slt.u32 s9, $0xF7A;
	s5 =	simm.s32 @!p2 $0x0  }
0x1d: {  	s5 =	simm.s32 @p1 $0x1;
	p0 =	seq.s32 s7, s2  }
0x1e: {  	s7 =	smul.u32 @!p0 $0xF7A, s2;
	p2 =	seq.s32 @!p0 s5, $0x0  }
0x1f: {  	s9 =	smul.u32 $0xF7A, s1;
	s8 =	simm.s32 @!p0 $0x1BF5;
	p2 =	por !p2, p0  }
0x20: {  	[sflag:s8] =	ssyncset.s32 @!p0 $0xFFFFF086;
	s6 =	sadd.s32 @!p0 s3, s7;
	s7 =	simm.s32 @!p0 $0x108  }
0x21: {  	s3 =	sadd.s32 s3, s9;
	s6 =	sadd.s32 @!p0 $0x88, s6;
	s7 =	simm.s32 @p2 $0x1082  }
0x22: {  	[simem:s7], [sflag:s8] =	dma.local @!p0 [hbm:s6], $0xF7A  }
0x23: {  	s9 =	sor.u32 $0xD0000000, s2;
	s6 =	simm.s32 $0x108;
	_ =	swait.ge @!p0 [sflag:s8], $0x0  }
0x24: {  	s3 =	sadd.s32 $0x88, s3;
	s6 =	simm.s32 @!p1 $0x1082;
	[sflag:s4] =	ssyncset.s32 $0xFFFFF086  }
0x25: {  	[simem:s6], [sflag:s4] =	dma.local [hbm:s3], $0xF7A  }
0x26: {  	[smem:$0x3F69] =	sst s1;
	(tag) =	ssettag s2;
	_ =	strace s9  }
0x27: {  	s1 =	sld [smem:$0x3F79]  }
0x28: {  	s2 =	sld [smem:$0x3F7A]  }
0x29: {  	s4 =	sld [smem:$0x3F7C]  }
0x2a: {  	p0 =	seq.s32 s5, $0x0;
	s5 =	sld [smem:$0x3F7D]  }
0x2b: {  	s6 =	sld [smem:$0x3F7E]  }
0x2c: {  	s7 =	sld [smem:$0x3F7F]  }
0x2d: {  	s3 =	simm.s32 $0x108;
	s8 =	sld [smem:$0x3F80]  }
0x2e: {  	s3 =	simm.s32 @!p0 $0x1082;
	s9 =	sld [smem:$0x3F81]  }
0x2f: {  	lr =	sadd.s32 s0, s3;
	s0 =	sld [smem:$0x3F78]  }
0x30: {  	s3 =	sld [smem:$0x3F7B]  }
0x31: {  	[smem:$0x3F84] =	sst s10  }
0x32: {  	s10 =	sld [smem:$0x3F82];
	_ =	sdelay $0x3  }
0x33: {  	p0 =	seq.s32 s10, $0x1;
	s10 =	sld [smem:$0x3F84];
	_ =	sdelay $0x3  }
0x34: {  	[smem:$0x3F84] =	sst s10  }
0x35: {  	s10 =	sld [smem:$0x3F83];
	_ =	sdelay $0x3  }
0x36: {  	p1 =	seq.s32 s10, $0x1;
	s10 =	sld [smem:$0x3F84];
	_ =	sdelay $0x3  }
0x37: {  	[smem:$0x3F84] =	sst s10  }
0x38: {  	s10 =	sld [smem:$0x3F85]  }
0x39: {  	_ = 	snop;
	(pc) =	sbr.ind lr, $3  }
0x3a: {  	_ = 	snop  }
0x3b: {  	_ = 	snop  }
0x3c: {  	p2 =	seq.s32 s10, $0x1;
	s10 =	sld [smem:$0x3F84]  }
0x3d: {  	_ =	shalt  }
0x3e: {  	_ =	shalt  }
0x3f: {  	_ =	shalt  }
0x40: {  	_ =	shalt  }
0x41: {  	_ =	shalt  }
0x42: {  	_ =	shalt  }
0x43: {  	_ =	shalt  }
0x44: {  	_ =	shalt  }
0x45: {  	_ =	shalt  }
0x46: {  	_ =	shalt  }
0x47: {  	_ =	shalt  }
0x48: {  	_ =	shalt  }
0x49: {  	_ =	shalt  }
0x4a: {  	_ =	shalt  }
0x4b: {  	_ =	shalt  }
0x4c: {  	_ =	shalt  }
0x4d: {  	_ =	shalt  }
0x4e: {  	_ =	shalt  }
0x4f: {  	_ =	shalt  }
0x50: {  	_ =	shalt  }
0x51: {  	_ =	shalt  }
0x52: {  	_ =	shalt  }
0x53: {  	_ =	shalt  }
0x54: {  	_ =	shalt  }
0x55: {  	_ =	shalt  }
0x56: {  	_ =	shalt  }
0x57: {  	_ =	shalt  }
0x58: {  	_ =	shalt  }
0x59: {  	_ =	shalt  }
0x5a: {  	_ =	shalt  }
0x5b: {  	_ =	shalt  }
0x5c: {  	_ =	shalt  }
0x5d: {  	_ =	shalt  }
0x5e: {  	_ =	shalt  }
0x5f: {  	_ =	shalt  }
0x60: {  	_ =	shalt  }
0x61: {  	_ =	shalt  }
0x62: {  	_ =	shalt  }
0x63: {  	_ =	shalt  }
0x64: {  	_ =	shalt  }
0x65: {  	_ =	shalt  }
0x66: {  	_ =	shalt  }
0x67: {  	_ =	shalt  }
0x68: {  	_ =	shalt  }
0x69: {  	_ =	shalt  }
0x6a: {  	_ =	shalt  }
0x6b: {  	_ =	shalt  }
0x6c: {  	_ =	shalt  }
0x6d: {  	_ =	shalt  }
0x6e: {  	_ =	shalt  }
0x6f: {  	_ =	shalt  }
0x70: {  	_ =	shalt  }
0x71: {  	_ =	shalt  }
0x72: {  	_ =	shalt  }
0x73: {  	_ =	shalt  }
0x74: {  	_ =	shalt  }
0x75: {  	_ =	shalt  }
0x76: {  	_ =	shalt  }
0x77: {  	_ =	shalt  }
0x78: {  	_ =	shalt  }
0x79: {  	_ =	shalt  }
0x7a: {  	_ =	shalt  }
0x7b: {  	_ =	shalt  }
0x7c: {  	_ =	shalt  }
0x7d: {  	_ =	shalt  }
0x7e: {  	_ =	shalt  }
0x7f: {  	_ =	shalt  }
0x80: {  	_ =	shalt  }
0x81: {  	_ =	shalt  }
0x82: {  	_ =	shalt  }
0x83: {  	_ =	shalt  }
0x84: {  	_ =	shalt  }
0x85: {  	_ =	shalt  }
0x86: {  	_ =	shalt  }
0x87: {  	_ =	shalt  }
.Lfunc_end0:
.L_simem_size_0:
called_computation.7_lowered:
.L_overlay_start_0:
0x88: {  	s2 =	sld [smem:$0x3FD9]  }
0x89: {  	s3 =	sld [smem:$0x3FFE];
	_ =	sdelay $0x1  }
0x8a: {  	s1 =	srdreg.scid  }
0x8b: {  	s0 =	sand.u32 $0x1, s1  }
0x8c: {  	s17 =	sshll.u32 s0, $0xA;
	s2 =	sadd.s32 s3, s2  }
0x8d: {  	s2 =	sadd.s32 s2, s17  }
0x8e: {  	[smem:$0x3F90] =	sst s2  }
0x8f: {  	_ = 	snop  }
0x90: {  	s2 =	sld [smem:$0x3FBF];
	(tm) =	ssettm $0x1  }
0x91: {  	s18 =	sld [smem:$0x3FFB];
	_ =	sdelay $0x3  }
0x92: {  	_ =	strace s18  }
0x93: {  	s3 =	sld [smem:$0x3FFC];
	_ =	sdelay $0x3  }
0x94: {  	_ =	strace s3  }
0x95: {  	s3 =	sld [smem:$0x3FFD];
	_ =	sdelay $0x3  }
0x96: {  	_ =	strace s3  }
0x97: {  	_ =	strace $0x8FFFFFFF  }
0x98: {  	s19 =	sld [smem:$0x3FDB];
	_ =	sdelay $0x1  }
0x99: {  	s4 =	simm.s32 $_scs_section_size  }
0x9a: {  	s5 =	simm.s32 $_size__tile_overlayer_lowered;
	s6 =	simm.s32 $_tile_overlayer_lowered  }
0x9b: {  	s22 =	simm.s32 $0x1BFF;
	s21 =	sshll.u32 s6, $0x1;
	s3 =	sadd.s32 s4, s19  }
0x9c: {  	s7 =	simm.s32 $0x0;
	s20 =	sshll.u32 s5, $0x1;
	s5 =	sadd.s32 s21, s3  }
0x9d: {  	[timem:s7], [sflag:s22] =	dma.local [hbm:s5], s20  }
0x9e: {  	_ =	swait.ge [sflag:s22], s20  }
0x9f: {  	s4 =	ssub.s32 $0x0, s20;
	[sflag:s22] =	ssyncset.done $0x0  }
0xa0: {  	[sflag:s22] =	ssyncadd.s32 s4;
	_ =	sdelay $0x1  }
0xa1: {  	s23 =	simm.s32 $0x1B8B  }
0xa2: {  	_ =	swait.ge [sflag:s23], $0x1  }
0xa3: {  	[sflag:s23] =	ssyncset.done $0x0  }
0xa4: {  	s25 =	simm.s32 $0x1B8E;
	s24 =	sld [smem:$0x3FFE];
	[sflag:s23] =	ssyncadd.s32 $0xFFFFFFFF  }
0xa5: {  	s26 =	simm.s32 $execute0_lowered;
	[smem:$0x3FD2] =	sst s25  }
0xa6: {  	s5 =	sshll.u32 s26, $0x1;
	_ =	strace $0x8000005B;
	[dreg:$0x1] =	wrdreg $0xFFFFFFFF  }
0xa7: {  	s28 =	simm.s32 $_size_execute0_lowered;
	s3 =	sadd.s32 s3, s5;
	[dreg:$0x0] =	wrdreg $0x0  }
0xa8: {  	s5 =	sshll.u32 s28, $0x1;
	[dreg:$0x2] =	wrdreg s3  }
0xa9: {  	[dreg:$0x3] =	wrdreg s5  }
0xaa: {  	[dreg:$0x4] =	wrdreg $0xC0  }
0xab: {  	_ =	task [dreg:s7], $0x5FFFF  }
0xac: {  	[dreg:$0x1] =	wrdreg $0xFFFFFFFF  }
0xad: {  	[dreg:$0x0] =	wrdreg $0x60  }
0xae: {  	[dreg:$0x2] =	wrdreg s24  }
0xaf: {  	[dreg:$0x3] =	wrdreg s2  }
0xb0: {  	[dreg:$0x4] =	wrdreg $0x41000  }
0xb1: {  	[dreg:$0x5] =	wrdreg $0x9  }
0xb2: {  	_ =	task.clear_ibuf [dreg:s7], $0x6FFFF;
	_ =	strace $0x9000005B  }
0xb3: {  	s29 =	simm.s32 $0x9;
	_ =	strace $0x8000005D  }
0xb4: {  	_ =	swait.ge [sflag:s29], $0x1  }
0xb5: {  	[sflag:s29] =	ssyncadd.s32 $0xFFFFFFFF  }
0xb6: {  	_ =	strace $0x9000005D  }
0xb7: {  	_ =	sfence  }
0xb8: {  	s30 =	sld [smem:$0x0];
	_ =	sdelay $0x2  }
0xb9: {  	s31 =	sshll.u32 s1, $0xD;
	s1 =	sshrl.u32 s1, $0x2  }
0xba: {  	s3 =	sand.u32 $0x4000, s31;
	s1 =	sadd.s32 s1, s30  }
0xbb: {  	s0 =	sor.u32 s3, s0;
	s1 =	sshll.u32 s1, $0x11  }
0xbc: {  	s0 =	sor.u32 s1, s0  }
0xbd: {  	s0 =	sadd.s32 $0x8F2B, s0  }
0xbe: {  	[sflag:s0] =	ssyncadd.remote.s32 $0x1  }
0xbf: {  	_ =	sfence.sel $0xFFFF  }
0xc0: {  	[dreg:$0x0] =	wrdreg $0xFFFFFFFF;
	(pc) =	sbr.abs _section_cstart, $3  }
0xc1: {  	[dreg:$0x1] =	wrdreg $0xFFFFFFFF  }
0xc2: {  	_ =	task.clear_ibuf [dreg:s7], $0x2FFFF;
	_ =	strace $0x9FFFFFFF  }
0xc3: {  	(tm) =	ssettm $0x7FFFFFFF  }
tec
execute0_lowered:
.L_overlay_start_1:
0x0: {  	(tag) =	ssettag $0x1  }
0x1: {  	s13 =	rddreg [dreg:$0x0]  }
0x2: {  	s8 =	rddreg [dreg:$0x1]  }
0x3: {  	s2 =	rddreg [dreg:$0x2]  }
0x4: {  	s0 =	rddreg [dreg:$0x3];
	s3 =	simm.s32 $0x0;
	s4 =	srdreg.scid  }
0x5: {  	s1 =	stileid.u32;
	[smem:$0x7FF] =	sst s3;
	s14 =	sand.u32 $0x1, s4  }
0x6: {  	s15 =	smul.u32 $0x5400, s1;
	s4 =	simm.s32 $0x23C00;
	s9 =	sshll.u32 s1, $0x2  }
0x7: {  	s30 =	sshll.u32 s1, $0x6;
	p0 =	seq.s32 s14, $0x1;
	_ =	strace $0x8000005C  }
0x8: {  	s10 =	sshll.u32 s14, $0x1;
	s4 =	simm.s32 @!p0 $0x9400;
	s6 =	sadd.s32 s15, s2  }
0x9: {  	s5 =	sshrl.u32 s15, $0x3;
	s4 =	sadd.s32 s4, s13;
	s7 =	sshrl.u32 s6, $0x3  }
0xa: {  	s6 =	simm.s32 $0x1;
	s4 =	sadd.s32 s4, s5;
	s5 =	sor.u32 $0x1C01, s30  }
0xb: {  	[spmem:s7], [sflag:s5] =	dma.local [hbm:s4], $0xA80  }
0xc: {  	s9 =	sor.u32 s10, s9;
	_ =	swait.ge [sflag:s6], $0xA80  }
0xd: {  	s10 =	sshll.u32 s9, $0x4;
	[sflag:s6] =	ssyncset.done $0x0  }
0xe: {  	s8 =	sadd.s32 s8, s10;
	[sflag:s6] =	ssyncadd.s32 $0xFFFFF580  }
0xf: {  	[tilespmem:s3], [sflag:$0x1] =	stream.linear.gather [hbm4b:s8+s3], $0x100, $0x38;
	[tilespmem:$0x9500] =	vst v63  }
0x10: {  	s9 =	sshll.u32 s9, $0xA;
	_ =	swait.ge [sflag:s6], $0x100  }
0x11: {  	s9 =	sadd.s32 s9, s13;
	[sflag:s6] =	ssyncset.done $0x0  }
0x12: {  	s10 =	simm.s32 $0x100;
	s9 =	sadd.s32 $0x13C00, s9;
	[sflag:s6] =	ssyncadd.s32 $0xFFFFFF00  }
0x13: {  	[tilespmem:s10], [sflag:$0x1] =	stream.linear.gather [hbm4b:s9+s3], $0x4000, $0x38;
	[tilespmem:$0x9500] =	vst v63  }
0x14: {  	_ =	swait.ge [sflag:s6], $0x4000  }
0x15: {  	[sflag:s6] =	ssyncset.done $0x0  }
0x16: {  	[sflag:s6] =	ssyncadd.s32 $0xFFFFC000  }
0x17: {  	s11 =	simm.s32 $0x80;
	[bflag:$0x0] =	sbarrier.arrive $0xFFFF  }
0x18: {  	[spmem:s2] =	stream.indirect.scatter.add.f32 [tilespmem:s10], [sflag:$0x1], $0x40, s3, s11, $0xb8;
	[tilespmem:$0x9500] =	vst v63  }
0x19: {  	s16 =	smul.u32 $0x54000, s14;
	s14 =	ssub.s32 $0x2, s14;
	_ =	swait.ge [sflag:s6], $0x2000  }
0x1a: {  	s31 =	sshrl.u32 s14, $0x1;
	[sflag:s6] =	ssyncset.done $0x0  }
0x1b: {  	s12 =	simm.s32 $0x2100;
	s14 =	ssub.s32 s14, s31;
	[sflag:s6] =	ssyncadd.s32 $0xFFFFE000  }
0x1c: {  	[spmem:s2] =	stream.indirect.scatter.add.f32 [tilespmem:s12], [sflag:$0x1], $0x40, s11, s11, $0xb8;
	[tilespmem:$0x9500] =	vst v63  }
0x1d: {  	s15 =	sadd.s32 s15, s16;
	s14 =	smax.u32 s14, $0x1;
	_ =	swait.ge [sflag:s6], $0x2000  }
0x1e: {  	s15 =	sshrl.u32 s15, $0x3;
	p0 =	sne.s32 s14, $0x1;
	[sflag:s6] =	ssyncset.done $0x0  }
.Ltmp0:
0x1f: {  	s13 =	sadd.s32 s15, s13;
	[sflag:s6] =	ssyncadd.s32 $0xFFFFE000;
	(pc) =	sbr.rel @!p0 .LBB2_2-.Ltmp0, $4  }
0x20: {  	s13 =	sadd.s32 $0x2E400, s13;
	[bflag:$0x0] =	sbarrier.arrive $0xFFFF  }
0x21: {  	[hbm:s13], [sflag:s5] =	dma.local [spmem:s7], $0xA80  }
0x22: {  	_ =	swait.ge [sflag:s6], $0xA80  }
0x23: {  	s14 =	sadd.s32 $0xFFFFFFFF, s14;
	[sflag:s6] =	ssyncset.done $0x0  }
.LBB2_1:
0x24: {  	p0 =	sne.s32 s14, $0x1;
	s14 =	sadd.s32 $0xFFFFFFFF, s14;
	[sflag:s6] =	ssyncadd.s32 $0xFFFFF580  }
0x25: {  	[spmem:s7], [sflag:s5] =	dma.local [hbm:s4], $0xA80  }
0x26: {  	_ =	swait.ge [sflag:s6], $0xA80  }
0x27: {  	[sflag:s6] =	ssyncset.done $0x0  }
0x28: {  	[sflag:s6] =	ssyncadd.s32 $0xFFFFF580  }
0x29: {  	[tilespmem:s3], [sflag:$0x1] =	stream.linear.gather [hbm4b:s8+s3], $0x100, $0x38;
	[tilespmem:$0x9500] =	vst v63  }
0x2a: {  	_ =	swait.ge [sflag:s6], $0x100  }
0x2b: {  	[sflag:s6] =	ssyncset.done $0x0  }
0x2c: {  	[sflag:s6] =	ssyncadd.s32 $0xFFFFFF00  }
0x2d: {  	[tilespmem:s10], [sflag:$0x1] =	stream.linear.gather [hbm4b:s9+s3], $0x4000, $0x38;
	[tilespmem:$0x9500] =	vst v63  }
0x2e: {  	_ =	swait.ge [sflag:s6], $0x4000  }
0x2f: {  	[sflag:s6] =	ssyncset.done $0x0  }
0x30: {  	[sflag:s6] =	ssyncadd.s32 $0xFFFFC000  }
0x31: {  	[bflag:$0x0] =	sbarrier.arrive $0xFFFF  }
0x32: {  	[spmem:s2] =	stream.indirect.scatter.add.f32 [tilespmem:s10], [sflag:$0x1], $0x40, s3, s11, $0xb8;
	[tilespmem:$0x9500] =	vst v63  }
0x33: {  	_ =	swait.ge [sflag:s6], $0x2000  }
0x34: {  	[sflag:s6] =	ssyncset.done $0x0  }
0x35: {  	[sflag:s6] =	ssyncadd.s32 $0xFFFFE000  }
0x36: {  	[spmem:s2] =	stream.indirect.scatter.add.f32 [tilespmem:s12], [sflag:$0x1], $0x40, s11, s11, $0xb8;
	[tilespmem:$0x9500] =	vst v63  }
0x37: {  	_ =	swait.ge [sflag:s6], $0x2000  }
0x38: {  	[sflag:s6] =	ssyncset.done $0x0  }
.Ltmp1:
0x39: {  	[sflag:s6] =	ssyncadd.s32 $0xFFFFE000;
	(pc) =	sbr.rel @p0 .LBB2_1-.Ltmp1, $4  }
0x3a: {  	[bflag:$0x0] =	sbarrier.arrive $0xFFFF  }
0x3b: {  	[hbm:s13], [sflag:s5] =	dma.local [spmem:s7], $0xA80  }
0x3c: {  	_ =	swait.ge [sflag:s6], $0xA80  }
0x3d: {  	[sflag:s6] =	ssyncset.done $0x0  }
.LBB2_2:
0x3e: {  	[sflag:s6] =	ssyncadd.s32 $0xFFFFF580  }
0x3f: {  	_ =	sfence.sel $0x180000  }
0x40: {  	[bflag:$0x0] =	sbarrier.arrive $0xFFFF  }
0x41: {  	p0 =	sne.s32 s1, $0x0;
	_ =	strace $0x9000005C  }
0x42: {  	s0 =	sadd.s32 @!p0 $0x100000, s0;
	[bflag:$0x2] =	sbarrier.arrive $0xFFFF  }
0x43: {  	[sflag:s0] =	ssyncadd.tile.s32 @!p0 $0x1;
	_ =	shalt  }
.Lfunc_end2:
_tile_overlayer_lowered:
.L_overlay_start_2:
0x44: {  	(tag) =	ssettag $0x2  }
0x45: {  	s0 =	rddreg [dreg:$0x0];
	s2 =	stileid.u32  }
0x46: {  	s1 =	rddreg [dreg:$0x1];
	p0 =	sne.s32 s2, $0x0  }
0x47: {  	s3 =	rddreg [dreg:$0x2];
	[bflag:$0x3] =	sbarrier.arrive $0xFFFF;
	s2 =	simm.s32 @!p0 $0x1C01  }
0x48: {  	[timem:s3], [sflag:s2] =	dma.local @!p0 [hbm:s0], s1  }
0x49: {  	s0 =	simm.s32 @!p0 $0x1  }
0x4a: {  	_ =	swait.ge @!p0 [sflag:s0], s1  }
0x4b: {  	s1 =	ssub.s32 @!p0 $0x0, s1;
	[sflag:s0] =	ssyncset.done @!p0 $0x0  }
0x4c: {  	[sflag:s0] =	ssyncadd.s32 @!p0 s1  }
0x4d: {  	[bflag:$0x3] =	sbarrier.arrive $0xFFFF  }
0x4e: {  	_ =	shalt  }

// kernel: kernel.56.cloned.1.call-start
scs
__scs_entry_jumppad:
0x0: {  	(pc) =	sbr.rel $0x88, $3  }
0x1: {  	(tag) =	ssettag $0x0;
	lr =	simm.s32 $0x1  }
0x2: {  	[smem:$0x3F69] =	sst lr;
	_ =	strace $0xD0000000  }
0x3: {  	_ = 	snop  }
0x4: {  	_ = 	snop  }
0x5: {  	_ = 	snop  }
0x6: {  	_ = 	snop  }
0x7: {  	_ = 	snop  }
__scs_overlays_trampoline_lowered:
0x8: {  	[smem:$0x3F78] =	sst s0  }
0x9: {  	[smem:$0x3F79] =	sst s1  }
0xa: {  	[smem:$0x3F7A] =	sst s2  }
0xb: {  	[smem:$0x3F7B] =	sst s3  }
0xc: {  	[smem:$0x3F7C] =	sst s4  }
0xd: {  	[smem:$0x3F7D] =	sst s5  }
0xe: {  	[smem:$0x3F7E] =	sst s6  }
0xf: {  	[smem:$0x3F7F] =	sst s7  }
0x10: {  	[smem:$0x3F80] =	sst s8  }
0x11: {  	[smem:$0x3F81] =	sst s9;
	s0 =	simm.s32 @!p0 $0x0  }
0x12: {  	s1 =	sld [smem:$0x3F67];
	s0 =	simm.s32 @p0 $0x1  }
0x13: {  	[smem:$0x3F82] =	sst s0;
	s0 =	simm.s32 @!p1 $0x0  }
0x14: {  	s2 =	sld [smem:$0x3F66];
	s0 =	simm.s32 @p1 $0x1  }
0x15: {  	[smem:$0x3F83] =	sst s0;
	s0 =	simm.s32 @!p2 $0x0  }
0x16: {  	s3 =	sld [smem:$0x3FDB];
	s0 =	simm.s32 @p2 $0x1  }
0x17: {  	s4 =	simm.s32 $0x1BF5;
	[smem:$0x3F85] =	sst s0  }
0x18: {  	s0 =	sld [smem:$0x3F68];
	_ =	swait.ge [sflag:s4], $0x0  }
0x19: {  	s7 =	sld [smem:$0x3F69]  }
0x1a: {  	s8 =	sadd.s32 $0xFFFFE003, lr  }
0x1b: {  	s9 =	sadd.s32 $0xFFFFFEF7, lr;
	s5 =	simm.s32 $0xFFFFFFFF;
	p2 =	slt.u32 s8, $0xFFFFF086  }
0x1c: {  	p1 =	slt.u32 s9, $0xF7A;
	s5 =	simm.s32 @!p2 $0x0  }
0x1d: {  	s5 =	simm.s32 @p1 $0x1;
	p0 =	seq.s32 s7, s2  }
0x1e: {  	s7 =	smul.u32 @!p0 $0xF7A, s2;
	p2 =	seq.s32 @!p0 s5, $0x0  }
0x1f: {  	s9 =	smul.u32 $0xF7A, s1;
	s8 =	simm.s32 @!p0 $0x1BF5;
	p2 =	por !p2, p0  }
0x20: {  	[sflag:s8] =	ssyncset.s32 @!p0 $0xFFFFF086;
	s6 =	sadd.s32 @!p0 s3, s7;
	s7 =	simm.s32 @!p0 $0x108  }
0x21: {  	s3 =	sadd.s32 s3, s9;
	s6 =	sadd.s32 @!p0 $0x88, s6;
	s7 =	simm.s32 @p2 $0x1082  }
0x22: {  	[simem:s7], [sflag:s8] =	dma.local @!p0 [hbm:s6], $0xF7A  }
0x23: {  	s9 =	sor.u32 $0xD0000000, s2;
	s6 =	simm.s32 $0x108;
	_ =	swait.ge @!p0 [sflag:s8], $0x0  }
0x24: {  	s3 =	sadd.s32 $0x88, s3;
	s6 =	simm.s32 @!p1 $0x1082;
	[sflag:s4] =	ssyncset.s32 $0xFFFFF086  }
0x25: {  	[simem:s6], [sflag:s4] =	dma.local [hbm:s3], $0xF7A  }
0x26: {  	[smem:$0x3F69] =	sst s1;
	(tag) =	ssettag s2;
	_ =	strace s9  }
0x27: {  	s1 =	sld [smem:$0x3F79]  }
0x28: {  	s2 =	sld [smem:$0x3F7A]  }
0x29: {  	s4 =	sld [smem:$0x3F7C]  }
0x2a: {  	p0 =	seq.s32 s5, $0x0;
	s5 =	sld [smem:$0x3F7D]  }
0x2b: {  	s6 =	sld [smem:$0x3F7E]  }
0x2c: {  	s7 =	sld [smem:$0x3F7F]  }
0x2d: {  	s3 =	simm.s32 $0x108;
	s8 =	sld [smem:$0x3F80]  }
0x2e: {  	s3 =	simm.s32 @!p0 $0x1082;
	s9 =	sld [smem:$0x3F81]  }
0x2f: {  	lr =	sadd.s32 s0, s3;
	s0 =	sld [smem:$0x3F78]  }
0x30: {  	s3 =	sld [smem:$0x3F7B]  }
0x31: {  	[smem:$0x3F84] =	sst s10  }
0x32: {  	s10 =	sld [smem:$0x3F82];
	_ =	sdelay $0x3  }
0x33: {  	p0 =	seq.s32 s10, $0x1;
	s10 =	sld [smem:$0x3F84];
	_ =	sdelay $0x3  }
0x34: {  	[smem:$0x3F84] =	sst s10  }
0x35: {  	s10 =	sld [smem:$0x3F83];
	_ =	sdelay $0x3  }
0x36: {  	p1 =	seq.s32 s10, $0x1;
	s10 =	sld [smem:$0x3F84];
	_ =	sdelay $0x3  }
0x37: {  	[smem:$0x3F84] =	sst s10  }
0x38: {  	s10 =	sld [smem:$0x3F85]  }
0x39: {  	_ = 	snop;
	(pc) =	sbr.ind lr, $3  }
0x3a: {  	_ = 	snop  }
0x3b: {  	_ = 	snop  }
0x3c: {  	p2 =	seq.s32 s10, $0x1;
	s10 =	sld [smem:$0x3F84]  }
0x3d: {  	_ =	shalt  }
0x3e: {  	_ =	shalt  }
0x3f: {  	_ =	shalt  }
0x40: {  	_ =	shalt  }
0x41: {  	_ =	shalt  }
0x42: {  	_ =	shalt  }
0x43: {  	_ =	shalt  }
0x44: {  	_ =	shalt  }
0x45: {  	_ =	shalt  }
0x46: {  	_ =	shalt  }
0x47: {  	_ =	shalt  }
0x48: {  	_ =	shalt  }
0x49: {  	_ =	shalt  }
0x4a: {  	_ =	shalt  }
0x4b: {  	_ =	shalt  }
0x4c: {  	_ =	shalt  }
0x4d: {  	_ =	shalt  }
0x4e: {  	_ =	shalt  }
0x4f: {  	_ =	shalt  }
0x50: {  	_ =	shalt  }
0x51: {  	_ =	shalt  }
0x52: {  	_ =	shalt  }
0x53: {  	_ =	shalt  }
0x54: {  	_ =	shalt  }
0x55: {  	_ =	shalt  }
0x56: {  	_ =	shalt  }
0x57: {  	_ =	shalt  }
0x58: {  	_ =	shalt  }
0x59: {  	_ =	shalt  }
0x5a: {  	_ =	shalt  }
0x5b: {  	_ =	shalt  }
0x5c: {  	_ =	shalt  }
0x5d: {  	_ =	shalt  }
0x5e: {  	_ =	shalt  }
0x5f: {  	_ =	shalt  }
0x60: {  	_ =	shalt  }
0x61: {  	_ =	shalt  }
0x62: {  	_ =	shalt  }
0x63: {  	_ =	shalt  }
0x64: {  	_ =	shalt  }
0x65: {  	_ =	shalt  }
0x66: {  	_ =	shalt  }
0x67: {  	_ =	shalt  }
0x68: {  	_ =	shalt  }
0x69: {  	_ =	shalt  }
0x6a: {  	_ =	shalt  }
0x6b: {  	_ =	shalt  }
0x6c: {  	_ =	shalt  }
0x6d: {  	_ =	shalt  }
0x6e: {  	_ =	shalt  }
0x6f: {  	_ =	shalt  }
0x70: {  	_ =	shalt  }
0x71: {  	_ =	shalt  }
0x72: {  	_ =	shalt  }
0x73: {  	_ =	shalt  }
0x74: {  	_ =	shalt  }
0x75: {  	_ =	shalt  }
0x76: {  	_ =	shalt  }
0x77: {  	_ =	shalt  }
0x78: {  	_ =	shalt  }
0x79: {  	_ =	shalt  }
0x7a: {  	_ =	shalt  }
0x7b: {  	_ =	shalt  }
0x7c: {  	_ =	shalt  }
0x7d: {  	_ =	shalt  }
0x7e: {  	_ =	shalt  }
0x7f: {  	_ =	shalt  }
0x80: {  	_ =	shalt  }
0x81: {  	_ =	shalt  }
0x82: {  	_ =	shalt  }
0x83: {  	_ =	shalt  }
0x84: {  	_ =	shalt  }
0x85: {  	_ =	shalt  }
0x86: {  	_ =	shalt  }
0x87: {  	_ =	shalt  }
.Lfunc_end0:
.L_simem_size_0:
called_computation.8_lowered:
.L_overlay_start_0:
0x88: {  	s2 =	sld [smem:$0x3FD9]  }
0x89: {  	s3 =	sld [smem:$0x3FFE];
	_ =	sdelay $0x1  }
0x8a: {  	s1 =	srdreg.scid  }
0x8b: {  	s0 =	sand.u32 $0x1, s1  }
0x8c: {  	s17 =	sshll.u32 s0, $0xA;
	s2 =	sadd.s32 s3, s2  }
0x8d: {  	s2 =	sadd.s32 s2, s17  }
0x8e: {  	[smem:$0x3F90] =	sst s2  }
0x8f: {  	_ = 	snop  }
0x90: {  	s2 =	sld [smem:$0x3FC5];
	(tm) =	ssettm $0x1  }
0x91: {  	s18 =	sld [smem:$0x3FFB];
	_ =	sdelay $0x3  }
0x92: {  	_ =	strace s18  }
0x93: {  	s3 =	sld [smem:$0x3FFC];
	_ =	sdelay $0x3  }
0x94: {  	_ =	strace s3  }
0x95: {  	s3 =	sld [smem:$0x3FFD];
	_ =	sdelay $0x3  }
0x96: {  	_ =	strace s3  }
0x97: {  	_ =	strace $0x8FFFFFFF  }
0x98: {  	s19 =	sld [smem:$0x3FDB];
	_ =	sdelay $0x1  }
0x99: {  	s4 =	simm.s32 $_scs_section_size  }
0x9a: {  	s5 =	simm.s32 $_size__tile_overlayer_lowered;
	s6 =	simm.s32 $_tile_overlayer_lowered  }
0x9b: {  	s22 =	simm.s32 $0x1BFF;
	s21 =	sshll.u32 s6, $0x1;
	s3 =	sadd.s32 s4, s19  }
0x9c: {  	s7 =	simm.s32 $0x0;
	s20 =	sshll.u32 s5, $0x1;
	s5 =	sadd.s32 s21, s3  }
0x9d: {  	[timem:s7], [sflag:s22] =	dma.local [hbm:s5], s20  }
0x9e: {  	_ =	swait.ge [sflag:s22], s20  }
0x9f: {  	s4 =	ssub.s32 $0x0, s20;
	[sflag:s22] =	ssyncset.done $0x0  }
0xa0: {  	[sflag:s22] =	ssyncadd.s32 s4;
	_ =	sdelay $0x1  }
0xa1: {  	s23 =	simm.s32 $0x1B8B  }
0xa2: {  	_ =	swait.ge [sflag:s23], $0x1  }
0xa3: {  	[sflag:s23] =	ssyncset.done $0x0  }
0xa4: {  	s25 =	simm.s32 $0x1B8E;
	s24 =	sld [smem:$0x3FFE];
	[sflag:s23] =	ssyncadd.s32 $0xFFFFFFFF  }
0xa5: {  	s26 =	simm.s32 $execute0_lowered;
	[smem:$0x3FD2] =	sst s25  }
0xa6: {  	s5 =	sshll.u32 s26, $0x1;
	_ =	strace $0x8000005E;
	[dreg:$0x1] =	wrdreg $0xFFFFFFFF  }
0xa7: {  	s28 =	simm.s32 $_size_execute0_lowered;
	s3 =	sadd.s32 s3, s5;
	[dreg:$0x0] =	wrdreg $0x0  }
0xa8: {  	s5 =	sshll.u32 s28, $0x1;
	[dreg:$0x2] =	wrdreg s3  }
0xa9: {  	[dreg:$0x3] =	wrdreg s5  }
0xaa: {  	[dreg:$0x4] =	wrdreg $0xC0  }
0xab: {  	_ =	task [dreg:s7], $0x5FFFF  }
0xac: {  	[dreg:$0x1] =	wrdreg $0xFFFFFFFF  }
0xad: {  	[dreg:$0x0] =	wrdreg $0x60  }
0xae: {  	[dreg:$0x2] =	wrdreg s24  }
0xaf: {  	[dreg:$0x3] =	wrdreg s2  }
0xb0: {  	[dreg:$0x4] =	wrdreg $0x9  }
0xb1: {  	_ =	task.clear_ibuf [dreg:s7], $0x5FFFF;
	_ =	strace $0x9000005E  }
0xb2: {  	s29 =	simm.s32 $0x9;
	_ =	strace $0x80000060  }
0xb3: {  	_ =	swait.ge [sflag:s29], $0x1  }
0xb4: {  	[sflag:s29] =	ssyncadd.s32 $0xFFFFFFFF  }
0xb5: {  	_ =	strace $0x90000060  }
0xb6: {  	_ =	sfence  }
0xb7: {  	s30 =	sld [smem:$0x0];
	_ =	sdelay $0x2  }
0xb8: {  	s31 =	sshll.u32 s1, $0xD;
	s1 =	sshrl.u32 s1, $0x2  }
0xb9: {  	s3 =	sand.u32 $0x4000, s31;
	s1 =	sadd.s32 s1, s30  }
0xba: {  	s0 =	sor.u32 s3, s0;
	s1 =	sshll.u32 s1, $0x11  }
0xbb: {  	s0 =	sor.u32 s1, s0  }
0xbc: {  	s0 =	sadd.s32 $0x8F2B, s0  }
0xbd: {  	[sflag:s0] =	ssyncadd.remote.s32 $0x1  }
0xbe: {  	_ =	sfence.sel $0xFFFF  }
0xbf: {  	[dreg:$0x0] =	wrdreg $0xFFFFFFFF;
	(pc) =	sbr.abs _section_cstart, $3  }
0xc0: {  	[dreg:$0x1] =	wrdreg $0xFFFFFFFF  }
0xc1: {  	_ =	task.clear_ibuf [dreg:s7], $0x2FFFF;
	_ =	strace $0x9FFFFFFF  }
0xc2: {  	(tm) =	ssettm $0x7FFFFFFF  }
0xc3: {  	_ =	shalt  }
tec
execute0_lowered:
.L_overlay_start_1:
0x0: {  	(tag) =	ssettag $0x1  }
0x1: {  	s1 =	srdreg.scid  }
0x2: {  	s8 =	rddreg [dreg:$0x0];
	s0 =	stileid.u32  }
0x3: {  	s3 =	rddreg [dreg:$0x1];
	s2 =	simm.s32 $0x0;
	s6 =	sand.u32 $0x1, s1  }
0x4: {  	s4 =	sshll.u32 s0, $0x7;
	s1 =	rddreg [dreg:$0x2];
	s5 =	sshll.u32 s6, $0x6  }
0x5: {  	s7 =	simm.s32 $0x1;
	[smem:$0x7FF] =	sst s2;
	s9 =	sor.u32 s5, s4  }
0x6: {  	_ =	strace $0x8000005F;
	s10 =	ssub.s32 $0x2, s6;
	s4 =	sshrl.u32 s9, $0x3  }
0x7: {  	s6 =	simm.s32 $0x40;
	s4 =	sadd.s32 s3, s4;
	s3 =	simm.s32 $0x2  }
0x8: {  	[tilespmem:s2], [sflag:$0x2] =	stream.linear.gather [hbm4b:s4+s2], $0x40, $0x38;
	[tilespmem:$0x1040] =	vst v63  }
0x9: {  	s5 =	sadd.s32 $0x9400, s8;
	s11 =	sshrl.u32 s10, $0x1;
	_ =	swait.ge [sflag:s3], $0x40  }
0xa: {  	s9 =	sshll.u32 s9, $0x3;
	s31 =	ssub.s32 s10, s11;
	[sflag:s3] =	ssyncset.done $0x0  }
0xb: {  	s8 =	sadd.s32 s9, s8;
	s9 =	smax.u32 s31, $0x1;
	[sflag:s3] =	ssyncadd.s32 $0xFFFFFFC0  }
0xc: {  	[tilespmem:s6], [sflag:$0x1] =	stream.indirect.gather [hbm4b:s5+s6], $0x40, s2, s6, $0xb8;
	[tilespmem:$0x1040] =	vst v63  }
0xd: {  	p0 =	sne.s32 s9, $0x1;
	_ =	swait.ge [sflag:s7], $0x1000  }
.Ltmp0:
0xe: {  	[sflag:s7] =	ssyncset.done $0x0;
	(pc) =	sbr.rel @!p0 .LBB2_2-.Ltmp0, $4  }
0xf: {  	s8 =	sadd.s32 $0x13C00, s8;
	[sflag:s7] =	ssyncadd.s32 $0xFFFFF000  }
0x10: {  	[hbm4b:s8+s2] =	stream.linear.scatter [tilespmem:s6], [sflag:$0x2], $0x1000, $0x38;
	[tilespmem:$0x1040] =	vst v63  }
0x11: {  	_ =	swait.ge [sflag:s3], $0x1000  }
0x12: {  	s9 =	sadd.s32 $0xFFFFFFFF, s9;
	[sflag:s3] =	ssyncset.done $0x0  }
.LBB2_1:
0x13: {  	p0 =	sne.s32 s9, $0x1;
	s9 =	sadd.s32 $0xFFFFFFFF, s9;
	[sflag:s3] =	ssyncadd.s32 $0xFFFFF000  }
0x14: {  	[tilespmem:s2], [sflag:$0x2] =	stream.linear.gather [hbm4b:s4+s2], $0x40, $0x38;
	[tilespmem:$0x1040] =	vst v63  }
0x15: {  	_ =	swait.ge [sflag:s3], $0x40  }
0x16: {  	[sflag:s3] =	ssyncset.done $0x0  }
0x17: {  	[sflag:s3] =	ssyncadd.s32 $0xFFFFFFC0  }
0x18: {  	[tilespmem:s6], [sflag:$0x1] =	stream.indirect.gather [hbm4b:s5+s6], $0x40, s2, s6, $0xb8;
	[tilespmem:$0x1040] =	vst v63  }
0x19: {  	_ =	swait.ge [sflag:s7], $0x1000  }
.Ltmp1:
0x1a: {  	[sflag:s7] =	ssyncset.done $0x0;
	(pc) =	sbr.rel @p0 .LBB2_1-.Ltmp1, $4  }
0x1b: {  	[sflag:s7] =	ssyncadd.s32 $0xFFFFF000  }
0x1c: {  	[hbm4b:s8+s2] =	stream.linear.scatter [tilespmem:s6], [sflag:$0x2], $0x1000, $0x38;
	[tilespmem:$0x1040] =	vst v63  }
0x1d: {  	_ =	swait.ge [sflag:s3], $0x1000  }
0x1e: {  	[sflag:s3] =	ssyncset.done $0x0  }
.LBB2_2:
0x1f: {  	[sflag:s3] =	ssyncadd.s32 $0xFFFFF000  }
0x20: {  	_ =	sfence.sel $0x180000  }
0x21: {  	[bflag:$0x0] =	sbarrier.arrive $0xFFFF  }
0x22: {  	p0 =	sne.s32 s0, $0x0;
	_ =	strace $0x9000005F  }
0x23: {  	s0 =	sadd.s32 @!p0 $0x100000, s1;
	[bflag:$0x2] =	sbarrier.arrive $0xFFFF  }
0x24: {  	[sflag:s0] =	ssyncadd.tile.s32 @!p0 $0x1;
	_ =	shalt  }
.Lfunc_end2:
_tile_overlayer_lowered:
.L_overlay_start_2:
0x25: {  	(tag) =	ssettag $0x2  }
0x26: {  	s0 =	rddreg [dreg:$0x0];
	s2 =	stileid.u32  }
0x27: {  	s1 =	rddreg [dreg:$0x1];
	p0 =	sne.s32 s2, $0x0  }
0x28: {  	s3 =	rddreg [dreg:$0x2];
	[bflag:$0x3] =	sbarrier.arrive $0xFFFF;
	s2 =	simm.s32 @!p0 $0x1C02  }
0x29: {  	[timem:s3], [sflag:s2] =	dma.local @!p0 [hbm:s0], s1  }
0x2a: {  	s0 =	simm.s32 @!p0 $0x2  }
0x2b: {  	_ =	swait.ge @!p0 [sflag:s0], s1  }
0x2c: {  	s1 =	ssub.s32 @!p0 $0x0, s1;
	[sflag:s0] =	ssyncset.done @!p0 $0x0  }
0x2d: {  	[sflag:s0] =	ssyncadd.s32 @!p0 s1  }
0x2e: {  	[bflag:$0x3] =	sbarrier.arrive $0xFFFF  }
0x2f: {  	_ =	shalt  }

// kernel: kernel.59.cloned.1.call-start
scs
__scs_entry_jumppad:
0x0: {  	(pc) =	sbr.rel $0x88, $3  }
0x1: {  	(tag) =	ssettag $0x0;
	lr =	simm.s32 $0x1  }
0x2: {  	[smem:$0x3F69] =	sst lr;
	_ =	strace $0xD0000000  }
0x3: {  	_ = 	snop  }
0x4: {  	_ = 	snop  }
0x5: {  	_ = 	snop  }
0x6: {  	_ = 	snop  }
0x7: {  	_ = 	snop  }
__scs_overlays_trampoline_lowered:
0x8: {  	[smem:$0x3F78] =	sst s0  }
0x9: {  	[smem:$0x3F79] =	sst s1  }
0xa: {  	[smem:$0x3F7A] =	sst s2  }
0xb: {  	[smem:$0x3F7B] =	sst s3  }
0xc: {  	[smem:$0x3F7C] =	sst s4  }
0xd: {  	[smem:$0x3F7D] =	sst s5  }
0xe: {  	[smem:$0x3F7E] =	sst s6  }
0xf: {  	[smem:$0x3F7F] =	sst s7  }
0x10: {  	[smem:$0x3F80] =	sst s8  }
0x11: {  	[smem:$0x3F81] =	sst s9;
	s0 =	simm.s32 @!p0 $0x0  }
0x12: {  	s1 =	sld [smem:$0x3F67];
	s0 =	simm.s32 @p0 $0x1  }
0x13: {  	[smem:$0x3F82] =	sst s0;
	s0 =	simm.s32 @!p1 $0x0  }
0x14: {  	s2 =	sld [smem:$0x3F66];
	s0 =	simm.s32 @p1 $0x1  }
0x15: {  	[smem:$0x3F83] =	sst s0;
	s0 =	simm.s32 @!p2 $0x0  }
0x16: {  	s3 =	sld [smem:$0x3FDB];
	s0 =	simm.s32 @p2 $0x1  }
0x17: {  	s4 =	simm.s32 $0x1BF5;
	[smem:$0x3F85] =	sst s0  }
0x18: {  	s0 =	sld [smem:$0x3F68];
	_ =	swait.ge [sflag:s4], $0x0  }
0x19: {  	s7 =	sld [smem:$0x3F69]  }
0x1a: {  	s8 =	sadd.s32 $0xFFFFE003, lr  }
0x1b: {  	s9 =	sadd.s32 $0xFFFFFEF7, lr;
	s5 =	simm.s32 $0xFFFFFFFF;
	p2 =	slt.u32 s8, $0xFFFFF086  }
0x1c: {  	p1 =	slt.u32 s9, $0xF7A;
	s5 =	simm.s32 @!p2 $0x0  }
0x1d: {  	s5 =	simm.s32 @p1 $0x1;
	p0 =	seq.s32 s7, s2  }
0x1e: {  	s7 =	smul.u32 @!p0 $0xF7A, s2;
	p2 =	seq.s32 @!p0 s5, $0x0  }
0x1f: {  	s9 =	smul.u32 $0xF7A, s1;
	s8 =	simm.s32 @!p0 $0x1BF5;
	p2 =	por !p2, p0  }
0x20: {  	[sflag:s8] =	ssyncset.s32 @!p0 $0xFFFFF086;
	s6 =	sadd.s32 @!p0 s3, s7;
	s7 =	simm.s32 @!p0 $0x108  }
0x21: {  	s3 =	sadd.s32 s3, s9;
	s6 =	sadd.s32 @!p0 $0x88, s6;
	s7 =	simm.s32 @p2 $0x1082  }
0x22: {  	[simem:s7], [sflag:s8] =	dma.local @!p0 [hbm:s6], $0xF7A  }
0x23: {  	s9 =	sor.u32 $0xD0000000, s2;
	s6 =	simm.s32 $0x108;
	_ =	swait.ge @!p0 [sflag:s8], $0x0  }
0x24: {  	s3 =	sadd.s32 $0x88, s3;
	s6 =	simm.s32 @!p1 $0x1082;
	[sflag:s4] =	ssyncset.s32 $0xFFFFF086  }
0x25: {  	[simem:s6], [sflag:s4] =	dma.local [hbm:s3], $0xF7A  }
0x26: {  	[smem:$0x3F69] =	sst s1;
	(tag) =	ssettag s2;
	_ =	strace s9  }
0x27: {  	s1 =	sld [smem:$0x3F79]  }
0x28: {  	s2 =	sld [smem:$0x3F7A]  }
0x29: {  	s4 =	sld [smem:$0x3F7C]  }
0x2a: {  	p0 =	seq.s32 s5, $0x0;
	s5 =	sld [smem:$0x3F7D]  }
0x2b: {  	s6 =	sld [smem:$0x3F7E]  }
0x2c: {  	s7 =	sld [smem:$0x3F7F]  }
0x2d: {  	s3 =	simm.s32 $0x108;
	s8 =	sld [smem:$0x3F80]  }
0x2e: {  	s3 =	simm.s32 @!p0 $0x1082;
	s9 =	sld [smem:$0x3F81]  }
0x2f: {  	lr =	sadd.s32 s0, s3;
	s0 =	sld [smem:$0x3F78]  }
0x30: {  	s3 =	sld [smem:$0x3F7B]  }
0x31: {  	[smem:$0x3F84] =	sst s10  }
0x32: {  	s10 =	sld [smem:$0x3F82];
	_ =	sdelay $0x3  }
0x33: {  	p0 =	seq.s32 s10, $0x1;
	s10 =	sld [smem:$0x3F84];
	_ =	sdelay $0x3  }
0x34: {  	[smem:$0x3F84] =	sst s10  }
0x35: {  	s10 =	sld [smem:$0x3F83];
	_ =	sdelay $0x3  }
0x36: {  	p1 =	seq.s32 s10, $0x1;
	s10 =	sld [smem:$0x3F84];
	_ =	sdelay $0x3  }
0x37: {  	[smem:$0x3F84] =	sst s10  }
0x38: {  	s10 =	sld [smem:$0x3F85]  }
0x39: {  	_ = 	snop;
	(pc) =	sbr.ind lr, $3  }
0x3a: {  	_ = 	snop  }
0x3b: {  	_ = 	snop  }
0x3c: {  	p2 =	seq.s32 s10, $0x1;
	s10 =	sld [smem:$0x3F84]  }
0x3d: {  	_ =	shalt  }
0x3e: {  	_ =	shalt  }
0x3f: {  	_ =	shalt  }
0x40: {  	_ =	shalt  }
0x41: {  	_ =	shalt  }
0x42: {  	_ =	shalt  }
0x43: {  	_ =	shalt  }
0x44: {  	_ =	shalt  }
0x45: {  	_ =	shalt  }
0x46: {  	_ =	shalt  }
0x47: {  	_ =	shalt  }
0x48: {  	_ =	shalt  }
0x49: {  	_ =	shalt  }
0x4a: {  	_ =	shalt  }
0x4b: {  	_ =	shalt  }
0x4c: {  	_ =	shalt  }
0x4d: {  	_ =	shalt  }
0x4e: {  	_ =	shalt  }
0x4f: {  	_ =	shalt  }
0x50: {  	_ =	shalt  }
0x51: {  	_ =	shalt  }
0x52: {  	_ =	shalt  }
0x53: {  	_ =	shalt  }
0x54: {  	_ =	shalt  }
0x55: {  	_ =	shalt  }
0x56: {  	_ =	shalt  }
0x57: {  	_ =	shalt  }
0x58: {  	_ =	shalt  }
0x59: {  	_ =	shalt  }
0x5a: {  	_ =	shalt  }
0x5b: {  	_ =	shalt  }
0x5c: {  	_ =	shalt  }
0x5d: {  	_ =	shalt  }
0x5e: {  	_ =	shalt  }
0x5f: {  	_ =	shalt  }
0x60: {  	_ =	shalt  }
0x61: {  	_ =	shalt  }
0x62: {  	_ =	shalt  }
0x63: {  	_ =	shalt  }
0x64: {  	_ =	shalt  }
0x65: {  	_ =	shalt  }
0x66: {  	_ =	shalt  }
0x67: {  	_ =	shalt  }
0x68: {  	_ =	shalt  }
0x69: {  	_ =	shalt  }
0x6a: {  	_ =	shalt  }
0x6b: {  	_ =	shalt  }
0x6c: {  	_ =	shalt  }
0x6d: {  	_ =	shalt  }
0x6e: {  	_ =	shalt  }
0x6f: {  	_ =	shalt  }
0x70: {  	_ =	shalt  }
0x71: {  	_ =	shalt  }
0x72: {  	_ =	shalt  }
0x73: {  	_ =	shalt  }
0x74: {  	_ =	shalt  }
0x75: {  	_ =	shalt  }
0x76: {  	_ =	shalt  }
0x77: {  	_ =	shalt  }
0x78: {  	_ =	shalt  }
0x79: {  	_ =	shalt  }
0x7a: {  	_ =	shalt  }
0x7b: {  	_ =	shalt  }
0x7c: {  	_ =	shalt  }
0x7d: {  	_ =	shalt  }
0x7e: {  	_ =	shalt  }
0x7f: {  	_ =	shalt  }
0x80: {  	_ =	shalt  }
0x81: {  	_ =	shalt  }
0x82: {  	_ =	shalt  }
0x83: {  	_ =	shalt  }
0x84: {  	_ =	shalt  }
0x85: {  	_ =	shalt  }
0x86: {  	_ =	shalt  }
0x87: {  	_ =	shalt  }
.Lfunc_end0:
.L_simem_size_0:
called_computation.9_lowered:
.L_overlay_start_0:
0x88: {  	s2 =	sld [smem:$0x3FD9]  }
0x89: {  	s3 =	sld [smem:$0x3FFE];
	_ =	sdelay $0x1  }
0x8a: {  	s1 =	srdreg.scid  }
0x8b: {  	s0 =	sand.u32 $0x1, s1  }
0x8c: {  	s17 =	sshll.u32 s0, $0xA;
	s2 =	sadd.s32 s3, s2  }
0x8d: {  	s2 =	sadd.s32 s2, s17  }
0x8e: {  	[smem:$0x3F90] =	sst s2  }
0x8f: {  	_ = 	snop  }
0x90: {  	s2 =	sld [smem:$0x3FC6];
	(tm) =	ssettm $0x1  }
0x91: {  	s18 =	sld [smem:$0x3FFB];
	_ =	sdelay $0x3  }
0x92: {  	_ =	strace s18  }
0x93: {  	s3 =	sld [smem:$0x3FFC];
	_ =	sdelay $0x3  }
0x94: {  	_ =	strace s3  }
0x95: {  	s3 =	sld [smem:$0x3FFD];
	_ =	sdelay $0x3  }
0x96: {  	_ =	strace s3  }
0x97: {  	_ =	strace $0x8FFFFFFF  }
0x98: {  	s19 =	sld [smem:$0x3FDB];
	_ =	sdelay $0x1  }
0x99: {  	s4 =	simm.s32 $_scs_section_size  }
0x9a: {  	s5 =	simm.s32 $_size__tile_overlayer_lowered;
	s6 =	simm.s32 $_tile_overlayer_lowered  }
0x9b: {  	s22 =	simm.s32 $0x1BFF;
	s21 =	sshll.u32 s6, $0x1;
	s3 =	sadd.s32 s4, s19  }
0x9c: {  	s7 =	simm.s32 $0x0;
	s20 =	sshll.u32 s5, $0x1;
	s5 =	sadd.s32 s21, s3  }
0x9d: {  	[timem:s7], [sflag:s22] =	dma.local [hbm:s5], s20  }
0x9e: {  	_ =	swait.ge [sflag:s22], s20  }
0x9f: {  	s4 =	ssub.s32 $0x0, s20;
	[sflag:s22] =	ssyncset.done $0x0  }
0xa0: {  	[sflag:s22] =	ssyncadd.s32 s4;
	_ =	sdelay $0x1  }
0xa1: {  	s23 =	simm.s32 $0x1B8B  }
0xa2: {  	_ =	swait.ge [sflag:s23], $0x1  }
0xa3: {  	[sflag:s23] =	ssyncset.done $0x0  }
0xa4: {  	s25 =	simm.s32 $0x1B8E;
	s24 =	sld [smem:$0x3FFE];
	[sflag:s23] =	ssyncadd.s32 $0xFFFFFFFF  }
0xa5: {  	s26 =	simm.s32 $execute0_lowered;
	[smem:$0x3FD2] =	sst s25  }
0xa6: {  	s5 =	sshll.u32 s26, $0x1;
	_ =	strace $0x80000061;
	[dreg:$0x1] =	wrdreg $0xFFFFFFFF  }
0xa7: {  	s28 =	simm.s32 $_size_execute0_lowered;
	s3 =	sadd.s32 s3, s5;
	[dreg:$0x0] =	wrdreg $0x0  }
0xa8: {  	s5 =	sshll.u32 s28, $0x1;
	[dreg:$0x2] =	wrdreg s3  }
0xa9: {  	[dreg:$0x3] =	wrdreg s5  }
0xaa: {  	[dreg:$0x4] =	wrdreg $0xC0  }
0xab: {  	_ =	task [dreg:s7], $0x5FFFF  }
0xac: {  	[dreg:$0x1] =	wrdreg $0xFFFFFFFF  }
0xad: {  	[dreg:$0x0] =	wrdreg $0x60  }
0xae: {  	[dreg:$0x2] =	wrdreg s24  }
0xaf: {  	[dreg:$0x3] =	wrdreg s2  }
0xb0: {  	[dreg:$0x4] =	wrdreg $0x10400  }
0xb1: {  	[dreg:$0x5] =	wrdreg $0x9  }
0xb2: {  	_ =	task.clear_ibuf [dreg:s7], $0x6FFFF;
	_ =	strace $0x90000061  }
0xb3: {  	s29 =	simm.s32 $0x9;
	_ =	strace $0x80000063  }
0xb4: {  	_ =	swait.ge [sflag:s29], $0x1  }
0xb5: {  	[sflag:s29] =	ssyncadd.s32 $0xFFFFFFFF  }
0xb6: {  	_ =	strace $0x90000063  }
0xb7: {  	_ =	sfence  }
0xb8: {  	s30 =	sld [smem:$0x0];
	_ =	sdelay $0x2  }
0xb9: {  	s31 =	sshll.u32 s1, $0xD;
	s1 =	sshrl.u32 s1, $0x2  }
0xba: {  	s3 =	sand.u32 $0x4000, s31;
	s1 =	sadd.s32 s1, s30  }
0xbb: {  	s0 =	sor.u32 s3, s0;
	s1 =	sshll.u32 s1, $0x11  }
0xbc: {  	s0 =	sor.u32 s1, s0  }
0xbd: {  	s0 =	sadd.s32 $0x8F2B, s0  }
0xbe: {  	[sflag:s0] =	ssyncadd.remote.s32 $0x1  }
0xbf: {  	_ =	sfence.sel $0xFFFF  }
0xc0: {  	[dreg:$0x0] =	wrdreg $0xFFFFFFFF;
	(pc) =	sbr.abs _section_cstart, $3  }
0xc1: {  	[dreg:$0x1] =	wrdreg $0xFFFFFFFF  }
0xc2: {  	_ =	task.clear_ibuf [dreg:s7], $0x2FFFF;
	_ =	strace $0x9FFFFFFF  }
0xc3: {  	(tm) =	ssettm $0x7FFFFFFF  }
tec
execute0_lowered:
.L_overlay_start_1:
0x0: {  	(tag) =	ssettag $0x1  }
0x1: {  	s11 =	rddreg [dreg:$0x0]  }
0x2: {  	s8 =	rddreg [dreg:$0x1]  }
0x3: {  	s2 =	rddreg [dreg:$0x2]  }
0x4: {  	s0 =	rddreg [dreg:$0x3];
	s3 =	simm.s32 $0x0;
	s4 =	srdreg.scid  }
0x5: {  	s1 =	stileid.u32;
	[smem:$0x7FF] =	sst s3  }
0x6: {  	s12 =	sand.u32 $0x1, s4;
	s13 =	smul.u32 $0x5400, s1;
	s4 =	simm.s32 $0x23C00  }
0x7: {  	s9 =	sshll.u32 s1, $0x1;
	s30 =	sshll.u32 s1, $0x6;
	p0 =	seq.s32 s12, $0x1  }
0x8: {  	_ =	strace $0x80000062;
	s4 =	simm.s32 @!p0 $0x9400;
	s6 =	sadd.s32 s13, s2  }
0x9: {  	s5 =	sshrl.u32 s13, $0x3;
	s4 =	sadd.s32 s4, s11;
	s7 =	sshrl.u32 s6, $0x3  }
0xa: {  	s6 =	simm.s32 $0x1;
	s4 =	sadd.s32 s4, s5;
	s5 =	sor.u32 $0x1C01, s30  }
0xb: {  	[spmem:s7], [sflag:s5] =	dma.local [hbm:s4], $0xA80  }
0xc: {  	s9 =	sor.u32 s12, s9;
	_ =	swait.ge [sflag:s6], $0xA80  }
0xd: {  	s10 =	sshll.u32 s9, $0x3;
	[sflag:s6] =	ssyncset.done $0x0  }
0xe: {  	s8 =	sadd.s32 s8, s10;
	[sflag:s6] =	ssyncadd.s32 $0xFFFFF580  }
0xf: {  	[tilespmem:s3], [sflag:$0x1] =	stream.linear.gather [hbm4b:s8+s3], $0x40, $0x38;
	[tilespmem:$0x6440] =	vst v63  }
0x10: {  	s9 =	sshll.u32 s9, $0x9;
	_ =	swait.ge [sflag:s6], $0x40  }
0x11: {  	s9 =	sadd.s32 s9, s11;
	[sflag:s6] =	ssyncset.done $0x0  }
0x12: {  	s10 =	simm.s32 $0x40;
	s9 =	sadd.s32 $0x13C00, s9;
	[sflag:s6] =	ssyncadd.s32 $0xFFFFFFC0  }
0x13: {  	[tilespmem:s10], [sflag:$0x1] =	stream.linear.gather [hbm4b:s9+s3], $0x1000, $0x38;
	[tilespmem:$0x6440] =	vst v63  }
0x14: {  	_ =	swait.ge [sflag:s6], $0x1000  }
0x15: {  	s14 =	smul.u32 $0x54000, s12;
	s12 =	ssub.s32 $0x2, s12;
	[sflag:s6] =	ssyncset.done $0x0  }
0x16: {  	s31 =	sshrl.u32 s12, $0x1;
	[sflag:s6] =	ssyncadd.s32 $0xFFFFF000  }
0x17: {  	s12 =	ssub.s32 s12, s31;
	[bflag:$0x0] =	sbarrier.arrive $0xFFFF  }
0x18: {  	[spmem:s2] =	stream.indirect.scatter.add.f32 [tilespmem:s10], [sflag:$0x1], $0x40, s3, s10, $0xb8;
	[tilespmem:$0x6440] =	vst v63  }
0x19: {  	s13 =	sadd.s32 s13, s14;
	s12 =	smax.u32 s12, $0x1;
	_ =	swait.ge [sflag:s6], $0x1000  }
0x1a: {  	s13 =	sshrl.u32 s13, $0x3;
	p0 =	sne.s32 s12, $0x1;
	[sflag:s6] =	ssyncset.done $0x0  }
.Ltmp0:
0x1b: {  	s11 =	sadd.s32 s13, s11;
	[sflag:s6] =	ssyncadd.s32 $0xFFFFF000;
	(pc) =	sbr.rel @!p0 .LBB2_2-.Ltmp0, $4  }
0x1c: {  	s11 =	sadd.s32 $0x2E400, s11;
	[bflag:$0x0] =	sbarrier.arrive $0xFFFF  }
0x1d: {  	[hbm:s11], [sflag:s5] =	dma.local [spmem:s7], $0xA80  }
0x1e: {  	_ =	swait.ge [sflag:s6], $0xA80  }
0x1f: {  	s12 =	sadd.s32 $0xFFFFFFFF, s12;
	[sflag:s6] =	ssyncset.done $0x0  }
.LBB2_1:
0x20: {  	p0 =	sne.s32 s12, $0x1;
	s12 =	sadd.s32 $0xFFFFFFFF, s12;
	[sflag:s6] =	ssyncadd.s32 $0xFFFFF580  }
0x21: {  	[spmem:s7], [sflag:s5] =	dma.local [hbm:s4], $0xA80  }
0x22: {  	_ =	swait.ge [sflag:s6], $0xA80  }
0x23: {  	[sflag:s6] =	ssyncset.done $0x0  }
0x24: {  	[sflag:s6] =	ssyncadd.s32 $0xFFFFF580  }
0x25: {  	[tilespmem:s3], [sflag:$0x1] =	stream.linear.gather [hbm4b:s8+s3], $0x40, $0x38;
	[tilespmem:$0x6440] =	vst v63  }
0x26: {  	_ =	swait.ge [sflag:s6], $0x40  }
0x27: {  	[sflag:s6] =	ssyncset.done $0x0  }
0x28: {  	[sflag:s6] =	ssyncadd.s32 $0xFFFFFFC0  }
0x29: {  	[tilespmem:s10], [sflag:$0x1] =	stream.linear.gather [hbm4b:s9+s3], $0x1000, $0x38;
	[tilespmem:$0x6440] =	vst v63  }
0x2a: {  	_ =	swait.ge [sflag:s6], $0x1000  }
0x2b: {  	[sflag:s6] =	ssyncset.done $0x0  }
0x2c: {  	[sflag:s6] =	ssyncadd.s32 $0xFFFFF000  }
0x2d: {  	[bflag:$0x0] =	sbarrier.arrive $0xFFFF  }
0x2e: {  	[spmem:s2] =	stream.indirect.scatter.add.f32 [tilespmem:s10], [sflag:$0x1], $0x40, s3, s10, $0xb8;
	[tilespmem:$0x6440] =	vst v63  }
0x2f: {  	_ =	swait.ge [sflag:s6], $0x1000  }
0x30: {  	[sflag:s6] =	ssyncset.done $0x0  }
.Ltmp1:
0x31: {  	[sflag:s6] =	ssyncadd.s32 $0xFFFFF000;
	(pc) =	sbr.rel @p0 .LBB2_1-.Ltmp1, $4  }
0x32: {  	[bflag:$0x0] =	sbarrier.arrive $0xFFFF  }
0x33: {  	[hbm:s11], [sflag:s5] =	dma.local [spmem:s7], $0xA80  }
0x34: {  	_ =	swait.ge [sflag:s6], $0xA80  }
0x35: {  	[sflag:s6] =	ssyncset.done $0x0  }
.LBB2_2:
0x36: {  	[sflag:s6] =	ssyncadd.s32 $0xFFFFF580  }
0x37: {  	_ =	sfence.sel $0x180000  }
0x38: {  	[bflag:$0x0] =	sbarrier.arrive $0xFFFF  }
0x39: {  	p0 =	sne.s32 s1, $0x0;
	_ =	strace $0x90000062  }
0x3a: {  	s0 =	sadd.s32 @!p0 $0x100000, s0;
	[bflag:$0x2] =	sbarrier.arrive $0xFFFF  }
0x3b: {  	[sflag:s0] =	ssyncadd.tile.s32 @!p0 $0x1;
	_ =	shalt  }
.Lfunc_end2:
_tile_overlayer_lowered:
.L_overlay_start_2:
0x3c: {  	(tag) =	ssettag $0x2  }
0x3d: {  	s0 =	rddreg [dreg:$0x0];
	s2 =	stileid.u32  }
0x3e: {  	s1 =	rddreg [dreg:$0x1];
	p0 =	sne.s32 s2, $0x0  }
0x3f: {  	s3 =	rddreg [dreg:$0x2];
	[bflag:$0x3] =	sbarrier.arrive $0xFFFF;
	s2 =	simm.s32 @!p0 $0x1C01  }
0x40: {  	[timem:s3], [sflag:s2] =	dma.local @!p0 [hbm:s0], s1  }
0x41: {  	s0 =	simm.s32 @!p0 $0x1  }
0x42: {  	_ =	swait.ge @!p0 [sflag:s0], s1  }
0x43: {  	s1 =	ssub.s32 @!p0 $0x0, s1;
	[sflag:s0] =	ssyncset.done @!p0 $0x0  }
0x44: {  	[sflag:s0] =	ssyncadd.s32 @!p0 s1  }
0x45: {  	[bflag:$0x3] =	sbarrier.arrive $0xFFFF  }
0x46: {  	_ =	shalt  }

// kernel: kernel.62.cloned.1.call-start
scs
__scs_entry_jumppad:
0x0: {  	(pc) =	sbr.rel $0x88, $3  }
0x1: {  	(tag) =	ssettag $0x0;
	lr =	simm.s32 $0x1  }
0x2: {  	[smem:$0x3F69] =	sst lr;
	_ =	strace $0xD0000000  }
0x3: {  	_ = 	snop  }
0x4: {  	_ = 	snop  }
0x5: {  	_ = 	snop  }
0x6: {  	_ = 	snop  }
0x7: {  	_ = 	snop  }
__scs_overlays_trampoline_lowered:
0x8: {  	[smem:$0x3F78] =	sst s0  }
0x9: {  	[smem:$0x3F79] =	sst s1  }
0xa: {  	[smem:$0x3F7A] =	sst s2  }
0xb: {  	[smem:$0x3F7B] =	sst s3  }
0xc: {  	[smem:$0x3F7C] =	sst s4  }
0xd: {  	[smem:$0x3F7D] =	sst s5  }
0xe: {  	[smem:$0x3F7E] =	sst s6  }
0xf: {  	[smem:$0x3F7F] =	sst s7  }
0x10: {  	[smem:$0x3F80] =	sst s8  }
0x11: {  	[smem:$0x3F81] =	sst s9;
	s0 =	simm.s32 @!p0 $0x0  }
0x12: {  	s1 =	sld [smem:$0x3F67];
	s0 =	simm.s32 @p0 $0x1  }
0x13: {  	[smem:$0x3F82] =	sst s0;
	s0 =	simm.s32 @!p1 $0x0  }
0x14: {  	s2 =	sld [smem:$0x3F66];
	s0 =	simm.s32 @p1 $0x1  }
0x15: {  	[smem:$0x3F83] =	sst s0;
	s0 =	simm.s32 @!p2 $0x0  }
0x16: {  	s3 =	sld [smem:$0x3FDB];
	s0 =	simm.s32 @p2 $0x1  }
0x17: {  	s4 =	simm.s32 $0x1BF5;
	[smem:$0x3F85] =	sst s0  }
0x18: {  	s0 =	sld [smem:$0x3F68];
	_ =	swait.ge [sflag:s4], $0x0  }
0x19: {  	s7 =	sld [smem:$0x3F69]  }
0x1a: {  	s8 =	sadd.s32 $0xFFFFE003, lr  }
0x1b: {  	s9 =	sadd.s32 $0xFFFFFEF7, lr;
	s5 =	simm.s32 $0xFFFFFFFF;
	p2 =	slt.u32 s8, $0xFFFFF086  }
0x1c: {  	p1 =	slt.u32 s9, $0xF7A;
	s5 =	simm.s32 @!p2 $0x0  }
0x1d: {  	s5 =	simm.s32 @p1 $0x1;
	p0 =	seq.s32 s7, s2  }
0x1e: {  	s7 =	smul.u32 @!p0 $0xF7A, s2;
	p2 =	seq.s32 @!p0 s5, $0x0  }
0x1f: {  	s9 =	smul.u32 $0xF7A, s1;
	s8 =	simm.s32 @!p0 $0x1BF5;
	p2 =	por !p2, p0  }
0x20: {  	[sflag:s8] =	ssyncset.s32 @!p0 $0xFFFFF086;
	s6 =	sadd.s32 @!p0 s3, s7;
	s7 =	simm.s32 @!p0 $0x108  }
0x21: {  	s3 =	sadd.s32 s3, s9;
	s6 =	sadd.s32 @!p0 $0x88, s6;
	s7 =	simm.s32 @p2 $0x1082  }
0x22: {  	[simem:s7], [sflag:s8] =	dma.local @!p0 [hbm:s6], $0xF7A  }
0x23: {  	s9 =	sor.u32 $0xD0000000, s2;
	s6 =	simm.s32 $0x108;
	_ =	swait.ge @!p0 [sflag:s8], $0x0  }
0x24: {  	s3 =	sadd.s32 $0x88, s3;
	s6 =	simm.s32 @!p1 $0x1082;
	[sflag:s4] =	ssyncset.s32 $0xFFFFF086  }
0x25: {  	[simem:s6], [sflag:s4] =	dma.local [hbm:s3], $0xF7A  }
0x26: {  	[smem:$0x3F69] =	sst s1;
	(tag) =	ssettag s2;
	_ =	strace s9  }
0x27: {  	s1 =	sld [smem:$0x3F79]  }
0x28: {  	s2 =	sld [smem:$0x3F7A]  }
0x29: {  	s4 =	sld [smem:$0x3F7C]  }
0x2a: {  	p0 =	seq.s32 s5, $0x0;
	s5 =	sld [smem:$0x3F7D]  }
0x2b: {  	s6 =	sld [smem:$0x3F7E]  }
0x2c: {  	s7 =	sld [smem:$0x3F7F]  }
0x2d: {  	s3 =	simm.s32 $0x108;
	s8 =	sld [smem:$0x3F80]  }
0x2e: {  	s3 =	simm.s32 @!p0 $0x1082;
	s9 =	sld [smem:$0x3F81]  }
0x2f: {  	lr =	sadd.s32 s0, s3;
	s0 =	sld [smem:$0x3F78]  }
0x30: {  	s3 =	sld [smem:$0x3F7B]  }
0x31: {  	[smem:$0x3F84] =	sst s10  }
0x32: {  	s10 =	sld [smem:$0x3F82];
	_ =	sdelay $0x3  }
0x33: {  	p0 =	seq.s32 s10, $0x1;
	s10 =	sld [smem:$0x3F84];
	_ =	sdelay $0x3  }
0x34: {  	[smem:$0x3F84] =	sst s10  }
0x35: {  	s10 =	sld [smem:$0x3F83];
	_ =	sdelay $0x3  }
0x36: {  	p1 =	seq.s32 s10, $0x1;
	s10 =	sld [smem:$0x3F84];
	_ =	sdelay $0x3  }
0x37: {  	[smem:$0x3F84] =	sst s10  }
0x38: {  	s10 =	sld [smem:$0x3F85]  }
0x39: {  	_ = 	snop;
	(pc) =	sbr.ind lr, $3  }
0x3a: {  	_ = 	snop  }
0x3b: {  	_ = 	snop  }
0x3c: {  	p2 =	seq.s32 s10, $0x1;
	s10 =	sld [smem:$0x3F84]  }
0x3d: {  	_ =	shalt  }
0x3e: {  	_ =	shalt  }
0x3f: {  	_ =	shalt  }
0x40: {  	_ =	shalt  }
0x41: {  	_ =	shalt  }
0x42: {  	_ =	shalt  }
0x43: {  	_ =	shalt  }
0x44: {  	_ =	shalt  }
0x45: {  	_ =	shalt  }
0x46: {  	_ =	shalt  }
0x47: {  	_ =	shalt  }
0x48: {  	_ =	shalt  }
0x49: {  	_ =	shalt  }
0x4a: {  	_ =	shalt  }
0x4b: {  	_ =	shalt  }
0x4c: {  	_ =	shalt  }
0x4d: {  	_ =	shalt  }
0x4e: {  	_ =	shalt  }
0x4f: {  	_ =	shalt  }
0x50: {  	_ =	shalt  }
0x51: {  	_ =	shalt  }
0x52: {  	_ =	shalt  }
0x53: {  	_ =	shalt  }
0x54: {  	_ =	shalt  }
0x55: {  	_ =	shalt  }
0x56: {  	_ =	shalt  }
0x57: {  	_ =	shalt  }
0x58: {  	_ =	shalt  }
0x59: {  	_ =	shalt  }
0x5a: {  	_ =	shalt  }
0x5b: {  	_ =	shalt  }
0x5c: {  	_ =	shalt  }
0x5d: {  	_ =	shalt  }
0x5e: {  	_ =	shalt  }
0x5f: {  	_ =	shalt  }
0x60: {  	_ =	shalt  }
0x61: {  	_ =	shalt  }
0x62: {  	_ =	shalt  }
0x63: {  	_ =	shalt  }
0x64: {  	_ =	shalt  }
0x65: {  	_ =	shalt  }
0x66: {  	_ =	shalt  }
0x67: {  	_ =	shalt  }
0x68: {  	_ =	shalt  }
0x69: {  	_ =	shalt  }
0x6a: {  	_ =	shalt  }
0x6b: {  	_ =	shalt  }
0x6c: {  	_ =	shalt  }
0x6d: {  	_ =	shalt  }
0x6e: {  	_ =	shalt  }
0x6f: {  	_ =	shalt  }
0x70: {  	_ =	shalt  }
0x71: {  	_ =	shalt  }
0x72: {  	_ =	shalt  }
0x73: {  	_ =	shalt  }
0x74: {  	_ =	shalt  }
0x75: {  	_ =	shalt  }
0x76: {  	_ =	shalt  }
0x77: {  	_ =	shalt  }
0x78: {  	_ =	shalt  }
0x79: {  	_ =	shalt  }
0x7a: {  	_ =	shalt  }
0x7b: {  	_ =	shalt  }
0x7c: {  	_ =	shalt  }
0x7d: {  	_ =	shalt  }
0x7e: {  	_ =	shalt  }
0x7f: {  	_ =	shalt  }
0x80: {  	_ =	shalt  }
0x81: {  	_ =	shalt  }
0x82: {  	_ =	shalt  }
0x83: {  	_ =	shalt  }
0x84: {  	_ =	shalt  }
0x85: {  	_ =	shalt  }
0x86: {  	_ =	shalt  }
0x87: {  	_ =	shalt  }
.Lfunc_end0:
.L_simem_size_0:
called_computation.10_lowered:
.L_overlay_start_0:
0x88: {  	s2 =	sld [smem:$0x3FD9]  }
0x89: {  	s3 =	sld [smem:$0x3FFE];
	_ =	sdelay $0x1  }
0x8a: {  	s1 =	srdreg.scid  }
0x8b: {  	s0 =	sand.u32 $0x1, s1  }
0x8c: {  	s17 =	sshll.u32 s0, $0xA;
	s2 =	sadd.s32 s3, s2  }
0x8d: {  	s2 =	sadd.s32 s2, s17  }
0x8e: {  	[smem:$0x3F90] =	sst s2  }
0x8f: {  	_ = 	snop  }
0x90: {  	s2 =	sld [smem:$0x3FC2];
	(tm) =	ssettm $0x1  }
0x91: {  	s18 =	sld [smem:$0x3FFB];
	_ =	sdelay $0x3  }
0x92: {  	_ =	strace s18  }
0x93: {  	s3 =	sld [smem:$0x3FFC];
	_ =	sdelay $0x3  }
0x94: {  	_ =	strace s3  }
0x95: {  	s3 =	sld [smem:$0x3FFD];
	_ =	sdelay $0x3  }
0x96: {  	_ =	strace s3  }
0x97: {  	_ =	strace $0x8FFFFFFF  }
0x98: {  	s19 =	sld [smem:$0x3FDB];
	_ =	sdelay $0x1  }
0x99: {  	s4 =	simm.s32 $_scs_section_size  }
0x9a: {  	s5 =	simm.s32 $_size__tile_overlayer_lowered;
	s6 =	simm.s32 $_tile_overlayer_lowered  }
0x9b: {  	s22 =	simm.s32 $0x1BFF;
	s21 =	sshll.u32 s6, $0x1;
	s3 =	sadd.s32 s4, s19  }
0x9c: {  	s7 =	simm.s32 $0x0;
	s20 =	sshll.u32 s5, $0x1;
	s5 =	sadd.s32 s21, s3  }
0x9d: {  	[timem:s7], [sflag:s22] =	dma.local [hbm:s5], s20  }
0x9e: {  	_ =	swait.ge [sflag:s22], s20  }
0x9f: {  	s4 =	ssub.s32 $0x0, s20;
	[sflag:s22] =	ssyncset.done $0x0  }
0xa0: {  	[sflag:s22] =	ssyncadd.s32 s4;
	_ =	sdelay $0x1  }
0xa1: {  	s23 =	simm.s32 $0x1B8B  }
0xa2: {  	_ =	swait.ge [sflag:s23], $0x1  }
0xa3: {  	[sflag:s23] =	ssyncset.done $0x0  }
0xa4: {  	s25 =	simm.s32 $0x1B8E;
	s24 =	sld [smem:$0x3FFE];
	[sflag:s23] =	ssyncadd.s32 $0xFFFFFFFF  }
0xa5: {  	s26 =	simm.s32 $execute0_lowered;
	[smem:$0x3FD2] =	sst s25  }
0xa6: {  	s5 =	sshll.u32 s26, $0x1;
	_ =	strace $0x80000064;
	[dreg:$0x1] =	wrdreg $0xFFFFFFFF  }
0xa7: {  	s28 =	simm.s32 $_size_execute0_lowered;
	s3 =	sadd.s32 s3, s5;
	[dreg:$0x0] =	wrdreg $0x0  }
0xa8: {  	s5 =	sshll.u32 s28, $0x1;
	[dreg:$0x2] =	wrdreg s3  }
0xa9: {  	[dreg:$0x3] =	wrdreg s5  }
0xaa: {  	[dreg:$0x4] =	wrdreg $0xC0  }
0xab: {  	_ =	task [dreg:s7], $0x5FFFF  }
0xac: {  	[dreg:$0x1] =	wrdreg $0xFFFFFFFF  }
0xad: {  	[dreg:$0x0] =	wrdreg $0x60  }
0xae: {  	[dreg:$0x2] =	wrdreg s24  }
0xaf: {  	[dreg:$0x3] =	wrdreg s2  }
0xb0: {  	[dreg:$0x4] =	wrdreg $0x9  }
0xb1: {  	_ =	task.clear_ibuf [dreg:s7], $0x5FFFF;
	_ =	strace $0x90000064  }
0xb2: {  	s29 =	simm.s32 $0x9;
	_ =	strace $0x80000066  }
0xb3: {  	_ =	swait.ge [sflag:s29], $0x1  }
0xb4: {  	[sflag:s29] =	ssyncadd.s32 $0xFFFFFFFF  }
0xb5: {  	_ =	strace $0x90000066  }
0xb6: {  	_ =	sfence  }
0xb7: {  	s30 =	sld [smem:$0x0];
	_ =	sdelay $0x2  }
0xb8: {  	s31 =	sshll.u32 s1, $0xD;
	s1 =	sshrl.u32 s1, $0x2  }
0xb9: {  	s3 =	sand.u32 $0x4000, s31;
	s1 =	sadd.s32 s1, s30  }
0xba: {  	s0 =	sor.u32 s3, s0;
	s1 =	sshll.u32 s1, $0x11  }
0xbb: {  	s0 =	sor.u32 s1, s0  }
0xbc: {  	s0 =	sadd.s32 $0x8F2B, s0  }
0xbd: {  	[sflag:s0] =	ssyncadd.remote.s32 $0x1  }
0xbe: {  	_ =	sfence.sel $0xFFFF  }
0xbf: {  	[dreg:$0x0] =	wrdreg $0xFFFFFFFF;
	(pc) =	sbr.abs _section_cstart, $3  }
0xc0: {  	[dreg:$0x1] =	wrdreg $0xFFFFFFFF  }
0xc1: {  	_ =	task.clear_ibuf [dreg:s7], $0x2FFFF;
	_ =	strace $0x9FFFFFFF  }
0xc2: {  	(tm) =	ssettm $0x7FFFFFFF  }
0xc3: {  	_ =	shalt  }
tec
execute0_lowered:
.L_overlay_start_1:
0x0: {  	(tag) =	ssettag $0x1  }
0x1: {  	s1 =	srdreg.scid  }
0x2: {  	s22 =	rddreg [dreg:$0x0];
	s0 =	stileid.u32;
	s23 =	sand.u32 $0x1, s1  }
0x3: {  	s3 =	rddreg [dreg:$0x1];
	s4 =	sshll.u32 s0, $0xB;
	s5 =	sshll.u32 s23, $0xA  }
0x4: {  	s2 =	simm.s32 $0x0;
	s1 =	rddreg [dreg:$0x2];
	s24 =	sor.u32 s5, s4  }
0x5: {  	[smem:$0x7FF] =	sst s2;
	s4 =	sshrl.u32 s24, $0x3  }
0x6: {  	_ =	strace $0x80000065;
	s4 =	sadd.s32 s3, s4;
	s3 =	simm.s32 $0x2  }
0x7: {  	[tilespmem:s2], [sflag:$0x2] =	stream.linear.gather [hbm4b:s4+s2], $0x400, $0x38;
	[tilespmem:$0x10400] =	vst v63  }
0x8: {  	_ =	swait.ge [sflag:s3], $0x400  }
0x9: {  	s6 =	simm.s32 $0x80;
	[sflag:s3] =	ssyncset.done $0x0  }
0xa: {  	s7 =	simm.s32 $0x400;
	s5 =	sadd.s32 $0x9400, s22;
	[sflag:s3] =	ssyncadd.s32 $0xFFFFFC00  }
0xb: {  	[tilespmem:s7], [sflag:$0x1] =	stream.indirect.gather [hbm4b:s5+s6], $0x40, s2, s6, $0xb8;
	[tilespmem:$0x10400] =	vst v63  }
0xc: {  	s8 =	simm.s32 $0x2400  }
0xd: {  	[tilespmem:s8], [sflag:$0x1] =	stream.indirect.gather [hbm4b:s5+s6], $0x40, s6, s6, $0xb8;
	[tilespmem:$0x10400] =	vst v63  }
0xe: {  	s9 =	simm.s32 $0x100;
	s10 =	simm.s32 $0x4400  }
0xf: {  	[tilespmem:s10], [sflag:$0x1] =	stream.indirect.gather [hbm4b:s5+s6], $0x40, s9, s6, $0xb8;
	[tilespmem:$0x10400] =	vst v63  }
0x10: {  	s11 =	simm.s32 $0x180;
	s12 =	simm.s32 $0x6400  }
0x11: {  	[tilespmem:s12], [sflag:$0x1] =	stream.indirect.gather [hbm4b:s5+s6], $0x40, s11, s6, $0xb8;
	[tilespmem:$0x10400] =	vst v63  }
0x12: {  	s13 =	simm.s32 $0x200;
	s14 =	simm.s32 $0x8400  }
0x13: {  	[tilespmem:s14], [sflag:$0x1] =	stream.indirect.gather [hbm4b:s5+s6], $0x40, s13, s6, $0xb8;
	[tilespmem:$0x10400] =	vst v63  }
0x14: {  	s15 =	simm.s32 $0x280;
	s16 =	simm.s32 $0xA400  }
0x15: {  	[tilespmem:s16], [sflag:$0x1] =	stream.indirect.gather [hbm4b:s5+s6], $0x40, s15, s6, $0xb8;
	[tilespmem:$0x10400] =	vst v63  }
0x16: {  	s17 =	simm.s32 $0x300;
	s18 =	simm.s32 $0xC400  }
0x17: {  	[tilespmem:s18], [sflag:$0x1] =	stream.indirect.gather [hbm4b:s5+s6], $0x40, s17, s6, $0xb8;
	[tilespmem:$0x10400] =	vst v63  }
0x18: {  	s19 =	simm.s32 $0x380;
	s20 =	simm.s32 $0xE400;
	s21 =	simm.s32 $0x1  }
0x19: {  	[tilespmem:s20], [sflag:$0x1] =	stream.indirect.gather [hbm4b:s5+s6], $0x40, s19, s6, $0xb8;
	[tilespmem:$0x10400] =	vst v63  }
0x1a: {  	_ =	swait.ge [sflag:s21], $0x2000  }
0x1b: {  	[sflag:s21] =	ssyncset.done $0x0  }
0x1c: {  	[sflag:s21] =	ssyncadd.s32 $0xFFFFE000  }
0x1d: {  	_ =	swait.ge [sflag:s21], $0x2000  }
0x1e: {  	[sflag:s21] =	ssyncset.done $0x0  }
0x1f: {  	[sflag:s21] =	ssyncadd.s32 $0xFFFFE000  }
0x20: {  	_ =	swait.ge [sflag:s21], $0x2000  }
0x21: {  	[sflag:s21] =	ssyncset.done $0x0  }
0x22: {  	[sflag:s21] =	ssyncadd.s32 $0xFFFFE000  }
0x23: {  	_ =	swait.ge [sflag:s21], $0x2000  }
0x24: {  	[sflag:s21] =	ssyncset.done $0x0  }
0x25: {  	[sflag:s21] =	ssyncadd.s32 $0xFFFFE000  }
0x26: {  	_ =	swait.ge [sflag:s21], $0x2000  }
0x27: {  	[sflag:s21] =	ssyncset.done $0x0  }
0x28: {  	[sflag:s21] =	ssyncadd.s32 $0xFFFFE000  }
0x29: {  	_ =	swait.ge [sflag:s21], $0x2000  }
0x2a: {  	[sflag:s21] =	ssyncset.done $0x0  }
0x2b: {  	s23 =	ssub.s32 $0x2, s23;
	[sflag:s21] =	ssyncadd.s32 $0xFFFFE000  }
0x2c: {  	s25 =	sshrl.u32 s23, $0x1;
	_ =	swait.ge [sflag:s21], $0x2000  }
0x2d: {  	s23 =	ssub.s32 s23, s25;
	[sflag:s21] =	ssyncset.done $0x0  }
0x2e: {  	s23 =	smax.u32 s23, $0x1;
	[sflag:s21] =	ssyncadd.s32 $0xFFFFE000  }
0x2f: {  	s24 =	sshll.u32 s24, $0x3;
	p0 =	sne.s32 s23, $0x1;
	_ =	swait.ge [sflag:s21], $0x2000  }
.Ltmp0:
0x30: {  	s22 =	sadd.s32 s24, s22;
	[sflag:s21] =	ssyncset.done $0x0;
	(pc) =	sbr.rel @!p0 .LBB2_2-.Ltmp0, $4  }
0x31: {  	s22 =	sadd.s32 $0x2E400, s22;
	[sflag:s21] =	ssyncadd.s32 $0xFFFFE000  }
0x32: {  	[hbm4b:s22+s2] =	stream.linear.scatter [tilespmem:s7], [sflag:$0x2], $0x10000, $0x38;
	[tilespmem:$0x10400] =	vst v63  }
0x33: {  	_ =	swait.ge [sflag:s3], $0x10000  }
0x34: {  	s23 =	sadd.s32 $0xFFFFFFFF, s23;
	[sflag:s3] =	ssyncset.done $0x0  }
.LBB2_1:
0x35: {  	p0 =	sne.s32 s23, $0x1;
	s23 =	sadd.s32 $0xFFFFFFFF, s23;
	[sflag:s3] =	ssyncadd.s32 $0xFFFF0000  }
0x36: {  	[tilespmem:s2], [sflag:$0x2] =	stream.linear.gather [hbm4b:s4+s2], $0x400, $0x38;
	[tilespmem:$0x10400] =	vst v63  }
0x37: {  	_ =	swait.ge [sflag:s3], $0x400  }
0x38: {  	[sflag:s3] =	ssyncset.done $0x0  }
0x39: {  	[sflag:s3] =	ssyncadd.s32 $0xFFFFFC00  }
0x3a: {  	[tilespmem:s7], [sflag:$0x1] =	stream.indirect.gather [hbm4b:s5+s6], $0x40, s2, s6, $0xb8;
	[tilespmem:$0x10400] =	vst v63  }
0x3b: {  	_ = 	snop  }
0x3c: {  	[tilespmem:s8], [sflag:$0x1] =	stream.indirect.gather [hbm4b:s5+s6], $0x40, s6, s6, $0xb8;
	[tilespmem:$0x10400] =	vst v63  }
0x3d: {  	_ = 	snop  }
0x3e: {  	[tilespmem:s10], [sflag:$0x1] =	stream.indirect.gather [hbm4b:s5+s6], $0x40, s9, s6, $0xb8;
	[tilespmem:$0x10400] =	vst v63  }
0x3f: {  	_ = 	snop  }
0x40: {  	[tilespmem:s12], [sflag:$0x1] =	stream.indirect.gather [hbm4b:s5+s6], $0x40, s11, s6, $0xb8;
	[tilespmem:$0x10400] =	vst v63  }
0x41: {  	_ = 	snop  }
0x42: {  	[tilespmem:s14], [sflag:$0x1] =	stream.indirect.gather [hbm4b:s5+s6], $0x40, s13, s6, $0xb8;
	[tilespmem:$0x10400] =	vst v63  }
0x43: {  	_ = 	snop  }
0x44: {  	[tilespmem:s16], [sflag:$0x1] =	stream.indirect.gather [hbm4b:s5+s6], $0x40, s15, s6, $0xb8;
	[tilespmem:$0x10400] =	vst v63  }
0x45: {  	_ = 	snop  }
0x46: {  	[tilespmem:s18], [sflag:$0x1] =	stream.indirect.gather [hbm4b:s5+s6], $0x40, s17, s6, $0xb8;
	[tilespmem:$0x10400] =	vst v63  }
0x47: {  	_ = 	snop  }
0x48: {  	[tilespmem:s20], [sflag:$0x1] =	stream.indirect.gather [hbm4b:s5+s6], $0x40, s19, s6, $0xb8;
	[tilespmem:$0x10400] =	vst v63  }
0x49: {  	_ =	swait.ge [sflag:s21], $0x2000  }
0x4a: {  	[sflag:s21] =	ssyncset.done $0x0  }
0x4b: {  	[sflag:s21] =	ssyncadd.s32 $0xFFFFE000  }
0x4c: {  	_ =	swait.ge [sflag:s21], $0x2000  }
0x4d: {  	[sflag:s21] =	ssyncset.done $0x0  }
0x4e: {  	[sflag:s21] =	ssyncadd.s32 $0xFFFFE000  }
0x4f: {  	_ =	swait.ge [sflag:s21], $0x2000  }
0x50: {  	[sflag:s21] =	ssyncset.done $0x0  }
0x51: {  	[sflag:s21] =	ssyncadd.s32 $0xFFFFE000  }
0x52: {  	_ =	swait.ge [sflag:s21], $0x2000  }
0x53: {  	[sflag:s21] =	ssyncset.done $0x0  }
0x54: {  	[sflag:s21] =	ssyncadd.s32 $0xFFFFE000  }
0x55: {  	_ =	swait.ge [sflag:s21], $0x2000  }
0x56: {  	[sflag:s21] =	ssyncset.done $0x0  }
0x57: {  	[sflag:s21] =	ssyncadd.s32 $0xFFFFE000  }
0x58: {  	_ =	swait.ge [sflag:s21], $0x2000  }
0x59: {  	[sflag:s21] =	ssyncset.done $0x0  }
0x5a: {  	[sflag:s21] =	ssyncadd.s32 $0xFFFFE000  }
0x5b: {  	_ =	swait.ge [sflag:s21], $0x2000  }
0x5c: {  	[sflag:s21] =	ssyncset.done $0x0  }
0x5d: {  	[sflag:s21] =	ssyncadd.s32 $0xFFFFE000  }
0x5e: {  	_ =	swait.ge [sflag:s21], $0x2000  }
.Ltmp1:
0x5f: {  	[sflag:s21] =	ssyncset.done $0x0;
	(pc) =	sbr.rel @p0 .LBB2_1-.Ltmp1, $4  }
0x60: {  	[sflag:s21] =	ssyncadd.s32 $0xFFFFE000  }
0x61: {  	[hbm4b:s22+s2] =	stream.linear.scatter [tilespmem:s7], [sflag:$0x2], $0x10000, $0x38;
	[tilespmem:$0x10400] =	vst v63  }
0x62: {  	_ =	swait.ge [sflag:s3], $0x10000  }
0x63: {  	[sflag:s3] =	ssyncset.done $0x0  }
.LBB2_2:
0x64: {  	[sflag:s3] =	ssyncadd.s32 $0xFFFF0000  }
0x65: {  	_ =	sfence.sel $0x180000  }
0x66: {  	[bflag:$0x0] =	sbarrier.arrive $0xFFFF  }
0x67: {  	p0 =	sne.s32 s0, $0x0;
	_ =	strace $0x90000065  }
0x68: {  	s0 =	sadd.s32 @!p0 $0x100000, s1;
	[bflag:$0x2] =	sbarrier.arrive $0xFFFF  }
0x69: {  	[sflag:s0] =	ssyncadd.tile.s32 @!p0 $0x1;
	_ =	shalt  }
.Lfunc_end2:
_tile_overlayer_lowered:
.L_overlay_start_2:
0x6a: {  	(tag) =	ssettag $0x2  }
0x6b: {  	s0 =	rddreg [dreg:$0x0];
	s2 =	stileid.u32  }
0x6c: {  	s1 =	rddreg [dreg:$0x1];
	p0 =	sne.s32 s2, $0x0  }
0x6d: {  	s3 =	rddreg [dreg:$0x2];
	[bflag:$0x3] =	sbarrier.arrive $0xFFFF;
	s2 =	simm.s32 @!p0 $0x1C02  }
0x6e: {  	[timem:s3], [sflag:s2] =	dma.local @!p0 [hbm:s0], s1  }
0x6f: {  	s0 =	simm.s32 @!p0 $0x2  }
0x70: {  	_ =	swait.ge @!p0 [sflag:s0], s1  }
0x71: {  	s1 =	ssub.s32 @!p0 $0x0, s1;
	[sflag:s0] =	ssyncset.done @!p0 $0x0  }
0x72: {  	[sflag:s0] =	ssyncadd.s32 @!p0 s1  }
0x73: {  	[bflag:$0x3] =	sbarrier.arrive $0xFFFF  }
0x74: {  	_ =	shalt  }

// kernel: kernel.65.cloned.1.call-start
scs
__scs_entry_jumppad:
0x0: {  	(pc) =	sbr.rel $0x88, $3  }
0x1: {  	(tag) =	ssettag $0x0;
	lr =	simm.s32 $0x1  }
0x2: {  	[smem:$0x3F69] =	sst lr;
	_ =	strace $0xD0000000  }
0x3: {  	_ = 	snop  }
0x4: {  	_ = 	snop  }
0x5: {  	_ = 	snop  }
0x6: {  	_ = 	snop  }
0x7: {  	_ = 	snop  }
__scs_overlays_trampoline_lowered:
0x8: {  	[smem:$0x3F78] =	sst s0  }
0x9: {  	[smem:$0x3F79] =	sst s1  }
0xa: {  	[smem:$0x3F7A] =	sst s2  }
0xb: {  	[smem:$0x3F7B] =	sst s3  }
0xc: {  	[smem:$0x3F7C] =	sst s4  }
0xd: {  	[smem:$0x3F7D] =	sst s5  }
0xe: {  	[smem:$0x3F7E] =	sst s6  }
0xf: {  	[smem:$0x3F7F] =	sst s7  }
0x10: {  	[smem:$0x3F80] =	sst s8  }
0x11: {  	[smem:$0x3F81] =	sst s9;
	s0 =	simm.s32 @!p0 $0x0  }
0x12: {  	s1 =	sld [smem:$0x3F67];
	s0 =	simm.s32 @p0 $0x1  }
0x13: {  	[smem:$0x3F82] =	sst s0;
	s0 =	simm.s32 @!p1 $0x0  }
0x14: {  	s2 =	sld [smem:$0x3F66];
	s0 =	simm.s32 @p1 $0x1  }
0x15: {  	[smem:$0x3F83] =	sst s0;
	s0 =	simm.s32 @!p2 $0x0  }
0x16: {  	s3 =	sld [smem:$0x3FDB];
	s0 =	simm.s32 @p2 $0x1  }
0x17: {  	s4 =	simm.s32 $0x1BF5;
	[smem:$0x3F85] =	sst s0  }
0x18: {  	s0 =	sld [smem:$0x3F68];
	_ =	swait.ge [sflag:s4], $0x0  }
0x19: {  	s7 =	sld [smem:$0x3F69]  }
0x1a: {  	s8 =	sadd.s32 $0xFFFFE003, lr  }
0x1b: {  	s9 =	sadd.s32 $0xFFFFFEF7, lr;
	s5 =	simm.s32 $0xFFFFFFFF;
	p2 =	slt.u32 s8, $0xFFFFF086  }
0x1c: {  	p1 =	slt.u32 s9, $0xF7A;
	s5 =	simm.s32 @!p2 $0x0  }
0x1d: {  	s5 =	simm.s32 @p1 $0x1;
	p0 =	seq.s32 s7, s2  }
0x1e: {  	s7 =	smul.u32 @!p0 $0xF7A, s2;
	p2 =	seq.s32 @!p0 s5, $0x0  }
0x1f: {  	s9 =	smul.u32 $0xF7A, s1;
	s8 =	simm.s32 @!p0 $0x1BF5;
	p2 =	por !p2, p0  }
0x20: {  	[sflag:s8] =	ssyncset.s32 @!p0 $0xFFFFF086;
	s6 =	sadd.s32 @!p0 s3, s7;
	s7 =	simm.s32 @!p0 $0x108  }
0x21: {  	s3 =	sadd.s32 s3, s9;
	s6 =	sadd.s32 @!p0 $0x88, s6;
	s7 =	simm.s32 @p2 $0x1082  }
0x22: {  	[simem:s7], [sflag:s8] =	dma.local @!p0 [hbm:s6], $0xF7A  }
0x23: {  	s9 =	sor.u32 $0xD0000000, s2;
	s6 =	simm.s32 $0x108;
	_ =	swait.ge @!p0 [sflag:s8], $0x0  }
0x24: {  	s3 =	sadd.s32 $0x88, s3;
	s6 =	simm.s32 @!p1 $0x1082;
	[sflag:s4] =	ssyncset.s32 $0xFFFFF086  }
0x25: {  	[simem:s6], [sflag:s4] =	dma.local [hbm:s3], $0xF7A  }
0x26: {  	[smem:$0x3F69] =	sst s1;
	(tag) =	ssettag s2;
	_ =	strace s9  }
0x27: {  	s1 =	sld [smem:$0x3F79]  }
0x28: {  	s2 =	sld [smem:$0x3F7A]  }
0x29: {  	s4 =	sld [smem:$0x3F7C]  }
0x2a: {  	p0 =	seq.s32 s5, $0x0;
	s5 =	sld [smem:$0x3F7D]  }
0x2b: {  	s6 =	sld [smem:$0x3F7E]  }
0x2c: {  	s7 =	sld [smem:$0x3F7F]  }
0x2d: {  	s3 =	simm.s32 $0x108;
	s8 =	sld [smem:$0x3F80]  }
0x2e: {  	s3 =	simm.s32 @!p0 $0x1082;
	s9 =	sld [smem:$0x3F81]  }
0x2f: {  	lr =	sadd.s32 s0, s3;
	s0 =	sld [smem:$0x3F78]  }
0x30: {  	s3 =	sld [smem:$0x3F7B]  }
0x31: {  	[smem:$0x3F84] =	sst s10  }
0x32: {  	s10 =	sld [smem:$0x3F82];
	_ =	sdelay $0x3  }
0x33: {  	p0 =	seq.s32 s10, $0x1;
	s10 =	sld [smem:$0x3F84];
	_ =	sdelay $0x3  }
0x34: {  	[smem:$0x3F84] =	sst s10  }
0x35: {  	s10 =	sld [smem:$0x3F83];
	_ =	sdelay $0x3  }
0x36: {  	p1 =	seq.s32 s10, $0x1;
	s10 =	sld [smem:$0x3F84];
	_ =	sdelay $0x3  }
0x37: {  	[smem:$0x3F84] =	sst s10  }
0x38: {  	s10 =	sld [smem:$0x3F85]  }
0x39: {  	_ = 	snop;
	(pc) =	sbr.ind lr, $3  }
0x3a: {  	_ = 	snop  }
0x3b: {  	_ = 	snop  }
0x3c: {  	p2 =	seq.s32 s10, $0x1;
	s10 =	sld [smem:$0x3F84]  }
0x3d: {  	_ =	shalt  }
0x3e: {  	_ =	shalt  }
0x3f: {  	_ =	shalt  }
0x40: {  	_ =	shalt  }
0x41: {  	_ =	shalt  }
0x42: {  	_ =	shalt  }
0x43: {  	_ =	shalt  }
0x44: {  	_ =	shalt  }
0x45: {  	_ =	shalt  }
0x46: {  	_ =	shalt  }
0x47: {  	_ =	shalt  }
0x48: {  	_ =	shalt  }
0x49: {  	_ =	shalt  }
0x4a: {  	_ =	shalt  }
0x4b: {  	_ =	shalt  }
0x4c: {  	_ =	shalt  }
0x4d: {  	_ =	shalt  }
0x4e: {  	_ =	shalt  }
0x4f: {  	_ =	shalt  }
0x50: {  	_ =	shalt  }
0x51: {  	_ =	shalt  }
0x52: {  	_ =	shalt  }
0x53: {  	_ =	shalt  }
0x54: {  	_ =	shalt  }
0x55: {  	_ =	shalt  }
0x56: {  	_ =	shalt  }
0x57: {  	_ =	shalt  }
0x58: {  	_ =	shalt  }
0x59: {  	_ =	shalt  }
0x5a: {  	_ =	shalt  }
0x5b: {  	_ =	shalt  }
0x5c: {  	_ =	shalt  }
0x5d: {  	_ =	shalt  }
0x5e: {  	_ =	shalt  }
0x5f: {  	_ =	shalt  }
0x60: {  	_ =	shalt  }
0x61: {  	_ =	shalt  }
0x62: {  	_ =	shalt  }
0x63: {  	_ =	shalt  }
0x64: {  	_ =	shalt  }
0x65: {  	_ =	shalt  }
0x66: {  	_ =	shalt  }
0x67: {  	_ =	shalt  }
0x68: {  	_ =	shalt  }
0x69: {  	_ =	shalt  }
0x6a: {  	_ =	shalt  }
0x6b: {  	_ =	shalt  }
0x6c: {  	_ =	shalt  }
0x6d: {  	_ =	shalt  }
0x6e: {  	_ =	shalt  }
0x6f: {  	_ =	shalt  }
0x70: {  	_ =	shalt  }
0x71: {  	_ =	shalt  }
0x72: {  	_ =	shalt  }
0x73: {  	_ =	shalt  }
0x74: {  	_ =	shalt  }
0x75: {  	_ =	shalt  }
0x76: {  	_ =	shalt  }
0x77: {  	_ =	shalt  }
0x78: {  	_ =	shalt  }
0x79: {  	_ =	shalt  }
0x7a: {  	_ =	shalt  }
0x7b: {  	_ =	shalt  }
0x7c: {  	_ =	shalt  }
0x7d: {  	_ =	shalt  }
0x7e: {  	_ =	shalt  }
0x7f: {  	_ =	shalt  }
0x80: {  	_ =	shalt  }
0x81: {  	_ =	shalt  }
0x82: {  	_ =	shalt  }
0x83: {  	_ =	shalt  }
0x84: {  	_ =	shalt  }
0x85: {  	_ =	shalt  }
0x86: {  	_ =	shalt  }
0x87: {  	_ =	shalt  }
.Lfunc_end0:
.L_simem_size_0:
called_computation.11_lowered:
.L_overlay_start_0:
0x88: {  	s2 =	sld [smem:$0x3FD9]  }
0x89: {  	s3 =	sld [smem:$0x3FFE];
	_ =	sdelay $0x1  }
0x8a: {  	s1 =	srdreg.scid  }
0x8b: {  	s0 =	sand.u32 $0x1, s1  }
0x8c: {  	s17 =	sshll.u32 s0, $0xA;
	s2 =	sadd.s32 s3, s2  }
0x8d: {  	s2 =	sadd.s32 s2, s17  }
0x8e: {  	[smem:$0x3F90] =	sst s2  }
0x8f: {  	_ = 	snop  }
0x90: {  	s2 =	sld [smem:$0x3FC1];
	(tm) =	ssettm $0x1  }
0x91: {  	s18 =	sld [smem:$0x3FFB];
	_ =	sdelay $0x3  }
0x92: {  	_ =	strace s18  }
0x93: {  	s3 =	sld [smem:$0x3FFC];
	_ =	sdelay $0x3  }
0x94: {  	_ =	strace s3  }
0x95: {  	s3 =	sld [smem:$0x3FFD];
	_ =	sdelay $0x3  }
0x96: {  	_ =	strace s3  }
0x97: {  	_ =	strace $0x8FFFFFFF  }
0x98: {  	s19 =	sld [smem:$0x3FDB];
	_ =	sdelay $0x1  }
0x99: {  	s4 =	simm.s32 $_scs_section_size  }
0x9a: {  	s5 =	simm.s32 $_size__tile_overlayer_lowered;
	s6 =	simm.s32 $_tile_overlayer_lowered  }
0x9b: {  	s22 =	simm.s32 $0x1BFF;
	s21 =	sshll.u32 s6, $0x1;
	s3 =	sadd.s32 s4, s19  }
0x9c: {  	s7 =	simm.s32 $0x0;
	s20 =	sshll.u32 s5, $0x1;
	s5 =	sadd.s32 s21, s3  }
0x9d: {  	[timem:s7], [sflag:s22] =	dma.local [hbm:s5], s20  }
0x9e: {  	_ =	swait.ge [sflag:s22], s20  }
0x9f: {  	s4 =	ssub.s32 $0x0, s20;
	[sflag:s22] =	ssyncset.done $0x0  }
0xa0: {  	[sflag:s22] =	ssyncadd.s32 s4;
	_ =	sdelay $0x1  }
0xa1: {  	s23 =	simm.s32 $0x1B8B  }
0xa2: {  	_ =	swait.ge [sflag:s23], $0x1  }
0xa3: {  	[sflag:s23] =	ssyncset.done $0x0  }
0xa4: {  	s25 =	simm.s32 $0x1B8E;
	s24 =	sld [smem:$0x3FFE];
	[sflag:s23] =	ssyncadd.s32 $0xFFFFFFFF  }
0xa5: {  	s26 =	simm.s32 $execute0_lowered;
	[smem:$0x3FD2] =	sst s25  }
0xa6: {  	s5 =	sshll.u32 s26, $0x1;
	_ =	strace $0x80000067;
	[dreg:$0x1] =	wrdreg $0xFFFFFFFF  }
0xa7: {  	s28 =	simm.s32 $_size_execute0_lowered;
	s3 =	sadd.s32 s3, s5;
	[dreg:$0x0] =	wrdreg $0x0  }
0xa8: {  	s5 =	sshll.u32 s28, $0x1;
	[dreg:$0x2] =	wrdreg s3  }
0xa9: {  	[dreg:$0x3] =	wrdreg s5  }
0xaa: {  	[dreg:$0x4] =	wrdreg $0xC0  }
0xab: {  	_ =	task [dreg:s7], $0x5FFFF  }
0xac: {  	[dreg:$0x1] =	wrdreg $0xFFFFFFFF  }
0xad: {  	[dreg:$0x0] =	wrdreg $0x60  }
0xae: {  	[dreg:$0x2] =	wrdreg s24  }
0xaf: {  	[dreg:$0x3] =	wrdreg s2  }
0xb0: {  	[dreg:$0x4] =	wrdreg $0x104000  }
0xb1: {  	[dreg:$0x5] =	wrdreg $0x9  }
0xb2: {  	_ =	task.clear_ibuf [dreg:s7], $0x6FFFF;
	_ =	strace $0x90000067  }
0xb3: {  	s29 =	simm.s32 $0x9;
	_ =	strace $0x80000069  }
0xb4: {  	_ =	swait.ge [sflag:s29], $0x1  }
0xb5: {  	[sflag:s29] =	ssyncadd.s32 $0xFFFFFFFF  }
0xb6: {  	_ =	strace $0x90000069  }
0xb7: {  	_ =	sfence  }
0xb8: {  	s30 =	sld [smem:$0x0];
	_ =	sdelay $0x2  }
0xb9: {  	s31 =	sshll.u32 s1, $0xD;
	s1 =	sshrl.u32 s1, $0x2  }
0xba: {  	s3 =	sand.u32 $0x4000, s31;
	s1 =	sadd.s32 s1, s30  }
0xbb: {  	s0 =	sor.u32 s3, s0;
	s1 =	sshll.u32 s1, $0x11  }
0xbc: {  	s0 =	sor.u32 s1, s0  }
0xbd: {  	s0 =	sadd.s32 $0x8F2B, s0  }
0xbe: {  	[sflag:s0] =	ssyncadd.remote.s32 $0x1  }
0xbf: {  	_ =	sfence.sel $0xFFFF  }
0xc0: {  	[dreg:$0x0] =	wrdreg $0xFFFFFFFF;
	(pc) =	sbr.abs _section_cstart, $3  }
0xc1: {  	[dreg:$0x1] =	wrdreg $0xFFFFFFFF  }
0xc2: {  	_ =	task.clear_ibuf [dreg:s7], $0x2FFFF;
	_ =	strace $0x9FFFFFFF  }
0xc3: {  	(tm) =	ssettm $0x7FFFFFFF  }
tec
execute0_lowered:
.L_overlay_start_1:
0x0: {  	(tag) =	ssettag $0x1  }
0x1: {  	s25 =	rddreg [dreg:$0x0]  }
0x2: {  	s8 =	rddreg [dreg:$0x1]  }
0x3: {  	s2 =	rddreg [dreg:$0x2]  }
0x4: {  	s0 =	rddreg [dreg:$0x3];
	s3 =	simm.s32 $0x0;
	s4 =	srdreg.scid  }
0x5: {  	s1 =	stileid.u32;
	[smem:$0x7FF] =	sst s3;
	s26 =	sand.u32 $0x1, s4  }
0x6: {  	s28 =	smul.u32 $0x5400, s1;
	s4 =	simm.s32 $0x23C00;
	s9 =	sshll.u32 s1, $0x4  }
0x7: {  	s30 =	sshll.u32 s1, $0x6;
	p0 =	seq.s32 s26, $0x1;
	_ =	strace $0x80000068  }
0x8: {  	s10 =	sshll.u32 s26, $0x3;
	s4 =	simm.s32 @!p0 $0x9400;
	s6 =	sadd.s32 s28, s2  }
0x9: {  	s5 =	sshrl.u32 s28, $0x3;
	s4 =	sadd.s32 s4, s25;
	s7 =	sshrl.u32 s6, $0x3  }
0xa: {  	s6 =	simm.s32 $0x1;
	s4 =	sadd.s32 s4, s5;
	s5 =	sor.u32 $0x1C01, s30  }
0xb: {  	[spmem:s7], [sflag:s5] =	dma.local [hbm:s4], $0xA80  }
0xc: {  	s9 =	sor.u32 s10, s9;
	_ =	swait.ge [sflag:s6], $0xA80  }
0xd: {  	s10 =	sshll.u32 s9, $0x4;
	[sflag:s6] =	ssyncset.done $0x0  }
0xe: {  	s8 =	sadd.s32 s8, s10;
	[sflag:s6] =	ssyncadd.s32 $0xFFFFF580  }
0xf: {  	[tilespmem:s3], [sflag:$0x1] =	stream.linear.gather [hbm4b:s8+s3], $0x400, $0x38;
	[tilespmem:$0x15800] =	vst v63  }
0x10: {  	s9 =	sshll.u32 s9, $0xA;
	_ =	swait.ge [sflag:s6], $0x400  }
0x11: {  	s9 =	sadd.s32 s9, s25;
	[sflag:s6] =	ssyncset.done $0x0  }
0x12: {  	s10 =	simm.s32 $0x400;
	s9 =	sadd.s32 $0x2E400, s9;
	[sflag:s6] =	ssyncadd.s32 $0xFFFFFC00  }
0x13: {  	[tilespmem:s10], [sflag:$0x1] =	stream.linear.gather [hbm4b:s9+s3], $0x10000, $0x38;
	[tilespmem:$0x15800] =	vst v63  }
0x14: {  	_ =	swait.ge [sflag:s6], $0x10000  }
0x15: {  	[sflag:s6] =	ssyncset.done $0x0  }
0x16: {  	[sflag:s6] =	ssyncadd.s32 $0xFFFF0000  }
0x17: {  	s11 =	simm.s32 $0x80;
	[bflag:$0x0] =	sbarrier.arrive $0xFFFF  }
0x18: {  	[spmem:s2] =	stream.indirect.scatter.add.f32 [tilespmem:s10], [sflag:$0x1], $0x40, s3, s11, $0xb8;
	[tilespmem:$0x15800] =	vst v63  }
0x19: {  	_ =	swait.ge [sflag:s6], $0x2000  }
0x1a: {  	[sflag:s6] =	ssyncset.done $0x0  }
0x1b: {  	s12 =	simm.s32 $0x2400;
	[sflag:s6] =	ssyncadd.s32 $0xFFFFE000  }
0x1c: {  	[spmem:s2] =	stream.indirect.scatter.add.f32 [tilespmem:s12], [sflag:$0x1], $0x40, s11, s11, $0xb8;
	[tilespmem:$0x15800] =	vst v63  }
0x1d: {  	_ =	swait.ge [sflag:s6], $0x2000  }
0x1e: {  	[sflag:s6] =	ssyncset.done $0x0  }
0x1f: {  	s13 =	simm.s32 $0x100;
	s14 =	simm.s32 $0x4400;
	[sflag:s6] =	ssyncadd.s32 $0xFFFFE000  }
0x20: {  	[spmem:s2] =	stream.indirect.scatter.add.f32 [tilespmem:s14], [sflag:$0x1], $0x40, s13, s11, $0xb8;
	[tilespmem:$0x15800] =	vst v63  }
0x21: {  	_ =	swait.ge [sflag:s6], $0x2000  }
0x22: {  	[sflag:s6] =	ssyncset.done $0x0  }
0x23: {  	s15 =	simm.s32 $0x180;
	s16 =	simm.s32 $0x6400;
	[sflag:s6] =	ssyncadd.s32 $0xFFFFE000  }
0x24: {  	[spmem:s2] =	stream.indirect.scatter.add.f32 [tilespmem:s16], [sflag:$0x1], $0x40, s15, s11, $0xb8;
	[tilespmem:$0x15800] =	vst v63  }
0x25: {  	_ =	swait.ge [sflag:s6], $0x2000  }
0x26: {  	[sflag:s6] =	ssyncset.done $0x0  }
0x27: {  	s17 =	simm.s32 $0x200;
	s18 =	simm.s32 $0x8400;
	[sflag:s6] =	ssyncadd.s32 $0xFFFFE000  }
0x28: {  	[spmem:s2] =	stream.indirect.scatter.add.f32 [tilespmem:s18], [sflag:$0x1], $0x40, s17, s11, $0xb8;
	[tilespmem:$0x15800] =	vst v63  }
0x29: {  	_ =	swait.ge [sflag:s6], $0x2000  }
0x2a: {  	[sflag:s6] =	ssyncset.done $0x0  }
0x2b: {  	s19 =	simm.s32 $0x280;
	s20 =	simm.s32 $0xA400;
	[sflag:s6] =	ssyncadd.s32 $0xFFFFE000  }
0x2c: {  	[spmem:s2] =	stream.indirect.scatter.add.f32 [tilespmem:s20], [sflag:$0x1], $0x40, s19, s11, $0xb8;
	[tilespmem:$0x15800] =	vst v63  }
0x2d: {  	_ =	swait.ge [sflag:s6], $0x2000  }
0x2e: {  	[sflag:s6] =	ssyncset.done $0x0  }
0x2f: {  	s21 =	simm.s32 $0x300;
	s22 =	simm.s32 $0xC400;
	[sflag:s6] =	ssyncadd.s32 $0xFFFFE000  }
0x30: {  	[spmem:s2] =	stream.indirect.scatter.add.f32 [tilespmem:s22], [sflag:$0x1], $0x40, s21, s11, $0xb8;
	[tilespmem:$0x15800] =	vst v63  }
0x31: {  	s29 =	smul.u32 $0x54000, s26;
	s26 =	ssub.s32 $0x2, s26;
	_ =	swait.ge [sflag:s6], $0x2000  }
0x32: {  	s23 =	simm.s32 $0x380;
	s31 =	sshrl.u32 s26, $0x1;
	[sflag:s6] =	ssyncset.done $0x0  }
0x33: {  	s24 =	simm.s32 $0xE400;
	s26 =	ssub.s32 s26, s31;
	[sflag:s6] =	ssyncadd.s32 $0xFFFFE000  }
0x34: {  	[spmem:s2] =	stream.indirect.scatter.add.f32 [tilespmem:s24], [sflag:$0x1], $0x40, s23, s11, $0xb8;
	[tilespmem:$0x15800] =	vst v63  }
0x35: {  	s28 =	sadd.s32 s28, s29;
	s26 =	smax.u32 s26, $0x1;
	_ =	swait.ge [sflag:s6], $0x2000  }
0x36: {  	s28 =	sshrl.u32 s28, $0x3;
	p0 =	sne.s32 s26, $0x1;
	[sflag:s6] =	ssyncset.done $0x0  }
.Ltmp0:
0x37: {  	s25 =	sadd.s32 s28, s25;
	[sflag:s6] =	ssyncadd.s32 $0xFFFFE000;
	(pc) =	sbr.rel @!p0 .LBB2_2-.Ltmp0, $4  }
0x38: {  	s25 =	sadd.s32 $0x6E400, s25;
	[bflag:$0x0] =	sbarrier.arrive $0xFFFF  }
0x39: {  	[hbm:s25], [sflag:s5] =	dma.local [spmem:s7], $0xA80  }
0x3a: {  	_ =	swait.ge [sflag:s6], $0xA80  }
0x3b: {  	s26 =	sadd.s32 $0xFFFFFFFF, s26;
	[sflag:s6] =	ssyncset.done $0x0  }
.LBB2_1:
0x3c: {  	p0 =	sne.s32 s26, $0x1;
	s26 =	sadd.s32 $0xFFFFFFFF, s26;
	[sflag:s6] =	ssyncadd.s32 $0xFFFFF580  }
0x3d: {  	[spmem:s7], [sflag:s5] =	dma.local [hbm:s4], $0xA80  }
0x3e: {  	_ =	swait.ge [sflag:s6], $0xA80  }
0x3f: {  	[sflag:s6] =	ssyncset.done $0x0  }
0x40: {  	[sflag:s6] =	ssyncadd.s32 $0xFFFFF580  }
0x41: {  	[tilespmem:s3], [sflag:$0x1] =	stream.linear.gather [hbm4b:s8+s3], $0x400, $0x38;
	[tilespmem:$0x15800] =	vst v63  }
0x42: {  	_ =	swait.ge [sflag:s6], $0x400  }
0x43: {  	[sflag:s6] =	ssyncset.done $0x0  }
0x44: {  	[sflag:s6] =	ssyncadd.s32 $0xFFFFFC00  }
0x45: {  	[tilespmem:s10], [sflag:$0x1] =	stream.linear.gather [hbm4b:s9+s3], $0x10000, $0x38;
	[tilespmem:$0x15800] =	vst v63  }
0x46: {  	_ =	swait.ge [sflag:s6], $0x10000  }
0x47: {  	[sflag:s6] =	ssyncset.done $0x0  }
0x48: {  	[sflag:s6] =	ssyncadd.s32 $0xFFFF0000  }
0x49: {  	[bflag:$0x0] =	sbarrier.arrive $0xFFFF  }
0x4a: {  	[spmem:s2] =	stream.indirect.scatter.add.f32 [tilespmem:s10], [sflag:$0x1], $0x40, s3, s11, $0xb8;
	[tilespmem:$0x15800] =	vst v63  }
0x4b: {  	_ =	swait.ge [sflag:s6], $0x2000  }
0x4c: {  	[sflag:s6] =	ssyncset.done $0x0  }
0x4d: {  	[sflag:s6] =	ssyncadd.s32 $0xFFFFE000  }
0x4e: {  	[spmem:s2] =	stream.indirect.scatter.add.f32 [tilespmem:s12], [sflag:$0x1], $0x40, s11, s11, $0xb8;
	[tilespmem:$0x15800] =	vst v63  }
0x4f: {  	_ =	swait.ge [sflag:s6], $0x2000  }
0x50: {  	[sflag:s6] =	ssyncset.done $0x0  }
0x51: {  	[sflag:s6] =	ssyncadd.s32 $0xFFFFE000  }
0x52: {  	[spmem:s2] =	stream.indirect.scatter.add.f32 [tilespmem:s14], [sflag:$0x1], $0x40, s13, s11, $0xb8;
	[tilespmem:$0x15800] =	vst v63  }
0x53: {  	_ =	swait.ge [sflag:s6], $0x2000  }
0x54: {  	[sflag:s6] =	ssyncset.done $0x0  }
0x55: {  	[sflag:s6] =	ssyncadd.s32 $0xFFFFE000  }
0x56: {  	[spmem:s2] =	stream.indirect.scatter.add.f32 [tilespmem:s16], [sflag:$0x1], $0x40, s15, s11, $0xb8;
	[tilespmem:$0x15800] =	vst v63  }
0x57: {  	_ =	swait.ge [sflag:s6], $0x2000  }
0x58: {  	[sflag:s6] =	ssyncset.done $0x0  }
0x59: {  	[sflag:s6] =	ssyncadd.s32 $0xFFFFE000  }
0x5a: {  	[spmem:s2] =	stream.indirect.scatter.add.f32 [tilespmem:s18], [sflag:$0x1], $0x40, s17, s11, $0xb8;
	[tilespmem:$0x15800] =	vst v63  }
0x5b: {  	_ =	swait.ge [sflag:s6], $0x2000  }
0x5c: {  	[sflag:s6] =	ssyncset.done $0x0  }
0x5d: {  	[sflag:s6] =	ssyncadd.s32 $0xFFFFE000  }
0x5e: {  	[spmem:s2] =	stream.indirect.scatter.add.f32 [tilespmem:s20], [sflag:$0x1], $0x40, s19, s11, $0xb8;
	[tilespmem:$0x15800] =	vst v63  }
0x5f: {  	_ =	swait.ge [sflag:s6], $0x2000  }
0x60: {  	[sflag:s6] =	ssyncset.done $0x0  }
0x61: {  	[sflag:s6] =	ssyncadd.s32 $0xFFFFE000  }
0x62: {  	[spmem:s2] =	stream.indirect.scatter.add.f32 [tilespmem:s22], [sflag:$0x1], $0x40, s21, s11, $0xb8;
	[tilespmem:$0x15800] =	vst v63  }
0x63: {  	_ =	swait.ge [sflag:s6], $0x2000  }
0x64: {  	[sflag:s6] =	ssyncset.done $0x0  }
0x65: {  	[sflag:s6] =	ssyncadd.s32 $0xFFFFE000  }
0x66: {  	[spmem:s2] =	stream.indirect.scatter.add.f32 [tilespmem:s24], [sflag:$0x1], $0x40, s23, s11, $0xb8;
	[tilespmem:$0x15800] =	vst v63  }
0x67: {  	_ =	swait.ge [sflag:s6], $0x2000  }
0x68: {  	[sflag:s6] =	ssyncset.done $0x0  }
.Ltmp1:
0x69: {  	[sflag:s6] =	ssyncadd.s32 $0xFFFFE000;
	(pc) =	sbr.rel @p0 .LBB2_1-.Ltmp1, $4  }
0x6a: {  	[bflag:$0x0] =	sbarrier.arrive $0xFFFF  }
0x6b: {  	[hbm:s25], [sflag:s5] =	dma.local [spmem:s7], $0xA80  }
0x6c: {  	_ =	swait.ge [sflag:s6], $0xA80  }
0x6d: {  	[sflag:s6] =	ssyncset.done $0x0  }
.LBB2_2:
0x6e: {  	[sflag:s6] =	ssyncadd.s32 $0xFFFFF580  }
0x6f: {  	_ =	sfence.sel $0x180000  }
0x70: {  	[bflag:$0x0] =	sbarrier.arrive $0xFFFF  }
0x71: {  	p0 =	sne.s32 s1, $0x0;
	_ =	strace $0x90000068  }
0x72: {  	s0 =	sadd.s32 @!p0 $0x100000, s0;
	[bflag:$0x2] =	sbarrier.arrive $0xFFFF  }
0x73: {  	[sflag:s0] =	ssyncadd.tile.s32 @!p0 $0x1;
	_ =	shalt  }
.Lfunc_end2:
_tile_overlayer_lowered:
.L_overlay_start_2:
0x74: {  	(tag) =	ssettag $0x2  }
0x75: {  	s0 =	rddreg [dreg:$0x0];
	s2 =	stileid.u32  }
0x76: {  	s1 =	rddreg [dreg:$0x1];
	p0 =	sne.s32 s2, $0x0  }
0x77: {  	s3 =	rddreg [dreg:$0x2];
	[bflag:$0x3] =	sbarrier.arrive $0xFFFF;
	s2 =	simm.s32 @!p0 $0x1C01  }
0x78: {  	[timem:s3], [sflag:s2] =	dma.local @!p0 [hbm:s0], s1  }
0x79: {  	s0 =	simm.s32 @!p0 $0x1  }
0x7a: {  	_ =	swait.ge @!p0 [sflag:s0], s1  }
0x7b: {  	s1 =	ssub.s32 @!p0 $0x0, s1;
	[sflag:s0] =	ssyncset.done @!p0 $0x0  }
0x7c: {  	[sflag:s0] =	ssyncadd.s32 @!p0 s1  }
0x7d: {  	[bflag:$0x3] =	sbarrier.arrive $0xFFFF  }
0x7e: {  	_ =	shalt  }

// kernel: kernel.68.cloned.1.call-start
scs
__scs_entry_jumppad:
0x0: {  	(pc) =	sbr.rel $0x88, $3  }
0x1: {  	(tag) =	ssettag $0x0;
	lr =	simm.s32 $0x1  }
0x2: {  	[smem:$0x3F69] =	sst lr;
	_ =	strace $0xD0000000  }
0x3: {  	_ = 	snop  }
0x4: {  	_ = 	snop  }
0x5: {  	_ = 	snop  }
0x6: {  	_ = 	snop  }
0x7: {  	_ = 	snop  }
__scs_overlays_trampoline_lowered:
0x8: {  	[smem:$0x3F78] =	sst s0  }
0x9: {  	[smem:$0x3F79] =	sst s1  }
0xa: {  	[smem:$0x3F7A] =	sst s2  }
0xb: {  	[smem:$0x3F7B] =	sst s3  }
0xc: {  	[smem:$0x3F7C] =	sst s4  }
0xd: {  	[smem:$0x3F7D] =	sst s5  }
0xe: {  	[smem:$0x3F7E] =	sst s6  }
0xf: {  	[smem:$0x3F7F] =	sst s7  }
0x10: {  	[smem:$0x3F80] =	sst s8  }
0x11: {  	[smem:$0x3F81] =	sst s9;
	s0 =	simm.s32 @!p0 $0x0  }
0x12: {  	s1 =	sld [smem:$0x3F67];
	s0 =	simm.s32 @p0 $0x1  }
0x13: {  	[smem:$0x3F82] =	sst s0;
	s0 =	simm.s32 @!p1 $0x0  }
0x14: {  	s2 =	sld [smem:$0x3F66];
	s0 =	simm.s32 @p1 $0x1  }
0x15: {  	[smem:$0x3F83] =	sst s0;
	s0 =	simm.s32 @!p2 $0x0  }
0x16: {  	s3 =	sld [smem:$0x3FDB];
	s0 =	simm.s32 @p2 $0x1  }
0x17: {  	s4 =	simm.s32 $0x1BF5;
	[smem:$0x3F85] =	sst s0  }
0x18: {  	s0 =	sld [smem:$0x3F68];
	_ =	swait.ge [sflag:s4], $0x0  }
0x19: {  	s7 =	sld [smem:$0x3F69]  }
0x1a: {  	s8 =	sadd.s32 $0xFFFFE003, lr  }
0x1b: {  	s9 =	sadd.s32 $0xFFFFFEF7, lr;
	s5 =	simm.s32 $0xFFFFFFFF;
	p2 =	slt.u32 s8, $0xFFFFF086  }
0x1c: {  	p1 =	slt.u32 s9, $0xF7A;
	s5 =	simm.s32 @!p2 $0x0  }
0x1d: {  	s5 =	simm.s32 @p1 $0x1;
	p0 =	seq.s32 s7, s2  }
0x1e: {  	s7 =	smul.u32 @!p0 $0xF7A, s2;
	p2 =	seq.s32 @!p0 s5, $0x0  }
0x1f: {  	s9 =	smul.u32 $0xF7A, s1;
	s8 =	simm.s32 @!p0 $0x1BF5;
	p2 =	por !p2, p0  }
0x20: {  	[sflag:s8] =	ssyncset.s32 @!p0 $0xFFFFF086;
	s6 =	sadd.s32 @!p0 s3, s7;
	s7 =	simm.s32 @!p0 $0x108  }
0x21: {  	s3 =	sadd.s32 s3, s9;
	s6 =	sadd.s32 @!p0 $0x88, s6;
	s7 =	simm.s32 @p2 $0x1082  }
0x22: {  	[simem:s7], [sflag:s8] =	dma.local @!p0 [hbm:s6], $0xF7A  }
0x23: {  	s9 =	sor.u32 $0xD0000000, s2;
	s6 =	simm.s32 $0x108;
	_ =	swait.ge @!p0 [sflag:s8], $0x0  }
0x24: {  	s3 =	sadd.s32 $0x88, s3;
	s6 =	simm.s32 @!p1 $0x1082;
	[sflag:s4] =	ssyncset.s32 $0xFFFFF086  }
0x25: {  	[simem:s6], [sflag:s4] =	dma.local [hbm:s3], $0xF7A  }
0x26: {  	[smem:$0x3F69] =	sst s1;
	(tag) =	ssettag s2;
	_ =	strace s9  }
0x27: {  	s1 =	sld [smem:$0x3F79]  }
0x28: {  	s2 =	sld [smem:$0x3F7A]  }
0x29: {  	s4 =	sld [smem:$0x3F7C]  }
0x2a: {  	p0 =	seq.s32 s5, $0x0;
	s5 =	sld [smem:$0x3F7D]  }
0x2b: {  	s6 =	sld [smem:$0x3F7E]  }
0x2c: {  	s7 =	sld [smem:$0x3F7F]  }
0x2d: {  	s3 =	simm.s32 $0x108;
	s8 =	sld [smem:$0x3F80]  }
0x2e: {  	s3 =	simm.s32 @!p0 $0x1082;
	s9 =	sld [smem:$0x3F81]  }
0x2f: {  	lr =	sadd.s32 s0, s3;
	s0 =	sld [smem:$0x3F78]  }
0x30: {  	s3 =	sld [smem:$0x3F7B]  }
0x31: {  	[smem:$0x3F84] =	sst s10  }
0x32: {  	s10 =	sld [smem:$0x3F82];
	_ =	sdelay $0x3  }
0x33: {  	p0 =	seq.s32 s10, $0x1;
	s10 =	sld [smem:$0x3F84];
	_ =	sdelay $0x3  }
0x34: {  	[smem:$0x3F84] =	sst s10  }
0x35: {  	s10 =	sld [smem:$0x3F83];
	_ =	sdelay $0x3  }
0x36: {  	p1 =	seq.s32 s10, $0x1;
	s10 =	sld [smem:$0x3F84];
	_ =	sdelay $0x3  }
0x37: {  	[smem:$0x3F84] =	sst s10  }
0x38: {  	s10 =	sld [smem:$0x3F85]  }
0x39: {  	_ = 	snop;
	(pc) =	sbr.ind lr, $3  }
0x3a: {  	_ = 	snop  }
0x3b: {  	_ = 	snop  }
0x3c: {  	p2 =	seq.s32 s10, $0x1;
	s10 =	sld [smem:$0x3F84]  }
0x3d: {  	_ =	shalt  }
0x3e: {  	_ =	shalt  }
0x3f: {  	_ =	shalt  }
0x40: {  	_ =	shalt  }
0x41: {  	_ =	shalt  }
0x42: {  	_ =	shalt  }
0x43: {  	_ =	shalt  }
0x44: {  	_ =	shalt  }
0x45: {  	_ =	shalt  }
0x46: {  	_ =	shalt  }
0x47: {  	_ =	shalt  }
0x48: {  	_ =	shalt  }
0x49: {  	_ =	shalt  }
0x4a: {  	_ =	shalt  }
0x4b: {  	_ =	shalt  }
0x4c: {  	_ =	shalt  }
0x4d: {  	_ =	shalt  }
0x4e: {  	_ =	shalt  }
0x4f: {  	_ =	shalt  }
0x50: {  	_ =	shalt  }
0x51: {  	_ =	shalt  }
0x52: {  	_ =	shalt  }
0x53: {  	_ =	shalt  }
0x54: {  	_ =	shalt  }
0x55: {  	_ =	shalt  }
0x56: {  	_ =	shalt  }
0x57: {  	_ =	shalt  }
0x58: {  	_ =	shalt  }
0x59: {  	_ =	shalt  }
0x5a: {  	_ =	shalt  }
0x5b: {  	_ =	shalt  }
0x5c: {  	_ =	shalt  }
0x5d: {  	_ =	shalt  }
0x5e: {  	_ =	shalt  }
0x5f: {  	_ =	shalt  }
0x60: {  	_ =	shalt  }
0x61: {  	_ =	shalt  }
0x62: {  	_ =	shalt  }
0x63: {  	_ =	shalt  }
0x64: {  	_ =	shalt  }
0x65: {  	_ =	shalt  }
0x66: {  	_ =	shalt  }
0x67: {  	_ =	shalt  }
0x68: {  	_ =	shalt  }
0x69: {  	_ =	shalt  }
0x6a: {  	_ =	shalt  }
0x6b: {  	_ =	shalt  }
0x6c: {  	_ =	shalt  }
0x6d: {  	_ =	shalt  }
0x6e: {  	_ =	shalt  }
0x6f: {  	_ =	shalt  }
0x70: {  	_ =	shalt  }
0x71: {  	_ =	shalt  }
0x72: {  	_ =	shalt  }
0x73: {  	_ =	shalt  }
0x74: {  	_ =	shalt  }
0x75: {  	_ =	shalt  }
0x76: {  	_ =	shalt  }
0x77: {  	_ =	shalt  }
0x78: {  	_ =	shalt  }
0x79: {  	_ =	shalt  }
0x7a: {  	_ =	shalt  }
0x7b: {  	_ =	shalt  }
0x7c: {  	_ =	shalt  }
0x7d: {  	_ =	shalt  }
0x7e: {  	_ =	shalt  }
0x7f: {  	_ =	shalt  }
0x80: {  	_ =	shalt  }
0x81: {  	_ =	shalt  }
0x82: {  	_ =	shalt  }
0x83: {  	_ =	shalt  }
0x84: {  	_ =	shalt  }
0x85: {  	_ =	shalt  }
0x86: {  	_ =	shalt  }
0x87: {  	_ =	shalt  }
.Lfunc_end0:
.L_simem_size_0:
called_computation.12_lowered:
.L_overlay_start_0:
0x88: {  	s2 =	sld [smem:$0x3FD9]  }
0x89: {  	s3 =	sld [smem:$0x3FFE];
	_ =	sdelay $0x1  }
0x8a: {  	s1 =	srdreg.scid  }
0x8b: {  	s0 =	sand.u32 $0x1, s1  }
0x8c: {  	s17 =	sshll.u32 s0, $0xA;
	s2 =	sadd.s32 s3, s2  }
0x8d: {  	s2 =	sadd.s32 s2, s17  }
0x8e: {  	[smem:$0x3F90] =	sst s2  }
0x8f: {  	_ = 	snop  }
0x90: {  	s2 =	sld [smem:$0x3FC7];
	(tm) =	ssettm $0x1  }
0x91: {  	s18 =	sld [smem:$0x3FFB];
	_ =	sdelay $0x3  }
0x92: {  	_ =	strace s18  }
0x93: {  	s3 =	sld [smem:$0x3FFC];
	_ =	sdelay $0x3  }
0x94: {  	_ =	strace s3  }
0x95: {  	s3 =	sld [smem:$0x3FFD];
	_ =	sdelay $0x3  }
0x96: {  	_ =	strace s3  }
0x97: {  	_ =	strace $0x8FFFFFFF  }
0x98: {  	s19 =	sld [smem:$0x3FDB];
	_ =	sdelay $0x1  }
0x99: {  	s4 =	simm.s32 $_scs_section_size  }
0x9a: {  	s5 =	simm.s32 $_size__tile_overlayer_lowered;
	s6 =	simm.s32 $_tile_overlayer_lowered  }
0x9b: {  	s22 =	simm.s32 $0x1BFF;
	s21 =	sshll.u32 s6, $0x1;
	s3 =	sadd.s32 s4, s19  }
0x9c: {  	s7 =	simm.s32 $0x0;
	s20 =	sshll.u32 s5, $0x1;
	s5 =	sadd.s32 s21, s3  }
0x9d: {  	[timem:s7], [sflag:s22] =	dma.local [hbm:s5], s20  }
0x9e: {  	_ =	swait.ge [sflag:s22], s20  }
0x9f: {  	s4 =	ssub.s32 $0x0, s20;
	[sflag:s22] =	ssyncset.done $0x0  }
0xa0: {  	[sflag:s22] =	ssyncadd.s32 s4;
	_ =	sdelay $0x1  }
0xa1: {  	s23 =	simm.s32 $0x1B8B  }
0xa2: {  	_ =	swait.ge [sflag:s23], $0x1  }
0xa3: {  	[sflag:s23] =	ssyncset.done $0x0  }
0xa4: {  	s25 =	simm.s32 $0x1B8E;
	s24 =	sld [smem:$0x3FFE];
	[sflag:s23] =	ssyncadd.s32 $0xFFFFFFFF  }
0xa5: {  	s26 =	simm.s32 $execute0_lowered;
	[smem:$0x3FD2] =	sst s25  }
0xa6: {  	s5 =	sshll.u32 s26, $0x1;
	_ =	strace $0x8000006A;
	[dreg:$0x1] =	wrdreg $0xFFFFFFFF  }
0xa7: {  	s28 =	simm.s32 $_size_execute0_lowered;
	s3 =	sadd.s32 s3, s5;
	[dreg:$0x0] =	wrdreg $0x0  }
0xa8: {  	s5 =	sshll.u32 s28, $0x1;
	[dreg:$0x2] =	wrdreg s3  }
0xa9: {  	[dreg:$0x3] =	wrdreg s5  }
0xaa: {  	[dreg:$0x4] =	wrdreg $0xC0  }
0xab: {  	_ =	task [dreg:s7], $0x5FFFF  }
0xac: {  	[dreg:$0x1] =	wrdreg $0xFFFFFFFF  }
0xad: {  	[dreg:$0x0] =	wrdreg $0x60  }
0xae: {  	[dreg:$0x2] =	wrdreg s24  }
0xaf: {  	[dreg:$0x3] =	wrdreg s2  }
0xb0: {  	[dreg:$0x4] =	wrdreg $0x9  }
0xb1: {  	_ =	task.clear_ibuf [dreg:s7], $0x5FFFF;
	_ =	strace $0x9000006A  }
0xb2: {  	s29 =	simm.s32 $0x9;
	_ =	strace $0x8000006C  }
0xb3: {  	_ =	swait.ge [sflag:s29], $0x1  }
0xb4: {  	[sflag:s29] =	ssyncadd.s32 $0xFFFFFFFF  }
0xb5: {  	_ =	strace $0x9000006C  }
0xb6: {  	_ =	sfence  }
0xb7: {  	s30 =	sld [smem:$0x0];
	_ =	sdelay $0x2  }
0xb8: {  	s31 =	sshll.u32 s1, $0xD;
	s1 =	sshrl.u32 s1, $0x2  }
0xb9: {  	s3 =	sand.u32 $0x4000, s31;
	s1 =	sadd.s32 s1, s30  }
0xba: {  	s0 =	sor.u32 s3, s0;
	s1 =	sshll.u32 s1, $0x11  }
0xbb: {  	s0 =	sor.u32 s1, s0  }
0xbc: {  	s0 =	sadd.s32 $0x8F2B, s0  }
0xbd: {  	[sflag:s0] =	ssyncadd.remote.s32 $0x1  }
0xbe: {  	_ =	sfence.sel $0xFFFF  }
0xbf: {  	[dreg:$0x0] =	wrdreg $0xFFFFFFFF;
	(pc) =	sbr.abs _section_cstart, $3  }
0xc0: {  	[dreg:$0x1] =	wrdreg $0xFFFFFFFF  }
0xc1: {  	_ =	task.clear_ibuf [dreg:s7], $0x2FFFF;
	_ =	strace $0x9FFFFFFF  }
0xc2: {  	(tm) =	ssettm $0x7FFFFFFF  }
0xc3: {  	_ =	shalt  }
tec
execute0_lowered:
.L_overlay_start_1:
0x0: {  	(tag) =	ssettag $0x1  }
0x1: {  	s1 =	srdreg.scid  }
0x2: {  	s10 =	rddreg [dreg:$0x0];
	s0 =	stileid.u32;
	s11 =	sand.u32 $0x1, s1  }
0x3: {  	s3 =	rddreg [dreg:$0x1];
	s4 =	sshll.u32 s0, $0x9;
	s5 =	sshll.u32 s11, $0x8  }
0x4: {  	s2 =	simm.s32 $0x0;
	s1 =	rddreg [dreg:$0x2];
	s12 =	sor.u32 s5, s4  }
0x5: {  	[smem:$0x7FF] =	sst s2;
	s4 =	sshrl.u32 s12, $0x3  }
0x6: {  	_ =	strace $0x8000006B;
	s4 =	sadd.s32 s3, s4;
	s3 =	simm.s32 $0x2  }
0x7: {  	[tilespmem:s2], [sflag:$0x2] =	stream.linear.gather [hbm4b:s4+s2], $0x100, $0x38;
	[tilespmem:$0x4100] =	vst v63  }
0x8: {  	_ =	swait.ge [sflag:s3], $0x100  }
0x9: {  	s6 =	simm.s32 $0x80;
	[sflag:s3] =	ssyncset.done $0x0  }
0xa: {  	s7 =	simm.s32 $0x100;
	s5 =	sadd.s32 $0x9400, s10;
	[sflag:s3] =	ssyncadd.s32 $0xFFFFFF00  }
0xb: {  	[tilespmem:s7], [sflag:$0x1] =	stream.indirect.gather [hbm4b:s5+s6], $0x40, s2, s6, $0xb8;
	[tilespmem:$0x4100] =	vst v63  }
0xc: {  	s8 =	simm.s32 $0x2100;
	s9 =	simm.s32 $0x1;
	s11 =	ssub.s32 $0x2, s11  }
0xd: {  	[tilespmem:s8], [sflag:$0x1] =	stream.indirect.gather [hbm4b:s5+s6], $0x40, s6, s6, $0xb8;
	[tilespmem:$0x4100] =	vst v63  }
0xe: {  	s13 =	sshrl.u32 s11, $0x1;
	_ =	swait.ge [sflag:s9], $0x2000  }
0xf: {  	s11 =	ssub.s32 s11, s13;
	[sflag:s9] =	ssyncset.done $0x0  }
0x10: {  	s11 =	smax.u32 s11, $0x1;
	[sflag:s9] =	ssyncadd.s32 $0xFFFFE000  }
0x11: {  	s12 =	sshll.u32 s12, $0x3;
	p0 =	sne.s32 s11, $0x1;
	_ =	swait.ge [sflag:s9], $0x2000  }
.Ltmp0:
0x12: {  	s10 =	sadd.s32 s12, s10;
	[sflag:s9] =	ssyncset.done $0x0;
	(pc) =	sbr.rel @!p0 .LBB2_2-.Ltmp0, $4  }
0x13: {  	s10 =	sadd.s32 $0x13C00, s10;
	[sflag:s9] =	ssyncadd.s32 $0xFFFFE000  }
0x14: {  	[hbm4b:s10+s2] =	stream.linear.scatter [tilespmem:s7], [sflag:$0x2], $0x4000, $0x38;
	[tilespmem:$0x4100] =	vst v63  }
0x15: {  	_ =	swait.ge [sflag:s3], $0x4000  }
0x16: {  	s11 =	sadd.s32 $0xFFFFFFFF, s11;
	[sflag:s3] =	ssyncset.done $0x0  }
.LBB2_1:
0x17: {  	p0 =	sne.s32 s11, $0x1;
	s11 =	sadd.s32 $0xFFFFFFFF, s11;
	[sflag:s3] =	ssyncadd.s32 $0xFFFFC000  }
0x18: {  	[tilespmem:s2], [sflag:$0x2] =	stream.linear.gather [hbm4b:s4+s2], $0x100, $0x38;
	[tilespmem:$0x4100] =	vst v63  }
0x19: {  	_ =	swait.ge [sflag:s3], $0x100  }
0x1a: {  	[sflag:s3] =	ssyncset.done $0x0  }
0x1b: {  	[sflag:s3] =	ssyncadd.s32 $0xFFFFFF00  }
0x1c: {  	[tilespmem:s7], [sflag:$0x1] =	stream.indirect.gather [hbm4b:s5+s6], $0x40, s2, s6, $0xb8;
	[tilespmem:$0x4100] =	vst v63  }
0x1d: {  	_ = 	snop  }
0x1e: {  	[tilespmem:s8], [sflag:$0x1] =	stream.indirect.gather [hbm4b:s5+s6], $0x40, s6, s6, $0xb8;
	[tilespmem:$0x4100] =	vst v63  }
0x1f: {  	_ =	swait.ge [sflag:s9], $0x2000  }
0x20: {  	[sflag:s9] =	ssyncset.done $0x0  }
0x21: {  	[sflag:s9] =	ssyncadd.s32 $0xFFFFE000  }
0x22: {  	_ =	swait.ge [sflag:s9], $0x2000  }
.Ltmp1:
0x23: {  	[sflag:s9] =	ssyncset.done $0x0;
	(pc) =	sbr.rel @p0 .LBB2_1-.Ltmp1, $4  }
0x24: {  	[sflag:s9] =	ssyncadd.s32 $0xFFFFE000  }
0x25: {  	[hbm4b:s10+s2] =	stream.linear.scatter [tilespmem:s7], [sflag:$0x2], $0x4000, $0x38;
	[tilespmem:$0x4100] =	vst v63  }
0x26: {  	_ =	swait.ge [sflag:s3], $0x4000  }
0x27: {  	[sflag:s3] =	ssyncset.done $0x0  }
.LBB2_2:
0x28: {  	[sflag:s3] =	ssyncadd.s32 $0xFFFFC000  }
0x29: {  	_ =	sfence.sel $0x180000  }
0x2a: {  	[bflag:$0x0] =	sbarrier.arrive $0xFFFF  }
0x2b: {  	p0 =	sne.s32 s0, $0x0;
	_ =	strace $0x9000006B  }
0x2c: {  	s0 =	sadd.s32 @!p0 $0x100000, s1;
	[bflag:$0x2] =	sbarrier.arrive $0xFFFF  }
0x2d: {  	[sflag:s0] =	ssyncadd.tile.s32 @!p0 $0x1;
	_ =	shalt  }
.Lfunc_end2:
_tile_overlayer_lowered:
.L_overlay_start_2:
0x2e: {  	(tag) =	ssettag $0x2  }
0x2f: {  	s0 =	rddreg [dreg:$0x0];
	s2 =	stileid.u32  }
0x30: {  	s1 =	rddreg [dreg:$0x1];
	p0 =	sne.s32 s2, $0x0  }
0x31: {  	s3 =	rddreg [dreg:$0x2];
	[bflag:$0x3] =	sbarrier.arrive $0xFFFF;
	s2 =	simm.s32 @!p0 $0x1C02  }
0x32: {  	[timem:s3], [sflag:s2] =	dma.local @!p0 [hbm:s0], s1  }
0x33: {  	s0 =	simm.s32 @!p0 $0x2  }
0x34: {  	_ =	swait.ge @!p0 [sflag:s0], s1  }
0x35: {  	s1 =	ssub.s32 @!p0 $0x0, s1;
	[sflag:s0] =	ssyncset.done @!p0 $0x0  }
0x36: {  	[sflag:s0] =	ssyncadd.s32 @!p0 s1  }
0x37: {  	[bflag:$0x3] =	sbarrier.arrive $0xFFFF  }
0x38: {  	_ =	shalt  }

// kernel: kernel.71.cloned.1.call-start
scs
__scs_entry_jumppad:
0x0: {  	(pc) =	sbr.rel $0x88, $3  }
0x1: {  	(tag) =	ssettag $0x0;
	lr =	simm.s32 $0x1  }
0x2: {  	[smem:$0x3F69] =	sst lr;
	_ =	strace $0xD0000000  }
0x3: {  	_ = 	snop  }
0x4: {  	_ = 	snop  }
0x5: {  	_ = 	snop  }
0x6: {  	_ = 	snop  }
0x7: {  	_ = 	snop  }
__scs_overlays_trampoline_lowered:
0x8: {  	[smem:$0x3F78] =	sst s0  }
0x9: {  	[smem:$0x3F79] =	sst s1  }
0xa: {  	[smem:$0x3F7A] =	sst s2  }
0xb: {  	[smem:$0x3F7B] =	sst s3  }
0xc: {  	[smem:$0x3F7C] =	sst s4  }
0xd: {  	[smem:$0x3F7D] =	sst s5  }
0xe: {  	[smem:$0x3F7E] =	sst s6  }
0xf: {  	[smem:$0x3F7F] =	sst s7  }
0x10: {  	[smem:$0x3F80] =	sst s8  }
0x11: {  	[smem:$0x3F81] =	sst s9;
	s0 =	simm.s32 @!p0 $0x0  }
0x12: {  	s1 =	sld [smem:$0x3F67];
	s0 =	simm.s32 @p0 $0x1  }
0x13: {  	[smem:$0x3F82] =	sst s0;
	s0 =	simm.s32 @!p1 $0x0  }
0x14: {  	s2 =	sld [smem:$0x3F66];
	s0 =	simm.s32 @p1 $0x1  }
0x15: {  	[smem:$0x3F83] =	sst s0;
	s0 =	simm.s32 @!p2 $0x0  }
0x16: {  	s3 =	sld [smem:$0x3FDB];
	s0 =	simm.s32 @p2 $0x1  }
0x17: {  	s4 =	simm.s32 $0x1BF5;
	[smem:$0x3F85] =	sst s0  }
0x18: {  	s0 =	sld [smem:$0x3F68];
	_ =	swait.ge [sflag:s4], $0x0  }
0x19: {  	s7 =	sld [smem:$0x3F69]  }
0x1a: {  	s8 =	sadd.s32 $0xFFFFE003, lr  }
0x1b: {  	s9 =	sadd.s32 $0xFFFFFEF7, lr;
	s5 =	simm.s32 $0xFFFFFFFF;
	p2 =	slt.u32 s8, $0xFFFFF086  }
0x1c: {  	p1 =	slt.u32 s9, $0xF7A;
	s5 =	simm.s32 @!p2 $0x0  }
0x1d: {  	s5 =	simm.s32 @p1 $0x1;
	p0 =	seq.s32 s7, s2  }
0x1e: {  	s7 =	smul.u32 @!p0 $0xF7A, s2;
	p2 =	seq.s32 @!p0 s5, $0x0  }
0x1f: {  	s9 =	smul.u32 $0xF7A, s1;
	s8 =	simm.s32 @!p0 $0x1BF5;
	p2 =	por !p2, p0  }
0x20: {  	[sflag:s8] =	ssyncset.s32 @!p0 $0xFFFFF086;
	s6 =	sadd.s32 @!p0 s3, s7;
	s7 =	simm.s32 @!p0 $0x108  }
0x21: {  	s3 =	sadd.s32 s3, s9;
	s6 =	sadd.s32 @!p0 $0x88, s6;
	s7 =	simm.s32 @p2 $0x1082  }
0x22: {  	[simem:s7], [sflag:s8] =	dma.local @!p0 [hbm:s6], $0xF7A  }
0x23: {  	s9 =	sor.u32 $0xD0000000, s2;
	s6 =	simm.s32 $0x108;
	_ =	swait.ge @!p0 [sflag:s8], $0x0  }
0x24: {  	s3 =	sadd.s32 $0x88, s3;
	s6 =	simm.s32 @!p1 $0x1082;
	[sflag:s4] =	ssyncset.s32 $0xFFFFF086  }
0x25: {  	[simem:s6], [sflag:s4] =	dma.local [hbm:s3], $0xF7A  }
0x26: {  	[smem:$0x3F69] =	sst s1;
	(tag) =	ssettag s2;
	_ =	strace s9  }
0x27: {  	s1 =	sld [smem:$0x3F79]  }
0x28: {  	s2 =	sld [smem:$0x3F7A]  }
0x29: {  	s4 =	sld [smem:$0x3F7C]  }
0x2a: {  	p0 =	seq.s32 s5, $0x0;
	s5 =	sld [smem:$0x3F7D]  }
0x2b: {  	s6 =	sld [smem:$0x3F7E]  }
0x2c: {  	s7 =	sld [smem:$0x3F7F]  }
0x2d: {  	s3 =	simm.s32 $0x108;
	s8 =	sld [smem:$0x3F80]  }
0x2e: {  	s3 =	simm.s32 @!p0 $0x1082;
	s9 =	sld [smem:$0x3F81]  }
0x2f: {  	lr =	sadd.s32 s0, s3;
	s0 =	sld [smem:$0x3F78]  }
0x30: {  	s3 =	sld [smem:$0x3F7B]  }
0x31: {  	[smem:$0x3F84] =	sst s10  }
0x32: {  	s10 =	sld [smem:$0x3F82];
	_ =	sdelay $0x3  }
0x33: {  	p0 =	seq.s32 s10, $0x1;
	s10 =	sld [smem:$0x3F84];
	_ =	sdelay $0x3  }
0x34: {  	[smem:$0x3F84] =	sst s10  }
0x35: {  	s10 =	sld [smem:$0x3F83];
	_ =	sdelay $0x3  }
0x36: {  	p1 =	seq.s32 s10, $0x1;
	s10 =	sld [smem:$0x3F84];
	_ =	sdelay $0x3  }
0x37: {  	[smem:$0x3F84] =	sst s10  }
0x38: {  	s10 =	sld [smem:$0x3F85]  }
0x39: {  	_ = 	snop;
	(pc) =	sbr.ind lr, $3  }
0x3a: {  	_ = 	snop  }
0x3b: {  	_ = 	snop  }
0x3c: {  	p2 =	seq.s32 s10, $0x1;
	s10 =	sld [smem:$0x3F84]  }
0x3d: {  	_ =	shalt  }
0x3e: {  	_ =	shalt  }
0x3f: {  	_ =	shalt  }
0x40: {  	_ =	shalt  }
0x41: {  	_ =	shalt  }
0x42: {  	_ =	shalt  }
0x43: {  	_ =	shalt  }
0x44: {  	_ =	shalt  }
0x45: {  	_ =	shalt  }
0x46: {  	_ =	shalt  }
0x47: {  	_ =	shalt  }
0x48: {  	_ =	shalt  }
0x49: {  	_ =	shalt  }
0x4a: {  	_ =	shalt  }
0x4b: {  	_ =	shalt  }
0x4c: {  	_ =	shalt  }
0x4d: {  	_ =	shalt  }
0x4e: {  	_ =	shalt  }
0x4f: {  	_ =	shalt  }
0x50: {  	_ =	shalt  }
0x51: {  	_ =	shalt  }
0x52: {  	_ =	shalt  }
0x53: {  	_ =	shalt  }
0x54: {  	_ =	shalt  }
0x55: {  	_ =	shalt  }
0x56: {  	_ =	shalt  }
0x57: {  	_ =	shalt  }
0x58: {  	_ =	shalt  }
0x59: {  	_ =	shalt  }
0x5a: {  	_ =	shalt  }
0x5b: {  	_ =	shalt  }
0x5c: {  	_ =	shalt  }
0x5d: {  	_ =	shalt  }
0x5e: {  	_ =	shalt  }
0x5f: {  	_ =	shalt  }
0x60: {  	_ =	shalt  }
0x61: {  	_ =	shalt  }
0x62: {  	_ =	shalt  }
0x63: {  	_ =	shalt  }
0x64: {  	_ =	shalt  }
0x65: {  	_ =	shalt  }
0x66: {  	_ =	shalt  }
0x67: {  	_ =	shalt  }
0x68: {  	_ =	shalt  }
0x69: {  	_ =	shalt  }
0x6a: {  	_ =	shalt  }
0x6b: {  	_ =	shalt  }
0x6c: {  	_ =	shalt  }
0x6d: {  	_ =	shalt  }
0x6e: {  	_ =	shalt  }
0x6f: {  	_ =	shalt  }
0x70: {  	_ =	shalt  }
0x71: {  	_ =	shalt  }
0x72: {  	_ =	shalt  }
0x73: {  	_ =	shalt  }
0x74: {  	_ =	shalt  }
0x75: {  	_ =	shalt  }
0x76: {  	_ =	shalt  }
0x77: {  	_ =	shalt  }
0x78: {  	_ =	shalt  }
0x79: {  	_ =	shalt  }
0x7a: {  	_ =	shalt  }
0x7b: {  	_ =	shalt  }
0x7c: {  	_ =	shalt  }
0x7d: {  	_ =	shalt  }
0x7e: {  	_ =	shalt  }
0x7f: {  	_ =	shalt  }
0x80: {  	_ =	shalt  }
0x81: {  	_ =	shalt  }
0x82: {  	_ =	shalt  }
0x83: {  	_ =	shalt  }
0x84: {  	_ =	shalt  }
0x85: {  	_ =	shalt  }
0x86: {  	_ =	shalt  }
0x87: {  	_ =	shalt  }
.Lfunc_end0:
.L_simem_size_0:
called_computation.13_lowered:
.L_overlay_start_0:
0x88: {  	s2 =	sld [smem:$0x3FD9]  }
0x89: {  	s3 =	sld [smem:$0x3FFE];
	_ =	sdelay $0x1  }
0x8a: {  	s1 =	srdreg.scid  }
0x8b: {  	s0 =	sand.u32 $0x1, s1  }
0x8c: {  	s17 =	sshll.u32 s0, $0xA;
	s2 =	sadd.s32 s3, s2  }
0x8d: {  	s2 =	sadd.s32 s2, s17  }
0x8e: {  	[smem:$0x3F90] =	sst s2  }
0x8f: {  	_ = 	snop  }
0x90: {  	s2 =	sld [smem:$0x3FC8];
	(tm) =	ssettm $0x1  }
0x91: {  	s18 =	sld [smem:$0x3FFB];
	_ =	sdelay $0x3  }
0x92: {  	_ =	strace s18  }
0x93: {  	s3 =	sld [smem:$0x3FFC];
	_ =	sdelay $0x3  }
0x94: {  	_ =	strace s3  }
0x95: {  	s3 =	sld [smem:$0x3FFD];
	_ =	sdelay $0x3  }
0x96: {  	_ =	strace s3  }
0x97: {  	_ =	strace $0x8FFFFFFF  }
0x98: {  	s19 =	sld [smem:$0x3FDB];
	_ =	sdelay $0x1  }
0x99: {  	s4 =	simm.s32 $_scs_section_size  }
0x9a: {  	s5 =	simm.s32 $_size__tile_overlayer_lowered;
	s6 =	simm.s32 $_tile_overlayer_lowered  }
0x9b: {  	s22 =	simm.s32 $0x1BFF;
	s21 =	sshll.u32 s6, $0x1;
	s3 =	sadd.s32 s4, s19  }
0x9c: {  	s7 =	simm.s32 $0x0;
	s20 =	sshll.u32 s5, $0x1;
	s5 =	sadd.s32 s21, s3  }
0x9d: {  	[timem:s7], [sflag:s22] =	dma.local [hbm:s5], s20  }
0x9e: {  	_ =	swait.ge [sflag:s22], s20  }
0x9f: {  	s4 =	ssub.s32 $0x0, s20;
	[sflag:s22] =	ssyncset.done $0x0  }
0xa0: {  	[sflag:s22] =	ssyncadd.s32 s4;
	_ =	sdelay $0x1  }
0xa1: {  	s23 =	simm.s32 $0x1B8B  }
0xa2: {  	_ =	swait.ge [sflag:s23], $0x1  }
0xa3: {  	[sflag:s23] =	ssyncset.done $0x0  }
0xa4: {  	s25 =	simm.s32 $0x1B8E;
	s24 =	sld [smem:$0x3FFE];
	[sflag:s23] =	ssyncadd.s32 $0xFFFFFFFF  }
0xa5: {  	s26 =	simm.s32 $execute0_lowered;
	[smem:$0x3FD2] =	sst s25  }
0xa6: {  	s5 =	sshll.u32 s26, $0x1;
	_ =	strace $0x8000006D;
	[dreg:$0x1] =	wrdreg $0xFFFFFFFF  }
0xa7: {  	s28 =	simm.s32 $_size_execute0_lowered;
	s3 =	sadd.s32 s3, s5;
	[dreg:$0x0] =	wrdreg $0x0  }
0xa8: {  	s5 =	sshll.u32 s28, $0x1;
	[dreg:$0x2] =	wrdreg s3  }
0xa9: {  	[dreg:$0x3] =	wrdreg s5  }
0xaa: {  	[dreg:$0x4] =	wrdreg $0xC0  }
0xab: {  	_ =	task [dreg:s7], $0x5FFFF  }
0xac: {  	[dreg:$0x1] =	wrdreg $0xFFFFFFFF  }
0xad: {  	[dreg:$0x0] =	wrdreg $0x60  }
0xae: {  	[dreg:$0x2] =	wrdreg s24  }
0xaf: {  	[dreg:$0x3] =	wrdreg s2  }
0xb0: {  	[dreg:$0x4] =	wrdreg $0x41000  }
0xb1: {  	[dreg:$0x5] =	wrdreg $0x9  }
0xb2: {  	_ =	task.clear_ibuf [dreg:s7], $0x6FFFF;
	_ =	strace $0x9000006D  }
0xb3: {  	s29 =	simm.s32 $0x9;
	_ =	strace $0x8000006F  }
0xb4: {  	_ =	swait.ge [sflag:s29], $0x1  }
0xb5: {  	[sflag:s29] =	ssyncadd.s32 $0xFFFFFFFF  }
0xb6: {  	_ =	strace $0x9000006F  }
0xb7: {  	_ =	sfence  }
0xb8: {  	s30 =	sld [smem:$0x0];
	_ =	sdelay $0x2  }
0xb9: {  	s31 =	sshll.u32 s1, $0xD;
	s1 =	sshrl.u32 s1, $0x2  }
0xba: {  	s3 =	sand.u32 $0x4000, s31;
	s1 =	sadd.s32 s1, s30  }
0xbb: {  	s0 =	sor.u32 s3, s0;
	s1 =	sshll.u32 s1, $0x11  }
0xbc: {  	s0 =	sor.u32 s1, s0  }
0xbd: {  	s0 =	sadd.s32 $0x8F2B, s0  }
0xbe: {  	[sflag:s0] =	ssyncadd.remote.s32 $0x1  }
0xbf: {  	_ =	sfence.sel $0xFFFF  }
0xc0: {  	[dreg:$0x0] =	wrdreg $0xFFFFFFFF;
	(pc) =	sbr.abs _section_cstart, $3  }
0xc1: {  	[dreg:$0x1] =	wrdreg $0xFFFFFFFF  }
0xc2: {  	_ =	task.clear_ibuf [dreg:s7], $0x2FFFF;
	_ =	strace $0x9FFFFFFF  }
0xc3: {  	(tm) =	ssettm $0x7FFFFFFF  }
tec
execute0_lowered:
.L_overlay_start_1:
0x0: {  	(tag) =	ssettag $0x1  }
0x1: {  	s13 =	rddreg [dreg:$0x0]  }
0x2: {  	s8 =	rddreg [dreg:$0x1]  }
0x3: {  	s2 =	rddreg [dreg:$0x2]  }
0x4: {  	s0 =	rddreg [dreg:$0x3];
	s3 =	simm.s32 $0x0;
	s4 =	srdreg.scid  }
0x5: {  	s1 =	stileid.u32;
	[smem:$0x7FF] =	sst s3;
	s14 =	sand.u32 $0x1, s4  }
0x6: {  	s15 =	smul.u32 $0x5400, s1;
	s4 =	simm.s32 $0x23C00;
	s9 =	sshll.u32 s1, $0x2  }
0x7: {  	s30 =	sshll.u32 s1, $0x6;
	p0 =	seq.s32 s14, $0x1;
	_ =	strace $0x8000006E  }
0x8: {  	s10 =	sshll.u32 s14, $0x1;
	s4 =	simm.s32 @!p0 $0x9400;
	s6 =	sadd.s32 s15, s2  }
0x9: {  	s5 =	sshrl.u32 s15, $0x3;
	s4 =	sadd.s32 s4, s13;
	s7 =	sshrl.u32 s6, $0x3  }
0xa: {  	s6 =	simm.s32 $0x1;
	s4 =	sadd.s32 s4, s5;
	s5 =	sor.u32 $0x1C01, s30  }
0xb: {  	[spmem:s7], [sflag:s5] =	dma.local [hbm:s4], $0xA80  }
0xc: {  	s9 =	sor.u32 s10, s9;
	_ =	swait.ge [sflag:s6], $0xA80  }
0xd: {  	s10 =	sshll.u32 s9, $0x4;
	[sflag:s6] =	ssyncset.done $0x0  }
0xe: {  	s8 =	sadd.s32 s8, s10;
	[sflag:s6] =	ssyncadd.s32 $0xFFFFF580  }
0xf: {  	[tilespmem:s3], [sflag:$0x1] =	stream.linear.gather [hbm4b:s8+s3], $0x100, $0x38;
	[tilespmem:$0x9500] =	vst v63  }
0x10: {  	s9 =	sshll.u32 s9, $0xA;
	_ =	swait.ge [sflag:s6], $0x100  }
0x11: {  	s9 =	sadd.s32 s9, s13;
	[sflag:s6] =	ssyncset.done $0x0  }
0x12: {  	s10 =	simm.s32 $0x100;
	s9 =	sadd.s32 $0x13C00, s9;
	[sflag:s6] =	ssyncadd.s32 $0xFFFFFF00  }
0x13: {  	[tilespmem:s10], [sflag:$0x1] =	stream.linear.gather [hbm4b:s9+s3], $0x4000, $0x38;
	[tilespmem:$0x9500] =	vst v63  }
0x14: {  	_ =	swait.ge [sflag:s6], $0x4000  }
0x15: {  	[sflag:s6] =	ssyncset.done $0x0  }
0x16: {  	[sflag:s6] =	ssyncadd.s32 $0xFFFFC000  }
0x17: {  	s11 =	simm.s32 $0x80;
	[bflag:$0x0] =	sbarrier.arrive $0xFFFF  }
0x18: {  	[spmem:s2] =	stream.indirect.scatter.add.f32 [tilespmem:s10], [sflag:$0x1], $0x40, s3, s11, $0xb8;
	[tilespmem:$0x9500] =	vst v63  }
0x19: {  	s16 =	smul.u32 $0x54000, s14;
	s14 =	ssub.s32 $0x2, s14;
	_ =	swait.ge [sflag:s6], $0x2000  }
0x1a: {  	s31 =	sshrl.u32 s14, $0x1;
	[sflag:s6] =	ssyncset.done $0x0  }
0x1b: {  	s12 =	simm.s32 $0x2100;
	s14 =	ssub.s32 s14, s31;
	[sflag:s6] =	ssyncadd.s32 $0xFFFFE000  }
0x1c: {  	[spmem:s2] =	stream.indirect.scatter.add.f32 [tilespmem:s12], [sflag:$0x1], $0x40, s11, s11, $0xb8;
	[tilespmem:$0x9500] =	vst v63  }
0x1d: {  	s15 =	sadd.s32 s15, s16;
	s14 =	smax.u32 s14, $0x1;
	_ =	swait.ge [sflag:s6], $0x2000  }
0x1e: {  	s15 =	sshrl.u32 s15, $0x3;
	p0 =	sne.s32 s14, $0x1;
	[sflag:s6] =	ssyncset.done $0x0  }
.Ltmp0:
0x1f: {  	s13 =	sadd.s32 s15, s13;
	[sflag:s6] =	ssyncadd.s32 $0xFFFFE000;
	(pc) =	sbr.rel @!p0 .LBB2_2-.Ltmp0, $4  }
0x20: {  	s13 =	sadd.s32 $0x2E400, s13;
	[bflag:$0x0] =	sbarrier.arrive $0xFFFF  }
0x21: {  	[hbm:s13], [sflag:s5] =	dma.local [spmem:s7], $0xA80  }
0x22: {  	_ =	swait.ge [sflag:s6], $0xA80  }
0x23: {  	s14 =	sadd.s32 $0xFFFFFFFF, s14;
	[sflag:s6] =	ssyncset.done $0x0  }
.LBB2_1:
0x24: {  	p0 =	sne.s32 s14, $0x1;
	s14 =	sadd.s32 $0xFFFFFFFF, s14;
	[sflag:s6] =	ssyncadd.s32 $0xFFFFF580  }
0x25: {  	[spmem:s7], [sflag:s5] =	dma.local [hbm:s4], $0xA80  }
0x26: {  	_ =	swait.ge [sflag:s6], $0xA80  }
0x27: {  	[sflag:s6] =	ssyncset.done $0x0  }
0x28: {  	[sflag:s6] =	ssyncadd.s32 $0xFFFFF580  }
0x29: {  	[tilespmem:s3], [sflag:$0x1] =	stream.linear.gather [hbm4b:s8+s3], $0x100, $0x38;
	[tilespmem:$0x9500] =	vst v63  }
0x2a: {  	_ =	swait.ge [sflag:s6], $0x100  }
0x2b: {  	[sflag:s6] =	ssyncset.done $0x0  }
0x2c: {  	[sflag:s6] =	ssyncadd.s32 $0xFFFFFF00  }
0x2d: {  	[tilespmem:s10], [sflag:$0x1] =	stream.linear.gather [hbm4b:s9+s3], $0x4000, $0x38;
	[tilespmem:$0x9500] =	vst v63  }
0x2e: {  	_ =	swait.ge [sflag:s6], $0x4000  }
0x2f: {  	[sflag:s6] =	ssyncset.done $0x0  }
0x30: {  	[sflag:s6] =	ssyncadd.s32 $0xFFFFC000  }
0x31: {  	[bflag:$0x0] =	sbarrier.arrive $0xFFFF  }
0x32: {  	[spmem:s2] =	stream.indirect.scatter.add.f32 [tilespmem:s10], [sflag:$0x1], $0x40, s3, s11, $0xb8;
	[tilespmem:$0x9500] =	vst v63  }
0x33: {  	_ =	swait.ge [sflag:s6], $0x2000  }
0x34: {  	[sflag:s6] =	ssyncset.done $0x0  }
0x35: {  	[sflag:s6] =	ssyncadd.s32 $0xFFFFE000  }
0x36: {  	[spmem:s2] =	stream.indirect.scatter.add.f32 [tilespmem:s12], [sflag:$0x1], $0x40, s11, s11, $0xb8;
	[tilespmem:$0x9500] =	vst v63  }
0x37: {  	_ =	swait.ge [sflag:s6], $0x2000  }
0x38: {  	[sflag:s6] =	ssyncset.done $0x0  }
.Ltmp1:
0x39: {  	[sflag:s6] =	ssyncadd.s32 $0xFFFFE000;
	(pc) =	sbr.rel @p0 .LBB2_1-.Ltmp1, $4  }
0x3a: {  	[bflag:$0x0] =	sbarrier.arrive $0xFFFF  }
0x3b: {  	[hbm:s13], [sflag:s5] =	dma.local [spmem:s7], $0xA80  }
0x3c: {  	_ =	swait.ge [sflag:s6], $0xA80  }
0x3d: {  	[sflag:s6] =	ssyncset.done $0x0  }
.LBB2_2:
0x3e: {  	[sflag:s6] =	ssyncadd.s32 $0xFFFFF580  }
0x3f: {  	_ =	sfence.sel $0x180000  }
0x40: {  	[bflag:$0x0] =	sbarrier.arrive $0xFFFF  }
0x41: {  	p0 =	sne.s32 s1, $0x0;
	_ =	strace $0x9000006E  }
0x42: {  	s0 =	sadd.s32 @!p0 $0x100000, s0;
	[bflag:$0x2] =	sbarrier.arrive $0xFFFF  }
0x43: {  	[sflag:s0] =	ssyncadd.tile.s32 @!p0 $0x1;
	_ =	shalt  }
.Lfunc_end2:
_tile_overlayer_lowered:
.L_overlay_start_2:
0x44: {  	(tag) =	ssettag $0x2  }
0x45: {  	s0 =	rddreg [dreg:$0x0];
	s2 =	stileid.u32  }
0x46: {  	s1 =	rddreg [dreg:$0x1];
	p0 =	sne.s32 s2, $0x0  }
0x47: {  	s3 =	rddreg [dreg:$0x2];
	[bflag:$0x3] =	sbarrier.arrive $0xFFFF;
	s2 =	simm.s32 @!p0 $0x1C01  }
0x48: {  	[timem:s3], [sflag:s2] =	dma.local @!p0 [hbm:s0], s1  }
0x49: {  	s0 =	simm.s32 @!p0 $0x1  }
0x4a: {  	_ =	swait.ge @!p0 [sflag:s0], s1  }
0x4b: {  	s1 =	ssub.s32 @!p0 $0x0, s1;
	[sflag:s0] =	ssyncset.done @!p0 $0x0  }
0x4c: {  	[sflag:s0] =	ssyncadd.s32 @!p0 s1  }
0x4d: {  	[bflag:$0x3] =	sbarrier.arrive $0xFFFF  }
0x4e: {  	_ =	shalt  }

</sc_bundles>
